<compile_context>
chip_gen: v7x
topology: tpu7x:2x2x1
jax: 0.10.2.dev20260603
libtpu: 0.0.44.dev20260713+nightly
codegen_flags: <defaults>
</compile_context>

<pallas_src>
import functools

import jax
import jax.numpy as jnp
from jax import lax
from jax.experimental import pallas as pl
from jax.experimental.pallas import tpu as pltpu
from jax.experimental.pallas import tpu_sc as plsc

NUM_DEVICES = 8
NUM_EXPERTS = 16
TOP_K = 2
NC, NS, L = 2, 16, 16
NW = NC * NS
T = 4096
D_MODEL = 1024
S = T * TOP_K
SLOTS_PER_W = S // NW
ZROWS = 32
NZ = (NUM_DEVICES * SLOTS_PER_W) // ZROWS
NCHUNK = SLOTS_PER_W // L
TROWS = L // TOP_K
NBUF = 11


def _sc_dispatch(in_hbm, idx_hbm, map_hbm, zsrc_hbm, out_hbm,
                 zbuf, idx_v, map_v, rowid_v,
                 tb0, tb1, tb2, tb3, tb4, tb5, tb6, tb7, tb8, tb9, tb10,
                 zsem, tsems, ssems):
    wid = lax.axis_index("s") * NC + lax.axis_index("c")
    base = pl.multiple_of(wid * SLOTS_PER_W, SLOTS_PER_W)
    tbase = pl.multiple_of(base // TOP_K, SLOTS_PER_W // TOP_K)
    tbufs = [tb0, tb1, tb2, tb3, tb4, tb5, tb6, tb7, tb8, tb9, tb10]

    zstage = pltpu.make_async_copy(zsrc_hbm, zbuf, zsem)
    zstage.start()
    pltpu.sync_copy(idx_hbm.at[pl.ds(base, SLOTS_PER_W)], idx_v)
    pltpu.sync_copy(map_hbm, map_v)

    lane = jnp.arange(L, dtype=jnp.int32)
    for c in range(NCHUNK):
        i16 = idx_v[pl.ds(c * L, L)]
        dev16 = plsc.load_gather(map_v, [i16])
        slot16 = base + c * L + lane
        row16 = dev16 * S + slot16
        plsc.store_scatter(
            rowid_v,
            [2 * c + (lane & 1), lax.shift_right_logical(lane, 1)],
            row16,
        )
    zstage.wait()

    zcps = []
    for d in range(NUM_DEVICES):
        plane_base = d * S + base
        for z in range(SLOTS_PER_W // ZROWS):
            cp = pltpu.make_async_copy(
                zbuf,
                out_hbm.at[pl.ds(plane_base + z * ZROWS, ZROWS), :],
                zsem,
            )
            cp.start()
            zcps.append(cp)

    pend_t = {}
    for c in range(min(NBUF, NCHUNK)):
        t = pltpu.make_async_copy(
            in_hbm.at[pl.ds(tbase + c * TROWS, TROWS), :],
            tbufs[c % NBUF], tsems.at[c % NBUF])
        t.start()
        pend_t[c] = t

    for cp in zcps:
        cp.wait()

    for c in range(NCHUNK):
        b = c % NBUF
        pend_t[c].wait()
        s_ev = pltpu.make_async_copy(
            tbufs[b], out_hbm.at[rowid_v.at[2 * c]], ssems.at[b])
        s_od = pltpu.make_async_copy(
            tbufs[b], out_hbm.at[rowid_v.at[2 * c + 1]], ssems.at[b])
        s_ev.start()
        s_od.start()
        if c + NBUF < NCHUNK:
            s_ev.wait()
            s_od.wait()
            t = pltpu.make_async_copy(
                in_hbm.at[pl.ds(tbase + (c + NBUF) * TROWS, TROWS), :],
                tbufs[b], tsems.at[b])
            t.start()
            pend_t[c + NBUF] = t
        else:
            pend_t[c] = (s_ev, s_od)
    for c in range(NCHUNK - NBUF, NCHUNK):
        if c >= 0:
            s_ev, s_od = pend_t[c]
            s_ev.wait()
            s_od.wait()


def kernel(input_tensor, expert_indices, expert_mapping):
    idx_flat = expert_indices.reshape(-1)
    zsrc = jnp.zeros((ZROWS, D_MODEL), jnp.float32)
    mesh = plsc.VectorSubcoreMesh(core_axis_name="c", subcore_axis_name="s")
    k = functools.partial(
        pl.kernel,
        out_type=jax.ShapeDtypeStruct((NUM_DEVICES * S, D_MODEL), jnp.float32),
        mesh=mesh,
        compiler_params=pltpu.CompilerParams(needs_layout_passes=False),
        scratch_types=[
            pltpu.VMEM((ZROWS, D_MODEL), jnp.float32),
            pltpu.VMEM((SLOTS_PER_W,), jnp.int32),
            pltpu.VMEM((NUM_EXPERTS,), jnp.int32),
            pltpu.VMEM((2 * NCHUNK, TROWS), jnp.int32),
        ] + [pltpu.VMEM((TROWS, D_MODEL), jnp.float32)] * NBUF + [
            pltpu.SemaphoreType.DMA,
            pltpu.SemaphoreType.DMA((NBUF,)),
            pltpu.SemaphoreType.DMA((NBUF,)),
        ],
    )(_sc_dispatch)
    out = k(input_tensor, idx_flat, expert_mapping, zsrc)
    return out.reshape(NUM_DEVICES, S, D_MODEL)

# --- scband reference (transcript-rebuilt; emitter-appended) ---
"""Pipeline reference for scband-all-to-all-dispatch-backward-15822659519277 (READ-ONLY COPY).

The authoritative reference and input builder live on the scoring server;
editing this copy changes nothing except your own understanding.
"""

import jax, jax.numpy as jnp
import numpy as np

# Module-level constants from the original torch module
ROUTING_ROWS = 8   # num_devices
CLUSTER_AXIS = 0   # hardware mesh axis; no effect on the math of this single-host reference
NUM_EXPERTS = 16
TOP_K = 2


def setup_inputs(seed: int = 0) -> dict:
    key = jax.random.key(seed)
    k1, k2, k3 = jax.random.split(key, 3)
    T, D_MODEL = 4096, 1024
    input_tensor = jax.random.normal(k1, (T, D_MODEL), dtype=jnp.float32)
    expert_indices = jax.random.randint(k2, (T, TOP_K), 0, NUM_EXPERTS, dtype=jnp.int32)
    expert_mapping = jax.random.randint(k3, (NUM_EXPERTS,), 0, ROUTING_ROWS, dtype=jnp.int32)
    return {
        "input_tensor": input_tensor,
        "expert_indices": expert_indices,
        "expert_mapping": expert_mapping,
    }


def reference(input_tensor, expert_indices, expert_mapping):
    """Simulation of tt.all_to_all_dispatch on a single host.

    For each token t and each of its top_k expert choices j, the token's
    hidden vector is dispatched to the device d = expert_mapping[expert_indices[t, j]].
    Output layout: [num_devices, T * top_k, d_model]; slot (t*top_k + j) on device d
    holds the token copy if that device owns the chosen expert, else zeros.
    This is a pure gather + masked scatter (memory-bound dispatch).
    """
    D = ROUTING_ROWS
    T, d_model = input_tensor.shape
    k = expert_indices.shape[1]
    # device id for every (token, choice) pair: gather through expert_mapping
    dev = jnp.take(expert_mapping, expert_indices.reshape(-1), axis=0)  # [T*k]
    # replicate each token top_k times (gather)
    gathered = jnp.broadcast_to(input_tensor[:, None, :], (T, k, d_model)).reshape(T * k, d_model)
    # one-hot device mask [D, T*k]
    mask = (dev[None, :] == jnp.arange(D, dtype=dev.dtype)[:, None]).astype(input_tensor.dtype)
    dispatched = mask[:, :, None] * gathered[None, :, :]  # [D, T*k, d_model]
    return dispatched

if __name__ == "__main__":
    import jax
    _d = setup_inputs()
    print(jax.jit(kernel)(*tuple(_d.values())))

</pallas_src>

<mosaic_0001>
#map = affine_map<(d0, d1) -> (0, 0)>
#map1 = affine_map<(d0, d1) -> (0)>
module attributes {stable_mosaic.version = 14 : i64} {
  func.func @_sc_dispatch(%arg0: i32, %arg1: i32, %arg2: memref<4096x1024xf32, #tpu.memory_space<hbm>>, %arg3: memref<8192xi32, #tpu.memory_space<hbm>>, %arg4: memref<16xi32, #tpu.memory_space<hbm>>, %arg5: memref<32x1024xf32, #tpu.memory_space<hbm>>, %arg6: memref<65536x1024xf32, #tpu.memory_space<hbm>>, %arg7: memref<32x1024xf32, #tpu.memory_space<vmem>>, %arg8: memref<256xi32, #tpu.memory_space<vmem>>, %arg9: memref<16xi32, #tpu.memory_space<vmem>>, %arg10: memref<32x8xi32, #tpu.memory_space<vmem>>, %arg11: memref<8x1024xf32, #tpu.memory_space<vmem>>, %arg12: memref<8x1024xf32, #tpu.memory_space<vmem>>, %arg13: memref<8x1024xf32, #tpu.memory_space<vmem>>, %arg14: memref<8x1024xf32, #tpu.memory_space<vmem>>, %arg15: memref<8x1024xf32, #tpu.memory_space<vmem>>, %arg16: memref<8x1024xf32, #tpu.memory_space<vmem>>, %arg17: memref<8x1024xf32, #tpu.memory_space<vmem>>, %arg18: memref<8x1024xf32, #tpu.memory_space<vmem>>, %arg19: memref<8x1024xf32, #tpu.memory_space<vmem>>, %arg20: memref<8x1024xf32, #tpu.memory_space<vmem>>, %arg21: memref<8x1024xf32, #tpu.memory_space<vmem>>, %arg22: memref<!tpu.dma_semaphore, #tpu.memory_space<semaphore_mem>>, %arg23: memref<11x!tpu.dma_semaphore, #tpu.memory_space<semaphore_mem>>, %arg24: memref<11x!tpu.dma_semaphore, #tpu.memory_space<semaphore_mem>>) attributes {dimension_semantics = [#tpu.dimension_semantics<core_parallel>, #tpu.dimension_semantics<subcore_parallel>], iteration_bounds = array<i64: 2, 16>, scalar_prefetch = 0 : i64, scratch_operands = 18 : i64, tpu.core_type = #tpu.core_type<sc_vector_subcore>, window_params = [{transform_indices = #map}, {transform_indices = #map1}, {transform_indices = #map1}, {transform_indices = #map}, {transform_indices = #map}]} {
    %mul3A = arith.constant 2 : i32
    %mul3A_0 = arith.muli %arg1, %mul3A : i32
    %add3A = arith.addi %mul3A_0, %arg0 : i32
    %mul3A_1 = arith.constant 256 : i32
    %mul3A_2 = arith.muli %add3A, %mul3A_1 : i32
    %multiple_of3A = tpu.assume_multiple %mul3A_2, 256 : i32
    %jit3A = arith.constant 2 : i32
    %div3A = arith.divsi %multiple_of3A, %jit3A : i32
    %sign3A = arith.constant 0 : i32
    %sign3A_3 = arith.cmpi sgt, %multiple_of3A, %sign3A : i32
    %sign3A_4 = arith.extui %sign3A_3 : i1 to i32
    %sign3A_5 = arith.constant 0 : i32
    %sign3A_6 = arith.cmpi slt, %multiple_of3A, %sign3A_5 : i32
    %sign3A_7 = arith.extui %sign3A_6 : i1 to i32
    %sign3A_8 = arith.subi %sign3A_4, %sign3A_7 : i32
    %sign3A_9 = arith.constant 0 : i32
    %sign3A_10 = arith.cmpi sgt, %jit3A, %sign3A_9 : i32
    %sign3A_11 = arith.extui %sign3A_10 : i1 to i32
    %sign3A_12 = arith.constant 0 : i32
    %sign3A_13 = arith.cmpi slt, %jit3A, %sign3A_12 : i32
    %sign3A_14 = arith.extui %sign3A_13 : i1 to i32
    %sign3A_15 = arith.subi %sign3A_11, %sign3A_14 : i32
    %ne3A = arith.cmpi ne, %sign3A_8, %sign3A_15 : i32
    %rem3A = arith.remsi %multiple_of3A, %jit3A : i32
    %ne3A_16 = arith.constant 0 : i32
    %ne3A_17 = arith.cmpi ne, %rem3A, %ne3A_16 : i32
    %and3A = arith.andi %ne3A, %ne3A_17 : i1
    %sub3A = arith.constant 1 : i32
    %sub3A_18 = arith.subi %div3A, %sub3A : i32
    %select_n3A = arith.select %and3A, %sub3A_18, %div3A : i32
    %multiple_of3A_19 = tpu.assume_multiple %select_n3A, 128 : i32
    tpu.enqueue_dma source(%arg5 : memref<32x1024xf32, #tpu.memory_space<hbm>>) target(%arg7 : memref<32x1024xf32, #tpu.memory_space<vmem>>) target_semaphore(%arg22 : memref<!tpu.dma_semaphore, #tpu.memory_space<semaphore_mem>>)
    "tpu.region"() ({
      %run_scoped3A = tpu.sem_alloc : memref<!tpu.dma_semaphore, #tpu.memory_space<semaphore_mem>>
      %dma_start3A_1887 = tpu.memref_slice %arg3[%multiple_of3A] : memref<8192xi32, #tpu.memory_space<hbm>> -> memref<256xi32, #tpu.memory_space<hbm>>
      %dma_start3A_1888 = tpu.memref_slice %arg3[%multiple_of3A] : memref<8192xi32, #tpu.memory_space<hbm>> -> memref<256xi32, #tpu.memory_space<hbm>>
      tpu.enqueue_dma source(%dma_start3A_1888 : memref<256xi32, #tpu.memory_space<hbm>>) target(%arg8 : memref<256xi32, #tpu.memory_space<vmem>>) target_semaphore(%run_scoped3A : memref<!tpu.dma_semaphore, #tpu.memory_space<semaphore_mem>>)
      %dma_wait3A_1889 = tpu.memref_slice %arg3[%multiple_of3A] : memref<8192xi32, #tpu.memory_space<hbm>> -> memref<256xi32, #tpu.memory_space<hbm>>
      %dma_wait3A_1890 = tpu.memref_slice %arg3[%multiple_of3A] : memref<8192xi32, #tpu.memory_space<hbm>> -> memref<256xi32, #tpu.memory_space<hbm>>
      tpu.wait_dma2 semaphore(%run_scoped3A : memref<!tpu.dma_semaphore, #tpu.memory_space<semaphore_mem>>) src(%dma_wait3A_1890 : memref<256xi32, #tpu.memory_space<hbm>>) dst(%arg8 : memref<256xi32, #tpu.memory_space<vmem>>)
      tpu.yield
    }) : () -> ()
    "tpu.region"() ({
      %run_scoped3A = tpu.sem_alloc : memref<!tpu.dma_semaphore, #tpu.memory_space<semaphore_mem>>
      tpu.enqueue_dma source(%arg4 : memref<16xi32, #tpu.memory_space<hbm>>) target(%arg9 : memref<16xi32, #tpu.memory_space<vmem>>) target_semaphore(%run_scoped3A : memref<!tpu.dma_semaphore, #tpu.memory_space<semaphore_mem>>)
      tpu.wait_dma2 semaphore(%run_scoped3A : memref<!tpu.dma_semaphore, #tpu.memory_space<semaphore_mem>>) src(%arg4 : memref<16xi32, #tpu.memory_space<hbm>>) dst(%arg9 : memref<16xi32, #tpu.memory_space<vmem>>)
      tpu.yield
    }) : () -> ()
    %iota3A = tpu.iota {dimensions = array<i32: 0>} : vector<16xi32>
    %get3A = arith.constant 0 : index
    %get3A_20 = tpu.vector_load %arg8[%get3A] {strides = array<i32>} : memref<256xi32, #tpu.memory_space<vmem>>, vector<16xi32>,
    %gather3A = tpu.vector_load_idx %arg9[%get3A_20] : memref<16xi32, #tpu.memory_space<vmem>>[vector<16xi32>], vector<16xi32>,
    %add3A_21 = arith.constant 0 : i32
    %add3A_22 = arith.addi %multiple_of3A, %add3A_21 : i32
    %add3A_23 = vector.broadcast %add3A_22 : i32 to vector<16xi32>
    %add3A_24 = arith.addi %add3A_23, %iota3A : vector<16xi32>
    %mul3A_25 = arith.constant 8192 : i32
    %mul3A_26 = vector.broadcast %mul3A_25 : i32 to vector<16xi32>
    %mul3A_27 = arith.muli %gather3A, %mul3A_26 : vector<16xi32>
    %add3A_28 = arith.addi %mul3A_27, %add3A_24 : vector<16xi32>
    %and3A_29 = arith.constant 1 : i32
    %and3A_30 = vector.broadcast %and3A_29 : i32 to vector<16xi32>
    %and3A_31 = arith.andi %iota3A, %and3A_30 : vector<16xi32>
    %add3A_32 = arith.constant 0 : i32
    %add3A_33 = vector.broadcast %add3A_32 : i32 to vector<16xi32>
    %add3A_34 = arith.addi %add3A_33, %and3A_31 : vector<16xi32>
    %shift_right_logical3A = arith.constant 1 : i32
    %shift_right_logical3A_35 = vector.broadcast %shift_right_logical3A : i32 to vector<16xi32>
    %shift_right_logical3A_36 = arith.shrui %iota3A, %shift_right_logical3A_35 : vector<16xi32>
    tpu.vector_store_idx %arg10[%add3A_34, %shift_right_logical3A_36], %add3A_28 : memref<32x8xi32, #tpu.memory_space<vmem>>[vector<16xi32>, vector<16xi32>], vector<16xi32>,
    %get3A_37 = arith.constant 16 : index
    %get3A_38 = tpu.vector_load %arg8[%get3A_37] {strides = array<i32>} : memref<256xi32, #tpu.memory_space<vmem>>, vector<16xi32>,
    %gather3A_39 = tpu.vector_load_idx %arg9[%get3A_38] : memref<16xi32, #tpu.memory_space<vmem>>[vector<16xi32>], vector<16xi32>,
    %add3A_40 = arith.constant 16 : i32
    %add3A_41 = arith.addi %multiple_of3A, %add3A_40 : i32
    %add3A_42 = vector.broadcast %add3A_41 : i32 to vector<16xi32>
    %add3A_43 = arith.addi %add3A_42, %iota3A : vector<16xi32>
    %mul3A_44 = arith.constant 8192 : i32
    %mul3A_45 = vector.broadcast %mul3A_44 : i32 to vector<16xi32>
    %mul3A_46 = arith.muli %gather3A_39, %mul3A_45 : vector<16xi32>
    %add3A_47 = arith.addi %mul3A_46, %add3A_43 : vector<16xi32>
    %and3A_48 = arith.constant 1 : i32
    %and3A_49 = vector.broadcast %and3A_48 : i32 to vector<16xi32>
    %and3A_50 = arith.andi %iota3A, %and3A_49 : vector<16xi32>
    %add3A_51 = arith.constant 2 : i32
    %add3A_52 = vector.broadcast %add3A_51 : i32 to vector<16xi32>
    %add3A_53 = arith.addi %add3A_52, %and3A_50 : vector<16xi32>
    %shift_right_logical3A_54 = arith.constant 1 : i32
    %shift_right_logical3A_55 = vector.broadcast %shift_right_logical3A_54 : i32 to vector<16xi32>
    %shift_right_logical3A_56 = arith.shrui %iota3A, %shift_right_logical3A_55 : vector<16xi32>
    tpu.vector_store_idx %arg10[%add3A_53, %shift_right_logical3A_56], %add3A_47 : memref<32x8xi32, #tpu.memory_space<vmem>>[vector<16xi32>, vector<16xi32>], vector<16xi32>,
    %get3A_57 = arith.constant 32 : index
    %get3A_58 = tpu.vector_load %arg8[%get3A_57] {strides = array<i32>} : memref<256xi32, #tpu.memory_space<vmem>>, vector<16xi32>,
    %gather3A_59 = tpu.vector_load_idx %arg9[%get3A_58] : memref<16xi32, #tpu.memory_space<vmem>>[vector<16xi32>], vector<16xi32>,
    %add3A_60 = arith.constant 32 : i32
    %add3A_61 = arith.addi %multiple_of3A, %add3A_60 : i32
    %add3A_62 = vector.broadcast %add3A_61 : i32 to vector<16xi32>
    %add3A_63 = arith.addi %add3A_62, %iota3A : vector<16xi32>
    %mul3A_64 = arith.constant 8192 : i32
    %mul3A_65 = vector.broadcast %mul3A_64 : i32 to vector<16xi32>
    %mul3A_66 = arith.muli %gather3A_59, %mul3A_65 : vector<16xi32>
    %add3A_67 = arith.addi %mul3A_66, %add3A_63 : vector<16xi32>
    %and3A_68 = arith.constant 1 : i32
    %and3A_69 = vector.broadcast %and3A_68 : i32 to vector<16xi32>
    %and3A_70 = arith.andi %iota3A, %and3A_69 : vector<16xi32>
    %add3A_71 = arith.constant 4 : i32
    %add3A_72 = vector.broadcast %add3A_71 : i32 to vector<16xi32>
    %add3A_73 = arith.addi %add3A_72, %and3A_70 : vector<16xi32>
    %shift_right_logical3A_74 = arith.constant 1 : i32
    %shift_right_logical3A_75 = vector.broadcast %shift_right_logical3A_74 : i32 to vector<16xi32>
    %shift_right_logical3A_76 = arith.shrui %iota3A, %shift_right_logical3A_75 : vector<16xi32>
    tpu.vector_store_idx %arg10[%add3A_73, %shift_right_logical3A_76], %add3A_67 : memref<32x8xi32, #tpu.memory_space<vmem>>[vector<16xi32>, vector<16xi32>], vector<16xi32>,
    %get3A_77 = arith.constant 48 : index
    %get3A_78 = tpu.vector_load %arg8[%get3A_77] {strides = array<i32>} : memref<256xi32, #tpu.memory_space<vmem>>, vector<16xi32>,
    %gather3A_79 = tpu.vector_load_idx %arg9[%get3A_78] : memref<16xi32, #tpu.memory_space<vmem>>[vector<16xi32>], vector<16xi32>,
    %add3A_80 = arith.constant 48 : i32
    %add3A_81 = arith.addi %multiple_of3A, %add3A_80 : i32
    %add3A_82 = vector.broadcast %add3A_81 : i32 to vector<16xi32>
    %add3A_83 = arith.addi %add3A_82, %iota3A : vector<16xi32>
    %mul3A_84 = arith.constant 8192 : i32
    %mul3A_85 = vector.broadcast %mul3A_84 : i32 to vector<16xi32>
    %mul3A_86 = arith.muli %gather3A_79, %mul3A_85 : vector<16xi32>
    %add3A_87 = arith.addi %mul3A_86, %add3A_83 : vector<16xi32>
    %and3A_88 = arith.constant 1 : i32
    %and3A_89 = vector.broadcast %and3A_88 : i32 to vector<16xi32>
    %and3A_90 = arith.andi %iota3A, %and3A_89 : vector<16xi32>
    %add3A_91 = arith.constant 6 : i32
    %add3A_92 = vector.broadcast %add3A_91 : i32 to vector<16xi32>
    %add3A_93 = arith.addi %add3A_92, %and3A_90 : vector<16xi32>
    %shift_right_logical3A_94 = arith.constant 1 : i32
    %shift_right_logical3A_95 = vector.broadcast %shift_right_logical3A_94 : i32 to vector<16xi32>
    %shift_right_logical3A_96 = arith.shrui %iota3A, %shift_right_logical3A_95 : vector<16xi32>
    tpu.vector_store_idx %arg10[%add3A_93, %shift_right_logical3A_96], %add3A_87 : memref<32x8xi32, #tpu.memory_space<vmem>>[vector<16xi32>, vector<16xi32>], vector<16xi32>,
    %get3A_97 = arith.constant 64 : index
    %get3A_98 = tpu.vector_load %arg8[%get3A_97] {strides = array<i32>} : memref<256xi32, #tpu.memory_space<vmem>>, vector<16xi32>,
    %gather3A_99 = tpu.vector_load_idx %arg9[%get3A_98] : memref<16xi32, #tpu.memory_space<vmem>>[vector<16xi32>], vector<16xi32>,
    %add3A_100 = arith.constant 64 : i32
    %add3A_101 = arith.addi %multiple_of3A, %add3A_100 : i32
    %add3A_102 = vector.broadcast %add3A_101 : i32 to vector<16xi32>
    %add3A_103 = arith.addi %add3A_102, %iota3A : vector<16xi32>
    %mul3A_104 = arith.constant 8192 : i32
    %mul3A_105 = vector.broadcast %mul3A_104 : i32 to vector<16xi32>
    %mul3A_106 = arith.muli %gather3A_99, %mul3A_105 : vector<16xi32>
    %add3A_107 = arith.addi %mul3A_106, %add3A_103 : vector<16xi32>
    %and3A_108 = arith.constant 1 : i32
    %and3A_109 = vector.broadcast %and3A_108 : i32 to vector<16xi32>
    %and3A_110 = arith.andi %iota3A, %and3A_109 : vector<16xi32>
    %add3A_111 = arith.constant 8 : i32
    %add3A_112 = vector.broadcast %add3A_111 : i32 to vector<16xi32>
    %add3A_113 = arith.addi %add3A_112, %and3A_110 : vector<16xi32>
    %shift_right_logical3A_114 = arith.constant 1 : i32
    %shift_right_logical3A_115 = vector.broadcast %shift_right_logical3A_114 : i32 to vector<16xi32>
    %shift_right_logical3A_116 = arith.shrui %iota3A, %shift_right_logical3A_115 : vector<16xi32>
    tpu.vector_store_idx %arg10[%add3A_113, %shift_right_logical3A_116], %add3A_107 : memref<32x8xi32, #tpu.memory_space<vmem>>[vector<16xi32>, vector<16xi32>], vector<16xi32>,
    %get3A_117 = arith.constant 80 : index
    %get3A_118 = tpu.vector_load %arg8[%get3A_117] {strides = array<i32>} : memref<256xi32, #tpu.memory_space<vmem>>, vector<16xi32>,
    %gather3A_119 = tpu.vector_load_idx %arg9[%get3A_118] : memref<16xi32, #tpu.memory_space<vmem>>[vector<16xi32>], vector<16xi32>,
    %add3A_120 = arith.constant 80 : i32
    %add3A_121 = arith.addi %multiple_of3A, %add3A_120 : i32
    %add3A_122 = vector.broadcast %add3A_121 : i32 to vector<16xi32>
    %add3A_123 = arith.addi %add3A_122, %iota3A : vector<16xi32>
    %mul3A_124 = arith.constant 8192 : i32
    %mul3A_125 = vector.broadcast %mul3A_124 : i32 to vector<16xi32>
    %mul3A_126 = arith.muli %gather3A_119, %mul3A_125 : vector<16xi32>
    %add3A_127 = arith.addi %mul3A_126, %add3A_123 : vector<16xi32>
    %and3A_128 = arith.constant 1 : i32
    %and3A_129 = vector.broadcast %and3A_128 : i32 to vector<16xi32>
    %and3A_130 = arith.andi %iota3A, %and3A_129 : vector<16xi32>
    %add3A_131 = arith.constant 10 : i32
    %add3A_132 = vector.broadcast %add3A_131 : i32 to vector<16xi32>
    %add3A_133 = arith.addi %add3A_132, %and3A_130 : vector<16xi32>
    %shift_right_logical3A_134 = arith.constant 1 : i32
    %shift_right_logical3A_135 = vector.broadcast %shift_right_logical3A_134 : i32 to vector<16xi32>
    %shift_right_logical3A_136 = arith.shrui %iota3A, %shift_right_logical3A_135 : vector<16xi32>
    tpu.vector_store_idx %arg10[%add3A_133, %shift_right_logical3A_136], %add3A_127 : memref<32x8xi32, #tpu.memory_space<vmem>>[vector<16xi32>, vector<16xi32>], vector<16xi32>,
    %get3A_137 = arith.constant 96 : index
    %get3A_138 = tpu.vector_load %arg8[%get3A_137] {strides = array<i32>} : memref<256xi32, #tpu.memory_space<vmem>>, vector<16xi32>,
    %gather3A_139 = tpu.vector_load_idx %arg9[%get3A_138] : memref<16xi32, #tpu.memory_space<vmem>>[vector<16xi32>], vector<16xi32>,
    %add3A_140 = arith.constant 96 : i32
    %add3A_141 = arith.addi %multiple_of3A, %add3A_140 : i32
    %add3A_142 = vector.broadcast %add3A_141 : i32 to vector<16xi32>
    %add3A_143 = arith.addi %add3A_142, %iota3A : vector<16xi32>
    %mul3A_144 = arith.constant 8192 : i32
    %mul3A_145 = vector.broadcast %mul3A_144 : i32 to vector<16xi32>
    %mul3A_146 = arith.muli %gather3A_139, %mul3A_145 : vector<16xi32>
    %add3A_147 = arith.addi %mul3A_146, %add3A_143 : vector<16xi32>
    %and3A_148 = arith.constant 1 : i32
    %and3A_149 = vector.broadcast %and3A_148 : i32 to vector<16xi32>
    %and3A_150 = arith.andi %iota3A, %and3A_149 : vector<16xi32>
    %add3A_151 = arith.constant 12 : i32
    %add3A_152 = vector.broadcast %add3A_151 : i32 to vector<16xi32>
    %add3A_153 = arith.addi %add3A_152, %and3A_150 : vector<16xi32>
    %shift_right_logical3A_154 = arith.constant 1 : i32
    %shift_right_logical3A_155 = vector.broadcast %shift_right_logical3A_154 : i32 to vector<16xi32>
    %shift_right_logical3A_156 = arith.shrui %iota3A, %shift_right_logical3A_155 : vector<16xi32>
    tpu.vector_store_idx %arg10[%add3A_153, %shift_right_logical3A_156], %add3A_147 : memref<32x8xi32, #tpu.memory_space<vmem>>[vector<16xi32>, vector<16xi32>], vector<16xi32>,
    %get3A_157 = arith.constant 112 : index
    %get3A_158 = tpu.vector_load %arg8[%get3A_157] {strides = array<i32>} : memref<256xi32, #tpu.memory_space<vmem>>, vector<16xi32>,
    %gather3A_159 = tpu.vector_load_idx %arg9[%get3A_158] : memref<16xi32, #tpu.memory_space<vmem>>[vector<16xi32>], vector<16xi32>,
    %add3A_160 = arith.constant 112 : i32
    %add3A_161 = arith.addi %multiple_of3A, %add3A_160 : i32
    %add3A_162 = vector.broadcast %add3A_161 : i32 to vector<16xi32>
    %add3A_163 = arith.addi %add3A_162, %iota3A : vector<16xi32>
    %mul3A_164 = arith.constant 8192 : i32
    %mul3A_165 = vector.broadcast %mul3A_164 : i32 to vector<16xi32>
    %mul3A_166 = arith.muli %gather3A_159, %mul3A_165 : vector<16xi32>
    %add3A_167 = arith.addi %mul3A_166, %add3A_163 : vector<16xi32>
    %and3A_168 = arith.constant 1 : i32
    %and3A_169 = vector.broadcast %and3A_168 : i32 to vector<16xi32>
    %and3A_170 = arith.andi %iota3A, %and3A_169 : vector<16xi32>
    %add3A_171 = arith.constant 14 : i32
    %add3A_172 = vector.broadcast %add3A_171 : i32 to vector<16xi32>
    %add3A_173 = arith.addi %add3A_172, %and3A_170 : vector<16xi32>
    %shift_right_logical3A_174 = arith.constant 1 : i32
    %shift_right_logical3A_175 = vector.broadcast %shift_right_logical3A_174 : i32 to vector<16xi32>
    %shift_right_logical3A_176 = arith.shrui %iota3A, %shift_right_logical3A_175 : vector<16xi32>
    tpu.vector_store_idx %arg10[%add3A_173, %shift_right_logical3A_176], %add3A_167 : memref<32x8xi32, #tpu.memory_space<vmem>>[vector<16xi32>, vector<16xi32>], vector<16xi32>,
    %get3A_177 = arith.constant 128 : index
    %get3A_178 = tpu.vector_load %arg8[%get3A_177] {strides = array<i32>} : memref<256xi32, #tpu.memory_space<vmem>>, vector<16xi32>,
    %gather3A_179 = tpu.vector_load_idx %arg9[%get3A_178] : memref<16xi32, #tpu.memory_space<vmem>>[vector<16xi32>], vector<16xi32>,
    %add3A_180 = arith.constant 128 : i32
    %add3A_181 = arith.addi %multiple_of3A, %add3A_180 : i32
    %add3A_182 = vector.broadcast %add3A_181 : i32 to vector<16xi32>
    %add3A_183 = arith.addi %add3A_182, %iota3A : vector<16xi32>
    %mul3A_184 = arith.constant 8192 : i32
    %mul3A_185 = vector.broadcast %mul3A_184 : i32 to vector<16xi32>
    %mul3A_186 = arith.muli %gather3A_179, %mul3A_185 : vector<16xi32>
    %add3A_187 = arith.addi %mul3A_186, %add3A_183 : vector<16xi32>
    %and3A_188 = arith.constant 1 : i32
    %and3A_189 = vector.broadcast %and3A_188 : i32 to vector<16xi32>
    %and3A_190 = arith.andi %iota3A, %and3A_189 : vector<16xi32>
    %add3A_191 = arith.constant 16 : i32
    %add3A_192 = vector.broadcast %add3A_191 : i32 to vector<16xi32>
    %add3A_193 = arith.addi %add3A_192, %and3A_190 : vector<16xi32>
    %shift_right_logical3A_194 = arith.constant 1 : i32
    %shift_right_logical3A_195 = vector.broadcast %shift_right_logical3A_194 : i32 to vector<16xi32>
    %shift_right_logical3A_196 = arith.shrui %iota3A, %shift_right_logical3A_195 : vector<16xi32>
    tpu.vector_store_idx %arg10[%add3A_193, %shift_right_logical3A_196], %add3A_187 : memref<32x8xi32, #tpu.memory_space<vmem>>[vector<16xi32>, vector<16xi32>], vector<16xi32>,
    %get3A_197 = arith.constant 144 : index
    %get3A_198 = tpu.vector_load %arg8[%get3A_197] {strides = array<i32>} : memref<256xi32, #tpu.memory_space<vmem>>, vector<16xi32>,
    %gather3A_199 = tpu.vector_load_idx %arg9[%get3A_198] : memref<16xi32, #tpu.memory_space<vmem>>[vector<16xi32>], vector<16xi32>,
    %add3A_200 = arith.constant 144 : i32
    %add3A_201 = arith.addi %multiple_of3A, %add3A_200 : i32
    %add3A_202 = vector.broadcast %add3A_201 : i32 to vector<16xi32>
    %add3A_203 = arith.addi %add3A_202, %iota3A : vector<16xi32>
    %mul3A_204 = arith.constant 8192 : i32
    %mul3A_205 = vector.broadcast %mul3A_204 : i32 to vector<16xi32>
    %mul3A_206 = arith.muli %gather3A_199, %mul3A_205 : vector<16xi32>
    %add3A_207 = arith.addi %mul3A_206, %add3A_203 : vector<16xi32>
    %and3A_208 = arith.constant 1 : i32
    %and3A_209 = vector.broadcast %and3A_208 : i32 to vector<16xi32>
    %and3A_210 = arith.andi %iota3A, %and3A_209 : vector<16xi32>
    %add3A_211 = arith.constant 18 : i32
    %add3A_212 = vector.broadcast %add3A_211 : i32 to vector<16xi32>
    %add3A_213 = arith.addi %add3A_212, %and3A_210 : vector<16xi32>
    %shift_right_logical3A_214 = arith.constant 1 : i32
    %shift_right_logical3A_215 = vector.broadcast %shift_right_logical3A_214 : i32 to vector<16xi32>
    %shift_right_logical3A_216 = arith.shrui %iota3A, %shift_right_logical3A_215 : vector<16xi32>
    tpu.vector_store_idx %arg10[%add3A_213, %shift_right_logical3A_216], %add3A_207 : memref<32x8xi32, #tpu.memory_space<vmem>>[vector<16xi32>, vector<16xi32>], vector<16xi32>,
    %get3A_217 = arith.constant 160 : index
    %get3A_218 = tpu.vector_load %arg8[%get3A_217] {strides = array<i32>} : memref<256xi32, #tpu.memory_space<vmem>>, vector<16xi32>,
    %gather3A_219 = tpu.vector_load_idx %arg9[%get3A_218] : memref<16xi32, #tpu.memory_space<vmem>>[vector<16xi32>], vector<16xi32>,
    %add3A_220 = arith.constant 160 : i32
    %add3A_221 = arith.addi %multiple_of3A, %add3A_220 : i32
    %add3A_222 = vector.broadcast %add3A_221 : i32 to vector<16xi32>
    %add3A_223 = arith.addi %add3A_222, %iota3A : vector<16xi32>
    %mul3A_224 = arith.constant 8192 : i32
    %mul3A_225 = vector.broadcast %mul3A_224 : i32 to vector<16xi32>
    %mul3A_226 = arith.muli %gather3A_219, %mul3A_225 : vector<16xi32>
    %add3A_227 = arith.addi %mul3A_226, %add3A_223 : vector<16xi32>
    %and3A_228 = arith.constant 1 : i32
    %and3A_229 = vector.broadcast %and3A_228 : i32 to vector<16xi32>
    %and3A_230 = arith.andi %iota3A, %and3A_229 : vector<16xi32>
    %add3A_231 = arith.constant 20 : i32
    %add3A_232 = vector.broadcast %add3A_231 : i32 to vector<16xi32>
    %add3A_233 = arith.addi %add3A_232, %and3A_230 : vector<16xi32>
    %shift_right_logical3A_234 = arith.constant 1 : i32
    %shift_right_logical3A_235 = vector.broadcast %shift_right_logical3A_234 : i32 to vector<16xi32>
    %shift_right_logical3A_236 = arith.shrui %iota3A, %shift_right_logical3A_235 : vector<16xi32>
    tpu.vector_store_idx %arg10[%add3A_233, %shift_right_logical3A_236], %add3A_227 : memref<32x8xi32, #tpu.memory_space<vmem>>[vector<16xi32>, vector<16xi32>], vector<16xi32>,
    %get3A_237 = arith.constant 176 : index
    %get3A_238 = tpu.vector_load %arg8[%get3A_237] {strides = array<i32>} : memref<256xi32, #tpu.memory_space<vmem>>, vector<16xi32>,
    %gather3A_239 = tpu.vector_load_idx %arg9[%get3A_238] : memref<16xi32, #tpu.memory_space<vmem>>[vector<16xi32>], vector<16xi32>,
    %add3A_240 = arith.constant 176 : i32
    %add3A_241 = arith.addi %multiple_of3A, %add3A_240 : i32
    %add3A_242 = vector.broadcast %add3A_241 : i32 to vector<16xi32>
    %add3A_243 = arith.addi %add3A_242, %iota3A : vector<16xi32>
    %mul3A_244 = arith.constant 8192 : i32
    %mul3A_245 = vector.broadcast %mul3A_244 : i32 to vector<16xi32>
    %mul3A_246 = arith.muli %gather3A_239, %mul3A_245 : vector<16xi32>
    %add3A_247 = arith.addi %mul3A_246, %add3A_243 : vector<16xi32>
    %and3A_248 = arith.constant 1 : i32
    %and3A_249 = vector.broadcast %and3A_248 : i32 to vector<16xi32>
    %and3A_250 = arith.andi %iota3A, %and3A_249 : vector<16xi32>
    %add3A_251 = arith.constant 22 : i32
    %add3A_252 = vector.broadcast %add3A_251 : i32 to vector<16xi32>
    %add3A_253 = arith.addi %add3A_252, %and3A_250 : vector<16xi32>
    %shift_right_logical3A_254 = arith.constant 1 : i32
    %shift_right_logical3A_255 = vector.broadcast %shift_right_logical3A_254 : i32 to vector<16xi32>
    %shift_right_logical3A_256 = arith.shrui %iota3A, %shift_right_logical3A_255 : vector<16xi32>
    tpu.vector_store_idx %arg10[%add3A_253, %shift_right_logical3A_256], %add3A_247 : memref<32x8xi32, #tpu.memory_space<vmem>>[vector<16xi32>, vector<16xi32>], vector<16xi32>,
    %get3A_257 = arith.constant 192 : index
    %get3A_258 = tpu.vector_load %arg8[%get3A_257] {strides = array<i32>} : memref<256xi32, #tpu.memory_space<vmem>>, vector<16xi32>,
    %gather3A_259 = tpu.vector_load_idx %arg9[%get3A_258] : memref<16xi32, #tpu.memory_space<vmem>>[vector<16xi32>], vector<16xi32>,
    %add3A_260 = arith.constant 192 : i32
    %add3A_261 = arith.addi %multiple_of3A, %add3A_260 : i32
    %add3A_262 = vector.broadcast %add3A_261 : i32 to vector<16xi32>
    %add3A_263 = arith.addi %add3A_262, %iota3A : vector<16xi32>
    %mul3A_264 = arith.constant 8192 : i32
    %mul3A_265 = vector.broadcast %mul3A_264 : i32 to vector<16xi32>
    %mul3A_266 = arith.muli %gather3A_259, %mul3A_265 : vector<16xi32>
    %add3A_267 = arith.addi %mul3A_266, %add3A_263 : vector<16xi32>
    %and3A_268 = arith.constant 1 : i32
    %and3A_269 = vector.broadcast %and3A_268 : i32 to vector<16xi32>
    %and3A_270 = arith.andi %iota3A, %and3A_269 : vector<16xi32>
    %add3A_271 = arith.constant 24 : i32
    %add3A_272 = vector.broadcast %add3A_271 : i32 to vector<16xi32>
    %add3A_273 = arith.addi %add3A_272, %and3A_270 : vector<16xi32>
    %shift_right_logical3A_274 = arith.constant 1 : i32
    %shift_right_logical3A_275 = vector.broadcast %shift_right_logical3A_274 : i32 to vector<16xi32>
    %shift_right_logical3A_276 = arith.shrui %iota3A, %shift_right_logical3A_275 : vector<16xi32>
    tpu.vector_store_idx %arg10[%add3A_273, %shift_right_logical3A_276], %add3A_267 : memref<32x8xi32, #tpu.memory_space<vmem>>[vector<16xi32>, vector<16xi32>], vector<16xi32>,
    %get3A_277 = arith.constant 208 : index
    %get3A_278 = tpu.vector_load %arg8[%get3A_277] {strides = array<i32>} : memref<256xi32, #tpu.memory_space<vmem>>, vector<16xi32>,
    %gather3A_279 = tpu.vector_load_idx %arg9[%get3A_278] : memref<16xi32, #tpu.memory_space<vmem>>[vector<16xi32>], vector<16xi32>,
    %add3A_280 = arith.constant 208 : i32
    %add3A_281 = arith.addi %multiple_of3A, %add3A_280 : i32
    %add3A_282 = vector.broadcast %add3A_281 : i32 to vector<16xi32>
    %add3A_283 = arith.addi %add3A_282, %iota3A : vector<16xi32>
    %mul3A_284 = arith.constant 8192 : i32
    %mul3A_285 = vector.broadcast %mul3A_284 : i32 to vector<16xi32>
    %mul3A_286 = arith.muli %gather3A_279, %mul3A_285 : vector<16xi32>
    %add3A_287 = arith.addi %mul3A_286, %add3A_283 : vector<16xi32>
    %and3A_288 = arith.constant 1 : i32
    %and3A_289 = vector.broadcast %and3A_288 : i32 to vector<16xi32>
    %and3A_290 = arith.andi %iota3A, %and3A_289 : vector<16xi32>
    %add3A_291 = arith.constant 26 : i32
    %add3A_292 = vector.broadcast %add3A_291 : i32 to vector<16xi32>
    %add3A_293 = arith.addi %add3A_292, %and3A_290 : vector<16xi32>
    %shift_right_logical3A_294 = arith.constant 1 : i32
    %shift_right_logical3A_295 = vector.broadcast %shift_right_logical3A_294 : i32 to vector<16xi32>
    %shift_right_logical3A_296 = arith.shrui %iota3A, %shift_right_logical3A_295 : vector<16xi32>
    tpu.vector_store_idx %arg10[%add3A_293, %shift_right_logical3A_296], %add3A_287 : memref<32x8xi32, #tpu.memory_space<vmem>>[vector<16xi32>, vector<16xi32>], vector<16xi32>,
    %get3A_297 = arith.constant 224 : index
    %get3A_298 = tpu.vector_load %arg8[%get3A_297] {strides = array<i32>} : memref<256xi32, #tpu.memory_space<vmem>>, vector<16xi32>,
    %gather3A_299 = tpu.vector_load_idx %arg9[%get3A_298] : memref<16xi32, #tpu.memory_space<vmem>>[vector<16xi32>], vector<16xi32>,
    %add3A_300 = arith.constant 224 : i32
    %add3A_301 = arith.addi %multiple_of3A, %add3A_300 : i32
    %add3A_302 = vector.broadcast %add3A_301 : i32 to vector<16xi32>
    %add3A_303 = arith.addi %add3A_302, %iota3A : vector<16xi32>
    %mul3A_304 = arith.constant 8192 : i32
    %mul3A_305 = vector.broadcast %mul3A_304 : i32 to vector<16xi32>
    %mul3A_306 = arith.muli %gather3A_299, %mul3A_305 : vector<16xi32>
    %add3A_307 = arith.addi %mul3A_306, %add3A_303 : vector<16xi32>
    %and3A_308 = arith.constant 1 : i32
    %and3A_309 = vector.broadcast %and3A_308 : i32 to vector<16xi32>
    %and3A_310 = arith.andi %iota3A, %and3A_309 : vector<16xi32>
    %add3A_311 = arith.constant 28 : i32
    %add3A_312 = vector.broadcast %add3A_311 : i32 to vector<16xi32>
    %add3A_313 = arith.addi %add3A_312, %and3A_310 : vector<16xi32>
    %shift_right_logical3A_314 = arith.constant 1 : i32
    %shift_right_logical3A_315 = vector.broadcast %shift_right_logical3A_314 : i32 to vector<16xi32>
    %shift_right_logical3A_316 = arith.shrui %iota3A, %shift_right_logical3A_315 : vector<16xi32>
    tpu.vector_store_idx %arg10[%add3A_313, %shift_right_logical3A_316], %add3A_307 : memref<32x8xi32, #tpu.memory_space<vmem>>[vector<16xi32>, vector<16xi32>], vector<16xi32>,
    %get3A_317 = arith.constant 240 : index
    %get3A_318 = tpu.vector_load %arg8[%get3A_317] {strides = array<i32>} : memref<256xi32, #tpu.memory_space<vmem>>, vector<16xi32>,
    %gather3A_319 = tpu.vector_load_idx %arg9[%get3A_318] : memref<16xi32, #tpu.memory_space<vmem>>[vector<16xi32>], vector<16xi32>,
    %add3A_320 = arith.constant 240 : i32
    %add3A_321 = arith.addi %multiple_of3A, %add3A_320 : i32
    %add3A_322 = vector.broadcast %add3A_321 : i32 to vector<16xi32>
    %add3A_323 = arith.addi %add3A_322, %iota3A : vector<16xi32>
    %mul3A_324 = arith.constant 8192 : i32
    %mul3A_325 = vector.broadcast %mul3A_324 : i32 to vector<16xi32>
    %mul3A_326 = arith.muli %gather3A_319, %mul3A_325 : vector<16xi32>
    %add3A_327 = arith.addi %mul3A_326, %add3A_323 : vector<16xi32>
    %and3A_328 = arith.constant 1 : i32
    %and3A_329 = vector.broadcast %and3A_328 : i32 to vector<16xi32>
    %and3A_330 = arith.andi %iota3A, %and3A_329 : vector<16xi32>
    %add3A_331 = arith.constant 30 : i32
    %add3A_332 = vector.broadcast %add3A_331 : i32 to vector<16xi32>
    %add3A_333 = arith.addi %add3A_332, %and3A_330 : vector<16xi32>
    %shift_right_logical3A_334 = arith.constant 1 : i32
    %shift_right_logical3A_335 = vector.broadcast %shift_right_logical3A_334 : i32 to vector<16xi32>
    %shift_right_logical3A_336 = arith.shrui %iota3A, %shift_right_logical3A_335 : vector<16xi32>
    tpu.vector_store_idx %arg10[%add3A_333, %shift_right_logical3A_336], %add3A_327 : memref<32x8xi32, #tpu.memory_space<vmem>>[vector<16xi32>, vector<16xi32>], vector<16xi32>,
    tpu.wait_dma2 semaphore(%arg22 : memref<!tpu.dma_semaphore, #tpu.memory_space<semaphore_mem>>) src(%arg5 : memref<32x1024xf32, #tpu.memory_space<hbm>>) dst(%arg7 : memref<32x1024xf32, #tpu.memory_space<vmem>>)
    %add3A_337 = arith.constant 0 : i32
    %add3A_338 = arith.addi %add3A_337, %multiple_of3A : i32
    %add3A_339 = arith.constant 0 : i32
    %add3A_340 = arith.addi %add3A_338, %add3A_339 : i32
    %dma_start3A = arith.constant 0 : i32
    %dma_start3A_341 = tpu.memref_slice %arg6[%add3A_340, %dma_start3A] : memref<65536x1024xf32, #tpu.memory_space<hbm>> -> memref<32x1024xf32, #tpu.memory_space<hbm>>
    %dma_start3A_342 = arith.constant 0 : i32
    %dma_start3A_343 = tpu.memref_slice %arg6[%add3A_340, %dma_start3A_342] : memref<65536x1024xf32, #tpu.memory_space<hbm>> -> memref<32x1024xf32, #tpu.memory_space<hbm>>
    tpu.enqueue_dma source(%arg7 : memref<32x1024xf32, #tpu.memory_space<vmem>>) target(%dma_start3A_343 : memref<32x1024xf32, #tpu.memory_space<hbm>>) target_semaphore(%arg22 : memref<!tpu.dma_semaphore, #tpu.memory_space<semaphore_mem>>)
    %add3A_344 = arith.constant 32 : i32
    %add3A_345 = arith.addi %add3A_338, %add3A_344 : i32
    %dma_start3A_346 = arith.constant 0 : i32
    %dma_start3A_347 = tpu.memref_slice %arg6[%add3A_345, %dma_start3A_346] : memref<65536x1024xf32, #tpu.memory_space<hbm>> -> memref<32x1024xf32, #tpu.memory_space<hbm>>
    %dma_start3A_348 = arith.constant 0 : i32
    %dma_start3A_349 = tpu.memref_slice %arg6[%add3A_345, %dma_start3A_348] : memref<65536x1024xf32, #tpu.memory_space<hbm>> -> memref<32x1024xf32, #tpu.memory_space<hbm>>
    tpu.enqueue_dma source(%arg7 : memref<32x1024xf32, #tpu.memory_space<vmem>>) target(%dma_start3A_349 : memref<32x1024xf32, #tpu.memory_space<hbm>>) target_semaphore(%arg22 : memref<!tpu.dma_semaphore, #tpu.memory_space<semaphore_mem>>)
    %add3A_350 = arith.constant 64 : i32
    %add3A_351 = arith.addi %add3A_338, %add3A_350 : i32
    %dma_start3A_352 = arith.constant 0 : i32
    %dma_start3A_353 = tpu.memref_slice %arg6[%add3A_351, %dma_start3A_352] : memref<65536x1024xf32, #tpu.memory_space<hbm>> -> memref<32x1024xf32, #tpu.memory_space<hbm>>
    %dma_start3A_354 = arith.constant 0 : i32
    %dma_start3A_355 = tpu.memref_slice %arg6[%add3A_351, %dma_start3A_354] : memref<65536x1024xf32, #tpu.memory_space<hbm>> -> memref<32x1024xf32, #tpu.memory_space<hbm>>
    tpu.enqueue_dma source(%arg7 : memref<32x1024xf32, #tpu.memory_space<vmem>>) target(%dma_start3A_355 : memref<32x1024xf32, #tpu.memory_space<hbm>>) target_semaphore(%arg22 : memref<!tpu.dma_semaphore, #tpu.memory_space<semaphore_mem>>)
    %add3A_356 = arith.constant 96 : i32
    %add3A_357 = arith.addi %add3A_338, %add3A_356 : i32
    %dma_start3A_358 = arith.constant 0 : i32
    %dma_start3A_359 = tpu.memref_slice %arg6[%add3A_357, %dma_start3A_358] : memref<65536x1024xf32, #tpu.memory_space<hbm>> -> memref<32x1024xf32, #tpu.memory_space<hbm>>
    %dma_start3A_360 = arith.constant 0 : i32
    %dma_start3A_361 = tpu.memref_slice %arg6[%add3A_357, %dma_start3A_360] : memref<65536x1024xf32, #tpu.memory_space<hbm>> -> memref<32x1024xf32, #tpu.memory_space<hbm>>
    tpu.enqueue_dma source(%arg7 : memref<32x1024xf32, #tpu.memory_space<vmem>>) target(%dma_start3A_361 : memref<32x1024xf32, #tpu.memory_space<hbm>>) target_semaphore(%arg22 : memref<!tpu.dma_semaphore, #tpu.memory_space<semaphore_mem>>)
    %add3A_362 = arith.constant 128 : i32
    %add3A_363 = arith.addi %add3A_338, %add3A_362 : i32
    %dma_start3A_364 = arith.constant 0 : i32
    %dma_start3A_365 = tpu.memref_slice %arg6[%add3A_363, %dma_start3A_364] : memref<65536x1024xf32, #tpu.memory_space<hbm>> -> memref<32x1024xf32, #tpu.memory_space<hbm>>
    %dma_start3A_366 = arith.constant 0 : i32
    %dma_start3A_367 = tpu.memref_slice %arg6[%add3A_363, %dma_start3A_366] : memref<65536x1024xf32, #tpu.memory_space<hbm>> -> memref<32x1024xf32, #tpu.memory_space<hbm>>
    tpu.enqueue_dma source(%arg7 : memref<32x1024xf32, #tpu.memory_space<vmem>>) target(%dma_start3A_367 : memref<32x1024xf32, #tpu.memory_space<hbm>>) target_semaphore(%arg22 : memref<!tpu.dma_semaphore, #tpu.memory_space<semaphore_mem>>)
    %add3A_368 = arith.constant 160 : i32
    %add3A_369 = arith.addi %add3A_338, %add3A_368 : i32
    %dma_start3A_370 = arith.constant 0 : i32
    %dma_start3A_371 = tpu.memref_slice %arg6[%add3A_369, %dma_start3A_370] : memref<65536x1024xf32, #tpu.memory_space<hbm>> -> memref<32x1024xf32, #tpu.memory_space<hbm>>
    %dma_start3A_372 = arith.constant 0 : i32
    %dma_start3A_373 = tpu.memref_slice %arg6[%add3A_369, %dma_start3A_372] : memref<65536x1024xf32, #tpu.memory_space<hbm>> -> memref<32x1024xf32, #tpu.memory_space<hbm>>
    tpu.enqueue_dma source(%arg7 : memref<32x1024xf32, #tpu.memory_space<vmem>>) target(%dma_start3A_373 : memref<32x1024xf32, #tpu.memory_space<hbm>>) target_semaphore(%arg22 : memref<!tpu.dma_semaphore, #tpu.memory_space<semaphore_mem>>)
    %add3A_374 = arith.constant 192 : i32
    %add3A_375 = arith.addi %add3A_338, %add3A_374 : i32
    %dma_start3A_376 = arith.constant 0 : i32
    %dma_start3A_377 = tpu.memref_slice %arg6[%add3A_375, %dma_start3A_376] : memref<65536x1024xf32, #tpu.memory_space<hbm>> -> memref<32x1024xf32, #tpu.memory_space<hbm>>
    %dma_start3A_378 = arith.constant 0 : i32
    %dma_start3A_379 = tpu.memref_slice %arg6[%add3A_375, %dma_start3A_378] : memref<65536x1024xf32, #tpu.memory_space<hbm>> -> memref<32x1024xf32, #tpu.memory_space<hbm>>
    tpu.enqueue_dma source(%arg7 : memref<32x1024xf32, #tpu.memory_space<vmem>>) target(%dma_start3A_379 : memref<32x1024xf32, #tpu.memory_space<hbm>>) target_semaphore(%arg22 : memref<!tpu.dma_semaphore, #tpu.memory_space<semaphore_mem>>)
    %add3A_380 = arith.constant 224 : i32
    %add3A_381 = arith.addi %add3A_338, %add3A_380 : i32
    %dma_start3A_382 = arith.constant 0 : i32
    %dma_start3A_383 = tpu.memref_slice %arg6[%add3A_381, %dma_start3A_382] : memref<65536x1024xf32, #tpu.memory_space<hbm>> -> memref<32x1024xf32, #tpu.memory_space<hbm>>
    %dma_start3A_384 = arith.constant 0 : i32
    %dma_start3A_385 = tpu.memref_slice %arg6[%add3A_381, %dma_start3A_384] : memref<65536x1024xf32, #tpu.memory_space<hbm>> -> memref<32x1024xf32, #tpu.memory_space<hbm>>
    tpu.enqueue_dma source(%arg7 : memref<32x1024xf32, #tpu.memory_space<vmem>>) target(%dma_start3A_385 : memref<32x1024xf32, #tpu.memory_space<hbm>>) target_semaphore(%arg22 : memref<!tpu.dma_semaphore, #tpu.memory_space<semaphore_mem>>)
    %add3A_386 = arith.constant 8192 : i32
    %add3A_387 = arith.addi %add3A_386, %multiple_of3A : i32
    %add3A_388 = arith.constant 0 : i32
    %add3A_389 = arith.addi %add3A_387, %add3A_388 : i32
    %dma_start3A_390 = arith.constant 0 : i32
    %dma_start3A_391 = tpu.memref_slice %arg6[%add3A_389, %dma_start3A_390] : memref<65536x1024xf32, #tpu.memory_space<hbm>> -> memref<32x1024xf32, #tpu.memory_space<hbm>>
    %dma_start3A_392 = arith.constant 0 : i32
    %dma_start3A_393 = tpu.memref_slice %arg6[%add3A_389, %dma_start3A_392] : memref<65536x1024xf32, #tpu.memory_space<hbm>> -> memref<32x1024xf32, #tpu.memory_space<hbm>>
    tpu.enqueue_dma source(%arg7 : memref<32x1024xf32, #tpu.memory_space<vmem>>) target(%dma_start3A_393 : memref<32x1024xf32, #tpu.memory_space<hbm>>) target_semaphore(%arg22 : memref<!tpu.dma_semaphore, #tpu.memory_space<semaphore_mem>>)
    %add3A_394 = arith.constant 32 : i32
    %add3A_395 = arith.addi %add3A_387, %add3A_394 : i32
    %dma_start3A_396 = arith.constant 0 : i32
    %dma_start3A_397 = tpu.memref_slice %arg6[%add3A_395, %dma_start3A_396] : memref<65536x1024xf32, #tpu.memory_space<hbm>> -> memref<32x1024xf32, #tpu.memory_space<hbm>>
    %dma_start3A_398 = arith.constant 0 : i32
    %dma_start3A_399 = tpu.memref_slice %arg6[%add3A_395, %dma_start3A_398] : memref<65536x1024xf32, #tpu.memory_space<hbm>> -> memref<32x1024xf32, #tpu.memory_space<hbm>>
    tpu.enqueue_dma source(%arg7 : memref<32x1024xf32, #tpu.memory_space<vmem>>) target(%dma_start3A_399 : memref<32x1024xf32, #tpu.memory_space<hbm>>) target_semaphore(%arg22 : memref<!tpu.dma_semaphore, #tpu.memory_space<semaphore_mem>>)
    %add3A_400 = arith.constant 64 : i32
    %add3A_401 = arith.addi %add3A_387, %add3A_400 : i32
    %dma_start3A_402 = arith.constant 0 : i32
    %dma_start3A_403 = tpu.memref_slice %arg6[%add3A_401, %dma_start3A_402] : memref<65536x1024xf32, #tpu.memory_space<hbm>> -> memref<32x1024xf32, #tpu.memory_space<hbm>>
    %dma_start3A_404 = arith.constant 0 : i32
    %dma_start3A_405 = tpu.memref_slice %arg6[%add3A_401, %dma_start3A_404] : memref<65536x1024xf32, #tpu.memory_space<hbm>> -> memref<32x1024xf32, #tpu.memory_space<hbm>>
    tpu.enqueue_dma source(%arg7 : memref<32x1024xf32, #tpu.memory_space<vmem>>) target(%dma_start3A_405 : memref<32x1024xf32, #tpu.memory_space<hbm>>) target_semaphore(%arg22 : memref<!tpu.dma_semaphore, #tpu.memory_space<semaphore_mem>>)
    %add3A_406 = arith.constant 96 : i32
    %add3A_407 = arith.addi %add3A_387, %add3A_406 : i32
    %dma_start3A_408 = arith.constant 0 : i32
    %dma_start3A_409 = tpu.memref_slice %arg6[%add3A_407, %dma_start3A_408] : memref<65536x1024xf32, #tpu.memory_space<hbm>> -> memref<32x1024xf32, #tpu.memory_space<hbm>>
    %dma_start3A_410 = arith.constant 0 : i32
    %dma_start3A_411 = tpu.memref_slice %arg6[%add3A_407, %dma_start3A_410] : memref<65536x1024xf32, #tpu.memory_space<hbm>> -> memref<32x1024xf32, #tpu.memory_space<hbm>>
    tpu.enqueue_dma source(%arg7 : memref<32x1024xf32, #tpu.memory_space<vmem>>) target(%dma_start3A_411 : memref<32x1024xf32, #tpu.memory_space<hbm>>) target_semaphore(%arg22 : memref<!tpu.dma_semaphore, #tpu.memory_space<semaphore_mem>>)
    %add3A_412 = arith.constant 128 : i32
    %add3A_413 = arith.addi %add3A_387, %add3A_412 : i32
    %dma_start3A_414 = arith.constant 0 : i32
    %dma_start3A_415 = tpu.memref_slice %arg6[%add3A_413, %dma_start3A_414] : memref<65536x1024xf32, #tpu.memory_space<hbm>> -> memref<32x1024xf32, #tpu.memory_space<hbm>>
    %dma_start3A_416 = arith.constant 0 : i32
    %dma_start3A_417 = tpu.memref_slice %arg6[%add3A_413, %dma_start3A_416] : memref<65536x1024xf32, #tpu.memory_space<hbm>> -> memref<32x1024xf32, #tpu.memory_space<hbm>>
    tpu.enqueue_dma source(%arg7 : memref<32x1024xf32, #tpu.memory_space<vmem>>) target(%dma_start3A_417 : memref<32x1024xf32, #tpu.memory_space<hbm>>) target_semaphore(%arg22 : memref<!tpu.dma_semaphore, #tpu.memory_space<semaphore_mem>>)
    %add3A_418 = arith.constant 160 : i32
    %add3A_419 = arith.addi %add3A_387, %add3A_418 : i32
    %dma_start3A_420 = arith.constant 0 : i32
    %dma_start3A_421 = tpu.memref_slice %arg6[%add3A_419, %dma_start3A_420] : memref<65536x1024xf32, #tpu.memory_space<hbm>> -> memref<32x1024xf32, #tpu.memory_space<hbm>>
    %dma_start3A_422 = arith.constant 0 : i32
    %dma_start3A_423 = tpu.memref_slice %arg6[%add3A_419, %dma_start3A_422] : memref<65536x1024xf32, #tpu.memory_space<hbm>> -> memref<32x1024xf32, #tpu.memory_space<hbm>>
    tpu.enqueue_dma source(%arg7 : memref<32x1024xf32, #tpu.memory_space<vmem>>) target(%dma_start3A_423 : memref<32x1024xf32, #tpu.memory_space<hbm>>) target_semaphore(%arg22 : memref<!tpu.dma_semaphore, #tpu.memory_space<semaphore_mem>>)
    %add3A_424 = arith.constant 192 : i32
    %add3A_425 = arith.addi %add3A_387, %add3A_424 : i32
    %dma_start3A_426 = arith.constant 0 : i32
    %dma_start3A_427 = tpu.memref_slice %arg6[%add3A_425, %dma_start3A_426] : memref<65536x1024xf32, #tpu.memory_space<hbm>> -> memref<32x1024xf32, #tpu.memory_space<hbm>>
    %dma_start3A_428 = arith.constant 0 : i32
    %dma_start3A_429 = tpu.memref_slice %arg6[%add3A_425, %dma_start3A_428] : memref<65536x1024xf32, #tpu.memory_space<hbm>> -> memref<32x1024xf32, #tpu.memory_space<hbm>>
    tpu.enqueue_dma source(%arg7 : memref<32x1024xf32, #tpu.memory_space<vmem>>) target(%dma_start3A_429 : memref<32x1024xf32, #tpu.memory_space<hbm>>) target_semaphore(%arg22 : memref<!tpu.dma_semaphore, #tpu.memory_space<semaphore_mem>>)
    %add3A_430 = arith.constant 224 : i32
    %add3A_431 = arith.addi %add3A_387, %add3A_430 : i32
    %dma_start3A_432 = arith.constant 0 : i32
    %dma_start3A_433 = tpu.memref_slice %arg6[%add3A_431, %dma_start3A_432] : memref<65536x1024xf32, #tpu.memory_space<hbm>> -> memref<32x1024xf32, #tpu.memory_space<hbm>>
    %dma_start3A_434 = arith.constant 0 : i32
    %dma_start3A_435 = tpu.memref_slice %arg6[%add3A_431, %dma_start3A_434] : memref<65536x1024xf32, #tpu.memory_space<hbm>> -> memref<32x1024xf32, #tpu.memory_space<hbm>>
    tpu.enqueue_dma source(%arg7 : memref<32x1024xf32, #tpu.memory_space<vmem>>) target(%dma_start3A_435 : memref<32x1024xf32, #tpu.memory_space<hbm>>) target_semaphore(%arg22 : memref<!tpu.dma_semaphore, #tpu.memory_space<semaphore_mem>>)
    %add3A_436 = arith.constant 16384 : i32
    %add3A_437 = arith.addi %add3A_436, %multiple_of3A : i32
    %add3A_438 = arith.constant 0 : i32
    %add3A_439 = arith.addi %add3A_437, %add3A_438 : i32
    %dma_start3A_440 = arith.constant 0 : i32
    %dma_start3A_441 = tpu.memref_slice %arg6[%add3A_439, %dma_start3A_440] : memref<65536x1024xf32, #tpu.memory_space<hbm>> -> memref<32x1024xf32, #tpu.memory_space<hbm>>
    %dma_start3A_442 = arith.constant 0 : i32
    %dma_start3A_443 = tpu.memref_slice %arg6[%add3A_439, %dma_start3A_442] : memref<65536x1024xf32, #tpu.memory_space<hbm>> -> memref<32x1024xf32, #tpu.memory_space<hbm>>
    tpu.enqueue_dma source(%arg7 : memref<32x1024xf32, #tpu.memory_space<vmem>>) target(%dma_start3A_443 : memref<32x1024xf32, #tpu.memory_space<hbm>>) target_semaphore(%arg22 : memref<!tpu.dma_semaphore, #tpu.memory_space<semaphore_mem>>)
    %add3A_444 = arith.constant 32 : i32
    %add3A_445 = arith.addi %add3A_437, %add3A_444 : i32
    %dma_start3A_446 = arith.constant 0 : i32
    %dma_start3A_447 = tpu.memref_slice %arg6[%add3A_445, %dma_start3A_446] : memref<65536x1024xf32, #tpu.memory_space<hbm>> -> memref<32x1024xf32, #tpu.memory_space<hbm>>
    %dma_start3A_448 = arith.constant 0 : i32
    %dma_start3A_449 = tpu.memref_slice %arg6[%add3A_445, %dma_start3A_448] : memref<65536x1024xf32, #tpu.memory_space<hbm>> -> memref<32x1024xf32, #tpu.memory_space<hbm>>
    tpu.enqueue_dma source(%arg7 : memref<32x1024xf32, #tpu.memory_space<vmem>>) target(%dma_start3A_449 : memref<32x1024xf32, #tpu.memory_space<hbm>>) target_semaphore(%arg22 : memref<!tpu.dma_semaphore, #tpu.memory_space<semaphore_mem>>)
    %add3A_450 = arith.constant 64 : i32
    %add3A_451 = arith.addi %add3A_437, %add3A_450 : i32
    %dma_start3A_452 = arith.constant 0 : i32
    %dma_start3A_453 = tpu.memref_slice %arg6[%add3A_451, %dma_start3A_452] : memref<65536x1024xf32, #tpu.memory_space<hbm>> -> memref<32x1024xf32, #tpu.memory_space<hbm>>
    %dma_start3A_454 = arith.constant 0 : i32
    %dma_start3A_455 = tpu.memref_slice %arg6[%add3A_451, %dma_start3A_454] : memref<65536x1024xf32, #tpu.memory_space<hbm>> -> memref<32x1024xf32, #tpu.memory_space<hbm>>
    tpu.enqueue_dma source(%arg7 : memref<32x1024xf32, #tpu.memory_space<vmem>>) target(%dma_start3A_455 : memref<32x1024xf32, #tpu.memory_space<hbm>>) target_semaphore(%arg22 : memref<!tpu.dma_semaphore, #tpu.memory_space<semaphore_mem>>)
    %add3A_456 = arith.constant 96 : i32
    %add3A_457 = arith.addi %add3A_437, %add3A_456 : i32
    %dma_start3A_458 = arith.constant 0 : i32
    %dma_start3A_459 = tpu.memref_slice %arg6[%add3A_457, %dma_start3A_458] : memref<65536x1024xf32, #tpu.memory_space<hbm>> -> memref<32x1024xf32, #tpu.memory_space<hbm>>
    %dma_start3A_460 = arith.constant 0 : i32
    %dma_start3A_461 = tpu.memref_slice %arg6[%add3A_457, %dma_start3A_460] : memref<65536x1024xf32, #tpu.memory_space<hbm>> -> memref<32x1024xf32, #tpu.memory_space<hbm>>
    tpu.enqueue_dma source(%arg7 : memref<32x1024xf32, #tpu.memory_space<vmem>>) target(%dma_start3A_461 : memref<32x1024xf32, #tpu.memory_space<hbm>>) target_semaphore(%arg22 : memref<!tpu.dma_semaphore, #tpu.memory_space<semaphore_mem>>)
    %add3A_462 = arith.constant 128 : i32
    %add3A_463 = arith.addi %add3A_437, %add3A_462 : i32
    %dma_start3A_464 = arith.constant 0 : i32
    %dma_start3A_465 = tpu.memref_slice %arg6[%add3A_463, %dma_start3A_464] : memref<65536x1024xf32, #tpu.memory_space<hbm>> -> memref<32x1024xf32, #tpu.memory_space<hbm>>
    %dma_start3A_466 = arith.constant 0 : i32
    %dma_start3A_467 = tpu.memref_slice %arg6[%add3A_463, %dma_start3A_466] : memref<65536x1024xf32, #tpu.memory_space<hbm>> -> memref<32x1024xf32, #tpu.memory_space<hbm>>
    tpu.enqueue_dma source(%arg7 : memref<32x1024xf32, #tpu.memory_space<vmem>>) target(%dma_start3A_467 : memref<32x1024xf32, #tpu.memory_space<hbm>>) target_semaphore(%arg22 : memref<!tpu.dma_semaphore, #tpu.memory_space<semaphore_mem>>)
    %add3A_468 = arith.constant 160 : i32
    %add3A_469 = arith.addi %add3A_437, %add3A_468 : i32
    %dma_start3A_470 = arith.constant 0 : i32
    %dma_start3A_471 = tpu.memref_slice %arg6[%add3A_469, %dma_start3A_470] : memref<65536x1024xf32, #tpu.memory_space<hbm>> -> memref<32x1024xf32, #tpu.memory_space<hbm>>
    %dma_start3A_472 = arith.constant 0 : i32
    %dma_start3A_473 = tpu.memref_slice %arg6[%add3A_469, %dma_start3A_472] : memref<65536x1024xf32, #tpu.memory_space<hbm>> -> memref<32x1024xf32, #tpu.memory_space<hbm>>
    tpu.enqueue_dma source(%arg7 : memref<32x1024xf32, #tpu.memory_space<vmem>>) target(%dma_start3A_473 : memref<32x1024xf32, #tpu.memory_space<hbm>>) target_semaphore(%arg22 : memref<!tpu.dma_semaphore, #tpu.memory_space<semaphore_mem>>)
    %add3A_474 = arith.constant 192 : i32
    %add3A_475 = arith.addi %add3A_437, %add3A_474 : i32
    %dma_start3A_476 = arith.constant 0 : i32
    %dma_start3A_477 = tpu.memref_slice %arg6[%add3A_475, %dma_start3A_476] : memref<65536x1024xf32, #tpu.memory_space<hbm>> -> memref<32x1024xf32, #tpu.memory_space<hbm>>
    %dma_start3A_478 = arith.constant 0 : i32
    %dma_start3A_479 = tpu.memref_slice %arg6[%add3A_475, %dma_start3A_478] : memref<65536x1024xf32, #tpu.memory_space<hbm>> -> memref<32x1024xf32, #tpu.memory_space<hbm>>
    tpu.enqueue_dma source(%arg7 : memref<32x1024xf32, #tpu.memory_space<vmem>>) target(%dma_start3A_479 : memref<32x1024xf32, #tpu.memory_space<hbm>>) target_semaphore(%arg22 : memref<!tpu.dma_semaphore, #tpu.memory_space<semaphore_mem>>)
    %add3A_480 = arith.constant 224 : i32
    %add3A_481 = arith.addi %add3A_437, %add3A_480 : i32
    %dma_start3A_482 = arith.constant 0 : i32
    %dma_start3A_483 = tpu.memref_slice %arg6[%add3A_481, %dma_start3A_482] : memref<65536x1024xf32, #tpu.memory_space<hbm>> -> memref<32x1024xf32, #tpu.memory_space<hbm>>
    %dma_start3A_484 = arith.constant 0 : i32
    %dma_start3A_485 = tpu.memref_slice %arg6[%add3A_481, %dma_start3A_484] : memref<65536x1024xf32, #tpu.memory_space<hbm>> -> memref<32x1024xf32, #tpu.memory_space<hbm>>
    tpu.enqueue_dma source(%arg7 : memref<32x1024xf32, #tpu.memory_space<vmem>>) target(%dma_start3A_485 : memref<32x1024xf32, #tpu.memory_space<hbm>>) target_semaphore(%arg22 : memref<!tpu.dma_semaphore, #tpu.memory_space<semaphore_mem>>)
    %add3A_486 = arith.constant 24576 : i32
    %add3A_487 = arith.addi %add3A_486, %multiple_of3A : i32
    %add3A_488 = arith.constant 0 : i32
    %add3A_489 = arith.addi %add3A_487, %add3A_488 : i32
    %dma_start3A_490 = arith.constant 0 : i32
    %dma_start3A_491 = tpu.memref_slice %arg6[%add3A_489, %dma_start3A_490] : memref<65536x1024xf32, #tpu.memory_space<hbm>> -> memref<32x1024xf32, #tpu.memory_space<hbm>>
    %dma_start3A_492 = arith.constant 0 : i32
    %dma_start3A_493 = tpu.memref_slice %arg6[%add3A_489, %dma_start3A_492] : memref<65536x1024xf32, #tpu.memory_space<hbm>> -> memref<32x1024xf32, #tpu.memory_space<hbm>>
    tpu.enqueue_dma source(%arg7 : memref<32x1024xf32, #tpu.memory_space<vmem>>) target(%dma_start3A_493 : memref<32x1024xf32, #tpu.memory_space<hbm>>) target_semaphore(%arg22 : memref<!tpu.dma_semaphore, #tpu.memory_space<semaphore_mem>>)
    %add3A_494 = arith.constant 32 : i32
    %add3A_495 = arith.addi %add3A_487, %add3A_494 : i32
    %dma_start3A_496 = arith.constant 0 : i32
    %dma_start3A_497 = tpu.memref_slice %arg6[%add3A_495, %dma_start3A_496] : memref<65536x1024xf32, #tpu.memory_space<hbm>> -> memref<32x1024xf32, #tpu.memory_space<hbm>>
    %dma_start3A_498 = arith.constant 0 : i32
    %dma_start3A_499 = tpu.memref_slice %arg6[%add3A_495, %dma_start3A_498] : memref<65536x1024xf32, #tpu.memory_space<hbm>> -> memref<32x1024xf32, #tpu.memory_space<hbm>>
    tpu.enqueue_dma source(%arg7 : memref<32x1024xf32, #tpu.memory_space<vmem>>) target(%dma_start3A_499 : memref<32x1024xf32, #tpu.memory_space<hbm>>) target_semaphore(%arg22 : memref<!tpu.dma_semaphore, #tpu.memory_space<semaphore_mem>>)
    %add3A_500 = arith.constant 64 : i32
    %add3A_501 = arith.addi %add3A_487, %add3A_500 : i32
    %dma_start3A_502 = arith.constant 0 : i32
    %dma_start3A_503 = tpu.memref_slice %arg6[%add3A_501, %dma_start3A_502] : memref<65536x1024xf32, #tpu.memory_space<hbm>> -> memref<32x1024xf32, #tpu.memory_space<hbm>>
    %dma_start3A_504 = arith.constant 0 : i32
    %dma_start3A_505 = tpu.memref_slice %arg6[%add3A_501, %dma_start3A_504] : memref<65536x1024xf32, #tpu.memory_space<hbm>> -> memref<32x1024xf32, #tpu.memory_space<hbm>>
    tpu.enqueue_dma source(%arg7 : memref<32x1024xf32, #tpu.memory_space<vmem>>) target(%dma_start3A_505 : memref<32x1024xf32, #tpu.memory_space<hbm>>) target_semaphore(%arg22 : memref<!tpu.dma_semaphore, #tpu.memory_space<semaphore_mem>>)
    %add3A_506 = arith.constant 96 : i32
    %add3A_507 = arith.addi %add3A_487, %add3A_506 : i32
    %dma_start3A_508 = arith.constant 0 : i32
    %dma_start3A_509 = tpu.memref_slice %arg6[%add3A_507, %dma_start3A_508] : memref<65536x1024xf32, #tpu.memory_space<hbm>> -> memref<32x1024xf32, #tpu.memory_space<hbm>>
    %dma_start3A_510 = arith.constant 0 : i32
    %dma_start3A_511 = tpu.memref_slice %arg6[%add3A_507, %dma_start3A_510] : memref<65536x1024xf32, #tpu.memory_space<hbm>> -> memref<32x1024xf32, #tpu.memory_space<hbm>>
    tpu.enqueue_dma source(%arg7 : memref<32x1024xf32, #tpu.memory_space<vmem>>) target(%dma_start3A_511 : memref<32x1024xf32, #tpu.memory_space<hbm>>) target_semaphore(%arg22 : memref<!tpu.dma_semaphore, #tpu.memory_space<semaphore_mem>>)
    %add3A_512 = arith.constant 128 : i32
    %add3A_513 = arith.addi %add3A_487, %add3A_512 : i32
    %dma_start3A_514 = arith.constant 0 : i32
    %dma_start3A_515 = tpu.memref_slice %arg6[%add3A_513, %dma_start3A_514] : memref<65536x1024xf32, #tpu.memory_space<hbm>> -> memref<32x1024xf32, #tpu.memory_space<hbm>>
    %dma_start3A_516 = arith.constant 0 : i32
    %dma_start3A_517 = tpu.memref_slice %arg6[%add3A_513, %dma_start3A_516] : memref<65536x1024xf32, #tpu.memory_space<hbm>> -> memref<32x1024xf32, #tpu.memory_space<hbm>>
    tpu.enqueue_dma source(%arg7 : memref<32x1024xf32, #tpu.memory_space<vmem>>) target(%dma_start3A_517 : memref<32x1024xf32, #tpu.memory_space<hbm>>) target_semaphore(%arg22 : memref<!tpu.dma_semaphore, #tpu.memory_space<semaphore_mem>>)
    %add3A_518 = arith.constant 160 : i32
    %add3A_519 = arith.addi %add3A_487, %add3A_518 : i32
    %dma_start3A_520 = arith.constant 0 : i32
    %dma_start3A_521 = tpu.memref_slice %arg6[%add3A_519, %dma_start3A_520] : memref<65536x1024xf32, #tpu.memory_space<hbm>> -> memref<32x1024xf32, #tpu.memory_space<hbm>>
    %dma_start3A_522 = arith.constant 0 : i32
    %dma_start3A_523 = tpu.memref_slice %arg6[%add3A_519, %dma_start3A_522] : memref<65536x1024xf32, #tpu.memory_space<hbm>> -> memref<32x1024xf32, #tpu.memory_space<hbm>>
    tpu.enqueue_dma source(%arg7 : memref<32x1024xf32, #tpu.memory_space<vmem>>) target(%dma_start3A_523 : memref<32x1024xf32, #tpu.memory_space<hbm>>) target_semaphore(%arg22 : memref<!tpu.dma_semaphore, #tpu.memory_space<semaphore_mem>>)
    %add3A_524 = arith.constant 192 : i32
    %add3A_525 = arith.addi %add3A_487, %add3A_524 : i32
    %dma_start3A_526 = arith.constant 0 : i32
    %dma_start3A_527 = tpu.memref_slice %arg6[%add3A_525, %dma_start3A_526] : memref<65536x1024xf32, #tpu.memory_space<hbm>> -> memref<32x1024xf32, #tpu.memory_space<hbm>>
    %dma_start3A_528 = arith.constant 0 : i32
    %dma_start3A_529 = tpu.memref_slice %arg6[%add3A_525, %dma_start3A_528] : memref<65536x1024xf32, #tpu.memory_space<hbm>> -> memref<32x1024xf32, #tpu.memory_space<hbm>>
    tpu.enqueue_dma source(%arg7 : memref<32x1024xf32, #tpu.memory_space<vmem>>) target(%dma_start3A_529 : memref<32x1024xf32, #tpu.memory_space<hbm>>) target_semaphore(%arg22 : memref<!tpu.dma_semaphore, #tpu.memory_space<semaphore_mem>>)
    %add3A_530 = arith.constant 224 : i32
    %add3A_531 = arith.addi %add3A_487, %add3A_530 : i32
    %dma_start3A_532 = arith.constant 0 : i32
    %dma_start3A_533 = tpu.memref_slice %arg6[%add3A_531, %dma_start3A_532] : memref<65536x1024xf32, #tpu.memory_space<hbm>> -> memref<32x1024xf32, #tpu.memory_space<hbm>>
    %dma_start3A_534 = arith.constant 0 : i32
    %dma_start3A_535 = tpu.memref_slice %arg6[%add3A_531, %dma_start3A_534] : memref<65536x1024xf32, #tpu.memory_space<hbm>> -> memref<32x1024xf32, #tpu.memory_space<hbm>>
    tpu.enqueue_dma source(%arg7 : memref<32x1024xf32, #tpu.memory_space<vmem>>) target(%dma_start3A_535 : memref<32x1024xf32, #tpu.memory_space<hbm>>) target_semaphore(%arg22 : memref<!tpu.dma_semaphore, #tpu.memory_space<semaphore_mem>>)
    %add3A_536 = arith.constant 32768 : i32
    %add3A_537 = arith.addi %add3A_536, %multiple_of3A : i32
    %add3A_538 = arith.constant 0 : i32
    %add3A_539 = arith.addi %add3A_537, %add3A_538 : i32
    %dma_start3A_540 = arith.constant 0 : i32
    %dma_start3A_541 = tpu.memref_slice %arg6[%add3A_539, %dma_start3A_540] : memref<65536x1024xf32, #tpu.memory_space<hbm>> -> memref<32x1024xf32, #tpu.memory_space<hbm>>
    %dma_start3A_542 = arith.constant 0 : i32
    %dma_start3A_543 = tpu.memref_slice %arg6[%add3A_539, %dma_start3A_542] : memref<65536x1024xf32, #tpu.memory_space<hbm>> -> memref<32x1024xf32, #tpu.memory_space<hbm>>
    tpu.enqueue_dma source(%arg7 : memref<32x1024xf32, #tpu.memory_space<vmem>>) target(%dma_start3A_543 : memref<32x1024xf32, #tpu.memory_space<hbm>>) target_semaphore(%arg22 : memref<!tpu.dma_semaphore, #tpu.memory_space<semaphore_mem>>)
    %add3A_544 = arith.constant 32 : i32
    %add3A_545 = arith.addi %add3A_537, %add3A_544 : i32
    %dma_start3A_546 = arith.constant 0 : i32
    %dma_start3A_547 = tpu.memref_slice %arg6[%add3A_545, %dma_start3A_546] : memref<65536x1024xf32, #tpu.memory_space<hbm>> -> memref<32x1024xf32, #tpu.memory_space<hbm>>
    %dma_start3A_548 = arith.constant 0 : i32
    %dma_start3A_549 = tpu.memref_slice %arg6[%add3A_545, %dma_start3A_548] : memref<65536x1024xf32, #tpu.memory_space<hbm>> -> memref<32x1024xf32, #tpu.memory_space<hbm>>
    tpu.enqueue_dma source(%arg7 : memref<32x1024xf32, #tpu.memory_space<vmem>>) target(%dma_start3A_549 : memref<32x1024xf32, #tpu.memory_space<hbm>>) target_semaphore(%arg22 : memref<!tpu.dma_semaphore, #tpu.memory_space<semaphore_mem>>)
    %add3A_550 = arith.constant 64 : i32
    %add3A_551 = arith.addi %add3A_537, %add3A_550 : i32
    %dma_start3A_552 = arith.constant 0 : i32
    %dma_start3A_553 = tpu.memref_slice %arg6[%add3A_551, %dma_start3A_552] : memref<65536x1024xf32, #tpu.memory_space<hbm>> -> memref<32x1024xf32, #tpu.memory_space<hbm>>
    %dma_start3A_554 = arith.constant 0 : i32
    %dma_start3A_555 = tpu.memref_slice %arg6[%add3A_551, %dma_start3A_554] : memref<65536x1024xf32, #tpu.memory_space<hbm>> -> memref<32x1024xf32, #tpu.memory_space<hbm>>
    tpu.enqueue_dma source(%arg7 : memref<32x1024xf32, #tpu.memory_space<vmem>>) target(%dma_start3A_555 : memref<32x1024xf32, #tpu.memory_space<hbm>>) target_semaphore(%arg22 : memref<!tpu.dma_semaphore, #tpu.memory_space<semaphore_mem>>)
    %add3A_556 = arith.constant 96 : i32
    %add3A_557 = arith.addi %add3A_537, %add3A_556 : i32
    %dma_start3A_558 = arith.constant 0 : i32
    %dma_start3A_559 = tpu.memref_slice %arg6[%add3A_557, %dma_start3A_558] : memref<65536x1024xf32, #tpu.memory_space<hbm>> -> memref<32x1024xf32, #tpu.memory_space<hbm>>
    %dma_start3A_560 = arith.constant 0 : i32
    %dma_start3A_561 = tpu.memref_slice %arg6[%add3A_557, %dma_start3A_560] : memref<65536x1024xf32, #tpu.memory_space<hbm>> -> memref<32x1024xf32, #tpu.memory_space<hbm>>
    tpu.enqueue_dma source(%arg7 : memref<32x1024xf32, #tpu.memory_space<vmem>>) target(%dma_start3A_561 : memref<32x1024xf32, #tpu.memory_space<hbm>>) target_semaphore(%arg22 : memref<!tpu.dma_semaphore, #tpu.memory_space<semaphore_mem>>)
    %add3A_562 = arith.constant 128 : i32
    %add3A_563 = arith.addi %add3A_537, %add3A_562 : i32
    %dma_start3A_564 = arith.constant 0 : i32
    %dma_start3A_565 = tpu.memref_slice %arg6[%add3A_563, %dma_start3A_564] : memref<65536x1024xf32, #tpu.memory_space<hbm>> -> memref<32x1024xf32, #tpu.memory_space<hbm>>
    %dma_start3A_566 = arith.constant 0 : i32
    %dma_start3A_567 = tpu.memref_slice %arg6[%add3A_563, %dma_start3A_566] : memref<65536x1024xf32, #tpu.memory_space<hbm>> -> memref<32x1024xf32, #tpu.memory_space<hbm>>
    tpu.enqueue_dma source(%arg7 : memref<32x1024xf32, #tpu.memory_space<vmem>>) target(%dma_start3A_567 : memref<32x1024xf32, #tpu.memory_space<hbm>>) target_semaphore(%arg22 : memref<!tpu.dma_semaphore, #tpu.memory_space<semaphore_mem>>)
    %add3A_568 = arith.constant 160 : i32
    %add3A_569 = arith.addi %add3A_537, %add3A_568 : i32
    %dma_start3A_570 = arith.constant 0 : i32
    %dma_start3A_571 = tpu.memref_slice %arg6[%add3A_569, %dma_start3A_570] : memref<65536x1024xf32, #tpu.memory_space<hbm>> -> memref<32x1024xf32, #tpu.memory_space<hbm>>
    %dma_start3A_572 = arith.constant 0 : i32
    %dma_start3A_573 = tpu.memref_slice %arg6[%add3A_569, %dma_start3A_572] : memref<65536x1024xf32, #tpu.memory_space<hbm>> -> memref<32x1024xf32, #tpu.memory_space<hbm>>
    tpu.enqueue_dma source(%arg7 : memref<32x1024xf32, #tpu.memory_space<vmem>>) target(%dma_start3A_573 : memref<32x1024xf32, #tpu.memory_space<hbm>>) target_semaphore(%arg22 : memref<!tpu.dma_semaphore, #tpu.memory_space<semaphore_mem>>)
    %add3A_574 = arith.constant 192 : i32
    %add3A_575 = arith.addi %add3A_537, %add3A_574 : i32
    %dma_start3A_576 = arith.constant 0 : i32
    %dma_start3A_577 = tpu.memref_slice %arg6[%add3A_575, %dma_start3A_576] : memref<65536x1024xf32, #tpu.memory_space<hbm>> -> memref<32x1024xf32, #tpu.memory_space<hbm>>
    %dma_start3A_578 = arith.constant 0 : i32
    %dma_start3A_579 = tpu.memref_slice %arg6[%add3A_575, %dma_start3A_578] : memref<65536x1024xf32, #tpu.memory_space<hbm>> -> memref<32x1024xf32, #tpu.memory_space<hbm>>
    tpu.enqueue_dma source(%arg7 : memref<32x1024xf32, #tpu.memory_space<vmem>>) target(%dma_start3A_579 : memref<32x1024xf32, #tpu.memory_space<hbm>>) target_semaphore(%arg22 : memref<!tpu.dma_semaphore, #tpu.memory_space<semaphore_mem>>)
    %add3A_580 = arith.constant 224 : i32
    %add3A_581 = arith.addi %add3A_537, %add3A_580 : i32
    %dma_start3A_582 = arith.constant 0 : i32
    %dma_start3A_583 = tpu.memref_slice %arg6[%add3A_581, %dma_start3A_582] : memref<65536x1024xf32, #tpu.memory_space<hbm>> -> memref<32x1024xf32, #tpu.memory_space<hbm>>
    %dma_start3A_584 = arith.constant 0 : i32
    %dma_start3A_585 = tpu.memref_slice %arg6[%add3A_581, %dma_start3A_584] : memref<65536x1024xf32, #tpu.memory_space<hbm>> -> memref<32x1024xf32, #tpu.memory_space<hbm>>
    tpu.enqueue_dma source(%arg7 : memref<32x1024xf32, #tpu.memory_space<vmem>>) target(%dma_start3A_585 : memref<32x1024xf32, #tpu.memory_space<hbm>>) target_semaphore(%arg22 : memref<!tpu.dma_semaphore, #tpu.memory_space<semaphore_mem>>)
    %add3A_586 = arith.constant 40960 : i32
    %add3A_587 = arith.addi %add3A_586, %multiple_of3A : i32
    %add3A_588 = arith.constant 0 : i32
    %add3A_589 = arith.addi %add3A_587, %add3A_588 : i32
    %dma_start3A_590 = arith.constant 0 : i32
    %dma_start3A_591 = tpu.memref_slice %arg6[%add3A_589, %dma_start3A_590] : memref<65536x1024xf32, #tpu.memory_space<hbm>> -> memref<32x1024xf32, #tpu.memory_space<hbm>>
    %dma_start3A_592 = arith.constant 0 : i32
    %dma_start3A_593 = tpu.memref_slice %arg6[%add3A_589, %dma_start3A_592] : memref<65536x1024xf32, #tpu.memory_space<hbm>> -> memref<32x1024xf32, #tpu.memory_space<hbm>>
    tpu.enqueue_dma source(%arg7 : memref<32x1024xf32, #tpu.memory_space<vmem>>) target(%dma_start3A_593 : memref<32x1024xf32, #tpu.memory_space<hbm>>) target_semaphore(%arg22 : memref<!tpu.dma_semaphore, #tpu.memory_space<semaphore_mem>>)
    %add3A_594 = arith.constant 32 : i32
    %add3A_595 = arith.addi %add3A_587, %add3A_594 : i32
    %dma_start3A_596 = arith.constant 0 : i32
    %dma_start3A_597 = tpu.memref_slice %arg6[%add3A_595, %dma_start3A_596] : memref<65536x1024xf32, #tpu.memory_space<hbm>> -> memref<32x1024xf32, #tpu.memory_space<hbm>>
    %dma_start3A_598 = arith.constant 0 : i32
    %dma_start3A_599 = tpu.memref_slice %arg6[%add3A_595, %dma_start3A_598] : memref<65536x1024xf32, #tpu.memory_space<hbm>> -> memref<32x1024xf32, #tpu.memory_space<hbm>>
    tpu.enqueue_dma source(%arg7 : memref<32x1024xf32, #tpu.memory_space<vmem>>) target(%dma_start3A_599 : memref<32x1024xf32, #tpu.memory_space<hbm>>) target_semaphore(%arg22 : memref<!tpu.dma_semaphore, #tpu.memory_space<semaphore_mem>>)
    %add3A_600 = arith.constant 64 : i32
    %add3A_601 = arith.addi %add3A_587, %add3A_600 : i32
    %dma_start3A_602 = arith.constant 0 : i32
    %dma_start3A_603 = tpu.memref_slice %arg6[%add3A_601, %dma_start3A_602] : memref<65536x1024xf32, #tpu.memory_space<hbm>> -> memref<32x1024xf32, #tpu.memory_space<hbm>>
    %dma_start3A_604 = arith.constant 0 : i32
    %dma_start3A_605 = tpu.memref_slice %arg6[%add3A_601, %dma_start3A_604] : memref<65536x1024xf32, #tpu.memory_space<hbm>> -> memref<32x1024xf32, #tpu.memory_space<hbm>>
    tpu.enqueue_dma source(%arg7 : memref<32x1024xf32, #tpu.memory_space<vmem>>) target(%dma_start3A_605 : memref<32x1024xf32, #tpu.memory_space<hbm>>) target_semaphore(%arg22 : memref<!tpu.dma_semaphore, #tpu.memory_space<semaphore_mem>>)
    %add3A_606 = arith.constant 96 : i32
    %add3A_607 = arith.addi %add3A_587, %add3A_606 : i32
    %dma_start3A_608 = arith.constant 0 : i32
    %dma_start3A_609 = tpu.memref_slice %arg6[%add3A_607, %dma_start3A_608] : memref<65536x1024xf32, #tpu.memory_space<hbm>> -> memref<32x1024xf32, #tpu.memory_space<hbm>>
    %dma_start3A_610 = arith.constant 0 : i32
    %dma_start3A_611 = tpu.memref_slice %arg6[%add3A_607, %dma_start3A_610] : memref<65536x1024xf32, #tpu.memory_space<hbm>> -> memref<32x1024xf32, #tpu.memory_space<hbm>>
    tpu.enqueue_dma source(%arg7 : memref<32x1024xf32, #tpu.memory_space<vmem>>) target(%dma_start3A_611 : memref<32x1024xf32, #tpu.memory_space<hbm>>) target_semaphore(%arg22 : memref<!tpu.dma_semaphore, #tpu.memory_space<semaphore_mem>>)
    %add3A_612 = arith.constant 128 : i32
    %add3A_613 = arith.addi %add3A_587, %add3A_612 : i32
    %dma_start3A_614 = arith.constant 0 : i32
    %dma_start3A_615 = tpu.memref_slice %arg6[%add3A_613, %dma_start3A_614] : memref<65536x1024xf32, #tpu.memory_space<hbm>> -> memref<32x1024xf32, #tpu.memory_space<hbm>>
    %dma_start3A_616 = arith.constant 0 : i32
    %dma_start3A_617 = tpu.memref_slice %arg6[%add3A_613, %dma_start3A_616] : memref<65536x1024xf32, #tpu.memory_space<hbm>> -> memref<32x1024xf32, #tpu.memory_space<hbm>>
    tpu.enqueue_dma source(%arg7 : memref<32x1024xf32, #tpu.memory_space<vmem>>) target(%dma_start3A_617 : memref<32x1024xf32, #tpu.memory_space<hbm>>) target_semaphore(%arg22 : memref<!tpu.dma_semaphore, #tpu.memory_space<semaphore_mem>>)
    %add3A_618 = arith.constant 160 : i32
    %add3A_619 = arith.addi %add3A_587, %add3A_618 : i32
    %dma_start3A_620 = arith.constant 0 : i32
    %dma_start3A_621 = tpu.memref_slice %arg6[%add3A_619, %dma_start3A_620] : memref<65536x1024xf32, #tpu.memory_space<hbm>> -> memref<32x1024xf32, #tpu.memory_space<hbm>>
    %dma_start3A_622 = arith.constant 0 : i32
    %dma_start3A_623 = tpu.memref_slice %arg6[%add3A_619, %dma_start3A_622] : memref<65536x1024xf32, #tpu.memory_space<hbm>> -> memref<32x1024xf32, #tpu.memory_space<hbm>>
    tpu.enqueue_dma source(%arg7 : memref<32x1024xf32, #tpu.memory_space<vmem>>) target(%dma_start3A_623 : memref<32x1024xf32, #tpu.memory_space<hbm>>) target_semaphore(%arg22 : memref<!tpu.dma_semaphore, #tpu.memory_space<semaphore_mem>>)
    %add3A_624 = arith.constant 192 : i32
    %add3A_625 = arith.addi %add3A_587, %add3A_624 : i32
    %dma_start3A_626 = arith.constant 0 : i32
    %dma_start3A_627 = tpu.memref_slice %arg6[%add3A_625, %dma_start3A_626] : memref<65536x1024xf32, #tpu.memory_space<hbm>> -> memref<32x1024xf32, #tpu.memory_space<hbm>>
    %dma_start3A_628 = arith.constant 0 : i32
    %dma_start3A_629 = tpu.memref_slice %arg6[%add3A_625, %dma_start3A_628] : memref<65536x1024xf32, #tpu.memory_space<hbm>> -> memref<32x1024xf32, #tpu.memory_space<hbm>>
    tpu.enqueue_dma source(%arg7 : memref<32x1024xf32, #tpu.memory_space<vmem>>) target(%dma_start3A_629 : memref<32x1024xf32, #tpu.memory_space<hbm>>) target_semaphore(%arg22 : memref<!tpu.dma_semaphore, #tpu.memory_space<semaphore_mem>>)
    %add3A_630 = arith.constant 224 : i32
    %add3A_631 = arith.addi %add3A_587, %add3A_630 : i32
    %dma_start3A_632 = arith.constant 0 : i32
    %dma_start3A_633 = tpu.memref_slice %arg6[%add3A_631, %dma_start3A_632] : memref<65536x1024xf32, #tpu.memory_space<hbm>> -> memref<32x1024xf32, #tpu.memory_space<hbm>>
    %dma_start3A_634 = arith.constant 0 : i32
    %dma_start3A_635 = tpu.memref_slice %arg6[%add3A_631, %dma_start3A_634] : memref<65536x1024xf32, #tpu.memory_space<hbm>> -> memref<32x1024xf32, #tpu.memory_space<hbm>>
    tpu.enqueue_dma source(%arg7 : memref<32x1024xf32, #tpu.memory_space<vmem>>) target(%dma_start3A_635 : memref<32x1024xf32, #tpu.memory_space<hbm>>) target_semaphore(%arg22 : memref<!tpu.dma_semaphore, #tpu.memory_space<semaphore_mem>>)
    %add3A_636 = arith.constant 49152 : i32
    %add3A_637 = arith.addi %add3A_636, %multiple_of3A : i32
    %add3A_638 = arith.constant 0 : i32
    %add3A_639 = arith.addi %add3A_637, %add3A_638 : i32
    %dma_start3A_640 = arith.constant 0 : i32
    %dma_start3A_641 = tpu.memref_slice %arg6[%add3A_639, %dma_start3A_640] : memref<65536x1024xf32, #tpu.memory_space<hbm>> -> memref<32x1024xf32, #tpu.memory_space<hbm>>
    %dma_start3A_642 = arith.constant 0 : i32
    %dma_start3A_643 = tpu.memref_slice %arg6[%add3A_639, %dma_start3A_642] : memref<65536x1024xf32, #tpu.memory_space<hbm>> -> memref<32x1024xf32, #tpu.memory_space<hbm>>
    tpu.enqueue_dma source(%arg7 : memref<32x1024xf32, #tpu.memory_space<vmem>>) target(%dma_start3A_643 : memref<32x1024xf32, #tpu.memory_space<hbm>>) target_semaphore(%arg22 : memref<!tpu.dma_semaphore, #tpu.memory_space<semaphore_mem>>)
    %add3A_644 = arith.constant 32 : i32
    %add3A_645 = arith.addi %add3A_637, %add3A_644 : i32
    %dma_start3A_646 = arith.constant 0 : i32
    %dma_start3A_647 = tpu.memref_slice %arg6[%add3A_645, %dma_start3A_646] : memref<65536x1024xf32, #tpu.memory_space<hbm>> -> memref<32x1024xf32, #tpu.memory_space<hbm>>
    %dma_start3A_648 = arith.constant 0 : i32
    %dma_start3A_649 = tpu.memref_slice %arg6[%add3A_645, %dma_start3A_648] : memref<65536x1024xf32, #tpu.memory_space<hbm>> -> memref<32x1024xf32, #tpu.memory_space<hbm>>
    tpu.enqueue_dma source(%arg7 : memref<32x1024xf32, #tpu.memory_space<vmem>>) target(%dma_start3A_649 : memref<32x1024xf32, #tpu.memory_space<hbm>>) target_semaphore(%arg22 : memref<!tpu.dma_semaphore, #tpu.memory_space<semaphore_mem>>)
    %add3A_650 = arith.constant 64 : i32
    %add3A_651 = arith.addi %add3A_637, %add3A_650 : i32
    %dma_start3A_652 = arith.constant 0 : i32
    %dma_start3A_653 = tpu.memref_slice %arg6[%add3A_651, %dma_start3A_652] : memref<65536x1024xf32, #tpu.memory_space<hbm>> -> memref<32x1024xf32, #tpu.memory_space<hbm>>
    %dma_start3A_654 = arith.constant 0 : i32
    %dma_start3A_655 = tpu.memref_slice %arg6[%add3A_651, %dma_start3A_654] : memref<65536x1024xf32, #tpu.memory_space<hbm>> -> memref<32x1024xf32, #tpu.memory_space<hbm>>
    tpu.enqueue_dma source(%arg7 : memref<32x1024xf32, #tpu.memory_space<vmem>>) target(%dma_start3A_655 : memref<32x1024xf32, #tpu.memory_space<hbm>>) target_semaphore(%arg22 : memref<!tpu.dma_semaphore, #tpu.memory_space<semaphore_mem>>)
    %add3A_656 = arith.constant 96 : i32
    %add3A_657 = arith.addi %add3A_637, %add3A_656 : i32
    %dma_start3A_658 = arith.constant 0 : i32
    %dma_start3A_659 = tpu.memref_slice %arg6[%add3A_657, %dma_start3A_658] : memref<65536x1024xf32, #tpu.memory_space<hbm>> -> memref<32x1024xf32, #tpu.memory_space<hbm>>
    %dma_start3A_660 = arith.constant 0 : i32
    %dma_start3A_661 = tpu.memref_slice %arg6[%add3A_657, %dma_start3A_660] : memref<65536x1024xf32, #tpu.memory_space<hbm>> -> memref<32x1024xf32, #tpu.memory_space<hbm>>
    tpu.enqueue_dma source(%arg7 : memref<32x1024xf32, #tpu.memory_space<vmem>>) target(%dma_start3A_661 : memref<32x1024xf32, #tpu.memory_space<hbm>>) target_semaphore(%arg22 : memref<!tpu.dma_semaphore, #tpu.memory_space<semaphore_mem>>)
    %add3A_662 = arith.constant 128 : i32
    %add3A_663 = arith.addi %add3A_637, %add3A_662 : i32
    %dma_start3A_664 = arith.constant 0 : i32
    %dma_start3A_665 = tpu.memref_slice %arg6[%add3A_663, %dma_start3A_664] : memref<65536x1024xf32, #tpu.memory_space<hbm>> -> memref<32x1024xf32, #tpu.memory_space<hbm>>
    %dma_start3A_666 = arith.constant 0 : i32
    %dma_start3A_667 = tpu.memref_slice %arg6[%add3A_663, %dma_start3A_666] : memref<65536x1024xf32, #tpu.memory_space<hbm>> -> memref<32x1024xf32, #tpu.memory_space<hbm>>
    tpu.enqueue_dma source(%arg7 : memref<32x1024xf32, #tpu.memory_space<vmem>>) target(%dma_start3A_667 : memref<32x1024xf32, #tpu.memory_space<hbm>>) target_semaphore(%arg22 : memref<!tpu.dma_semaphore, #tpu.memory_space<semaphore_mem>>)
    %add3A_668 = arith.constant 160 : i32
    %add3A_669 = arith.addi %add3A_637, %add3A_668 : i32
    %dma_start3A_670 = arith.constant 0 : i32
    %dma_start3A_671 = tpu.memref_slice %arg6[%add3A_669, %dma_start3A_670] : memref<65536x1024xf32, #tpu.memory_space<hbm>> -> memref<32x1024xf32, #tpu.memory_space<hbm>>
    %dma_start3A_672 = arith.constant 0 : i32
    %dma_start3A_673 = tpu.memref_slice %arg6[%add3A_669, %dma_start3A_672] : memref<65536x1024xf32, #tpu.memory_space<hbm>> -> memref<32x1024xf32, #tpu.memory_space<hbm>>
    tpu.enqueue_dma source(%arg7 : memref<32x1024xf32, #tpu.memory_space<vmem>>) target(%dma_start3A_673 : memref<32x1024xf32, #tpu.memory_space<hbm>>) target_semaphore(%arg22 : memref<!tpu.dma_semaphore, #tpu.memory_space<semaphore_mem>>)
    %add3A_674 = arith.constant 192 : i32
    %add3A_675 = arith.addi %add3A_637, %add3A_674 : i32
    %dma_start3A_676 = arith.constant 0 : i32
    %dma_start3A_677 = tpu.memref_slice %arg6[%add3A_675, %dma_start3A_676] : memref<65536x1024xf32, #tpu.memory_space<hbm>> -> memref<32x1024xf32, #tpu.memory_space<hbm>>
    %dma_start3A_678 = arith.constant 0 : i32
    %dma_start3A_679 = tpu.memref_slice %arg6[%add3A_675, %dma_start3A_678] : memref<65536x1024xf32, #tpu.memory_space<hbm>> -> memref<32x1024xf32, #tpu.memory_space<hbm>>
    tpu.enqueue_dma source(%arg7 : memref<32x1024xf32, #tpu.memory_space<vmem>>) target(%dma_start3A_679 : memref<32x1024xf32, #tpu.memory_space<hbm>>) target_semaphore(%arg22 : memref<!tpu.dma_semaphore, #tpu.memory_space<semaphore_mem>>)
    %add3A_680 = arith.constant 224 : i32
    %add3A_681 = arith.addi %add3A_637, %add3A_680 : i32
    %dma_start3A_682 = arith.constant 0 : i32
    %dma_start3A_683 = tpu.memref_slice %arg6[%add3A_681, %dma_start3A_682] : memref<65536x1024xf32, #tpu.memory_space<hbm>> -> memref<32x1024xf32, #tpu.memory_space<hbm>>
    %dma_start3A_684 = arith.constant 0 : i32
    %dma_start3A_685 = tpu.memref_slice %arg6[%add3A_681, %dma_start3A_684] : memref<65536x1024xf32, #tpu.memory_space<hbm>> -> memref<32x1024xf32, #tpu.memory_space<hbm>>
    tpu.enqueue_dma source(%arg7 : memref<32x1024xf32, #tpu.memory_space<vmem>>) target(%dma_start3A_685 : memref<32x1024xf32, #tpu.memory_space<hbm>>) target_semaphore(%arg22 : memref<!tpu.dma_semaphore, #tpu.memory_space<semaphore_mem>>)
    %add3A_686 = arith.constant 57344 : i32
    %add3A_687 = arith.addi %add3A_686, %multiple_of3A : i32
    %add3A_688 = arith.constant 0 : i32
    %add3A_689 = arith.addi %add3A_687, %add3A_688 : i32
    %dma_start3A_690 = arith.constant 0 : i32
    %dma_start3A_691 = tpu.memref_slice %arg6[%add3A_689, %dma_start3A_690] : memref<65536x1024xf32, #tpu.memory_space<hbm>> -> memref<32x1024xf32, #tpu.memory_space<hbm>>
    %dma_start3A_692 = arith.constant 0 : i32
    %dma_start3A_693 = tpu.memref_slice %arg6[%add3A_689, %dma_start3A_692] : memref<65536x1024xf32, #tpu.memory_space<hbm>> -> memref<32x1024xf32, #tpu.memory_space<hbm>>
    tpu.enqueue_dma source(%arg7 : memref<32x1024xf32, #tpu.memory_space<vmem>>) target(%dma_start3A_693 : memref<32x1024xf32, #tpu.memory_space<hbm>>) target_semaphore(%arg22 : memref<!tpu.dma_semaphore, #tpu.memory_space<semaphore_mem>>)
    %add3A_694 = arith.constant 32 : i32
    %add3A_695 = arith.addi %add3A_687, %add3A_694 : i32
    %dma_start3A_696 = arith.constant 0 : i32
    %dma_start3A_697 = tpu.memref_slice %arg6[%add3A_695, %dma_start3A_696] : memref<65536x1024xf32, #tpu.memory_space<hbm>> -> memref<32x1024xf32, #tpu.memory_space<hbm>>
    %dma_start3A_698 = arith.constant 0 : i32
    %dma_start3A_699 = tpu.memref_slice %arg6[%add3A_695, %dma_start3A_698] : memref<65536x1024xf32, #tpu.memory_space<hbm>> -> memref<32x1024xf32, #tpu.memory_space<hbm>>
    tpu.enqueue_dma source(%arg7 : memref<32x1024xf32, #tpu.memory_space<vmem>>) target(%dma_start3A_699 : memref<32x1024xf32, #tpu.memory_space<hbm>>) target_semaphore(%arg22 : memref<!tpu.dma_semaphore, #tpu.memory_space<semaphore_mem>>)
    %add3A_700 = arith.constant 64 : i32
    %add3A_701 = arith.addi %add3A_687, %add3A_700 : i32
    %dma_start3A_702 = arith.constant 0 : i32
    %dma_start3A_703 = tpu.memref_slice %arg6[%add3A_701, %dma_start3A_702] : memref<65536x1024xf32, #tpu.memory_space<hbm>> -> memref<32x1024xf32, #tpu.memory_space<hbm>>
    %dma_start3A_704 = arith.constant 0 : i32
    %dma_start3A_705 = tpu.memref_slice %arg6[%add3A_701, %dma_start3A_704] : memref<65536x1024xf32, #tpu.memory_space<hbm>> -> memref<32x1024xf32, #tpu.memory_space<hbm>>
    tpu.enqueue_dma source(%arg7 : memref<32x1024xf32, #tpu.memory_space<vmem>>) target(%dma_start3A_705 : memref<32x1024xf32, #tpu.memory_space<hbm>>) target_semaphore(%arg22 : memref<!tpu.dma_semaphore, #tpu.memory_space<semaphore_mem>>)
    %add3A_706 = arith.constant 96 : i32
    %add3A_707 = arith.addi %add3A_687, %add3A_706 : i32
    %dma_start3A_708 = arith.constant 0 : i32
    %dma_start3A_709 = tpu.memref_slice %arg6[%add3A_707, %dma_start3A_708] : memref<65536x1024xf32, #tpu.memory_space<hbm>> -> memref<32x1024xf32, #tpu.memory_space<hbm>>
    %dma_start3A_710 = arith.constant 0 : i32
    %dma_start3A_711 = tpu.memref_slice %arg6[%add3A_707, %dma_start3A_710] : memref<65536x1024xf32, #tpu.memory_space<hbm>> -> memref<32x1024xf32, #tpu.memory_space<hbm>>
    tpu.enqueue_dma source(%arg7 : memref<32x1024xf32, #tpu.memory_space<vmem>>) target(%dma_start3A_711 : memref<32x1024xf32, #tpu.memory_space<hbm>>) target_semaphore(%arg22 : memref<!tpu.dma_semaphore, #tpu.memory_space<semaphore_mem>>)
    %add3A_712 = arith.constant 128 : i32
    %add3A_713 = arith.addi %add3A_687, %add3A_712 : i32
    %dma_start3A_714 = arith.constant 0 : i32
    %dma_start3A_715 = tpu.memref_slice %arg6[%add3A_713, %dma_start3A_714] : memref<65536x1024xf32, #tpu.memory_space<hbm>> -> memref<32x1024xf32, #tpu.memory_space<hbm>>
    %dma_start3A_716 = arith.constant 0 : i32
    %dma_start3A_717 = tpu.memref_slice %arg6[%add3A_713, %dma_start3A_716] : memref<65536x1024xf32, #tpu.memory_space<hbm>> -> memref<32x1024xf32, #tpu.memory_space<hbm>>
    tpu.enqueue_dma source(%arg7 : memref<32x1024xf32, #tpu.memory_space<vmem>>) target(%dma_start3A_717 : memref<32x1024xf32, #tpu.memory_space<hbm>>) target_semaphore(%arg22 : memref<!tpu.dma_semaphore, #tpu.memory_space<semaphore_mem>>)
    %add3A_718 = arith.constant 160 : i32
    %add3A_719 = arith.addi %add3A_687, %add3A_718 : i32
    %dma_start3A_720 = arith.constant 0 : i32
    %dma_start3A_721 = tpu.memref_slice %arg6[%add3A_719, %dma_start3A_720] : memref<65536x1024xf32, #tpu.memory_space<hbm>> -> memref<32x1024xf32, #tpu.memory_space<hbm>>
    %dma_start3A_722 = arith.constant 0 : i32
    %dma_start3A_723 = tpu.memref_slice %arg6[%add3A_719, %dma_start3A_722] : memref<65536x1024xf32, #tpu.memory_space<hbm>> -> memref<32x1024xf32, #tpu.memory_space<hbm>>
    tpu.enqueue_dma source(%arg7 : memref<32x1024xf32, #tpu.memory_space<vmem>>) target(%dma_start3A_723 : memref<32x1024xf32, #tpu.memory_space<hbm>>) target_semaphore(%arg22 : memref<!tpu.dma_semaphore, #tpu.memory_space<semaphore_mem>>)
    %add3A_724 = arith.constant 192 : i32
    %add3A_725 = arith.addi %add3A_687, %add3A_724 : i32
    %dma_start3A_726 = arith.constant 0 : i32
    %dma_start3A_727 = tpu.memref_slice %arg6[%add3A_725, %dma_start3A_726] : memref<65536x1024xf32, #tpu.memory_space<hbm>> -> memref<32x1024xf32, #tpu.memory_space<hbm>>
    %dma_start3A_728 = arith.constant 0 : i32
    %dma_start3A_729 = tpu.memref_slice %arg6[%add3A_725, %dma_start3A_728] : memref<65536x1024xf32, #tpu.memory_space<hbm>> -> memref<32x1024xf32, #tpu.memory_space<hbm>>
    tpu.enqueue_dma source(%arg7 : memref<32x1024xf32, #tpu.memory_space<vmem>>) target(%dma_start3A_729 : memref<32x1024xf32, #tpu.memory_space<hbm>>) target_semaphore(%arg22 : memref<!tpu.dma_semaphore, #tpu.memory_space<semaphore_mem>>)
    %add3A_730 = arith.constant 224 : i32
    %add3A_731 = arith.addi %add3A_687, %add3A_730 : i32
    %dma_start3A_732 = arith.constant 0 : i32
    %dma_start3A_733 = tpu.memref_slice %arg6[%add3A_731, %dma_start3A_732] : memref<65536x1024xf32, #tpu.memory_space<hbm>> -> memref<32x1024xf32, #tpu.memory_space<hbm>>
    %dma_start3A_734 = arith.constant 0 : i32
    %dma_start3A_735 = tpu.memref_slice %arg6[%add3A_731, %dma_start3A_734] : memref<65536x1024xf32, #tpu.memory_space<hbm>> -> memref<32x1024xf32, #tpu.memory_space<hbm>>
    tpu.enqueue_dma source(%arg7 : memref<32x1024xf32, #tpu.memory_space<vmem>>) target(%dma_start3A_735 : memref<32x1024xf32, #tpu.memory_space<hbm>>) target_semaphore(%arg22 : memref<!tpu.dma_semaphore, #tpu.memory_space<semaphore_mem>>)
    %add3A_736 = arith.constant 0 : i32
    %add3A_737 = arith.addi %multiple_of3A_19, %add3A_736 : i32
    %dma_start3A_738 = arith.constant 0 : i32
    %dma_start3A_739 = arith.constant 0 : i32
    %dma_start3A_740 = tpu.memref_slice %arg2[%add3A_737, %dma_start3A_739] : memref<4096x1024xf32, #tpu.memory_space<hbm>> -> memref<8x1024xf32, #tpu.memory_space<hbm>>
    %dma_start3A_741 = tpu.memref_slice %arg23[%dma_start3A_738] : memref<11x!tpu.dma_semaphore, #tpu.memory_space<semaphore_mem>> -> memref<1x!tpu.dma_semaphore, #tpu.memory_space<semaphore_mem>>
    %dma_start3A_742 = tpu.memref_squeeze %dma_start3A_741 : memref<1x!tpu.dma_semaphore, #tpu.memory_space<semaphore_mem>> -> memref<!tpu.dma_semaphore, #tpu.memory_space<semaphore_mem>>
    %dma_start3A_743 = arith.constant 0 : i32
    %dma_start3A_744 = tpu.memref_slice %arg2[%add3A_737, %dma_start3A_743] : memref<4096x1024xf32, #tpu.memory_space<hbm>> -> memref<8x1024xf32, #tpu.memory_space<hbm>>
    tpu.enqueue_dma source(%dma_start3A_744 : memref<8x1024xf32, #tpu.memory_space<hbm>>) target(%arg11 : memref<8x1024xf32, #tpu.memory_space<vmem>>) target_semaphore(%dma_start3A_742 : memref<!tpu.dma_semaphore, #tpu.memory_space<semaphore_mem>>)
    %add3A_745 = arith.constant 8 : i32
    %add3A_746 = arith.addi %multiple_of3A_19, %add3A_745 : i32
    %dma_start3A_747 = arith.constant 1 : i32
    %dma_start3A_748 = arith.constant 0 : i32
    %dma_start3A_749 = tpu.memref_slice %arg2[%add3A_746, %dma_start3A_748] : memref<4096x1024xf32, #tpu.memory_space<hbm>> -> memref<8x1024xf32, #tpu.memory_space<hbm>>
    %dma_start3A_750 = tpu.memref_slice %arg23[%dma_start3A_747] : memref<11x!tpu.dma_semaphore, #tpu.memory_space<semaphore_mem>> -> memref<1x!tpu.dma_semaphore, #tpu.memory_space<semaphore_mem>>
    %dma_start3A_751 = tpu.memref_squeeze %dma_start3A_750 : memref<1x!tpu.dma_semaphore, #tpu.memory_space<semaphore_mem>> -> memref<!tpu.dma_semaphore, #tpu.memory_space<semaphore_mem>>
    %dma_start3A_752 = arith.constant 0 : i32
    %dma_start3A_753 = tpu.memref_slice %arg2[%add3A_746, %dma_start3A_752] : memref<4096x1024xf32, #tpu.memory_space<hbm>> -> memref<8x1024xf32, #tpu.memory_space<hbm>>
    tpu.enqueue_dma source(%dma_start3A_753 : memref<8x1024xf32, #tpu.memory_space<hbm>>) target(%arg12 : memref<8x1024xf32, #tpu.memory_space<vmem>>) target_semaphore(%dma_start3A_751 : memref<!tpu.dma_semaphore, #tpu.memory_space<semaphore_mem>>)
    %add3A_754 = arith.constant 16 : i32
    %add3A_755 = arith.addi %multiple_of3A_19, %add3A_754 : i32
    %dma_start3A_756 = arith.constant 2 : i32
    %dma_start3A_757 = arith.constant 0 : i32
    %dma_start3A_758 = tpu.memref_slice %arg2[%add3A_755, %dma_start3A_757] : memref<4096x1024xf32, #tpu.memory_space<hbm>> -> memref<8x1024xf32, #tpu.memory_space<hbm>>
    %dma_start3A_759 = tpu.memref_slice %arg23[%dma_start3A_756] : memref<11x!tpu.dma_semaphore, #tpu.memory_space<semaphore_mem>> -> memref<1x!tpu.dma_semaphore, #tpu.memory_space<semaphore_mem>>
    %dma_start3A_760 = tpu.memref_squeeze %dma_start3A_759 : memref<1x!tpu.dma_semaphore, #tpu.memory_space<semaphore_mem>> -> memref<!tpu.dma_semaphore, #tpu.memory_space<semaphore_mem>>
    %dma_start3A_761 = arith.constant 0 : i32
    %dma_start3A_762 = tpu.memref_slice %arg2[%add3A_755, %dma_start3A_761] : memref<4096x1024xf32, #tpu.memory_space<hbm>> -> memref<8x1024xf32, #tpu.memory_space<hbm>>
    tpu.enqueue_dma source(%dma_start3A_762 : memref<8x1024xf32, #tpu.memory_space<hbm>>) target(%arg13 : memref<8x1024xf32, #tpu.memory_space<vmem>>) target_semaphore(%dma_start3A_760 : memref<!tpu.dma_semaphore, #tpu.memory_space<semaphore_mem>>)
    %add3A_763 = arith.constant 24 : i32
    %add3A_764 = arith.addi %multiple_of3A_19, %add3A_763 : i32
    %dma_start3A_765 = arith.constant 3 : i32
    %dma_start3A_766 = arith.constant 0 : i32
    %dma_start3A_767 = tpu.memref_slice %arg2[%add3A_764, %dma_start3A_766] : memref<4096x1024xf32, #tpu.memory_space<hbm>> -> memref<8x1024xf32, #tpu.memory_space<hbm>>
    %dma_start3A_768 = tpu.memref_slice %arg23[%dma_start3A_765] : memref<11x!tpu.dma_semaphore, #tpu.memory_space<semaphore_mem>> -> memref<1x!tpu.dma_semaphore, #tpu.memory_space<semaphore_mem>>
    %dma_start3A_769 = tpu.memref_squeeze %dma_start3A_768 : memref<1x!tpu.dma_semaphore, #tpu.memory_space<semaphore_mem>> -> memref<!tpu.dma_semaphore, #tpu.memory_space<semaphore_mem>>
    %dma_start3A_770 = arith.constant 0 : i32
    %dma_start3A_771 = tpu.memref_slice %arg2[%add3A_764, %dma_start3A_770] : memref<4096x1024xf32, #tpu.memory_space<hbm>> -> memref<8x1024xf32, #tpu.memory_space<hbm>>
    tpu.enqueue_dma source(%dma_start3A_771 : memref<8x1024xf32, #tpu.memory_space<hbm>>) target(%arg14 : memref<8x1024xf32, #tpu.memory_space<vmem>>) target_semaphore(%dma_start3A_769 : memref<!tpu.dma_semaphore, #tpu.memory_space<semaphore_mem>>)
    %add3A_772 = arith.constant 32 : i32
    %add3A_773 = arith.addi %multiple_of3A_19, %add3A_772 : i32
    %dma_start3A_774 = arith.constant 4 : i32
    %dma_start3A_775 = arith.constant 0 : i32
    %dma_start3A_776 = tpu.memref_slice %arg2[%add3A_773, %dma_start3A_775] : memref<4096x1024xf32, #tpu.memory_space<hbm>> -> memref<8x1024xf32, #tpu.memory_space<hbm>>
    %dma_start3A_777 = tpu.memref_slice %arg23[%dma_start3A_774] : memref<11x!tpu.dma_semaphore, #tpu.memory_space<semaphore_mem>> -> memref<1x!tpu.dma_semaphore, #tpu.memory_space<semaphore_mem>>
    %dma_start3A_778 = tpu.memref_squeeze %dma_start3A_777 : memref<1x!tpu.dma_semaphore, #tpu.memory_space<semaphore_mem>> -> memref<!tpu.dma_semaphore, #tpu.memory_space<semaphore_mem>>
    %dma_start3A_779 = arith.constant 0 : i32
    %dma_start3A_780 = tpu.memref_slice %arg2[%add3A_773, %dma_start3A_779] : memref<4096x1024xf32, #tpu.memory_space<hbm>> -> memref<8x1024xf32, #tpu.memory_space<hbm>>
    tpu.enqueue_dma source(%dma_start3A_780 : memref<8x1024xf32, #tpu.memory_space<hbm>>) target(%arg15 : memref<8x1024xf32, #tpu.memory_space<vmem>>) target_semaphore(%dma_start3A_778 : memref<!tpu.dma_semaphore, #tpu.memory_space<semaphore_mem>>)
    %add3A_781 = arith.constant 40 : i32
    %add3A_782 = arith.addi %multiple_of3A_19, %add3A_781 : i32
    %dma_start3A_783 = arith.constant 5 : i32
    %dma_start3A_784 = arith.constant 0 : i32
    %dma_start3A_785 = tpu.memref_slice %arg2[%add3A_782, %dma_start3A_784] : memref<4096x1024xf32, #tpu.memory_space<hbm>> -> memref<8x1024xf32, #tpu.memory_space<hbm>>
    %dma_start3A_786 = tpu.memref_slice %arg23[%dma_start3A_783] : memref<11x!tpu.dma_semaphore, #tpu.memory_space<semaphore_mem>> -> memref<1x!tpu.dma_semaphore, #tpu.memory_space<semaphore_mem>>
    %dma_start3A_787 = tpu.memref_squeeze %dma_start3A_786 : memref<1x!tpu.dma_semaphore, #tpu.memory_space<semaphore_mem>> -> memref<!tpu.dma_semaphore, #tpu.memory_space<semaphore_mem>>
    %dma_start3A_788 = arith.constant 0 : i32
    %dma_start3A_789 = tpu.memref_slice %arg2[%add3A_782, %dma_start3A_788] : memref<4096x1024xf32, #tpu.memory_space<hbm>> -> memref<8x1024xf32, #tpu.memory_space<hbm>>
    tpu.enqueue_dma source(%dma_start3A_789 : memref<8x1024xf32, #tpu.memory_space<hbm>>) target(%arg16 : memref<8x1024xf32, #tpu.memory_space<vmem>>) target_semaphore(%dma_start3A_787 : memref<!tpu.dma_semaphore, #tpu.memory_space<semaphore_mem>>)
    %add3A_790 = arith.constant 48 : i32
    %add3A_791 = arith.addi %multiple_of3A_19, %add3A_790 : i32
    %dma_start3A_792 = arith.constant 6 : i32
    %dma_start3A_793 = arith.constant 0 : i32
    %dma_start3A_794 = tpu.memref_slice %arg2[%add3A_791, %dma_start3A_793] : memref<4096x1024xf32, #tpu.memory_space<hbm>> -> memref<8x1024xf32, #tpu.memory_space<hbm>>
    %dma_start3A_795 = tpu.memref_slice %arg23[%dma_start3A_792] : memref<11x!tpu.dma_semaphore, #tpu.memory_space<semaphore_mem>> -> memref<1x!tpu.dma_semaphore, #tpu.memory_space<semaphore_mem>>
    %dma_start3A_796 = tpu.memref_squeeze %dma_start3A_795 : memref<1x!tpu.dma_semaphore, #tpu.memory_space<semaphore_mem>> -> memref<!tpu.dma_semaphore, #tpu.memory_space<semaphore_mem>>
    %dma_start3A_797 = arith.constant 0 : i32
    %dma_start3A_798 = tpu.memref_slice %arg2[%add3A_791, %dma_start3A_797] : memref<4096x1024xf32, #tpu.memory_space<hbm>> -> memref<8x1024xf32, #tpu.memory_space<hbm>>
    tpu.enqueue_dma source(%dma_start3A_798 : memref<8x1024xf32, #tpu.memory_space<hbm>>) target(%arg17 : memref<8x1024xf32, #tpu.memory_space<vmem>>) target_semaphore(%dma_start3A_796 : memref<!tpu.dma_semaphore, #tpu.memory_space<semaphore_mem>>)
    %add3A_799 = arith.constant 56 : i32
    %add3A_800 = arith.addi %multiple_of3A_19, %add3A_799 : i32
    %dma_start3A_801 = arith.constant 7 : i32
    %dma_start3A_802 = arith.constant 0 : i32
    %dma_start3A_803 = tpu.memref_slice %arg2[%add3A_800, %dma_start3A_802] : memref<4096x1024xf32, #tpu.memory_space<hbm>> -> memref<8x1024xf32, #tpu.memory_space<hbm>>
    %dma_start3A_804 = tpu.memref_slice %arg23[%dma_start3A_801] : memref<11x!tpu.dma_semaphore, #tpu.memory_space<semaphore_mem>> -> memref<1x!tpu.dma_semaphore, #tpu.memory_space<semaphore_mem>>
    %dma_start3A_805 = tpu.memref_squeeze %dma_start3A_804 : memref<1x!tpu.dma_semaphore, #tpu.memory_space<semaphore_mem>> -> memref<!tpu.dma_semaphore, #tpu.memory_space<semaphore_mem>>
    %dma_start3A_806 = arith.constant 0 : i32
    %dma_start3A_807 = tpu.memref_slice %arg2[%add3A_800, %dma_start3A_806] : memref<4096x1024xf32, #tpu.memory_space<hbm>> -> memref<8x1024xf32, #tpu.memory_space<hbm>>
    tpu.enqueue_dma source(%dma_start3A_807 : memref<8x1024xf32, #tpu.memory_space<hbm>>) target(%arg18 : memref<8x1024xf32, #tpu.memory_space<vmem>>) target_semaphore(%dma_start3A_805 : memref<!tpu.dma_semaphore, #tpu.memory_space<semaphore_mem>>)
    %add3A_808 = arith.constant 64 : i32
    %add3A_809 = arith.addi %multiple_of3A_19, %add3A_808 : i32
    %dma_start3A_810 = arith.constant 8 : i32
    %dma_start3A_811 = arith.constant 0 : i32
    %dma_start3A_812 = tpu.memref_slice %arg2[%add3A_809, %dma_start3A_811] : memref<4096x1024xf32, #tpu.memory_space<hbm>> -> memref<8x1024xf32, #tpu.memory_space<hbm>>
    %dma_start3A_813 = tpu.memref_slice %arg23[%dma_start3A_810] : memref<11x!tpu.dma_semaphore, #tpu.memory_space<semaphore_mem>> -> memref<1x!tpu.dma_semaphore, #tpu.memory_space<semaphore_mem>>
    %dma_start3A_814 = tpu.memref_squeeze %dma_start3A_813 : memref<1x!tpu.dma_semaphore, #tpu.memory_space<semaphore_mem>> -> memref<!tpu.dma_semaphore, #tpu.memory_space<semaphore_mem>>
    %dma_start3A_815 = arith.constant 0 : i32
    %dma_start3A_816 = tpu.memref_slice %arg2[%add3A_809, %dma_start3A_815] : memref<4096x1024xf32, #tpu.memory_space<hbm>> -> memref<8x1024xf32, #tpu.memory_space<hbm>>
    tpu.enqueue_dma source(%dma_start3A_816 : memref<8x1024xf32, #tpu.memory_space<hbm>>) target(%arg19 : memref<8x1024xf32, #tpu.memory_space<vmem>>) target_semaphore(%dma_start3A_814 : memref<!tpu.dma_semaphore, #tpu.memory_space<semaphore_mem>>)
    %add3A_817 = arith.constant 72 : i32
    %add3A_818 = arith.addi %multiple_of3A_19, %add3A_817 : i32
    %dma_start3A_819 = arith.constant 9 : i32
    %dma_start3A_820 = arith.constant 0 : i32
    %dma_start3A_821 = tpu.memref_slice %arg2[%add3A_818, %dma_start3A_820] : memref<4096x1024xf32, #tpu.memory_space<hbm>> -> memref<8x1024xf32, #tpu.memory_space<hbm>>
    %dma_start3A_822 = tpu.memref_slice %arg23[%dma_start3A_819] : memref<11x!tpu.dma_semaphore, #tpu.memory_space<semaphore_mem>> -> memref<1x!tpu.dma_semaphore, #tpu.memory_space<semaphore_mem>>
    %dma_start3A_823 = tpu.memref_squeeze %dma_start3A_822 : memref<1x!tpu.dma_semaphore, #tpu.memory_space<semaphore_mem>> -> memref<!tpu.dma_semaphore, #tpu.memory_space<semaphore_mem>>
    %dma_start3A_824 = arith.constant 0 : i32
    %dma_start3A_825 = tpu.memref_slice %arg2[%add3A_818, %dma_start3A_824] : memref<4096x1024xf32, #tpu.memory_space<hbm>> -> memref<8x1024xf32, #tpu.memory_space<hbm>>
    tpu.enqueue_dma source(%dma_start3A_825 : memref<8x1024xf32, #tpu.memory_space<hbm>>) target(%arg20 : memref<8x1024xf32, #tpu.memory_space<vmem>>) target_semaphore(%dma_start3A_823 : memref<!tpu.dma_semaphore, #tpu.memory_space<semaphore_mem>>)
    %add3A_826 = arith.constant 80 : i32
    %add3A_827 = arith.addi %multiple_of3A_19, %add3A_826 : i32
    %dma_start3A_828 = arith.constant 10 : i32
    %dma_start3A_829 = arith.constant 0 : i32
    %dma_start3A_830 = tpu.memref_slice %arg2[%add3A_827, %dma_start3A_829] : memref<4096x1024xf32, #tpu.memory_space<hbm>> -> memref<8x1024xf32, #tpu.memory_space<hbm>>
    %dma_start3A_831 = tpu.memref_slice %arg23[%dma_start3A_828] : memref<11x!tpu.dma_semaphore, #tpu.memory_space<semaphore_mem>> -> memref<1x!tpu.dma_semaphore, #tpu.memory_space<semaphore_mem>>
    %dma_start3A_832 = tpu.memref_squeeze %dma_start3A_831 : memref<1x!tpu.dma_semaphore, #tpu.memory_space<semaphore_mem>> -> memref<!tpu.dma_semaphore, #tpu.memory_space<semaphore_mem>>
    %dma_start3A_833 = arith.constant 0 : i32
    %dma_start3A_834 = tpu.memref_slice %arg2[%add3A_827, %dma_start3A_833] : memref<4096x1024xf32, #tpu.memory_space<hbm>> -> memref<8x1024xf32, #tpu.memory_space<hbm>>
    tpu.enqueue_dma source(%dma_start3A_834 : memref<8x1024xf32, #tpu.memory_space<hbm>>) target(%arg21 : memref<8x1024xf32, #tpu.memory_space<vmem>>) target_semaphore(%dma_start3A_832 : memref<!tpu.dma_semaphore, #tpu.memory_space<semaphore_mem>>)
    %dma_wait3A = arith.constant 0 : i32
    %dma_wait3A_835 = tpu.memref_slice %arg6[%add3A_340, %dma_wait3A] : memref<65536x1024xf32, #tpu.memory_space<hbm>> -> memref<32x1024xf32, #tpu.memory_space<hbm>>
    %dma_wait3A_836 = arith.constant 0 : i32
    %dma_wait3A_837 = tpu.memref_slice %arg6[%add3A_340, %dma_wait3A_836] : memref<65536x1024xf32, #tpu.memory_space<hbm>> -> memref<32x1024xf32, #tpu.memory_space<hbm>>
    tpu.wait_dma2 semaphore(%arg22 : memref<!tpu.dma_semaphore, #tpu.memory_space<semaphore_mem>>) src(%arg7 : memref<32x1024xf32, #tpu.memory_space<vmem>>) dst(%dma_wait3A_837 : memref<32x1024xf32, #tpu.memory_space<hbm>>)
    %dma_wait3A_838 = arith.constant 0 : i32
    %dma_wait3A_839 = tpu.memref_slice %arg6[%add3A_345, %dma_wait3A_838] : memref<65536x1024xf32, #tpu.memory_space<hbm>> -> memref<32x1024xf32, #tpu.memory_space<hbm>>
    %dma_wait3A_840 = arith.constant 0 : i32
    %dma_wait3A_841 = tpu.memref_slice %arg6[%add3A_345, %dma_wait3A_840] : memref<65536x1024xf32, #tpu.memory_space<hbm>> -> memref<32x1024xf32, #tpu.memory_space<hbm>>
    tpu.wait_dma2 semaphore(%arg22 : memref<!tpu.dma_semaphore, #tpu.memory_space<semaphore_mem>>) src(%arg7 : memref<32x1024xf32, #tpu.memory_space<vmem>>) dst(%dma_wait3A_841 : memref<32x1024xf32, #tpu.memory_space<hbm>>)
    %dma_wait3A_842 = arith.constant 0 : i32
    %dma_wait3A_843 = tpu.memref_slice %arg6[%add3A_351, %dma_wait3A_842] : memref<65536x1024xf32, #tpu.memory_space<hbm>> -> memref<32x1024xf32, #tpu.memory_space<hbm>>
    %dma_wait3A_844 = arith.constant 0 : i32
    %dma_wait3A_845 = tpu.memref_slice %arg6[%add3A_351, %dma_wait3A_844] : memref<65536x1024xf32, #tpu.memory_space<hbm>> -> memref<32x1024xf32, #tpu.memory_space<hbm>>
    tpu.wait_dma2 semaphore(%arg22 : memref<!tpu.dma_semaphore, #tpu.memory_space<semaphore_mem>>) src(%arg7 : memref<32x1024xf32, #tpu.memory_space<vmem>>) dst(%dma_wait3A_845 : memref<32x1024xf32, #tpu.memory_space<hbm>>)
    %dma_wait3A_846 = arith.constant 0 : i32
    %dma_wait3A_847 = tpu.memref_slice %arg6[%add3A_357, %dma_wait3A_846] : memref<65536x1024xf32, #tpu.memory_space<hbm>> -> memref<32x1024xf32, #tpu.memory_space<hbm>>
    %dma_wait3A_848 = arith.constant 0 : i32
    %dma_wait3A_849 = tpu.memref_slice %arg6[%add3A_357, %dma_wait3A_848] : memref<65536x1024xf32, #tpu.memory_space<hbm>> -> memref<32x1024xf32, #tpu.memory_space<hbm>>
    tpu.wait_dma2 semaphore(%arg22 : memref<!tpu.dma_semaphore, #tpu.memory_space<semaphore_mem>>) src(%arg7 : memref<32x1024xf32, #tpu.memory_space<vmem>>) dst(%dma_wait3A_849 : memref<32x1024xf32, #tpu.memory_space<hbm>>)
    %dma_wait3A_850 = arith.constant 0 : i32
    %dma_wait3A_851 = tpu.memref_slice %arg6[%add3A_363, %dma_wait3A_850] : memref<65536x1024xf32, #tpu.memory_space<hbm>> -> memref<32x1024xf32, #tpu.memory_space<hbm>>
    %dma_wait3A_852 = arith.constant 0 : i32
    %dma_wait3A_853 = tpu.memref_slice %arg6[%add3A_363, %dma_wait3A_852] : memref<65536x1024xf32, #tpu.memory_space<hbm>> -> memref<32x1024xf32, #tpu.memory_space<hbm>>
    tpu.wait_dma2 semaphore(%arg22 : memref<!tpu.dma_semaphore, #tpu.memory_space<semaphore_mem>>) src(%arg7 : memref<32x1024xf32, #tpu.memory_space<vmem>>) dst(%dma_wait3A_853 : memref<32x1024xf32, #tpu.memory_space<hbm>>)
    %dma_wait3A_854 = arith.constant 0 : i32
    %dma_wait3A_855 = tpu.memref_slice %arg6[%add3A_369, %dma_wait3A_854] : memref<65536x1024xf32, #tpu.memory_space<hbm>> -> memref<32x1024xf32, #tpu.memory_space<hbm>>
    %dma_wait3A_856 = arith.constant 0 : i32
    %dma_wait3A_857 = tpu.memref_slice %arg6[%add3A_369, %dma_wait3A_856] : memref<65536x1024xf32, #tpu.memory_space<hbm>> -> memref<32x1024xf32, #tpu.memory_space<hbm>>
    tpu.wait_dma2 semaphore(%arg22 : memref<!tpu.dma_semaphore, #tpu.memory_space<semaphore_mem>>) src(%arg7 : memref<32x1024xf32, #tpu.memory_space<vmem>>) dst(%dma_wait3A_857 : memref<32x1024xf32, #tpu.memory_space<hbm>>)
    %dma_wait3A_858 = arith.constant 0 : i32
    %dma_wait3A_859 = tpu.memref_slice %arg6[%add3A_375, %dma_wait3A_858] : memref<65536x1024xf32, #tpu.memory_space<hbm>> -> memref<32x1024xf32, #tpu.memory_space<hbm>>
    %dma_wait3A_860 = arith.constant 0 : i32
    %dma_wait3A_861 = tpu.memref_slice %arg6[%add3A_375, %dma_wait3A_860] : memref<65536x1024xf32, #tpu.memory_space<hbm>> -> memref<32x1024xf32, #tpu.memory_space<hbm>>
    tpu.wait_dma2 semaphore(%arg22 : memref<!tpu.dma_semaphore, #tpu.memory_space<semaphore_mem>>) src(%arg7 : memref<32x1024xf32, #tpu.memory_space<vmem>>) dst(%dma_wait3A_861 : memref<32x1024xf32, #tpu.memory_space<hbm>>)
    %dma_wait3A_862 = arith.constant 0 : i32
    %dma_wait3A_863 = tpu.memref_slice %arg6[%add3A_381, %dma_wait3A_862] : memref<65536x1024xf32, #tpu.memory_space<hbm>> -> memref<32x1024xf32, #tpu.memory_space<hbm>>
    %dma_wait3A_864 = arith.constant 0 : i32
    %dma_wait3A_865 = tpu.memref_slice %arg6[%add3A_381, %dma_wait3A_864] : memref<65536x1024xf32, #tpu.memory_space<hbm>> -> memref<32x1024xf32, #tpu.memory_space<hbm>>
    tpu.wait_dma2 semaphore(%arg22 : memref<!tpu.dma_semaphore, #tpu.memory_space<semaphore_mem>>) src(%arg7 : memref<32x1024xf32, #tpu.memory_space<vmem>>) dst(%dma_wait3A_865 : memref<32x1024xf32, #tpu.memory_space<hbm>>)
    %dma_wait3A_866 = arith.constant 0 : i32
    %dma_wait3A_867 = tpu.memref_slice %arg6[%add3A_389, %dma_wait3A_866] : memref<65536x1024xf32, #tpu.memory_space<hbm>> -> memref<32x1024xf32, #tpu.memory_space<hbm>>
    %dma_wait3A_868 = arith.constant 0 : i32
    %dma_wait3A_869 = tpu.memref_slice %arg6[%add3A_389, %dma_wait3A_868] : memref<65536x1024xf32, #tpu.memory_space<hbm>> -> memref<32x1024xf32, #tpu.memory_space<hbm>>
    tpu.wait_dma2 semaphore(%arg22 : memref<!tpu.dma_semaphore, #tpu.memory_space<semaphore_mem>>) src(%arg7 : memref<32x1024xf32, #tpu.memory_space<vmem>>) dst(%dma_wait3A_869 : memref<32x1024xf32, #tpu.memory_space<hbm>>)
    %dma_wait3A_870 = arith.constant 0 : i32
    %dma_wait3A_871 = tpu.memref_slice %arg6[%add3A_395, %dma_wait3A_870] : memref<65536x1024xf32, #tpu.memory_space<hbm>> -> memref<32x1024xf32, #tpu.memory_space<hbm>>
    %dma_wait3A_872 = arith.constant 0 : i32
    %dma_wait3A_873 = tpu.memref_slice %arg6[%add3A_395, %dma_wait3A_872] : memref<65536x1024xf32, #tpu.memory_space<hbm>> -> memref<32x1024xf32, #tpu.memory_space<hbm>>
    tpu.wait_dma2 semaphore(%arg22 : memref<!tpu.dma_semaphore, #tpu.memory_space<semaphore_mem>>) src(%arg7 : memref<32x1024xf32, #tpu.memory_space<vmem>>) dst(%dma_wait3A_873 : memref<32x1024xf32, #tpu.memory_space<hbm>>)
    %dma_wait3A_874 = arith.constant 0 : i32
    %dma_wait3A_875 = tpu.memref_slice %arg6[%add3A_401, %dma_wait3A_874] : memref<65536x1024xf32, #tpu.memory_space<hbm>> -> memref<32x1024xf32, #tpu.memory_space<hbm>>
    %dma_wait3A_876 = arith.constant 0 : i32
    %dma_wait3A_877 = tpu.memref_slice %arg6[%add3A_401, %dma_wait3A_876] : memref<65536x1024xf32, #tpu.memory_space<hbm>> -> memref<32x1024xf32, #tpu.memory_space<hbm>>
    tpu.wait_dma2 semaphore(%arg22 : memref<!tpu.dma_semaphore, #tpu.memory_space<semaphore_mem>>) src(%arg7 : memref<32x1024xf32, #tpu.memory_space<vmem>>) dst(%dma_wait3A_877 : memref<32x1024xf32, #tpu.memory_space<hbm>>)
    %dma_wait3A_878 = arith.constant 0 : i32
    %dma_wait3A_879 = tpu.memref_slice %arg6[%add3A_407, %dma_wait3A_878] : memref<65536x1024xf32, #tpu.memory_space<hbm>> -> memref<32x1024xf32, #tpu.memory_space<hbm>>
    %dma_wait3A_880 = arith.constant 0 : i32
    %dma_wait3A_881 = tpu.memref_slice %arg6[%add3A_407, %dma_wait3A_880] : memref<65536x1024xf32, #tpu.memory_space<hbm>> -> memref<32x1024xf32, #tpu.memory_space<hbm>>
    tpu.wait_dma2 semaphore(%arg22 : memref<!tpu.dma_semaphore, #tpu.memory_space<semaphore_mem>>) src(%arg7 : memref<32x1024xf32, #tpu.memory_space<vmem>>) dst(%dma_wait3A_881 : memref<32x1024xf32, #tpu.memory_space<hbm>>)
    %dma_wait3A_882 = arith.constant 0 : i32
    %dma_wait3A_883 = tpu.memref_slice %arg6[%add3A_413, %dma_wait3A_882] : memref<65536x1024xf32, #tpu.memory_space<hbm>> -> memref<32x1024xf32, #tpu.memory_space<hbm>>
    %dma_wait3A_884 = arith.constant 0 : i32
    %dma_wait3A_885 = tpu.memref_slice %arg6[%add3A_413, %dma_wait3A_884] : memref<65536x1024xf32, #tpu.memory_space<hbm>> -> memref<32x1024xf32, #tpu.memory_space<hbm>>
    tpu.wait_dma2 semaphore(%arg22 : memref<!tpu.dma_semaphore, #tpu.memory_space<semaphore_mem>>) src(%arg7 : memref<32x1024xf32, #tpu.memory_space<vmem>>) dst(%dma_wait3A_885 : memref<32x1024xf32, #tpu.memory_space<hbm>>)
    %dma_wait3A_886 = arith.constant 0 : i32
    %dma_wait3A_887 = tpu.memref_slice %arg6[%add3A_419, %dma_wait3A_886] : memref<65536x1024xf32, #tpu.memory_space<hbm>> -> memref<32x1024xf32, #tpu.memory_space<hbm>>
    %dma_wait3A_888 = arith.constant 0 : i32
    %dma_wait3A_889 = tpu.memref_slice %arg6[%add3A_419, %dma_wait3A_888] : memref<65536x1024xf32, #tpu.memory_space<hbm>> -> memref<32x1024xf32, #tpu.memory_space<hbm>>
    tpu.wait_dma2 semaphore(%arg22 : memref<!tpu.dma_semaphore, #tpu.memory_space<semaphore_mem>>) src(%arg7 : memref<32x1024xf32, #tpu.memory_space<vmem>>) dst(%dma_wait3A_889 : memref<32x1024xf32, #tpu.memory_space<hbm>>)
    %dma_wait3A_890 = arith.constant 0 : i32
    %dma_wait3A_891 = tpu.memref_slice %arg6[%add3A_425, %dma_wait3A_890] : memref<65536x1024xf32, #tpu.memory_space<hbm>> -> memref<32x1024xf32, #tpu.memory_space<hbm>>
    %dma_wait3A_892 = arith.constant 0 : i32
    %dma_wait3A_893 = tpu.memref_slice %arg6[%add3A_425, %dma_wait3A_892] : memref<65536x1024xf32, #tpu.memory_space<hbm>> -> memref<32x1024xf32, #tpu.memory_space<hbm>>
    tpu.wait_dma2 semaphore(%arg22 : memref<!tpu.dma_semaphore, #tpu.memory_space<semaphore_mem>>) src(%arg7 : memref<32x1024xf32, #tpu.memory_space<vmem>>) dst(%dma_wait3A_893 : memref<32x1024xf32, #tpu.memory_space<hbm>>)
    %dma_wait3A_894 = arith.constant 0 : i32
    %dma_wait3A_895 = tpu.memref_slice %arg6[%add3A_431, %dma_wait3A_894] : memref<65536x1024xf32, #tpu.memory_space<hbm>> -> memref<32x1024xf32, #tpu.memory_space<hbm>>
    %dma_wait3A_896 = arith.constant 0 : i32
    %dma_wait3A_897 = tpu.memref_slice %arg6[%add3A_431, %dma_wait3A_896] : memref<65536x1024xf32, #tpu.memory_space<hbm>> -> memref<32x1024xf32, #tpu.memory_space<hbm>>
    tpu.wait_dma2 semaphore(%arg22 : memref<!tpu.dma_semaphore, #tpu.memory_space<semaphore_mem>>) src(%arg7 : memref<32x1024xf32, #tpu.memory_space<vmem>>) dst(%dma_wait3A_897 : memref<32x1024xf32, #tpu.memory_space<hbm>>)
    %dma_wait3A_898 = arith.constant 0 : i32
    %dma_wait3A_899 = tpu.memref_slice %arg6[%add3A_439, %dma_wait3A_898] : memref<65536x1024xf32, #tpu.memory_space<hbm>> -> memref<32x1024xf32, #tpu.memory_space<hbm>>
    %dma_wait3A_900 = arith.constant 0 : i32
    %dma_wait3A_901 = tpu.memref_slice %arg6[%add3A_439, %dma_wait3A_900] : memref<65536x1024xf32, #tpu.memory_space<hbm>> -> memref<32x1024xf32, #tpu.memory_space<hbm>>
    tpu.wait_dma2 semaphore(%arg22 : memref<!tpu.dma_semaphore, #tpu.memory_space<semaphore_mem>>) src(%arg7 : memref<32x1024xf32, #tpu.memory_space<vmem>>) dst(%dma_wait3A_901 : memref<32x1024xf32, #tpu.memory_space<hbm>>)
    %dma_wait3A_902 = arith.constant 0 : i32
    %dma_wait3A_903 = tpu.memref_slice %arg6[%add3A_445, %dma_wait3A_902] : memref<65536x1024xf32, #tpu.memory_space<hbm>> -> memref<32x1024xf32, #tpu.memory_space<hbm>>
    %dma_wait3A_904 = arith.constant 0 : i32
    %dma_wait3A_905 = tpu.memref_slice %arg6[%add3A_445, %dma_wait3A_904] : memref<65536x1024xf32, #tpu.memory_space<hbm>> -> memref<32x1024xf32, #tpu.memory_space<hbm>>
    tpu.wait_dma2 semaphore(%arg22 : memref<!tpu.dma_semaphore, #tpu.memory_space<semaphore_mem>>) src(%arg7 : memref<32x1024xf32, #tpu.memory_space<vmem>>) dst(%dma_wait3A_905 : memref<32x1024xf32, #tpu.memory_space<hbm>>)
    %dma_wait3A_906 = arith.constant 0 : i32
    %dma_wait3A_907 = tpu.memref_slice %arg6[%add3A_451, %dma_wait3A_906] : memref<65536x1024xf32, #tpu.memory_space<hbm>> -> memref<32x1024xf32, #tpu.memory_space<hbm>>
    %dma_wait3A_908 = arith.constant 0 : i32
    %dma_wait3A_909 = tpu.memref_slice %arg6[%add3A_451, %dma_wait3A_908] : memref<65536x1024xf32, #tpu.memory_space<hbm>> -> memref<32x1024xf32, #tpu.memory_space<hbm>>
    tpu.wait_dma2 semaphore(%arg22 : memref<!tpu.dma_semaphore, #tpu.memory_space<semaphore_mem>>) src(%arg7 : memref<32x1024xf32, #tpu.memory_space<vmem>>) dst(%dma_wait3A_909 : memref<32x1024xf32, #tpu.memory_space<hbm>>)
    %dma_wait3A_910 = arith.constant 0 : i32
    %dma_wait3A_911 = tpu.memref_slice %arg6[%add3A_457, %dma_wait3A_910] : memref<65536x1024xf32, #tpu.memory_space<hbm>> -> memref<32x1024xf32, #tpu.memory_space<hbm>>
    %dma_wait3A_912 = arith.constant 0 : i32
    %dma_wait3A_913 = tpu.memref_slice %arg6[%add3A_457, %dma_wait3A_912] : memref<65536x1024xf32, #tpu.memory_space<hbm>> -> memref<32x1024xf32, #tpu.memory_space<hbm>>
    tpu.wait_dma2 semaphore(%arg22 : memref<!tpu.dma_semaphore, #tpu.memory_space<semaphore_mem>>) src(%arg7 : memref<32x1024xf32, #tpu.memory_space<vmem>>) dst(%dma_wait3A_913 : memref<32x1024xf32, #tpu.memory_space<hbm>>)
    %dma_wait3A_914 = arith.constant 0 : i32
    %dma_wait3A_915 = tpu.memref_slice %arg6[%add3A_463, %dma_wait3A_914] : memref<65536x1024xf32, #tpu.memory_space<hbm>> -> memref<32x1024xf32, #tpu.memory_space<hbm>>
    %dma_wait3A_916 = arith.constant 0 : i32
    %dma_wait3A_917 = tpu.memref_slice %arg6[%add3A_463, %dma_wait3A_916] : memref<65536x1024xf32, #tpu.memory_space<hbm>> -> memref<32x1024xf32, #tpu.memory_space<hbm>>
    tpu.wait_dma2 semaphore(%arg22 : memref<!tpu.dma_semaphore, #tpu.memory_space<semaphore_mem>>) src(%arg7 : memref<32x1024xf32, #tpu.memory_space<vmem>>) dst(%dma_wait3A_917 : memref<32x1024xf32, #tpu.memory_space<hbm>>)
    %dma_wait3A_918 = arith.constant 0 : i32
    %dma_wait3A_919 = tpu.memref_slice %arg6[%add3A_469, %dma_wait3A_918] : memref<65536x1024xf32, #tpu.memory_space<hbm>> -> memref<32x1024xf32, #tpu.memory_space<hbm>>
    %dma_wait3A_920 = arith.constant 0 : i32
    %dma_wait3A_921 = tpu.memref_slice %arg6[%add3A_469, %dma_wait3A_920] : memref<65536x1024xf32, #tpu.memory_space<hbm>> -> memref<32x1024xf32, #tpu.memory_space<hbm>>
    tpu.wait_dma2 semaphore(%arg22 : memref<!tpu.dma_semaphore, #tpu.memory_space<semaphore_mem>>) src(%arg7 : memref<32x1024xf32, #tpu.memory_space<vmem>>) dst(%dma_wait3A_921 : memref<32x1024xf32, #tpu.memory_space<hbm>>)
    %dma_wait3A_922 = arith.constant 0 : i32
    %dma_wait3A_923 = tpu.memref_slice %arg6[%add3A_475, %dma_wait3A_922] : memref<65536x1024xf32, #tpu.memory_space<hbm>> -> memref<32x1024xf32, #tpu.memory_space<hbm>>
    %dma_wait3A_924 = arith.constant 0 : i32
    %dma_wait3A_925 = tpu.memref_slice %arg6[%add3A_475, %dma_wait3A_924] : memref<65536x1024xf32, #tpu.memory_space<hbm>> -> memref<32x1024xf32, #tpu.memory_space<hbm>>
    tpu.wait_dma2 semaphore(%arg22 : memref<!tpu.dma_semaphore, #tpu.memory_space<semaphore_mem>>) src(%arg7 : memref<32x1024xf32, #tpu.memory_space<vmem>>) dst(%dma_wait3A_925 : memref<32x1024xf32, #tpu.memory_space<hbm>>)
    %dma_wait3A_926 = arith.constant 0 : i32
    %dma_wait3A_927 = tpu.memref_slice %arg6[%add3A_481, %dma_wait3A_926] : memref<65536x1024xf32, #tpu.memory_space<hbm>> -> memref<32x1024xf32, #tpu.memory_space<hbm>>
    %dma_wait3A_928 = arith.constant 0 : i32
    %dma_wait3A_929 = tpu.memref_slice %arg6[%add3A_481, %dma_wait3A_928] : memref<65536x1024xf32, #tpu.memory_space<hbm>> -> memref<32x1024xf32, #tpu.memory_space<hbm>>
    tpu.wait_dma2 semaphore(%arg22 : memref<!tpu.dma_semaphore, #tpu.memory_space<semaphore_mem>>) src(%arg7 : memref<32x1024xf32, #tpu.memory_space<vmem>>) dst(%dma_wait3A_929 : memref<32x1024xf32, #tpu.memory_space<hbm>>)
    %dma_wait3A_930 = arith.constant 0 : i32
    %dma_wait3A_931 = tpu.memref_slice %arg6[%add3A_489, %dma_wait3A_930] : memref<65536x1024xf32, #tpu.memory_space<hbm>> -> memref<32x1024xf32, #tpu.memory_space<hbm>>
    %dma_wait3A_932 = arith.constant 0 : i32
    %dma_wait3A_933 = tpu.memref_slice %arg6[%add3A_489, %dma_wait3A_932] : memref<65536x1024xf32, #tpu.memory_space<hbm>> -> memref<32x1024xf32, #tpu.memory_space<hbm>>
    tpu.wait_dma2 semaphore(%arg22 : memref<!tpu.dma_semaphore, #tpu.memory_space<semaphore_mem>>) src(%arg7 : memref<32x1024xf32, #tpu.memory_space<vmem>>) dst(%dma_wait3A_933 : memref<32x1024xf32, #tpu.memory_space<hbm>>)
    %dma_wait3A_934 = arith.constant 0 : i32
    %dma_wait3A_935 = tpu.memref_slice %arg6[%add3A_495, %dma_wait3A_934] : memref<65536x1024xf32, #tpu.memory_space<hbm>> -> memref<32x1024xf32, #tpu.memory_space<hbm>>
    %dma_wait3A_936 = arith.constant 0 : i32
    %dma_wait3A_937 = tpu.memref_slice %arg6[%add3A_495, %dma_wait3A_936] : memref<65536x1024xf32, #tpu.memory_space<hbm>> -> memref<32x1024xf32, #tpu.memory_space<hbm>>
    tpu.wait_dma2 semaphore(%arg22 : memref<!tpu.dma_semaphore, #tpu.memory_space<semaphore_mem>>) src(%arg7 : memref<32x1024xf32, #tpu.memory_space<vmem>>) dst(%dma_wait3A_937 : memref<32x1024xf32, #tpu.memory_space<hbm>>)
    %dma_wait3A_938 = arith.constant 0 : i32
    %dma_wait3A_939 = tpu.memref_slice %arg6[%add3A_501, %dma_wait3A_938] : memref<65536x1024xf32, #tpu.memory_space<hbm>> -> memref<32x1024xf32, #tpu.memory_space<hbm>>
    %dma_wait3A_940 = arith.constant 0 : i32
    %dma_wait3A_941 = tpu.memref_slice %arg6[%add3A_501, %dma_wait3A_940] : memref<65536x1024xf32, #tpu.memory_space<hbm>> -> memref<32x1024xf32, #tpu.memory_space<hbm>>
    tpu.wait_dma2 semaphore(%arg22 : memref<!tpu.dma_semaphore, #tpu.memory_space<semaphore_mem>>) src(%arg7 : memref<32x1024xf32, #tpu.memory_space<vmem>>) dst(%dma_wait3A_941 : memref<32x1024xf32, #tpu.memory_space<hbm>>)
    %dma_wait3A_942 = arith.constant 0 : i32
    %dma_wait3A_943 = tpu.memref_slice %arg6[%add3A_507, %dma_wait3A_942] : memref<65536x1024xf32, #tpu.memory_space<hbm>> -> memref<32x1024xf32, #tpu.memory_space<hbm>>
    %dma_wait3A_944 = arith.constant 0 : i32
    %dma_wait3A_945 = tpu.memref_slice %arg6[%add3A_507, %dma_wait3A_944] : memref<65536x1024xf32, #tpu.memory_space<hbm>> -> memref<32x1024xf32, #tpu.memory_space<hbm>>
    tpu.wait_dma2 semaphore(%arg22 : memref<!tpu.dma_semaphore, #tpu.memory_space<semaphore_mem>>) src(%arg7 : memref<32x1024xf32, #tpu.memory_space<vmem>>) dst(%dma_wait3A_945 : memref<32x1024xf32, #tpu.memory_space<hbm>>)
    %dma_wait3A_946 = arith.constant 0 : i32
    %dma_wait3A_947 = tpu.memref_slice %arg6[%add3A_513, %dma_wait3A_946] : memref<65536x1024xf32, #tpu.memory_space<hbm>> -> memref<32x1024xf32, #tpu.memory_space<hbm>>
    %dma_wait3A_948 = arith.constant 0 : i32
    %dma_wait3A_949 = tpu.memref_slice %arg6[%add3A_513, %dma_wait3A_948] : memref<65536x1024xf32, #tpu.memory_space<hbm>> -> memref<32x1024xf32, #tpu.memory_space<hbm>>
    tpu.wait_dma2 semaphore(%arg22 : memref<!tpu.dma_semaphore, #tpu.memory_space<semaphore_mem>>) src(%arg7 : memref<32x1024xf32, #tpu.memory_space<vmem>>) dst(%dma_wait3A_949 : memref<32x1024xf32, #tpu.memory_space<hbm>>)
    %dma_wait3A_950 = arith.constant 0 : i32
    %dma_wait3A_951 = tpu.memref_slice %arg6[%add3A_519, %dma_wait3A_950] : memref<65536x1024xf32, #tpu.memory_space<hbm>> -> memref<32x1024xf32, #tpu.memory_space<hbm>>
    %dma_wait3A_952 = arith.constant 0 : i32
    %dma_wait3A_953 = tpu.memref_slice %arg6[%add3A_519, %dma_wait3A_952] : memref<65536x1024xf32, #tpu.memory_space<hbm>> -> memref<32x1024xf32, #tpu.memory_space<hbm>>
    tpu.wait_dma2 semaphore(%arg22 : memref<!tpu.dma_semaphore, #tpu.memory_space<semaphore_mem>>) src(%arg7 : memref<32x1024xf32, #tpu.memory_space<vmem>>) dst(%dma_wait3A_953 : memref<32x1024xf32, #tpu.memory_space<hbm>>)
    %dma_wait3A_954 = arith.constant 0 : i32
    %dma_wait3A_955 = tpu.memref_slice %arg6[%add3A_525, %dma_wait3A_954] : memref<65536x1024xf32, #tpu.memory_space<hbm>> -> memref<32x1024xf32, #tpu.memory_space<hbm>>
    %dma_wait3A_956 = arith.constant 0 : i32
    %dma_wait3A_957 = tpu.memref_slice %arg6[%add3A_525, %dma_wait3A_956] : memref<65536x1024xf32, #tpu.memory_space<hbm>> -> memref<32x1024xf32, #tpu.memory_space<hbm>>
    tpu.wait_dma2 semaphore(%arg22 : memref<!tpu.dma_semaphore, #tpu.memory_space<semaphore_mem>>) src(%arg7 : memref<32x1024xf32, #tpu.memory_space<vmem>>) dst(%dma_wait3A_957 : memref<32x1024xf32, #tpu.memory_space<hbm>>)
    %dma_wait3A_958 = arith.constant 0 : i32
    %dma_wait3A_959 = tpu.memref_slice %arg6[%add3A_531, %dma_wait3A_958] : memref<65536x1024xf32, #tpu.memory_space<hbm>> -> memref<32x1024xf32, #tpu.memory_space<hbm>>
    %dma_wait3A_960 = arith.constant 0 : i32
    %dma_wait3A_961 = tpu.memref_slice %arg6[%add3A_531, %dma_wait3A_960] : memref<65536x1024xf32, #tpu.memory_space<hbm>> -> memref<32x1024xf32, #tpu.memory_space<hbm>>
    tpu.wait_dma2 semaphore(%arg22 : memref<!tpu.dma_semaphore, #tpu.memory_space<semaphore_mem>>) src(%arg7 : memref<32x1024xf32, #tpu.memory_space<vmem>>) dst(%dma_wait3A_961 : memref<32x1024xf32, #tpu.memory_space<hbm>>)
    %dma_wait3A_962 = arith.constant 0 : i32
    %dma_wait3A_963 = tpu.memref_slice %arg6[%add3A_539, %dma_wait3A_962] : memref<65536x1024xf32, #tpu.memory_space<hbm>> -> memref<32x1024xf32, #tpu.memory_space<hbm>>
    %dma_wait3A_964 = arith.constant 0 : i32
    %dma_wait3A_965 = tpu.memref_slice %arg6[%add3A_539, %dma_wait3A_964] : memref<65536x1024xf32, #tpu.memory_space<hbm>> -> memref<32x1024xf32, #tpu.memory_space<hbm>>
    tpu.wait_dma2 semaphore(%arg22 : memref<!tpu.dma_semaphore, #tpu.memory_space<semaphore_mem>>) src(%arg7 : memref<32x1024xf32, #tpu.memory_space<vmem>>) dst(%dma_wait3A_965 : memref<32x1024xf32, #tpu.memory_space<hbm>>)
    %dma_wait3A_966 = arith.constant 0 : i32
    %dma_wait3A_967 = tpu.memref_slice %arg6[%add3A_545, %dma_wait3A_966] : memref<65536x1024xf32, #tpu.memory_space<hbm>> -> memref<32x1024xf32, #tpu.memory_space<hbm>>
    %dma_wait3A_968 = arith.constant 0 : i32
    %dma_wait3A_969 = tpu.memref_slice %arg6[%add3A_545, %dma_wait3A_968] : memref<65536x1024xf32, #tpu.memory_space<hbm>> -> memref<32x1024xf32, #tpu.memory_space<hbm>>
    tpu.wait_dma2 semaphore(%arg22 : memref<!tpu.dma_semaphore, #tpu.memory_space<semaphore_mem>>) src(%arg7 : memref<32x1024xf32, #tpu.memory_space<vmem>>) dst(%dma_wait3A_969 : memref<32x1024xf32, #tpu.memory_space<hbm>>)
    %dma_wait3A_970 = arith.constant 0 : i32
    %dma_wait3A_971 = tpu.memref_slice %arg6[%add3A_551, %dma_wait3A_970] : memref<65536x1024xf32, #tpu.memory_space<hbm>> -> memref<32x1024xf32, #tpu.memory_space<hbm>>
    %dma_wait3A_972 = arith.constant 0 : i32
    %dma_wait3A_973 = tpu.memref_slice %arg6[%add3A_551, %dma_wait3A_972] : memref<65536x1024xf32, #tpu.memory_space<hbm>> -> memref<32x1024xf32, #tpu.memory_space<hbm>>
    tpu.wait_dma2 semaphore(%arg22 : memref<!tpu.dma_semaphore, #tpu.memory_space<semaphore_mem>>) src(%arg7 : memref<32x1024xf32, #tpu.memory_space<vmem>>) dst(%dma_wait3A_973 : memref<32x1024xf32, #tpu.memory_space<hbm>>)
    %dma_wait3A_974 = arith.constant 0 : i32
    %dma_wait3A_975 = tpu.memref_slice %arg6[%add3A_557, %dma_wait3A_974] : memref<65536x1024xf32, #tpu.memory_space<hbm>> -> memref<32x1024xf32, #tpu.memory_space<hbm>>
    %dma_wait3A_976 = arith.constant 0 : i32
    %dma_wait3A_977 = tpu.memref_slice %arg6[%add3A_557, %dma_wait3A_976] : memref<65536x1024xf32, #tpu.memory_space<hbm>> -> memref<32x1024xf32, #tpu.memory_space<hbm>>
    tpu.wait_dma2 semaphore(%arg22 : memref<!tpu.dma_semaphore, #tpu.memory_space<semaphore_mem>>) src(%arg7 : memref<32x1024xf32, #tpu.memory_space<vmem>>) dst(%dma_wait3A_977 : memref<32x1024xf32, #tpu.memory_space<hbm>>)
    %dma_wait3A_978 = arith.constant 0 : i32
    %dma_wait3A_979 = tpu.memref_slice %arg6[%add3A_563, %dma_wait3A_978] : memref<65536x1024xf32, #tpu.memory_space<hbm>> -> memref<32x1024xf32, #tpu.memory_space<hbm>>
    %dma_wait3A_980 = arith.constant 0 : i32
    %dma_wait3A_981 = tpu.memref_slice %arg6[%add3A_563, %dma_wait3A_980] : memref<65536x1024xf32, #tpu.memory_space<hbm>> -> memref<32x1024xf32, #tpu.memory_space<hbm>>
    tpu.wait_dma2 semaphore(%arg22 : memref<!tpu.dma_semaphore, #tpu.memory_space<semaphore_mem>>) src(%arg7 : memref<32x1024xf32, #tpu.memory_space<vmem>>) dst(%dma_wait3A_981 : memref<32x1024xf32, #tpu.memory_space<hbm>>)
    %dma_wait3A_982 = arith.constant 0 : i32
    %dma_wait3A_983 = tpu.memref_slice %arg6[%add3A_569, %dma_wait3A_982] : memref<65536x1024xf32, #tpu.memory_space<hbm>> -> memref<32x1024xf32, #tpu.memory_space<hbm>>
    %dma_wait3A_984 = arith.constant 0 : i32
    %dma_wait3A_985 = tpu.memref_slice %arg6[%add3A_569, %dma_wait3A_984] : memref<65536x1024xf32, #tpu.memory_space<hbm>> -> memref<32x1024xf32, #tpu.memory_space<hbm>>
    tpu.wait_dma2 semaphore(%arg22 : memref<!tpu.dma_semaphore, #tpu.memory_space<semaphore_mem>>) src(%arg7 : memref<32x1024xf32, #tpu.memory_space<vmem>>) dst(%dma_wait3A_985 : memref<32x1024xf32, #tpu.memory_space<hbm>>)
    %dma_wait3A_986 = arith.constant 0 : i32
    %dma_wait3A_987 = tpu.memref_slice %arg6[%add3A_575, %dma_wait3A_986] : memref<65536x1024xf32, #tpu.memory_space<hbm>> -> memref<32x1024xf32, #tpu.memory_space<hbm>>
    %dma_wait3A_988 = arith.constant 0 : i32
    %dma_wait3A_989 = tpu.memref_slice %arg6[%add3A_575, %dma_wait3A_988] : memref<65536x1024xf32, #tpu.memory_space<hbm>> -> memref<32x1024xf32, #tpu.memory_space<hbm>>
    tpu.wait_dma2 semaphore(%arg22 : memref<!tpu.dma_semaphore, #tpu.memory_space<semaphore_mem>>) src(%arg7 : memref<32x1024xf32, #tpu.memory_space<vmem>>) dst(%dma_wait3A_989 : memref<32x1024xf32, #tpu.memory_space<hbm>>)
    %dma_wait3A_990 = arith.constant 0 : i32
    %dma_wait3A_991 = tpu.memref_slice %arg6[%add3A_581, %dma_wait3A_990] : memref<65536x1024xf32, #tpu.memory_space<hbm>> -> memref<32x1024xf32, #tpu.memory_space<hbm>>
    %dma_wait3A_992 = arith.constant 0 : i32
    %dma_wait3A_993 = tpu.memref_slice %arg6[%add3A_581, %dma_wait3A_992] : memref<65536x1024xf32, #tpu.memory_space<hbm>> -> memref<32x1024xf32, #tpu.memory_space<hbm>>
    tpu.wait_dma2 semaphore(%arg22 : memref<!tpu.dma_semaphore, #tpu.memory_space<semaphore_mem>>) src(%arg7 : memref<32x1024xf32, #tpu.memory_space<vmem>>) dst(%dma_wait3A_993 : memref<32x1024xf32, #tpu.memory_space<hbm>>)
    %dma_wait3A_994 = arith.constant 0 : i32
    %dma_wait3A_995 = tpu.memref_slice %arg6[%add3A_589, %dma_wait3A_994] : memref<65536x1024xf32, #tpu.memory_space<hbm>> -> memref<32x1024xf32, #tpu.memory_space<hbm>>
    %dma_wait3A_996 = arith.constant 0 : i32
    %dma_wait3A_997 = tpu.memref_slice %arg6[%add3A_589, %dma_wait3A_996] : memref<65536x1024xf32, #tpu.memory_space<hbm>> -> memref<32x1024xf32, #tpu.memory_space<hbm>>
    tpu.wait_dma2 semaphore(%arg22 : memref<!tpu.dma_semaphore, #tpu.memory_space<semaphore_mem>>) src(%arg7 : memref<32x1024xf32, #tpu.memory_space<vmem>>) dst(%dma_wait3A_997 : memref<32x1024xf32, #tpu.memory_space<hbm>>)
    %dma_wait3A_998 = arith.constant 0 : i32
    %dma_wait3A_999 = tpu.memref_slice %arg6[%add3A_595, %dma_wait3A_998] : memref<65536x1024xf32, #tpu.memory_space<hbm>> -> memref<32x1024xf32, #tpu.memory_space<hbm>>
    %dma_wait3A_1000 = arith.constant 0 : i32
    %dma_wait3A_1001 = tpu.memref_slice %arg6[%add3A_595, %dma_wait3A_1000] : memref<65536x1024xf32, #tpu.memory_space<hbm>> -> memref<32x1024xf32, #tpu.memory_space<hbm>>
    tpu.wait_dma2 semaphore(%arg22 : memref<!tpu.dma_semaphore, #tpu.memory_space<semaphore_mem>>) src(%arg7 : memref<32x1024xf32, #tpu.memory_space<vmem>>) dst(%dma_wait3A_1001 : memref<32x1024xf32, #tpu.memory_space<hbm>>)
    %dma_wait3A_1002 = arith.constant 0 : i32
    %dma_wait3A_1003 = tpu.memref_slice %arg6[%add3A_601, %dma_wait3A_1002] : memref<65536x1024xf32, #tpu.memory_space<hbm>> -> memref<32x1024xf32, #tpu.memory_space<hbm>>
    %dma_wait3A_1004 = arith.constant 0 : i32
    %dma_wait3A_1005 = tpu.memref_slice %arg6[%add3A_601, %dma_wait3A_1004] : memref<65536x1024xf32, #tpu.memory_space<hbm>> -> memref<32x1024xf32, #tpu.memory_space<hbm>>
    tpu.wait_dma2 semaphore(%arg22 : memref<!tpu.dma_semaphore, #tpu.memory_space<semaphore_mem>>) src(%arg7 : memref<32x1024xf32, #tpu.memory_space<vmem>>) dst(%dma_wait3A_1005 : memref<32x1024xf32, #tpu.memory_space<hbm>>)
    %dma_wait3A_1006 = arith.constant 0 : i32
    %dma_wait3A_1007 = tpu.memref_slice %arg6[%add3A_607, %dma_wait3A_1006] : memref<65536x1024xf32, #tpu.memory_space<hbm>> -> memref<32x1024xf32, #tpu.memory_space<hbm>>
    %dma_wait3A_1008 = arith.constant 0 : i32
    %dma_wait3A_1009 = tpu.memref_slice %arg6[%add3A_607, %dma_wait3A_1008] : memref<65536x1024xf32, #tpu.memory_space<hbm>> -> memref<32x1024xf32, #tpu.memory_space<hbm>>
    tpu.wait_dma2 semaphore(%arg22 : memref<!tpu.dma_semaphore, #tpu.memory_space<semaphore_mem>>) src(%arg7 : memref<32x1024xf32, #tpu.memory_space<vmem>>) dst(%dma_wait3A_1009 : memref<32x1024xf32, #tpu.memory_space<hbm>>)
    %dma_wait3A_1010 = arith.constant 0 : i32
    %dma_wait3A_1011 = tpu.memref_slice %arg6[%add3A_613, %dma_wait3A_1010] : memref<65536x1024xf32, #tpu.memory_space<hbm>> -> memref<32x1024xf32, #tpu.memory_space<hbm>>
    %dma_wait3A_1012 = arith.constant 0 : i32
    %dma_wait3A_1013 = tpu.memref_slice %arg6[%add3A_613, %dma_wait3A_1012] : memref<65536x1024xf32, #tpu.memory_space<hbm>> -> memref<32x1024xf32, #tpu.memory_space<hbm>>
    tpu.wait_dma2 semaphore(%arg22 : memref<!tpu.dma_semaphore, #tpu.memory_space<semaphore_mem>>) src(%arg7 : memref<32x1024xf32, #tpu.memory_space<vmem>>) dst(%dma_wait3A_1013 : memref<32x1024xf32, #tpu.memory_space<hbm>>)
    %dma_wait3A_1014 = arith.constant 0 : i32
    %dma_wait3A_1015 = tpu.memref_slice %arg6[%add3A_619, %dma_wait3A_1014] : memref<65536x1024xf32, #tpu.memory_space<hbm>> -> memref<32x1024xf32, #tpu.memory_space<hbm>>
    %dma_wait3A_1016 = arith.constant 0 : i32
    %dma_wait3A_1017 = tpu.memref_slice %arg6[%add3A_619, %dma_wait3A_1016] : memref<65536x1024xf32, #tpu.memory_space<hbm>> -> memref<32x1024xf32, #tpu.memory_space<hbm>>
    tpu.wait_dma2 semaphore(%arg22 : memref<!tpu.dma_semaphore, #tpu.memory_space<semaphore_mem>>) src(%arg7 : memref<32x1024xf32, #tpu.memory_space<vmem>>) dst(%dma_wait3A_1017 : memref<32x1024xf32, #tpu.memory_space<hbm>>)
    %dma_wait3A_1018 = arith.constant 0 : i32
    %dma_wait3A_1019 = tpu.memref_slice %arg6[%add3A_625, %dma_wait3A_1018] : memref<65536x1024xf32, #tpu.memory_space<hbm>> -> memref<32x1024xf32, #tpu.memory_space<hbm>>
    %dma_wait3A_1020 = arith.constant 0 : i32
    %dma_wait3A_1021 = tpu.memref_slice %arg6[%add3A_625, %dma_wait3A_1020] : memref<65536x1024xf32, #tpu.memory_space<hbm>> -> memref<32x1024xf32, #tpu.memory_space<hbm>>
    tpu.wait_dma2 semaphore(%arg22 : memref<!tpu.dma_semaphore, #tpu.memory_space<semaphore_mem>>) src(%arg7 : memref<32x1024xf32, #tpu.memory_space<vmem>>) dst(%dma_wait3A_1021 : memref<32x1024xf32, #tpu.memory_space<hbm>>)
    %dma_wait3A_1022 = arith.constant 0 : i32
    %dma_wait3A_1023 = tpu.memref_slice %arg6[%add3A_631, %dma_wait3A_1022] : memref<65536x1024xf32, #tpu.memory_space<hbm>> -> memref<32x1024xf32, #tpu.memory_space<hbm>>
    %dma_wait3A_1024 = arith.constant 0 : i32
    %dma_wait3A_1025 = tpu.memref_slice %arg6[%add3A_631, %dma_wait3A_1024] : memref<65536x1024xf32, #tpu.memory_space<hbm>> -> memref<32x1024xf32, #tpu.memory_space<hbm>>
    tpu.wait_dma2 semaphore(%arg22 : memref<!tpu.dma_semaphore, #tpu.memory_space<semaphore_mem>>) src(%arg7 : memref<32x1024xf32, #tpu.memory_space<vmem>>) dst(%dma_wait3A_1025 : memref<32x1024xf32, #tpu.memory_space<hbm>>)
    %dma_wait3A_1026 = arith.constant 0 : i32
    %dma_wait3A_1027 = tpu.memref_slice %arg6[%add3A_639, %dma_wait3A_1026] : memref<65536x1024xf32, #tpu.memory_space<hbm>> -> memref<32x1024xf32, #tpu.memory_space<hbm>>
    %dma_wait3A_1028 = arith.constant 0 : i32
    %dma_wait3A_1029 = tpu.memref_slice %arg6[%add3A_639, %dma_wait3A_1028] : memref<65536x1024xf32, #tpu.memory_space<hbm>> -> memref<32x1024xf32, #tpu.memory_space<hbm>>
    tpu.wait_dma2 semaphore(%arg22 : memref<!tpu.dma_semaphore, #tpu.memory_space<semaphore_mem>>) src(%arg7 : memref<32x1024xf32, #tpu.memory_space<vmem>>) dst(%dma_wait3A_1029 : memref<32x1024xf32, #tpu.memory_space<hbm>>)
    %dma_wait3A_1030 = arith.constant 0 : i32
    %dma_wait3A_1031 = tpu.memref_slice %arg6[%add3A_645, %dma_wait3A_1030] : memref<65536x1024xf32, #tpu.memory_space<hbm>> -> memref<32x1024xf32, #tpu.memory_space<hbm>>
    %dma_wait3A_1032 = arith.constant 0 : i32
    %dma_wait3A_1033 = tpu.memref_slice %arg6[%add3A_645, %dma_wait3A_1032] : memref<65536x1024xf32, #tpu.memory_space<hbm>> -> memref<32x1024xf32, #tpu.memory_space<hbm>>
    tpu.wait_dma2 semaphore(%arg22 : memref<!tpu.dma_semaphore, #tpu.memory_space<semaphore_mem>>) src(%arg7 : memref<32x1024xf32, #tpu.memory_space<vmem>>) dst(%dma_wait3A_1033 : memref<32x1024xf32, #tpu.memory_space<hbm>>)
    %dma_wait3A_1034 = arith.constant 0 : i32
    %dma_wait3A_1035 = tpu.memref_slice %arg6[%add3A_651, %dma_wait3A_1034] : memref<65536x1024xf32, #tpu.memory_space<hbm>> -> memref<32x1024xf32, #tpu.memory_space<hbm>>
    %dma_wait3A_1036 = arith.constant 0 : i32
    %dma_wait3A_1037 = tpu.memref_slice %arg6[%add3A_651, %dma_wait3A_1036] : memref<65536x1024xf32, #tpu.memory_space<hbm>> -> memref<32x1024xf32, #tpu.memory_space<hbm>>
    tpu.wait_dma2 semaphore(%arg22 : memref<!tpu.dma_semaphore, #tpu.memory_space<semaphore_mem>>) src(%arg7 : memref<32x1024xf32, #tpu.memory_space<vmem>>) dst(%dma_wait3A_1037 : memref<32x1024xf32, #tpu.memory_space<hbm>>)
    %dma_wait3A_1038 = arith.constant 0 : i32
    %dma_wait3A_1039 = tpu.memref_slice %arg6[%add3A_657, %dma_wait3A_1038] : memref<65536x1024xf32, #tpu.memory_space<hbm>> -> memref<32x1024xf32, #tpu.memory_space<hbm>>
    %dma_wait3A_1040 = arith.constant 0 : i32
    %dma_wait3A_1041 = tpu.memref_slice %arg6[%add3A_657, %dma_wait3A_1040] : memref<65536x1024xf32, #tpu.memory_space<hbm>> -> memref<32x1024xf32, #tpu.memory_space<hbm>>
    tpu.wait_dma2 semaphore(%arg22 : memref<!tpu.dma_semaphore, #tpu.memory_space<semaphore_mem>>) src(%arg7 : memref<32x1024xf32, #tpu.memory_space<vmem>>) dst(%dma_wait3A_1041 : memref<32x1024xf32, #tpu.memory_space<hbm>>)
    %dma_wait3A_1042 = arith.constant 0 : i32
    %dma_wait3A_1043 = tpu.memref_slice %arg6[%add3A_663, %dma_wait3A_1042] : memref<65536x1024xf32, #tpu.memory_space<hbm>> -> memref<32x1024xf32, #tpu.memory_space<hbm>>
    %dma_wait3A_1044 = arith.constant 0 : i32
    %dma_wait3A_1045 = tpu.memref_slice %arg6[%add3A_663, %dma_wait3A_1044] : memref<65536x1024xf32, #tpu.memory_space<hbm>> -> memref<32x1024xf32, #tpu.memory_space<hbm>>
    tpu.wait_dma2 semaphore(%arg22 : memref<!tpu.dma_semaphore, #tpu.memory_space<semaphore_mem>>) src(%arg7 : memref<32x1024xf32, #tpu.memory_space<vmem>>) dst(%dma_wait3A_1045 : memref<32x1024xf32, #tpu.memory_space<hbm>>)
    %dma_wait3A_1046 = arith.constant 0 : i32
    %dma_wait3A_1047 = tpu.memref_slice %arg6[%add3A_669, %dma_wait3A_1046] : memref<65536x1024xf32, #tpu.memory_space<hbm>> -> memref<32x1024xf32, #tpu.memory_space<hbm>>
    %dma_wait3A_1048 = arith.constant 0 : i32
    %dma_wait3A_1049 = tpu.memref_slice %arg6[%add3A_669, %dma_wait3A_1048] : memref<65536x1024xf32, #tpu.memory_space<hbm>> -> memref<32x1024xf32, #tpu.memory_space<hbm>>
    tpu.wait_dma2 semaphore(%arg22 : memref<!tpu.dma_semaphore, #tpu.memory_space<semaphore_mem>>) src(%arg7 : memref<32x1024xf32, #tpu.memory_space<vmem>>) dst(%dma_wait3A_1049 : memref<32x1024xf32, #tpu.memory_space<hbm>>)
    %dma_wait3A_1050 = arith.constant 0 : i32
    %dma_wait3A_1051 = tpu.memref_slice %arg6[%add3A_675, %dma_wait3A_1050] : memref<65536x1024xf32, #tpu.memory_space<hbm>> -> memref<32x1024xf32, #tpu.memory_space<hbm>>
    %dma_wait3A_1052 = arith.constant 0 : i32
    %dma_wait3A_1053 = tpu.memref_slice %arg6[%add3A_675, %dma_wait3A_1052] : memref<65536x1024xf32, #tpu.memory_space<hbm>> -> memref<32x1024xf32, #tpu.memory_space<hbm>>
    tpu.wait_dma2 semaphore(%arg22 : memref<!tpu.dma_semaphore, #tpu.memory_space<semaphore_mem>>) src(%arg7 : memref<32x1024xf32, #tpu.memory_space<vmem>>) dst(%dma_wait3A_1053 : memref<32x1024xf32, #tpu.memory_space<hbm>>)
    %dma_wait3A_1054 = arith.constant 0 : i32
    %dma_wait3A_1055 = tpu.memref_slice %arg6[%add3A_681, %dma_wait3A_1054] : memref<65536x1024xf32, #tpu.memory_space<hbm>> -> memref<32x1024xf32, #tpu.memory_space<hbm>>
    %dma_wait3A_1056 = arith.constant 0 : i32
    %dma_wait3A_1057 = tpu.memref_slice %arg6[%add3A_681, %dma_wait3A_1056] : memref<65536x1024xf32, #tpu.memory_space<hbm>> -> memref<32x1024xf32, #tpu.memory_space<hbm>>
    tpu.wait_dma2 semaphore(%arg22 : memref<!tpu.dma_semaphore, #tpu.memory_space<semaphore_mem>>) src(%arg7 : memref<32x1024xf32, #tpu.memory_space<vmem>>) dst(%dma_wait3A_1057 : memref<32x1024xf32, #tpu.memory_space<hbm>>)
    %dma_wait3A_1058 = arith.constant 0 : i32
    %dma_wait3A_1059 = tpu.memref_slice %arg6[%add3A_689, %dma_wait3A_1058] : memref<65536x1024xf32, #tpu.memory_space<hbm>> -> memref<32x1024xf32, #tpu.memory_space<hbm>>
    %dma_wait3A_1060 = arith.constant 0 : i32
    %dma_wait3A_1061 = tpu.memref_slice %arg6[%add3A_689, %dma_wait3A_1060] : memref<65536x1024xf32, #tpu.memory_space<hbm>> -> memref<32x1024xf32, #tpu.memory_space<hbm>>
    tpu.wait_dma2 semaphore(%arg22 : memref<!tpu.dma_semaphore, #tpu.memory_space<semaphore_mem>>) src(%arg7 : memref<32x1024xf32, #tpu.memory_space<vmem>>) dst(%dma_wait3A_1061 : memref<32x1024xf32, #tpu.memory_space<hbm>>)
    %dma_wait3A_1062 = arith.constant 0 : i32
    %dma_wait3A_1063 = tpu.memref_slice %arg6[%add3A_695, %dma_wait3A_1062] : memref<65536x1024xf32, #tpu.memory_space<hbm>> -> memref<32x1024xf32, #tpu.memory_space<hbm>>
    %dma_wait3A_1064 = arith.constant 0 : i32
    %dma_wait3A_1065 = tpu.memref_slice %arg6[%add3A_695, %dma_wait3A_1064] : memref<65536x1024xf32, #tpu.memory_space<hbm>> -> memref<32x1024xf32, #tpu.memory_space<hbm>>
    tpu.wait_dma2 semaphore(%arg22 : memref<!tpu.dma_semaphore, #tpu.memory_space<semaphore_mem>>) src(%arg7 : memref<32x1024xf32, #tpu.memory_space<vmem>>) dst(%dma_wait3A_1065 : memref<32x1024xf32, #tpu.memory_space<hbm>>)
    %dma_wait3A_1066 = arith.constant 0 : i32
    %dma_wait3A_1067 = tpu.memref_slice %arg6[%add3A_701, %dma_wait3A_1066] : memref<65536x1024xf32, #tpu.memory_space<hbm>> -> memref<32x1024xf32, #tpu.memory_space<hbm>>
    %dma_wait3A_1068 = arith.constant 0 : i32
    %dma_wait3A_1069 = tpu.memref_slice %arg6[%add3A_701, %dma_wait3A_1068] : memref<65536x1024xf32, #tpu.memory_space<hbm>> -> memref<32x1024xf32, #tpu.memory_space<hbm>>
    tpu.wait_dma2 semaphore(%arg22 : memref<!tpu.dma_semaphore, #tpu.memory_space<semaphore_mem>>) src(%arg7 : memref<32x1024xf32, #tpu.memory_space<vmem>>) dst(%dma_wait3A_1069 : memref<32x1024xf32, #tpu.memory_space<hbm>>)
    %dma_wait3A_1070 = arith.constant 0 : i32
    %dma_wait3A_1071 = tpu.memref_slice %arg6[%add3A_707, %dma_wait3A_1070] : memref<65536x1024xf32, #tpu.memory_space<hbm>> -> memref<32x1024xf32, #tpu.memory_space<hbm>>
    %dma_wait3A_1072 = arith.constant 0 : i32
    %dma_wait3A_1073 = tpu.memref_slice %arg6[%add3A_707, %dma_wait3A_1072] : memref<65536x1024xf32, #tpu.memory_space<hbm>> -> memref<32x1024xf32, #tpu.memory_space<hbm>>
    tpu.wait_dma2 semaphore(%arg22 : memref<!tpu.dma_semaphore, #tpu.memory_space<semaphore_mem>>) src(%arg7 : memref<32x1024xf32, #tpu.memory_space<vmem>>) dst(%dma_wait3A_1073 : memref<32x1024xf32, #tpu.memory_space<hbm>>)
    %dma_wait3A_1074 = arith.constant 0 : i32
    %dma_wait3A_1075 = tpu.memref_slice %arg6[%add3A_713, %dma_wait3A_1074] : memref<65536x1024xf32, #tpu.memory_space<hbm>> -> memref<32x1024xf32, #tpu.memory_space<hbm>>
    %dma_wait3A_1076 = arith.constant 0 : i32
    %dma_wait3A_1077 = tpu.memref_slice %arg6[%add3A_713, %dma_wait3A_1076] : memref<65536x1024xf32, #tpu.memory_space<hbm>> -> memref<32x1024xf32, #tpu.memory_space<hbm>>
    tpu.wait_dma2 semaphore(%arg22 : memref<!tpu.dma_semaphore, #tpu.memory_space<semaphore_mem>>) src(%arg7 : memref<32x1024xf32, #tpu.memory_space<vmem>>) dst(%dma_wait3A_1077 : memref<32x1024xf32, #tpu.memory_space<hbm>>)
    %dma_wait3A_1078 = arith.constant 0 : i32
    %dma_wait3A_1079 = tpu.memref_slice %arg6[%add3A_719, %dma_wait3A_1078] : memref<65536x1024xf32, #tpu.memory_space<hbm>> -> memref<32x1024xf32, #tpu.memory_space<hbm>>
    %dma_wait3A_1080 = arith.constant 0 : i32
    %dma_wait3A_1081 = tpu.memref_slice %arg6[%add3A_719, %dma_wait3A_1080] : memref<65536x1024xf32, #tpu.memory_space<hbm>> -> memref<32x1024xf32, #tpu.memory_space<hbm>>
    tpu.wait_dma2 semaphore(%arg22 : memref<!tpu.dma_semaphore, #tpu.memory_space<semaphore_mem>>) src(%arg7 : memref<32x1024xf32, #tpu.memory_space<vmem>>) dst(%dma_wait3A_1081 : memref<32x1024xf32, #tpu.memory_space<hbm>>)
    %dma_wait3A_1082 = arith.constant 0 : i32
    %dma_wait3A_1083 = tpu.memref_slice %arg6[%add3A_725, %dma_wait3A_1082] : memref<65536x1024xf32, #tpu.memory_space<hbm>> -> memref<32x1024xf32, #tpu.memory_space<hbm>>
    %dma_wait3A_1084 = arith.constant 0 : i32
    %dma_wait3A_1085 = tpu.memref_slice %arg6[%add3A_725, %dma_wait3A_1084] : memref<65536x1024xf32, #tpu.memory_space<hbm>> -> memref<32x1024xf32, #tpu.memory_space<hbm>>
    tpu.wait_dma2 semaphore(%arg22 : memref<!tpu.dma_semaphore, #tpu.memory_space<semaphore_mem>>) src(%arg7 : memref<32x1024xf32, #tpu.memory_space<vmem>>) dst(%dma_wait3A_1085 : memref<32x1024xf32, #tpu.memory_space<hbm>>)
    %dma_wait3A_1086 = arith.constant 0 : i32
    %dma_wait3A_1087 = tpu.memref_slice %arg6[%add3A_731, %dma_wait3A_1086] : memref<65536x1024xf32, #tpu.memory_space<hbm>> -> memref<32x1024xf32, #tpu.memory_space<hbm>>
    %dma_wait3A_1088 = arith.constant 0 : i32
    %dma_wait3A_1089 = tpu.memref_slice %arg6[%add3A_731, %dma_wait3A_1088] : memref<65536x1024xf32, #tpu.memory_space<hbm>> -> memref<32x1024xf32, #tpu.memory_space<hbm>>
    tpu.wait_dma2 semaphore(%arg22 : memref<!tpu.dma_semaphore, #tpu.memory_space<semaphore_mem>>) src(%arg7 : memref<32x1024xf32, #tpu.memory_space<vmem>>) dst(%dma_wait3A_1089 : memref<32x1024xf32, #tpu.memory_space<hbm>>)
    %dma_wait3A_1090 = arith.constant 0 : i32
    %dma_wait3A_1091 = arith.constant 0 : i32
    %dma_wait3A_1092 = tpu.memref_slice %arg2[%add3A_737, %dma_wait3A_1091] : memref<4096x1024xf32, #tpu.memory_space<hbm>> -> memref<8x1024xf32, #tpu.memory_space<hbm>>
    %dma_wait3A_1093 = tpu.memref_slice %arg23[%dma_wait3A_1090] : memref<11x!tpu.dma_semaphore, #tpu.memory_space<semaphore_mem>> -> memref<1x!tpu.dma_semaphore, #tpu.memory_space<semaphore_mem>>
    %dma_wait3A_1094 = tpu.memref_squeeze %dma_wait3A_1093 : memref<1x!tpu.dma_semaphore, #tpu.memory_space<semaphore_mem>> -> memref<!tpu.dma_semaphore, #tpu.memory_space<semaphore_mem>>
    %dma_wait3A_1095 = arith.constant 0 : i32
    %dma_wait3A_1096 = tpu.memref_slice %arg2[%add3A_737, %dma_wait3A_1095] : memref<4096x1024xf32, #tpu.memory_space<hbm>> -> memref<8x1024xf32, #tpu.memory_space<hbm>>
    tpu.wait_dma2 semaphore(%dma_wait3A_1094 : memref<!tpu.dma_semaphore, #tpu.memory_space<semaphore_mem>>) src(%dma_wait3A_1096 : memref<8x1024xf32, #tpu.memory_space<hbm>>) dst(%arg11 : memref<8x1024xf32, #tpu.memory_space<vmem>>)
    %dma_start3A_1097 = arith.constant 0 : i32
    %dma_start3A_1098 = arith.constant 0 : i32
    %dma_start3A_1099 = arith.constant 0 : i32
    %dma_start3A_1100 = tpu.memref_slice %arg10[%dma_start3A_1097, %dma_start3A_1099] : memref<32x8xi32, #tpu.memory_space<vmem>> -> memref<1x8xi32, #tpu.memory_space<vmem>>
    %dma_start3A_1101 = tpu.memref_squeeze %dma_start3A_1100 : memref<1x8xi32, #tpu.memory_space<vmem>> -> memref<8xi32, #tpu.memory_space<vmem>>
    %dma_start3A_1102 = arith.constant 0 : i32
    %dma_start3A_1103 = arith.constant 0 : i32
    %dma_start3A_1104 = tpu.memref_slice %arg6[%dma_start3A_1102, %dma_start3A_1103] : memref<65536x1024xf32, #tpu.memory_space<hbm>> -> memref<65536x1024xf32, #tpu.memory_space<hbm>>
    %dma_start3A_1105 = tpu.memref_slice %arg24[%dma_start3A_1098] : memref<11x!tpu.dma_semaphore, #tpu.memory_space<semaphore_mem>> -> memref<1x!tpu.dma_semaphore, #tpu.memory_space<semaphore_mem>>
    %dma_start3A_1106 = tpu.memref_squeeze %dma_start3A_1105 : memref<1x!tpu.dma_semaphore, #tpu.memory_space<semaphore_mem>> -> memref<!tpu.dma_semaphore, #tpu.memory_space<semaphore_mem>>
    tpu.enqueue_indirect_dma source(%arg11 : memref<8x1024xf32, #tpu.memory_space<vmem>>) target(%dma_start3A_1104 : memref<65536x1024xf32, #tpu.memory_space<hbm>>) offsets(%dma_start3A_1101 : memref<8xi32, #tpu.memory_space<vmem>>) semaphore(%dma_start3A_1106 : memref<!tpu.dma_semaphore, #tpu.memory_space<semaphore_mem>>)
    %dma_start3A_1107 = arith.constant 1 : i32
    %dma_start3A_1108 = arith.constant 0 : i32
    %dma_start3A_1109 = arith.constant 0 : i32
    %dma_start3A_1110 = tpu.memref_slice %arg10[%dma_start3A_1107, %dma_start3A_1109] : memref<32x8xi32, #tpu.memory_space<vmem>> -> memref<1x8xi32, #tpu.memory_space<vmem>>
    %dma_start3A_1111 = tpu.memref_squeeze %dma_start3A_1110 : memref<1x8xi32, #tpu.memory_space<vmem>> -> memref<8xi32, #tpu.memory_space<vmem>>
    %dma_start3A_1112 = arith.constant 0 : i32
    %dma_start3A_1113 = arith.constant 0 : i32
    %dma_start3A_1114 = tpu.memref_slice %arg6[%dma_start3A_1112, %dma_start3A_1113] : memref<65536x1024xf32, #tpu.memory_space<hbm>> -> memref<65536x1024xf32, #tpu.memory_space<hbm>>
    %dma_start3A_1115 = tpu.memref_slice %arg24[%dma_start3A_1108] : memref<11x!tpu.dma_semaphore, #tpu.memory_space<semaphore_mem>> -> memref<1x!tpu.dma_semaphore, #tpu.memory_space<semaphore_mem>>
    %dma_start3A_1116 = tpu.memref_squeeze %dma_start3A_1115 : memref<1x!tpu.dma_semaphore, #tpu.memory_space<semaphore_mem>> -> memref<!tpu.dma_semaphore, #tpu.memory_space<semaphore_mem>>
    tpu.enqueue_indirect_dma source(%arg11 : memref<8x1024xf32, #tpu.memory_space<vmem>>) target(%dma_start3A_1114 : memref<65536x1024xf32, #tpu.memory_space<hbm>>) offsets(%dma_start3A_1111 : memref<8xi32, #tpu.memory_space<vmem>>) semaphore(%dma_start3A_1116 : memref<!tpu.dma_semaphore, #tpu.memory_space<semaphore_mem>>)
    %dma_wait3A_1117 = arith.constant 0 : i32
    %dma_wait3A_1118 = arith.constant 0 : i32
    %dma_wait3A_1119 = arith.constant 0 : i32
    %dma_wait3A_1120 = tpu.memref_slice %arg10[%dma_wait3A_1117, %dma_wait3A_1119] : memref<32x8xi32, #tpu.memory_space<vmem>> -> memref<1x8xi32, #tpu.memory_space<vmem>>
    %dma_wait3A_1121 = tpu.memref_squeeze %dma_wait3A_1120 : memref<1x8xi32, #tpu.memory_space<vmem>> -> memref<8xi32, #tpu.memory_space<vmem>>
    %dma_wait3A_1122 = arith.constant 0 : i32
    %dma_wait3A_1123 = arith.constant 0 : i32
    %dma_wait3A_1124 = tpu.memref_slice %arg6[%dma_wait3A_1122, %dma_wait3A_1123] : memref<65536x1024xf32, #tpu.memory_space<hbm>> -> memref<65536x1024xf32, #tpu.memory_space<hbm>>
    %dma_wait3A_1125 = tpu.memref_slice %arg24[%dma_wait3A_1118] : memref<11x!tpu.dma_semaphore, #tpu.memory_space<semaphore_mem>> -> memref<1x!tpu.dma_semaphore, #tpu.memory_space<semaphore_mem>>
    %dma_wait3A_1126 = tpu.memref_squeeze %dma_wait3A_1125 : memref<1x!tpu.dma_semaphore, #tpu.memory_space<semaphore_mem>> -> memref<!tpu.dma_semaphore, #tpu.memory_space<semaphore_mem>>
    tpu.wait_indirect_dma semaphore(%dma_wait3A_1126 : memref<!tpu.dma_semaphore, #tpu.memory_space<semaphore_mem>>) src(%arg11 : memref<8x1024xf32, #tpu.memory_space<vmem>>) dst(%dma_wait3A_1124 : memref<65536x1024xf32, #tpu.memory_space<hbm>>)
    %dma_wait3A_1127 = arith.constant 1 : i32
    %dma_wait3A_1128 = arith.constant 0 : i32
    %dma_wait3A_1129 = arith.constant 0 : i32
    %dma_wait3A_1130 = tpu.memref_slice %arg10[%dma_wait3A_1127, %dma_wait3A_1129] : memref<32x8xi32, #tpu.memory_space<vmem>> -> memref<1x8xi32, #tpu.memory_space<vmem>>
    %dma_wait3A_1131 = tpu.memref_squeeze %dma_wait3A_1130 : memref<1x8xi32, #tpu.memory_space<vmem>> -> memref<8xi32, #tpu.memory_space<vmem>>
    %dma_wait3A_1132 = arith.constant 0 : i32
    %dma_wait3A_1133 = arith.constant 0 : i32
    %dma_wait3A_1134 = tpu.memref_slice %arg6[%dma_wait3A_1132, %dma_wait3A_1133] : memref<65536x1024xf32, #tpu.memory_space<hbm>> -> memref<65536x1024xf32, #tpu.memory_space<hbm>>
    %dma_wait3A_1135 = tpu.memref_slice %arg24[%dma_wait3A_1128] : memref<11x!tpu.dma_semaphore, #tpu.memory_space<semaphore_mem>> -> memref<1x!tpu.dma_semaphore, #tpu.memory_space<semaphore_mem>>
    %dma_wait3A_1136 = tpu.memref_squeeze %dma_wait3A_1135 : memref<1x!tpu.dma_semaphore, #tpu.memory_space<semaphore_mem>> -> memref<!tpu.dma_semaphore, #tpu.memory_space<semaphore_mem>>
    tpu.wait_indirect_dma semaphore(%dma_wait3A_1136 : memref<!tpu.dma_semaphore, #tpu.memory_space<semaphore_mem>>) src(%arg11 : memref<8x1024xf32, #tpu.memory_space<vmem>>) dst(%dma_wait3A_1134 : memref<65536x1024xf32, #tpu.memory_space<hbm>>)
    %add3A_1137 = arith.constant 88 : i32
    %add3A_1138 = arith.addi %multiple_of3A_19, %add3A_1137 : i32
    %dma_start3A_1139 = arith.constant 0 : i32
    %dma_start3A_1140 = arith.constant 0 : i32
    %dma_start3A_1141 = tpu.memref_slice %arg2[%add3A_1138, %dma_start3A_1140] : memref<4096x1024xf32, #tpu.memory_space<hbm>> -> memref<8x1024xf32, #tpu.memory_space<hbm>>
    %dma_start3A_1142 = tpu.memref_slice %arg23[%dma_start3A_1139] : memref<11x!tpu.dma_semaphore, #tpu.memory_space<semaphore_mem>> -> memref<1x!tpu.dma_semaphore, #tpu.memory_space<semaphore_mem>>
    %dma_start3A_1143 = tpu.memref_squeeze %dma_start3A_1142 : memref<1x!tpu.dma_semaphore, #tpu.memory_space<semaphore_mem>> -> memref<!tpu.dma_semaphore, #tpu.memory_space<semaphore_mem>>
    %dma_start3A_1144 = arith.constant 0 : i32
    %dma_start3A_1145 = tpu.memref_slice %arg2[%add3A_1138, %dma_start3A_1144] : memref<4096x1024xf32, #tpu.memory_space<hbm>> -> memref<8x1024xf32, #tpu.memory_space<hbm>>
    tpu.enqueue_dma source(%dma_start3A_1145 : memref<8x1024xf32, #tpu.memory_space<hbm>>) target(%arg11 : memref<8x1024xf32, #tpu.memory_space<vmem>>) target_semaphore(%dma_start3A_1143 : memref<!tpu.dma_semaphore, #tpu.memory_space<semaphore_mem>>)
    %dma_wait3A_1146 = arith.constant 1 : i32
    %dma_wait3A_1147 = arith.constant 0 : i32
    %dma_wait3A_1148 = tpu.memref_slice %arg2[%add3A_746, %dma_wait3A_1147] : memref<4096x1024xf32, #tpu.memory_space<hbm>> -> memref<8x1024xf32, #tpu.memory_space<hbm>>
    %dma_wait3A_1149 = tpu.memref_slice %arg23[%dma_wait3A_1146] : memref<11x!tpu.dma_semaphore, #tpu.memory_space<semaphore_mem>> -> memref<1x!tpu.dma_semaphore, #tpu.memory_space<semaphore_mem>>
    %dma_wait3A_1150 = tpu.memref_squeeze %dma_wait3A_1149 : memref<1x!tpu.dma_semaphore, #tpu.memory_space<semaphore_mem>> -> memref<!tpu.dma_semaphore, #tpu.memory_space<semaphore_mem>>
    %dma_wait3A_1151 = arith.constant 0 : i32
    %dma_wait3A_1152 = tpu.memref_slice %arg2[%add3A_746, %dma_wait3A_1151] : memref<4096x1024xf32, #tpu.memory_space<hbm>> -> memref<8x1024xf32, #tpu.memory_space<hbm>>
    tpu.wait_dma2 semaphore(%dma_wait3A_1150 : memref<!tpu.dma_semaphore, #tpu.memory_space<semaphore_mem>>) src(%dma_wait3A_1152 : memref<8x1024xf32, #tpu.memory_space<hbm>>) dst(%arg12 : memref<8x1024xf32, #tpu.memory_space<vmem>>)
    %dma_start3A_1153 = arith.constant 2 : i32
    %dma_start3A_1154 = arith.constant 1 : i32
    %dma_start3A_1155 = arith.constant 0 : i32
    %dma_start3A_1156 = tpu.memref_slice %arg10[%dma_start3A_1153, %dma_start3A_1155] : memref<32x8xi32, #tpu.memory_space<vmem>> -> memref<1x8xi32, #tpu.memory_space<vmem>>
    %dma_start3A_1157 = tpu.memref_squeeze %dma_start3A_1156 : memref<1x8xi32, #tpu.memory_space<vmem>> -> memref<8xi32, #tpu.memory_space<vmem>>
    %dma_start3A_1158 = arith.constant 0 : i32
    %dma_start3A_1159 = arith.constant 0 : i32
    %dma_start3A_1160 = tpu.memref_slice %arg6[%dma_start3A_1158, %dma_start3A_1159] : memref<65536x1024xf32, #tpu.memory_space<hbm>> -> memref<65536x1024xf32, #tpu.memory_space<hbm>>
    %dma_start3A_1161 = tpu.memref_slice %arg24[%dma_start3A_1154] : memref<11x!tpu.dma_semaphore, #tpu.memory_space<semaphore_mem>> -> memref<1x!tpu.dma_semaphore, #tpu.memory_space<semaphore_mem>>
    %dma_start3A_1162 = tpu.memref_squeeze %dma_start3A_1161 : memref<1x!tpu.dma_semaphore, #tpu.memory_space<semaphore_mem>> -> memref<!tpu.dma_semaphore, #tpu.memory_space<semaphore_mem>>
    tpu.enqueue_indirect_dma source(%arg12 : memref<8x1024xf32, #tpu.memory_space<vmem>>) target(%dma_start3A_1160 : memref<65536x1024xf32, #tpu.memory_space<hbm>>) offsets(%dma_start3A_1157 : memref<8xi32, #tpu.memory_space<vmem>>) semaphore(%dma_start3A_1162 : memref<!tpu.dma_semaphore, #tpu.memory_space<semaphore_mem>>)
    %dma_start3A_1163 = arith.constant 3 : i32
    %dma_start3A_1164 = arith.constant 1 : i32
    %dma_start3A_1165 = arith.constant 0 : i32
    %dma_start3A_1166 = tpu.memref_slice %arg10[%dma_start3A_1163, %dma_start3A_1165] : memref<32x8xi32, #tpu.memory_space<vmem>> -> memref<1x8xi32, #tpu.memory_space<vmem>>
    %dma_start3A_1167 = tpu.memref_squeeze %dma_start3A_1166 : memref<1x8xi32, #tpu.memory_space<vmem>> -> memref<8xi32, #tpu.memory_space<vmem>>
    %dma_start3A_1168 = arith.constant 0 : i32
    %dma_start3A_1169 = arith.constant 0 : i32
    %dma_start3A_1170 = tpu.memref_slice %arg6[%dma_start3A_1168, %dma_start3A_1169] : memref<65536x1024xf32, #tpu.memory_space<hbm>> -> memref<65536x1024xf32, #tpu.memory_space<hbm>>
    %dma_start3A_1171 = tpu.memref_slice %arg24[%dma_start3A_1164] : memref<11x!tpu.dma_semaphore, #tpu.memory_space<semaphore_mem>> -> memref<1x!tpu.dma_semaphore, #tpu.memory_space<semaphore_mem>>
    %dma_start3A_1172 = tpu.memref_squeeze %dma_start3A_1171 : memref<1x!tpu.dma_semaphore, #tpu.memory_space<semaphore_mem>> -> memref<!tpu.dma_semaphore, #tpu.memory_space<semaphore_mem>>
    tpu.enqueue_indirect_dma source(%arg12 : memref<8x1024xf32, #tpu.memory_space<vmem>>) target(%dma_start3A_1170 : memref<65536x1024xf32, #tpu.memory_space<hbm>>) offsets(%dma_start3A_1167 : memref<8xi32, #tpu.memory_space<vmem>>) semaphore(%dma_start3A_1172 : memref<!tpu.dma_semaphore, #tpu.memory_space<semaphore_mem>>)
    %dma_wait3A_1173 = arith.constant 2 : i32
    %dma_wait3A_1174 = arith.constant 1 : i32
    %dma_wait3A_1175 = arith.constant 0 : i32
    %dma_wait3A_1176 = tpu.memref_slice %arg10[%dma_wait3A_1173, %dma_wait3A_1175] : memref<32x8xi32, #tpu.memory_space<vmem>> -> memref<1x8xi32, #tpu.memory_space<vmem>>
    %dma_wait3A_1177 = tpu.memref_squeeze %dma_wait3A_1176 : memref<1x8xi32, #tpu.memory_space<vmem>> -> memref<8xi32, #tpu.memory_space<vmem>>
    %dma_wait3A_1178 = arith.constant 0 : i32
    %dma_wait3A_1179 = arith.constant 0 : i32
    %dma_wait3A_1180 = tpu.memref_slice %arg6[%dma_wait3A_1178, %dma_wait3A_1179] : memref<65536x1024xf32, #tpu.memory_space<hbm>> -> memref<65536x1024xf32, #tpu.memory_space<hbm>>
    %dma_wait3A_1181 = tpu.memref_slice %arg24[%dma_wait3A_1174] : memref<11x!tpu.dma_semaphore, #tpu.memory_space<semaphore_mem>> -> memref<1x!tpu.dma_semaphore, #tpu.memory_space<semaphore_mem>>
    %dma_wait3A_1182 = tpu.memref_squeeze %dma_wait3A_1181 : memref<1x!tpu.dma_semaphore, #tpu.memory_space<semaphore_mem>> -> memref<!tpu.dma_semaphore, #tpu.memory_space<semaphore_mem>>
    tpu.wait_indirect_dma semaphore(%dma_wait3A_1182 : memref<!tpu.dma_semaphore, #tpu.memory_space<semaphore_mem>>) src(%arg12 : memref<8x1024xf32, #tpu.memory_space<vmem>>) dst(%dma_wait3A_1180 : memref<65536x1024xf32, #tpu.memory_space<hbm>>)
    %dma_wait3A_1183 = arith.constant 3 : i32
    %dma_wait3A_1184 = arith.constant 1 : i32
    %dma_wait3A_1185 = arith.constant 0 : i32
    %dma_wait3A_1186 = tpu.memref_slice %arg10[%dma_wait3A_1183, %dma_wait3A_1185] : memref<32x8xi32, #tpu.memory_space<vmem>> -> memref<1x8xi32, #tpu.memory_space<vmem>>
    %dma_wait3A_1187 = tpu.memref_squeeze %dma_wait3A_1186 : memref<1x8xi32, #tpu.memory_space<vmem>> -> memref<8xi32, #tpu.memory_space<vmem>>
    %dma_wait3A_1188 = arith.constant 0 : i32
    %dma_wait3A_1189 = arith.constant 0 : i32
    %dma_wait3A_1190 = tpu.memref_slice %arg6[%dma_wait3A_1188, %dma_wait3A_1189] : memref<65536x1024xf32, #tpu.memory_space<hbm>> -> memref<65536x1024xf32, #tpu.memory_space<hbm>>
    %dma_wait3A_1191 = tpu.memref_slice %arg24[%dma_wait3A_1184] : memref<11x!tpu.dma_semaphore, #tpu.memory_space<semaphore_mem>> -> memref<1x!tpu.dma_semaphore, #tpu.memory_space<semaphore_mem>>
    %dma_wait3A_1192 = tpu.memref_squeeze %dma_wait3A_1191 : memref<1x!tpu.dma_semaphore, #tpu.memory_space<semaphore_mem>> -> memref<!tpu.dma_semaphore, #tpu.memory_space<semaphore_mem>>
    tpu.wait_indirect_dma semaphore(%dma_wait3A_1192 : memref<!tpu.dma_semaphore, #tpu.memory_space<semaphore_mem>>) src(%arg12 : memref<8x1024xf32, #tpu.memory_space<vmem>>) dst(%dma_wait3A_1190 : memref<65536x1024xf32, #tpu.memory_space<hbm>>)
    %add3A_1193 = arith.constant 96 : i32
    %add3A_1194 = arith.addi %multiple_of3A_19, %add3A_1193 : i32
    %dma_start3A_1195 = arith.constant 1 : i32
    %dma_start3A_1196 = arith.constant 0 : i32
    %dma_start3A_1197 = tpu.memref_slice %arg2[%add3A_1194, %dma_start3A_1196] : memref<4096x1024xf32, #tpu.memory_space<hbm>> -> memref<8x1024xf32, #tpu.memory_space<hbm>>
    %dma_start3A_1198 = tpu.memref_slice %arg23[%dma_start3A_1195] : memref<11x!tpu.dma_semaphore, #tpu.memory_space<semaphore_mem>> -> memref<1x!tpu.dma_semaphore, #tpu.memory_space<semaphore_mem>>
    %dma_start3A_1199 = tpu.memref_squeeze %dma_start3A_1198 : memref<1x!tpu.dma_semaphore, #tpu.memory_space<semaphore_mem>> -> memref<!tpu.dma_semaphore, #tpu.memory_space<semaphore_mem>>
    %dma_start3A_1200 = arith.constant 0 : i32
    %dma_start3A_1201 = tpu.memref_slice %arg2[%add3A_1194, %dma_start3A_1200] : memref<4096x1024xf32, #tpu.memory_space<hbm>> -> memref<8x1024xf32, #tpu.memory_space<hbm>>
    tpu.enqueue_dma source(%dma_start3A_1201 : memref<8x1024xf32, #tpu.memory_space<hbm>>) target(%arg12 : memref<8x1024xf32, #tpu.memory_space<vmem>>) target_semaphore(%dma_start3A_1199 : memref<!tpu.dma_semaphore, #tpu.memory_space<semaphore_mem>>)
    %dma_wait3A_1202 = arith.constant 2 : i32
    %dma_wait3A_1203 = arith.constant 0 : i32
    %dma_wait3A_1204 = tpu.memref_slice %arg2[%add3A_755, %dma_wait3A_1203] : memref<4096x1024xf32, #tpu.memory_space<hbm>> -> memref<8x1024xf32, #tpu.memory_space<hbm>>
    %dma_wait3A_1205 = tpu.memref_slice %arg23[%dma_wait3A_1202] : memref<11x!tpu.dma_semaphore, #tpu.memory_space<semaphore_mem>> -> memref<1x!tpu.dma_semaphore, #tpu.memory_space<semaphore_mem>>
    %dma_wait3A_1206 = tpu.memref_squeeze %dma_wait3A_1205 : memref<1x!tpu.dma_semaphore, #tpu.memory_space<semaphore_mem>> -> memref<!tpu.dma_semaphore, #tpu.memory_space<semaphore_mem>>
    %dma_wait3A_1207 = arith.constant 0 : i32
    %dma_wait3A_1208 = tpu.memref_slice %arg2[%add3A_755, %dma_wait3A_1207] : memref<4096x1024xf32, #tpu.memory_space<hbm>> -> memref<8x1024xf32, #tpu.memory_space<hbm>>
    tpu.wait_dma2 semaphore(%dma_wait3A_1206 : memref<!tpu.dma_semaphore, #tpu.memory_space<semaphore_mem>>) src(%dma_wait3A_1208 : memref<8x1024xf32, #tpu.memory_space<hbm>>) dst(%arg13 : memref<8x1024xf32, #tpu.memory_space<vmem>>)
    %dma_start3A_1209 = arith.constant 4 : i32
    %dma_start3A_1210 = arith.constant 2 : i32
    %dma_start3A_1211 = arith.constant 0 : i32
    %dma_start3A_1212 = tpu.memref_slice %arg10[%dma_start3A_1209, %dma_start3A_1211] : memref<32x8xi32, #tpu.memory_space<vmem>> -> memref<1x8xi32, #tpu.memory_space<vmem>>
    %dma_start3A_1213 = tpu.memref_squeeze %dma_start3A_1212 : memref<1x8xi32, #tpu.memory_space<vmem>> -> memref<8xi32, #tpu.memory_space<vmem>>
    %dma_start3A_1214 = arith.constant 0 : i32
    %dma_start3A_1215 = arith.constant 0 : i32
    %dma_start3A_1216 = tpu.memref_slice %arg6[%dma_start3A_1214, %dma_start3A_1215] : memref<65536x1024xf32, #tpu.memory_space<hbm>> -> memref<65536x1024xf32, #tpu.memory_space<hbm>>
    %dma_start3A_1217 = tpu.memref_slice %arg24[%dma_start3A_1210] : memref<11x!tpu.dma_semaphore, #tpu.memory_space<semaphore_mem>> -> memref<1x!tpu.dma_semaphore, #tpu.memory_space<semaphore_mem>>
    %dma_start3A_1218 = tpu.memref_squeeze %dma_start3A_1217 : memref<1x!tpu.dma_semaphore, #tpu.memory_space<semaphore_mem>> -> memref<!tpu.dma_semaphore, #tpu.memory_space<semaphore_mem>>
    tpu.enqueue_indirect_dma source(%arg13 : memref<8x1024xf32, #tpu.memory_space<vmem>>) target(%dma_start3A_1216 : memref<65536x1024xf32, #tpu.memory_space<hbm>>) offsets(%dma_start3A_1213 : memref<8xi32, #tpu.memory_space<vmem>>) semaphore(%dma_start3A_1218 : memref<!tpu.dma_semaphore, #tpu.memory_space<semaphore_mem>>)
    %dma_start3A_1219 = arith.constant 5 : i32
    %dma_start3A_1220 = arith.constant 2 : i32
    %dma_start3A_1221 = arith.constant 0 : i32
    %dma_start3A_1222 = tpu.memref_slice %arg10[%dma_start3A_1219, %dma_start3A_1221] : memref<32x8xi32, #tpu.memory_space<vmem>> -> memref<1x8xi32, #tpu.memory_space<vmem>>
    %dma_start3A_1223 = tpu.memref_squeeze %dma_start3A_1222 : memref<1x8xi32, #tpu.memory_space<vmem>> -> memref<8xi32, #tpu.memory_space<vmem>>
    %dma_start3A_1224 = arith.constant 0 : i32
    %dma_start3A_1225 = arith.constant 0 : i32
    %dma_start3A_1226 = tpu.memref_slice %arg6[%dma_start3A_1224, %dma_start3A_1225] : memref<65536x1024xf32, #tpu.memory_space<hbm>> -> memref<65536x1024xf32, #tpu.memory_space<hbm>>
    %dma_start3A_1227 = tpu.memref_slice %arg24[%dma_start3A_1220] : memref<11x!tpu.dma_semaphore, #tpu.memory_space<semaphore_mem>> -> memref<1x!tpu.dma_semaphore, #tpu.memory_space<semaphore_mem>>
    %dma_start3A_1228 = tpu.memref_squeeze %dma_start3A_1227 : memref<1x!tpu.dma_semaphore, #tpu.memory_space<semaphore_mem>> -> memref<!tpu.dma_semaphore, #tpu.memory_space<semaphore_mem>>
    tpu.enqueue_indirect_dma source(%arg13 : memref<8x1024xf32, #tpu.memory_space<vmem>>) target(%dma_start3A_1226 : memref<65536x1024xf32, #tpu.memory_space<hbm>>) offsets(%dma_start3A_1223 : memref<8xi32, #tpu.memory_space<vmem>>) semaphore(%dma_start3A_1228 : memref<!tpu.dma_semaphore, #tpu.memory_space<semaphore_mem>>)
    %dma_wait3A_1229 = arith.constant 4 : i32
    %dma_wait3A_1230 = arith.constant 2 : i32
    %dma_wait3A_1231 = arith.constant 0 : i32
    %dma_wait3A_1232 = tpu.memref_slice %arg10[%dma_wait3A_1229, %dma_wait3A_1231] : memref<32x8xi32, #tpu.memory_space<vmem>> -> memref<1x8xi32, #tpu.memory_space<vmem>>
    %dma_wait3A_1233 = tpu.memref_squeeze %dma_wait3A_1232 : memref<1x8xi32, #tpu.memory_space<vmem>> -> memref<8xi32, #tpu.memory_space<vmem>>
    %dma_wait3A_1234 = arith.constant 0 : i32
    %dma_wait3A_1235 = arith.constant 0 : i32
    %dma_wait3A_1236 = tpu.memref_slice %arg6[%dma_wait3A_1234, %dma_wait3A_1235] : memref<65536x1024xf32, #tpu.memory_space<hbm>> -> memref<65536x1024xf32, #tpu.memory_space<hbm>>
    %dma_wait3A_1237 = tpu.memref_slice %arg24[%dma_wait3A_1230] : memref<11x!tpu.dma_semaphore, #tpu.memory_space<semaphore_mem>> -> memref<1x!tpu.dma_semaphore, #tpu.memory_space<semaphore_mem>>
    %dma_wait3A_1238 = tpu.memref_squeeze %dma_wait3A_1237 : memref<1x!tpu.dma_semaphore, #tpu.memory_space<semaphore_mem>> -> memref<!tpu.dma_semaphore, #tpu.memory_space<semaphore_mem>>
    tpu.wait_indirect_dma semaphore(%dma_wait3A_1238 : memref<!tpu.dma_semaphore, #tpu.memory_space<semaphore_mem>>) src(%arg13 : memref<8x1024xf32, #tpu.memory_space<vmem>>) dst(%dma_wait3A_1236 : memref<65536x1024xf32, #tpu.memory_space<hbm>>)
    %dma_wait3A_1239 = arith.constant 5 : i32
    %dma_wait3A_1240 = arith.constant 2 : i32
    %dma_wait3A_1241 = arith.constant 0 : i32
    %dma_wait3A_1242 = tpu.memref_slice %arg10[%dma_wait3A_1239, %dma_wait3A_1241] : memref<32x8xi32, #tpu.memory_space<vmem>> -> memref<1x8xi32, #tpu.memory_space<vmem>>
    %dma_wait3A_1243 = tpu.memref_squeeze %dma_wait3A_1242 : memref<1x8xi32, #tpu.memory_space<vmem>> -> memref<8xi32, #tpu.memory_space<vmem>>
    %dma_wait3A_1244 = arith.constant 0 : i32
    %dma_wait3A_1245 = arith.constant 0 : i32
    %dma_wait3A_1246 = tpu.memref_slice %arg6[%dma_wait3A_1244, %dma_wait3A_1245] : memref<65536x1024xf32, #tpu.memory_space<hbm>> -> memref<65536x1024xf32, #tpu.memory_space<hbm>>
    %dma_wait3A_1247 = tpu.memref_slice %arg24[%dma_wait3A_1240] : memref<11x!tpu.dma_semaphore, #tpu.memory_space<semaphore_mem>> -> memref<1x!tpu.dma_semaphore, #tpu.memory_space<semaphore_mem>>
    %dma_wait3A_1248 = tpu.memref_squeeze %dma_wait3A_1247 : memref<1x!tpu.dma_semaphore, #tpu.memory_space<semaphore_mem>> -> memref<!tpu.dma_semaphore, #tpu.memory_space<semaphore_mem>>
    tpu.wait_indirect_dma semaphore(%dma_wait3A_1248 : memref<!tpu.dma_semaphore, #tpu.memory_space<semaphore_mem>>) src(%arg13 : memref<8x1024xf32, #tpu.memory_space<vmem>>) dst(%dma_wait3A_1246 : memref<65536x1024xf32, #tpu.memory_space<hbm>>)
    %add3A_1249 = arith.constant 104 : i32
    %add3A_1250 = arith.addi %multiple_of3A_19, %add3A_1249 : i32
    %dma_start3A_1251 = arith.constant 2 : i32
    %dma_start3A_1252 = arith.constant 0 : i32
    %dma_start3A_1253 = tpu.memref_slice %arg2[%add3A_1250, %dma_start3A_1252] : memref<4096x1024xf32, #tpu.memory_space<hbm>> -> memref<8x1024xf32, #tpu.memory_space<hbm>>
    %dma_start3A_1254 = tpu.memref_slice %arg23[%dma_start3A_1251] : memref<11x!tpu.dma_semaphore, #tpu.memory_space<semaphore_mem>> -> memref<1x!tpu.dma_semaphore, #tpu.memory_space<semaphore_mem>>
    %dma_start3A_1255 = tpu.memref_squeeze %dma_start3A_1254 : memref<1x!tpu.dma_semaphore, #tpu.memory_space<semaphore_mem>> -> memref<!tpu.dma_semaphore, #tpu.memory_space<semaphore_mem>>
    %dma_start3A_1256 = arith.constant 0 : i32
    %dma_start3A_1257 = tpu.memref_slice %arg2[%add3A_1250, %dma_start3A_1256] : memref<4096x1024xf32, #tpu.memory_space<hbm>> -> memref<8x1024xf32, #tpu.memory_space<hbm>>
    tpu.enqueue_dma source(%dma_start3A_1257 : memref<8x1024xf32, #tpu.memory_space<hbm>>) target(%arg13 : memref<8x1024xf32, #tpu.memory_space<vmem>>) target_semaphore(%dma_start3A_1255 : memref<!tpu.dma_semaphore, #tpu.memory_space<semaphore_mem>>)
    %dma_wait3A_1258 = arith.constant 3 : i32
    %dma_wait3A_1259 = arith.constant 0 : i32
    %dma_wait3A_1260 = tpu.memref_slice %arg2[%add3A_764, %dma_wait3A_1259] : memref<4096x1024xf32, #tpu.memory_space<hbm>> -> memref<8x1024xf32, #tpu.memory_space<hbm>>
    %dma_wait3A_1261 = tpu.memref_slice %arg23[%dma_wait3A_1258] : memref<11x!tpu.dma_semaphore, #tpu.memory_space<semaphore_mem>> -> memref<1x!tpu.dma_semaphore, #tpu.memory_space<semaphore_mem>>
    %dma_wait3A_1262 = tpu.memref_squeeze %dma_wait3A_1261 : memref<1x!tpu.dma_semaphore, #tpu.memory_space<semaphore_mem>> -> memref<!tpu.dma_semaphore, #tpu.memory_space<semaphore_mem>>
    %dma_wait3A_1263 = arith.constant 0 : i32
    %dma_wait3A_1264 = tpu.memref_slice %arg2[%add3A_764, %dma_wait3A_1263] : memref<4096x1024xf32, #tpu.memory_space<hbm>> -> memref<8x1024xf32, #tpu.memory_space<hbm>>
    tpu.wait_dma2 semaphore(%dma_wait3A_1262 : memref<!tpu.dma_semaphore, #tpu.memory_space<semaphore_mem>>) src(%dma_wait3A_1264 : memref<8x1024xf32, #tpu.memory_space<hbm>>) dst(%arg14 : memref<8x1024xf32, #tpu.memory_space<vmem>>)
    %dma_start3A_1265 = arith.constant 6 : i32
    %dma_start3A_1266 = arith.constant 3 : i32
    %dma_start3A_1267 = arith.constant 0 : i32
    %dma_start3A_1268 = tpu.memref_slice %arg10[%dma_start3A_1265, %dma_start3A_1267] : memref<32x8xi32, #tpu.memory_space<vmem>> -> memref<1x8xi32, #tpu.memory_space<vmem>>
    %dma_start3A_1269 = tpu.memref_squeeze %dma_start3A_1268 : memref<1x8xi32, #tpu.memory_space<vmem>> -> memref<8xi32, #tpu.memory_space<vmem>>
    %dma_start3A_1270 = arith.constant 0 : i32
    %dma_start3A_1271 = arith.constant 0 : i32
    %dma_start3A_1272 = tpu.memref_slice %arg6[%dma_start3A_1270, %dma_start3A_1271] : memref<65536x1024xf32, #tpu.memory_space<hbm>> -> memref<65536x1024xf32, #tpu.memory_space<hbm>>
    %dma_start3A_1273 = tpu.memref_slice %arg24[%dma_start3A_1266] : memref<11x!tpu.dma_semaphore, #tpu.memory_space<semaphore_mem>> -> memref<1x!tpu.dma_semaphore, #tpu.memory_space<semaphore_mem>>
    %dma_start3A_1274 = tpu.memref_squeeze %dma_start3A_1273 : memref<1x!tpu.dma_semaphore, #tpu.memory_space<semaphore_mem>> -> memref<!tpu.dma_semaphore, #tpu.memory_space<semaphore_mem>>
    tpu.enqueue_indirect_dma source(%arg14 : memref<8x1024xf32, #tpu.memory_space<vmem>>) target(%dma_start3A_1272 : memref<65536x1024xf32, #tpu.memory_space<hbm>>) offsets(%dma_start3A_1269 : memref<8xi32, #tpu.memory_space<vmem>>) semaphore(%dma_start3A_1274 : memref<!tpu.dma_semaphore, #tpu.memory_space<semaphore_mem>>)
    %dma_start3A_1275 = arith.constant 7 : i32
    %dma_start3A_1276 = arith.constant 3 : i32
    %dma_start3A_1277 = arith.constant 0 : i32
    %dma_start3A_1278 = tpu.memref_slice %arg10[%dma_start3A_1275, %dma_start3A_1277] : memref<32x8xi32, #tpu.memory_space<vmem>> -> memref<1x8xi32, #tpu.memory_space<vmem>>
    %dma_start3A_1279 = tpu.memref_squeeze %dma_start3A_1278 : memref<1x8xi32, #tpu.memory_space<vmem>> -> memref<8xi32, #tpu.memory_space<vmem>>
    %dma_start3A_1280 = arith.constant 0 : i32
    %dma_start3A_1281 = arith.constant 0 : i32
    %dma_start3A_1282 = tpu.memref_slice %arg6[%dma_start3A_1280, %dma_start3A_1281] : memref<65536x1024xf32, #tpu.memory_space<hbm>> -> memref<65536x1024xf32, #tpu.memory_space<hbm>>
    %dma_start3A_1283 = tpu.memref_slice %arg24[%dma_start3A_1276] : memref<11x!tpu.dma_semaphore, #tpu.memory_space<semaphore_mem>> -> memref<1x!tpu.dma_semaphore, #tpu.memory_space<semaphore_mem>>
    %dma_start3A_1284 = tpu.memref_squeeze %dma_start3A_1283 : memref<1x!tpu.dma_semaphore, #tpu.memory_space<semaphore_mem>> -> memref<!tpu.dma_semaphore, #tpu.memory_space<semaphore_mem>>
    tpu.enqueue_indirect_dma source(%arg14 : memref<8x1024xf32, #tpu.memory_space<vmem>>) target(%dma_start3A_1282 : memref<65536x1024xf32, #tpu.memory_space<hbm>>) offsets(%dma_start3A_1279 : memref<8xi32, #tpu.memory_space<vmem>>) semaphore(%dma_start3A_1284 : memref<!tpu.dma_semaphore, #tpu.memory_space<semaphore_mem>>)
    %dma_wait3A_1285 = arith.constant 6 : i32
    %dma_wait3A_1286 = arith.constant 3 : i32
    %dma_wait3A_1287 = arith.constant 0 : i32
    %dma_wait3A_1288 = tpu.memref_slice %arg10[%dma_wait3A_1285, %dma_wait3A_1287] : memref<32x8xi32, #tpu.memory_space<vmem>> -> memref<1x8xi32, #tpu.memory_space<vmem>>
    %dma_wait3A_1289 = tpu.memref_squeeze %dma_wait3A_1288 : memref<1x8xi32, #tpu.memory_space<vmem>> -> memref<8xi32, #tpu.memory_space<vmem>>
    %dma_wait3A_1290 = arith.constant 0 : i32
    %dma_wait3A_1291 = arith.constant 0 : i32
    %dma_wait3A_1292 = tpu.memref_slice %arg6[%dma_wait3A_1290, %dma_wait3A_1291] : memref<65536x1024xf32, #tpu.memory_space<hbm>> -> memref<65536x1024xf32, #tpu.memory_space<hbm>>
    %dma_wait3A_1293 = tpu.memref_slice %arg24[%dma_wait3A_1286] : memref<11x!tpu.dma_semaphore, #tpu.memory_space<semaphore_mem>> -> memref<1x!tpu.dma_semaphore, #tpu.memory_space<semaphore_mem>>
    %dma_wait3A_1294 = tpu.memref_squeeze %dma_wait3A_1293 : memref<1x!tpu.dma_semaphore, #tpu.memory_space<semaphore_mem>> -> memref<!tpu.dma_semaphore, #tpu.memory_space<semaphore_mem>>
    tpu.wait_indirect_dma semaphore(%dma_wait3A_1294 : memref<!tpu.dma_semaphore, #tpu.memory_space<semaphore_mem>>) src(%arg14 : memref<8x1024xf32, #tpu.memory_space<vmem>>) dst(%dma_wait3A_1292 : memref<65536x1024xf32, #tpu.memory_space<hbm>>)
    %dma_wait3A_1295 = arith.constant 7 : i32
    %dma_wait3A_1296 = arith.constant 3 : i32
    %dma_wait3A_1297 = arith.constant 0 : i32
    %dma_wait3A_1298 = tpu.memref_slice %arg10[%dma_wait3A_1295, %dma_wait3A_1297] : memref<32x8xi32, #tpu.memory_space<vmem>> -> memref<1x8xi32, #tpu.memory_space<vmem>>
    %dma_wait3A_1299 = tpu.memref_squeeze %dma_wait3A_1298 : memref<1x8xi32, #tpu.memory_space<vmem>> -> memref<8xi32, #tpu.memory_space<vmem>>
    %dma_wait3A_1300 = arith.constant 0 : i32
    %dma_wait3A_1301 = arith.constant 0 : i32
    %dma_wait3A_1302 = tpu.memref_slice %arg6[%dma_wait3A_1300, %dma_wait3A_1301] : memref<65536x1024xf32, #tpu.memory_space<hbm>> -> memref<65536x1024xf32, #tpu.memory_space<hbm>>
    %dma_wait3A_1303 = tpu.memref_slice %arg24[%dma_wait3A_1296] : memref<11x!tpu.dma_semaphore, #tpu.memory_space<semaphore_mem>> -> memref<1x!tpu.dma_semaphore, #tpu.memory_space<semaphore_mem>>
    %dma_wait3A_1304 = tpu.memref_squeeze %dma_wait3A_1303 : memref<1x!tpu.dma_semaphore, #tpu.memory_space<semaphore_mem>> -> memref<!tpu.dma_semaphore, #tpu.memory_space<semaphore_mem>>
    tpu.wait_indirect_dma semaphore(%dma_wait3A_1304 : memref<!tpu.dma_semaphore, #tpu.memory_space<semaphore_mem>>) src(%arg14 : memref<8x1024xf32, #tpu.memory_space<vmem>>) dst(%dma_wait3A_1302 : memref<65536x1024xf32, #tpu.memory_space<hbm>>)
    %add3A_1305 = arith.constant 112 : i32
    %add3A_1306 = arith.addi %multiple_of3A_19, %add3A_1305 : i32
    %dma_start3A_1307 = arith.constant 3 : i32
    %dma_start3A_1308 = arith.constant 0 : i32
    %dma_start3A_1309 = tpu.memref_slice %arg2[%add3A_1306, %dma_start3A_1308] : memref<4096x1024xf32, #tpu.memory_space<hbm>> -> memref<8x1024xf32, #tpu.memory_space<hbm>>
    %dma_start3A_1310 = tpu.memref_slice %arg23[%dma_start3A_1307] : memref<11x!tpu.dma_semaphore, #tpu.memory_space<semaphore_mem>> -> memref<1x!tpu.dma_semaphore, #tpu.memory_space<semaphore_mem>>
    %dma_start3A_1311 = tpu.memref_squeeze %dma_start3A_1310 : memref<1x!tpu.dma_semaphore, #tpu.memory_space<semaphore_mem>> -> memref<!tpu.dma_semaphore, #tpu.memory_space<semaphore_mem>>
    %dma_start3A_1312 = arith.constant 0 : i32
    %dma_start3A_1313 = tpu.memref_slice %arg2[%add3A_1306, %dma_start3A_1312] : memref<4096x1024xf32, #tpu.memory_space<hbm>> -> memref<8x1024xf32, #tpu.memory_space<hbm>>
    tpu.enqueue_dma source(%dma_start3A_1313 : memref<8x1024xf32, #tpu.memory_space<hbm>>) target(%arg14 : memref<8x1024xf32, #tpu.memory_space<vmem>>) target_semaphore(%dma_start3A_1311 : memref<!tpu.dma_semaphore, #tpu.memory_space<semaphore_mem>>)
    %dma_wait3A_1314 = arith.constant 4 : i32
    %dma_wait3A_1315 = arith.constant 0 : i32
    %dma_wait3A_1316 = tpu.memref_slice %arg2[%add3A_773, %dma_wait3A_1315] : memref<4096x1024xf32, #tpu.memory_space<hbm>> -> memref<8x1024xf32, #tpu.memory_space<hbm>>
    %dma_wait3A_1317 = tpu.memref_slice %arg23[%dma_wait3A_1314] : memref<11x!tpu.dma_semaphore, #tpu.memory_space<semaphore_mem>> -> memref<1x!tpu.dma_semaphore, #tpu.memory_space<semaphore_mem>>
    %dma_wait3A_1318 = tpu.memref_squeeze %dma_wait3A_1317 : memref<1x!tpu.dma_semaphore, #tpu.memory_space<semaphore_mem>> -> memref<!tpu.dma_semaphore, #tpu.memory_space<semaphore_mem>>
    %dma_wait3A_1319 = arith.constant 0 : i32
    %dma_wait3A_1320 = tpu.memref_slice %arg2[%add3A_773, %dma_wait3A_1319] : memref<4096x1024xf32, #tpu.memory_space<hbm>> -> memref<8x1024xf32, #tpu.memory_space<hbm>>
    tpu.wait_dma2 semaphore(%dma_wait3A_1318 : memref<!tpu.dma_semaphore, #tpu.memory_space<semaphore_mem>>) src(%dma_wait3A_1320 : memref<8x1024xf32, #tpu.memory_space<hbm>>) dst(%arg15 : memref<8x1024xf32, #tpu.memory_space<vmem>>)
    %dma_start3A_1321 = arith.constant 8 : i32
    %dma_start3A_1322 = arith.constant 4 : i32
    %dma_start3A_1323 = arith.constant 0 : i32
    %dma_start3A_1324 = tpu.memref_slice %arg10[%dma_start3A_1321, %dma_start3A_1323] : memref<32x8xi32, #tpu.memory_space<vmem>> -> memref<1x8xi32, #tpu.memory_space<vmem>>
    %dma_start3A_1325 = tpu.memref_squeeze %dma_start3A_1324 : memref<1x8xi32, #tpu.memory_space<vmem>> -> memref<8xi32, #tpu.memory_space<vmem>>
    %dma_start3A_1326 = arith.constant 0 : i32
    %dma_start3A_1327 = arith.constant 0 : i32
    %dma_start3A_1328 = tpu.memref_slice %arg6[%dma_start3A_1326, %dma_start3A_1327] : memref<65536x1024xf32, #tpu.memory_space<hbm>> -> memref<65536x1024xf32, #tpu.memory_space<hbm>>
    %dma_start3A_1329 = tpu.memref_slice %arg24[%dma_start3A_1322] : memref<11x!tpu.dma_semaphore, #tpu.memory_space<semaphore_mem>> -> memref<1x!tpu.dma_semaphore, #tpu.memory_space<semaphore_mem>>
    %dma_start3A_1330 = tpu.memref_squeeze %dma_start3A_1329 : memref<1x!tpu.dma_semaphore, #tpu.memory_space<semaphore_mem>> -> memref<!tpu.dma_semaphore, #tpu.memory_space<semaphore_mem>>
    tpu.enqueue_indirect_dma source(%arg15 : memref<8x1024xf32, #tpu.memory_space<vmem>>) target(%dma_start3A_1328 : memref<65536x1024xf32, #tpu.memory_space<hbm>>) offsets(%dma_start3A_1325 : memref<8xi32, #tpu.memory_space<vmem>>) semaphore(%dma_start3A_1330 : memref<!tpu.dma_semaphore, #tpu.memory_space<semaphore_mem>>)
    %dma_start3A_1331 = arith.constant 9 : i32
    %dma_start3A_1332 = arith.constant 4 : i32
    %dma_start3A_1333 = arith.constant 0 : i32
    %dma_start3A_1334 = tpu.memref_slice %arg10[%dma_start3A_1331, %dma_start3A_1333] : memref<32x8xi32, #tpu.memory_space<vmem>> -> memref<1x8xi32, #tpu.memory_space<vmem>>
    %dma_start3A_1335 = tpu.memref_squeeze %dma_start3A_1334 : memref<1x8xi32, #tpu.memory_space<vmem>> -> memref<8xi32, #tpu.memory_space<vmem>>
    %dma_start3A_1336 = arith.constant 0 : i32
    %dma_start3A_1337 = arith.constant 0 : i32
    %dma_start3A_1338 = tpu.memref_slice %arg6[%dma_start3A_1336, %dma_start3A_1337] : memref<65536x1024xf32, #tpu.memory_space<hbm>> -> memref<65536x1024xf32, #tpu.memory_space<hbm>>
    %dma_start3A_1339 = tpu.memref_slice %arg24[%dma_start3A_1332] : memref<11x!tpu.dma_semaphore, #tpu.memory_space<semaphore_mem>> -> memref<1x!tpu.dma_semaphore, #tpu.memory_space<semaphore_mem>>
    %dma_start3A_1340 = tpu.memref_squeeze %dma_start3A_1339 : memref<1x!tpu.dma_semaphore, #tpu.memory_space<semaphore_mem>> -> memref<!tpu.dma_semaphore, #tpu.memory_space<semaphore_mem>>
    tpu.enqueue_indirect_dma source(%arg15 : memref<8x1024xf32, #tpu.memory_space<vmem>>) target(%dma_start3A_1338 : memref<65536x1024xf32, #tpu.memory_space<hbm>>) offsets(%dma_start3A_1335 : memref<8xi32, #tpu.memory_space<vmem>>) semaphore(%dma_start3A_1340 : memref<!tpu.dma_semaphore, #tpu.memory_space<semaphore_mem>>)
    %dma_wait3A_1341 = arith.constant 8 : i32
    %dma_wait3A_1342 = arith.constant 4 : i32
    %dma_wait3A_1343 = arith.constant 0 : i32
    %dma_wait3A_1344 = tpu.memref_slice %arg10[%dma_wait3A_1341, %dma_wait3A_1343] : memref<32x8xi32, #tpu.memory_space<vmem>> -> memref<1x8xi32, #tpu.memory_space<vmem>>
    %dma_wait3A_1345 = tpu.memref_squeeze %dma_wait3A_1344 : memref<1x8xi32, #tpu.memory_space<vmem>> -> memref<8xi32, #tpu.memory_space<vmem>>
    %dma_wait3A_1346 = arith.constant 0 : i32
    %dma_wait3A_1347 = arith.constant 0 : i32
    %dma_wait3A_1348 = tpu.memref_slice %arg6[%dma_wait3A_1346, %dma_wait3A_1347] : memref<65536x1024xf32, #tpu.memory_space<hbm>> -> memref<65536x1024xf32, #tpu.memory_space<hbm>>
    %dma_wait3A_1349 = tpu.memref_slice %arg24[%dma_wait3A_1342] : memref<11x!tpu.dma_semaphore, #tpu.memory_space<semaphore_mem>> -> memref<1x!tpu.dma_semaphore, #tpu.memory_space<semaphore_mem>>
    %dma_wait3A_1350 = tpu.memref_squeeze %dma_wait3A_1349 : memref<1x!tpu.dma_semaphore, #tpu.memory_space<semaphore_mem>> -> memref<!tpu.dma_semaphore, #tpu.memory_space<semaphore_mem>>
    tpu.wait_indirect_dma semaphore(%dma_wait3A_1350 : memref<!tpu.dma_semaphore, #tpu.memory_space<semaphore_mem>>) src(%arg15 : memref<8x1024xf32, #tpu.memory_space<vmem>>) dst(%dma_wait3A_1348 : memref<65536x1024xf32, #tpu.memory_space<hbm>>)
    %dma_wait3A_1351 = arith.constant 9 : i32
    %dma_wait3A_1352 = arith.constant 4 : i32
    %dma_wait3A_1353 = arith.constant 0 : i32
    %dma_wait3A_1354 = tpu.memref_slice %arg10[%dma_wait3A_1351, %dma_wait3A_1353] : memref<32x8xi32, #tpu.memory_space<vmem>> -> memref<1x8xi32, #tpu.memory_space<vmem>>
    %dma_wait3A_1355 = tpu.memref_squeeze %dma_wait3A_1354 : memref<1x8xi32, #tpu.memory_space<vmem>> -> memref<8xi32, #tpu.memory_space<vmem>>
    %dma_wait3A_1356 = arith.constant 0 : i32
    %dma_wait3A_1357 = arith.constant 0 : i32
    %dma_wait3A_1358 = tpu.memref_slice %arg6[%dma_wait3A_1356, %dma_wait3A_1357] : memref<65536x1024xf32, #tpu.memory_space<hbm>> -> memref<65536x1024xf32, #tpu.memory_space<hbm>>
    %dma_wait3A_1359 = tpu.memref_slice %arg24[%dma_wait3A_1352] : memref<11x!tpu.dma_semaphore, #tpu.memory_space<semaphore_mem>> -> memref<1x!tpu.dma_semaphore, #tpu.memory_space<semaphore_mem>>
    %dma_wait3A_1360 = tpu.memref_squeeze %dma_wait3A_1359 : memref<1x!tpu.dma_semaphore, #tpu.memory_space<semaphore_mem>> -> memref<!tpu.dma_semaphore, #tpu.memory_space<semaphore_mem>>
    tpu.wait_indirect_dma semaphore(%dma_wait3A_1360 : memref<!tpu.dma_semaphore, #tpu.memory_space<semaphore_mem>>) src(%arg15 : memref<8x1024xf32, #tpu.memory_space<vmem>>) dst(%dma_wait3A_1358 : memref<65536x1024xf32, #tpu.memory_space<hbm>>)
    %add3A_1361 = arith.constant 120 : i32
    %add3A_1362 = arith.addi %multiple_of3A_19, %add3A_1361 : i32
    %dma_start3A_1363 = arith.constant 4 : i32
    %dma_start3A_1364 = arith.constant 0 : i32
    %dma_start3A_1365 = tpu.memref_slice %arg2[%add3A_1362, %dma_start3A_1364] : memref<4096x1024xf32, #tpu.memory_space<hbm>> -> memref<8x1024xf32, #tpu.memory_space<hbm>>
    %dma_start3A_1366 = tpu.memref_slice %arg23[%dma_start3A_1363] : memref<11x!tpu.dma_semaphore, #tpu.memory_space<semaphore_mem>> -> memref<1x!tpu.dma_semaphore, #tpu.memory_space<semaphore_mem>>
    %dma_start3A_1367 = tpu.memref_squeeze %dma_start3A_1366 : memref<1x!tpu.dma_semaphore, #tpu.memory_space<semaphore_mem>> -> memref<!tpu.dma_semaphore, #tpu.memory_space<semaphore_mem>>
    %dma_start3A_1368 = arith.constant 0 : i32
    %dma_start3A_1369 = tpu.memref_slice %arg2[%add3A_1362, %dma_start3A_1368] : memref<4096x1024xf32, #tpu.memory_space<hbm>> -> memref<8x1024xf32, #tpu.memory_space<hbm>>
    tpu.enqueue_dma source(%dma_start3A_1369 : memref<8x1024xf32, #tpu.memory_space<hbm>>) target(%arg15 : memref<8x1024xf32, #tpu.memory_space<vmem>>) target_semaphore(%dma_start3A_1367 : memref<!tpu.dma_semaphore, #tpu.memory_space<semaphore_mem>>)
    %dma_wait3A_1370 = arith.constant 5 : i32
    %dma_wait3A_1371 = arith.constant 0 : i32
    %dma_wait3A_1372 = tpu.memref_slice %arg2[%add3A_782, %dma_wait3A_1371] : memref<4096x1024xf32, #tpu.memory_space<hbm>> -> memref<8x1024xf32, #tpu.memory_space<hbm>>
    %dma_wait3A_1373 = tpu.memref_slice %arg23[%dma_wait3A_1370] : memref<11x!tpu.dma_semaphore, #tpu.memory_space<semaphore_mem>> -> memref<1x!tpu.dma_semaphore, #tpu.memory_space<semaphore_mem>>
    %dma_wait3A_1374 = tpu.memref_squeeze %dma_wait3A_1373 : memref<1x!tpu.dma_semaphore, #tpu.memory_space<semaphore_mem>> -> memref<!tpu.dma_semaphore, #tpu.memory_space<semaphore_mem>>
    %dma_wait3A_1375 = arith.constant 0 : i32
    %dma_wait3A_1376 = tpu.memref_slice %arg2[%add3A_782, %dma_wait3A_1375] : memref<4096x1024xf32, #tpu.memory_space<hbm>> -> memref<8x1024xf32, #tpu.memory_space<hbm>>
    tpu.wait_dma2 semaphore(%dma_wait3A_1374 : memref<!tpu.dma_semaphore, #tpu.memory_space<semaphore_mem>>) src(%dma_wait3A_1376 : memref<8x1024xf32, #tpu.memory_space<hbm>>) dst(%arg16 : memref<8x1024xf32, #tpu.memory_space<vmem>>)
    %dma_start3A_1377 = arith.constant 10 : i32
    %dma_start3A_1378 = arith.constant 5 : i32
    %dma_start3A_1379 = arith.constant 0 : i32
    %dma_start3A_1380 = tpu.memref_slice %arg10[%dma_start3A_1377, %dma_start3A_1379] : memref<32x8xi32, #tpu.memory_space<vmem>> -> memref<1x8xi32, #tpu.memory_space<vmem>>
    %dma_start3A_1381 = tpu.memref_squeeze %dma_start3A_1380 : memref<1x8xi32, #tpu.memory_space<vmem>> -> memref<8xi32, #tpu.memory_space<vmem>>
    %dma_start3A_1382 = arith.constant 0 : i32
    %dma_start3A_1383 = arith.constant 0 : i32
    %dma_start3A_1384 = tpu.memref_slice %arg6[%dma_start3A_1382, %dma_start3A_1383] : memref<65536x1024xf32, #tpu.memory_space<hbm>> -> memref<65536x1024xf32, #tpu.memory_space<hbm>>
    %dma_start3A_1385 = tpu.memref_slice %arg24[%dma_start3A_1378] : memref<11x!tpu.dma_semaphore, #tpu.memory_space<semaphore_mem>> -> memref<1x!tpu.dma_semaphore, #tpu.memory_space<semaphore_mem>>
    %dma_start3A_1386 = tpu.memref_squeeze %dma_start3A_1385 : memref<1x!tpu.dma_semaphore, #tpu.memory_space<semaphore_mem>> -> memref<!tpu.dma_semaphore, #tpu.memory_space<semaphore_mem>>
    tpu.enqueue_indirect_dma source(%arg16 : memref<8x1024xf32, #tpu.memory_space<vmem>>) target(%dma_start3A_1384 : memref<65536x1024xf32, #tpu.memory_space<hbm>>) offsets(%dma_start3A_1381 : memref<8xi32, #tpu.memory_space<vmem>>) semaphore(%dma_start3A_1386 : memref<!tpu.dma_semaphore, #tpu.memory_space<semaphore_mem>>)
    %dma_start3A_1387 = arith.constant 11 : i32
    %dma_start3A_1388 = arith.constant 5 : i32
    %dma_start3A_1389 = arith.constant 0 : i32
    %dma_start3A_1390 = tpu.memref_slice %arg10[%dma_start3A_1387, %dma_start3A_1389] : memref<32x8xi32, #tpu.memory_space<vmem>> -> memref<1x8xi32, #tpu.memory_space<vmem>>
    %dma_start3A_1391 = tpu.memref_squeeze %dma_start3A_1390 : memref<1x8xi32, #tpu.memory_space<vmem>> -> memref<8xi32, #tpu.memory_space<vmem>>
    %dma_start3A_1392 = arith.constant 0 : i32
    %dma_start3A_1393 = arith.constant 0 : i32
    %dma_start3A_1394 = tpu.memref_slice %arg6[%dma_start3A_1392, %dma_start3A_1393] : memref<65536x1024xf32, #tpu.memory_space<hbm>> -> memref<65536x1024xf32, #tpu.memory_space<hbm>>
    %dma_start3A_1395 = tpu.memref_slice %arg24[%dma_start3A_1388] : memref<11x!tpu.dma_semaphore, #tpu.memory_space<semaphore_mem>> -> memref<1x!tpu.dma_semaphore, #tpu.memory_space<semaphore_mem>>
    %dma_start3A_1396 = tpu.memref_squeeze %dma_start3A_1395 : memref<1x!tpu.dma_semaphore, #tpu.memory_space<semaphore_mem>> -> memref<!tpu.dma_semaphore, #tpu.memory_space<semaphore_mem>>
    tpu.enqueue_indirect_dma source(%arg16 : memref<8x1024xf32, #tpu.memory_space<vmem>>) target(%dma_start3A_1394 : memref<65536x1024xf32, #tpu.memory_space<hbm>>) offsets(%dma_start3A_1391 : memref<8xi32, #tpu.memory_space<vmem>>) semaphore(%dma_start3A_1396 : memref<!tpu.dma_semaphore, #tpu.memory_space<semaphore_mem>>)
    %dma_wait3A_1397 = arith.constant 6 : i32
    %dma_wait3A_1398 = arith.constant 0 : i32
    %dma_wait3A_1399 = tpu.memref_slice %arg2[%add3A_791, %dma_wait3A_1398] : memref<4096x1024xf32, #tpu.memory_space<hbm>> -> memref<8x1024xf32, #tpu.memory_space<hbm>>
    %dma_wait3A_1400 = tpu.memref_slice %arg23[%dma_wait3A_1397] : memref<11x!tpu.dma_semaphore, #tpu.memory_space<semaphore_mem>> -> memref<1x!tpu.dma_semaphore, #tpu.memory_space<semaphore_mem>>
    %dma_wait3A_1401 = tpu.memref_squeeze %dma_wait3A_1400 : memref<1x!tpu.dma_semaphore, #tpu.memory_space<semaphore_mem>> -> memref<!tpu.dma_semaphore, #tpu.memory_space<semaphore_mem>>
    %dma_wait3A_1402 = arith.constant 0 : i32
    %dma_wait3A_1403 = tpu.memref_slice %arg2[%add3A_791, %dma_wait3A_1402] : memref<4096x1024xf32, #tpu.memory_space<hbm>> -> memref<8x1024xf32, #tpu.memory_space<hbm>>
    tpu.wait_dma2 semaphore(%dma_wait3A_1401 : memref<!tpu.dma_semaphore, #tpu.memory_space<semaphore_mem>>) src(%dma_wait3A_1403 : memref<8x1024xf32, #tpu.memory_space<hbm>>) dst(%arg17 : memref<8x1024xf32, #tpu.memory_space<vmem>>)
    %dma_start3A_1404 = arith.constant 12 : i32
    %dma_start3A_1405 = arith.constant 6 : i32
    %dma_start3A_1406 = arith.constant 0 : i32
    %dma_start3A_1407 = tpu.memref_slice %arg10[%dma_start3A_1404, %dma_start3A_1406] : memref<32x8xi32, #tpu.memory_space<vmem>> -> memref<1x8xi32, #tpu.memory_space<vmem>>
    %dma_start3A_1408 = tpu.memref_squeeze %dma_start3A_1407 : memref<1x8xi32, #tpu.memory_space<vmem>> -> memref<8xi32, #tpu.memory_space<vmem>>
    %dma_start3A_1409 = arith.constant 0 : i32
    %dma_start3A_1410 = arith.constant 0 : i32
    %dma_start3A_1411 = tpu.memref_slice %arg6[%dma_start3A_1409, %dma_start3A_1410] : memref<65536x1024xf32, #tpu.memory_space<hbm>> -> memref<65536x1024xf32, #tpu.memory_space<hbm>>
    %dma_start3A_1412 = tpu.memref_slice %arg24[%dma_start3A_1405] : memref<11x!tpu.dma_semaphore, #tpu.memory_space<semaphore_mem>> -> memref<1x!tpu.dma_semaphore, #tpu.memory_space<semaphore_mem>>
    %dma_start3A_1413 = tpu.memref_squeeze %dma_start3A_1412 : memref<1x!tpu.dma_semaphore, #tpu.memory_space<semaphore_mem>> -> memref<!tpu.dma_semaphore, #tpu.memory_space<semaphore_mem>>
    tpu.enqueue_indirect_dma source(%arg17 : memref<8x1024xf32, #tpu.memory_space<vmem>>) target(%dma_start3A_1411 : memref<65536x1024xf32, #tpu.memory_space<hbm>>) offsets(%dma_start3A_1408 : memref<8xi32, #tpu.memory_space<vmem>>) semaphore(%dma_start3A_1413 : memref<!tpu.dma_semaphore, #tpu.memory_space<semaphore_mem>>)
    %dma_start3A_1414 = arith.constant 13 : i32
    %dma_start3A_1415 = arith.constant 6 : i32
    %dma_start3A_1416 = arith.constant 0 : i32
    %dma_start3A_1417 = tpu.memref_slice %arg10[%dma_start3A_1414, %dma_start3A_1416] : memref<32x8xi32, #tpu.memory_space<vmem>> -> memref<1x8xi32, #tpu.memory_space<vmem>>
    %dma_start3A_1418 = tpu.memref_squeeze %dma_start3A_1417 : memref<1x8xi32, #tpu.memory_space<vmem>> -> memref<8xi32, #tpu.memory_space<vmem>>
    %dma_start3A_1419 = arith.constant 0 : i32
    %dma_start3A_1420 = arith.constant 0 : i32
    %dma_start3A_1421 = tpu.memref_slice %arg6[%dma_start3A_1419, %dma_start3A_1420] : memref<65536x1024xf32, #tpu.memory_space<hbm>> -> memref<65536x1024xf32, #tpu.memory_space<hbm>>
    %dma_start3A_1422 = tpu.memref_slice %arg24[%dma_start3A_1415] : memref<11x!tpu.dma_semaphore, #tpu.memory_space<semaphore_mem>> -> memref<1x!tpu.dma_semaphore, #tpu.memory_space<semaphore_mem>>
    %dma_start3A_1423 = tpu.memref_squeeze %dma_start3A_1422 : memref<1x!tpu.dma_semaphore, #tpu.memory_space<semaphore_mem>> -> memref<!tpu.dma_semaphore, #tpu.memory_space<semaphore_mem>>
    tpu.enqueue_indirect_dma source(%arg17 : memref<8x1024xf32, #tpu.memory_space<vmem>>) target(%dma_start3A_1421 : memref<65536x1024xf32, #tpu.memory_space<hbm>>) offsets(%dma_start3A_1418 : memref<8xi32, #tpu.memory_space<vmem>>) semaphore(%dma_start3A_1423 : memref<!tpu.dma_semaphore, #tpu.memory_space<semaphore_mem>>)
    %dma_wait3A_1424 = arith.constant 7 : i32
    %dma_wait3A_1425 = arith.constant 0 : i32
    %dma_wait3A_1426 = tpu.memref_slice %arg2[%add3A_800, %dma_wait3A_1425] : memref<4096x1024xf32, #tpu.memory_space<hbm>> -> memref<8x1024xf32, #tpu.memory_space<hbm>>
    %dma_wait3A_1427 = tpu.memref_slice %arg23[%dma_wait3A_1424] : memref<11x!tpu.dma_semaphore, #tpu.memory_space<semaphore_mem>> -> memref<1x!tpu.dma_semaphore, #tpu.memory_space<semaphore_mem>>
    %dma_wait3A_1428 = tpu.memref_squeeze %dma_wait3A_1427 : memref<1x!tpu.dma_semaphore, #tpu.memory_space<semaphore_mem>> -> memref<!tpu.dma_semaphore, #tpu.memory_space<semaphore_mem>>
    %dma_wait3A_1429 = arith.constant 0 : i32
    %dma_wait3A_1430 = tpu.memref_slice %arg2[%add3A_800, %dma_wait3A_1429] : memref<4096x1024xf32, #tpu.memory_space<hbm>> -> memref<8x1024xf32, #tpu.memory_space<hbm>>
    tpu.wait_dma2 semaphore(%dma_wait3A_1428 : memref<!tpu.dma_semaphore, #tpu.memory_space<semaphore_mem>>) src(%dma_wait3A_1430 : memref<8x1024xf32, #tpu.memory_space<hbm>>) dst(%arg18 : memref<8x1024xf32, #tpu.memory_space<vmem>>)
    %dma_start3A_1431 = arith.constant 14 : i32
    %dma_start3A_1432 = arith.constant 7 : i32
    %dma_start3A_1433 = arith.constant 0 : i32
    %dma_start3A_1434 = tpu.memref_slice %arg10[%dma_start3A_1431, %dma_start3A_1433] : memref<32x8xi32, #tpu.memory_space<vmem>> -> memref<1x8xi32, #tpu.memory_space<vmem>>
    %dma_start3A_1435 = tpu.memref_squeeze %dma_start3A_1434 : memref<1x8xi32, #tpu.memory_space<vmem>> -> memref<8xi32, #tpu.memory_space<vmem>>
    %dma_start3A_1436 = arith.constant 0 : i32
    %dma_start3A_1437 = arith.constant 0 : i32
    %dma_start3A_1438 = tpu.memref_slice %arg6[%dma_start3A_1436, %dma_start3A_1437] : memref<65536x1024xf32, #tpu.memory_space<hbm>> -> memref<65536x1024xf32, #tpu.memory_space<hbm>>
    %dma_start3A_1439 = tpu.memref_slice %arg24[%dma_start3A_1432] : memref<11x!tpu.dma_semaphore, #tpu.memory_space<semaphore_mem>> -> memref<1x!tpu.dma_semaphore, #tpu.memory_space<semaphore_mem>>
    %dma_start3A_1440 = tpu.memref_squeeze %dma_start3A_1439 : memref<1x!tpu.dma_semaphore, #tpu.memory_space<semaphore_mem>> -> memref<!tpu.dma_semaphore, #tpu.memory_space<semaphore_mem>>
    tpu.enqueue_indirect_dma source(%arg18 : memref<8x1024xf32, #tpu.memory_space<vmem>>) target(%dma_start3A_1438 : memref<65536x1024xf32, #tpu.memory_space<hbm>>) offsets(%dma_start3A_1435 : memref<8xi32, #tpu.memory_space<vmem>>) semaphore(%dma_start3A_1440 : memref<!tpu.dma_semaphore, #tpu.memory_space<semaphore_mem>>)
    %dma_start3A_1441 = arith.constant 15 : i32
    %dma_start3A_1442 = arith.constant 7 : i32
    %dma_start3A_1443 = arith.constant 0 : i32
    %dma_start3A_1444 = tpu.memref_slice %arg10[%dma_start3A_1441, %dma_start3A_1443] : memref<32x8xi32, #tpu.memory_space<vmem>> -> memref<1x8xi32, #tpu.memory_space<vmem>>
    %dma_start3A_1445 = tpu.memref_squeeze %dma_start3A_1444 : memref<1x8xi32, #tpu.memory_space<vmem>> -> memref<8xi32, #tpu.memory_space<vmem>>
    %dma_start3A_1446 = arith.constant 0 : i32
    %dma_start3A_1447 = arith.constant 0 : i32
    %dma_start3A_1448 = tpu.memref_slice %arg6[%dma_start3A_1446, %dma_start3A_1447] : memref<65536x1024xf32, #tpu.memory_space<hbm>> -> memref<65536x1024xf32, #tpu.memory_space<hbm>>
    %dma_start3A_1449 = tpu.memref_slice %arg24[%dma_start3A_1442] : memref<11x!tpu.dma_semaphore, #tpu.memory_space<semaphore_mem>> -> memref<1x!tpu.dma_semaphore, #tpu.memory_space<semaphore_mem>>
    %dma_start3A_1450 = tpu.memref_squeeze %dma_start3A_1449 : memref<1x!tpu.dma_semaphore, #tpu.memory_space<semaphore_mem>> -> memref<!tpu.dma_semaphore, #tpu.memory_space<semaphore_mem>>
    tpu.enqueue_indirect_dma source(%arg18 : memref<8x1024xf32, #tpu.memory_space<vmem>>) target(%dma_start3A_1448 : memref<65536x1024xf32, #tpu.memory_space<hbm>>) offsets(%dma_start3A_1445 : memref<8xi32, #tpu.memory_space<vmem>>) semaphore(%dma_start3A_1450 : memref<!tpu.dma_semaphore, #tpu.memory_space<semaphore_mem>>)
    %dma_wait3A_1451 = arith.constant 8 : i32
    %dma_wait3A_1452 = arith.constant 0 : i32
    %dma_wait3A_1453 = tpu.memref_slice %arg2[%add3A_809, %dma_wait3A_1452] : memref<4096x1024xf32, #tpu.memory_space<hbm>> -> memref<8x1024xf32, #tpu.memory_space<hbm>>
    %dma_wait3A_1454 = tpu.memref_slice %arg23[%dma_wait3A_1451] : memref<11x!tpu.dma_semaphore, #tpu.memory_space<semaphore_mem>> -> memref<1x!tpu.dma_semaphore, #tpu.memory_space<semaphore_mem>>
    %dma_wait3A_1455 = tpu.memref_squeeze %dma_wait3A_1454 : memref<1x!tpu.dma_semaphore, #tpu.memory_space<semaphore_mem>> -> memref<!tpu.dma_semaphore, #tpu.memory_space<semaphore_mem>>
    %dma_wait3A_1456 = arith.constant 0 : i32
    %dma_wait3A_1457 = tpu.memref_slice %arg2[%add3A_809, %dma_wait3A_1456] : memref<4096x1024xf32, #tpu.memory_space<hbm>> -> memref<8x1024xf32, #tpu.memory_space<hbm>>
    tpu.wait_dma2 semaphore(%dma_wait3A_1455 : memref<!tpu.dma_semaphore, #tpu.memory_space<semaphore_mem>>) src(%dma_wait3A_1457 : memref<8x1024xf32, #tpu.memory_space<hbm>>) dst(%arg19 : memref<8x1024xf32, #tpu.memory_space<vmem>>)
    %dma_start3A_1458 = arith.constant 16 : i32
    %dma_start3A_1459 = arith.constant 8 : i32
    %dma_start3A_1460 = arith.constant 0 : i32
    %dma_start3A_1461 = tpu.memref_slice %arg10[%dma_start3A_1458, %dma_start3A_1460] : memref<32x8xi32, #tpu.memory_space<vmem>> -> memref<1x8xi32, #tpu.memory_space<vmem>>
    %dma_start3A_1462 = tpu.memref_squeeze %dma_start3A_1461 : memref<1x8xi32, #tpu.memory_space<vmem>> -> memref<8xi32, #tpu.memory_space<vmem>>
    %dma_start3A_1463 = arith.constant 0 : i32
    %dma_start3A_1464 = arith.constant 0 : i32
    %dma_start3A_1465 = tpu.memref_slice %arg6[%dma_start3A_1463, %dma_start3A_1464] : memref<65536x1024xf32, #tpu.memory_space<hbm>> -> memref<65536x1024xf32, #tpu.memory_space<hbm>>
    %dma_start3A_1466 = tpu.memref_slice %arg24[%dma_start3A_1459] : memref<11x!tpu.dma_semaphore, #tpu.memory_space<semaphore_mem>> -> memref<1x!tpu.dma_semaphore, #tpu.memory_space<semaphore_mem>>
    %dma_start3A_1467 = tpu.memref_squeeze %dma_start3A_1466 : memref<1x!tpu.dma_semaphore, #tpu.memory_space<semaphore_mem>> -> memref<!tpu.dma_semaphore, #tpu.memory_space<semaphore_mem>>
    tpu.enqueue_indirect_dma source(%arg19 : memref<8x1024xf32, #tpu.memory_space<vmem>>) target(%dma_start3A_1465 : memref<65536x1024xf32, #tpu.memory_space<hbm>>) offsets(%dma_start3A_1462 : memref<8xi32, #tpu.memory_space<vmem>>) semaphore(%dma_start3A_1467 : memref<!tpu.dma_semaphore, #tpu.memory_space<semaphore_mem>>)
    %dma_start3A_1468 = arith.constant 17 : i32
    %dma_start3A_1469 = arith.constant 8 : i32
    %dma_start3A_1470 = arith.constant 0 : i32
    %dma_start3A_1471 = tpu.memref_slice %arg10[%dma_start3A_1468, %dma_start3A_1470] : memref<32x8xi32, #tpu.memory_space<vmem>> -> memref<1x8xi32, #tpu.memory_space<vmem>>
    %dma_start3A_1472 = tpu.memref_squeeze %dma_start3A_1471 : memref<1x8xi32, #tpu.memory_space<vmem>> -> memref<8xi32, #tpu.memory_space<vmem>>
    %dma_start3A_1473 = arith.constant 0 : i32
    %dma_start3A_1474 = arith.constant 0 : i32
    %dma_start3A_1475 = tpu.memref_slice %arg6[%dma_start3A_1473, %dma_start3A_1474] : memref<65536x1024xf32, #tpu.memory_space<hbm>> -> memref<65536x1024xf32, #tpu.memory_space<hbm>>
    %dma_start3A_1476 = tpu.memref_slice %arg24[%dma_start3A_1469] : memref<11x!tpu.dma_semaphore, #tpu.memory_space<semaphore_mem>> -> memref<1x!tpu.dma_semaphore, #tpu.memory_space<semaphore_mem>>
    %dma_start3A_1477 = tpu.memref_squeeze %dma_start3A_1476 : memref<1x!tpu.dma_semaphore, #tpu.memory_space<semaphore_mem>> -> memref<!tpu.dma_semaphore, #tpu.memory_space<semaphore_mem>>
    tpu.enqueue_indirect_dma source(%arg19 : memref<8x1024xf32, #tpu.memory_space<vmem>>) target(%dma_start3A_1475 : memref<65536x1024xf32, #tpu.memory_space<hbm>>) offsets(%dma_start3A_1472 : memref<8xi32, #tpu.memory_space<vmem>>) semaphore(%dma_start3A_1477 : memref<!tpu.dma_semaphore, #tpu.memory_space<semaphore_mem>>)
    %dma_wait3A_1478 = arith.constant 9 : i32
    %dma_wait3A_1479 = arith.constant 0 : i32
    %dma_wait3A_1480 = tpu.memref_slice %arg2[%add3A_818, %dma_wait3A_1479] : memref<4096x1024xf32, #tpu.memory_space<hbm>> -> memref<8x1024xf32, #tpu.memory_space<hbm>>
    %dma_wait3A_1481 = tpu.memref_slice %arg23[%dma_wait3A_1478] : memref<11x!tpu.dma_semaphore, #tpu.memory_space<semaphore_mem>> -> memref<1x!tpu.dma_semaphore, #tpu.memory_space<semaphore_mem>>
    %dma_wait3A_1482 = tpu.memref_squeeze %dma_wait3A_1481 : memref<1x!tpu.dma_semaphore, #tpu.memory_space<semaphore_mem>> -> memref<!tpu.dma_semaphore, #tpu.memory_space<semaphore_mem>>
    %dma_wait3A_1483 = arith.constant 0 : i32
    %dma_wait3A_1484 = tpu.memref_slice %arg2[%add3A_818, %dma_wait3A_1483] : memref<4096x1024xf32, #tpu.memory_space<hbm>> -> memref<8x1024xf32, #tpu.memory_space<hbm>>
    tpu.wait_dma2 semaphore(%dma_wait3A_1482 : memref<!tpu.dma_semaphore, #tpu.memory_space<semaphore_mem>>) src(%dma_wait3A_1484 : memref<8x1024xf32, #tpu.memory_space<hbm>>) dst(%arg20 : memref<8x1024xf32, #tpu.memory_space<vmem>>)
    %dma_start3A_1485 = arith.constant 18 : i32
    %dma_start3A_1486 = arith.constant 9 : i32
    %dma_start3A_1487 = arith.constant 0 : i32
    %dma_start3A_1488 = tpu.memref_slice %arg10[%dma_start3A_1485, %dma_start3A_1487] : memref<32x8xi32, #tpu.memory_space<vmem>> -> memref<1x8xi32, #tpu.memory_space<vmem>>
    %dma_start3A_1489 = tpu.memref_squeeze %dma_start3A_1488 : memref<1x8xi32, #tpu.memory_space<vmem>> -> memref<8xi32, #tpu.memory_space<vmem>>
    %dma_start3A_1490 = arith.constant 0 : i32
    %dma_start3A_1491 = arith.constant 0 : i32
    %dma_start3A_1492 = tpu.memref_slice %arg6[%dma_start3A_1490, %dma_start3A_1491] : memref<65536x1024xf32, #tpu.memory_space<hbm>> -> memref<65536x1024xf32, #tpu.memory_space<hbm>>
    %dma_start3A_1493 = tpu.memref_slice %arg24[%dma_start3A_1486] : memref<11x!tpu.dma_semaphore, #tpu.memory_space<semaphore_mem>> -> memref<1x!tpu.dma_semaphore, #tpu.memory_space<semaphore_mem>>
    %dma_start3A_1494 = tpu.memref_squeeze %dma_start3A_1493 : memref<1x!tpu.dma_semaphore, #tpu.memory_space<semaphore_mem>> -> memref<!tpu.dma_semaphore, #tpu.memory_space<semaphore_mem>>
    tpu.enqueue_indirect_dma source(%arg20 : memref<8x1024xf32, #tpu.memory_space<vmem>>) target(%dma_start3A_1492 : memref<65536x1024xf32, #tpu.memory_space<hbm>>) offsets(%dma_start3A_1489 : memref<8xi32, #tpu.memory_space<vmem>>) semaphore(%dma_start3A_1494 : memref<!tpu.dma_semaphore, #tpu.memory_space<semaphore_mem>>)
    %dma_start3A_1495 = arith.constant 19 : i32
    %dma_start3A_1496 = arith.constant 9 : i32
    %dma_start3A_1497 = arith.constant 0 : i32
    %dma_start3A_1498 = tpu.memref_slice %arg10[%dma_start3A_1495, %dma_start3A_1497] : memref<32x8xi32, #tpu.memory_space<vmem>> -> memref<1x8xi32, #tpu.memory_space<vmem>>
    %dma_start3A_1499 = tpu.memref_squeeze %dma_start3A_1498 : memref<1x8xi32, #tpu.memory_space<vmem>> -> memref<8xi32, #tpu.memory_space<vmem>>
    %dma_start3A_1500 = arith.constant 0 : i32
    %dma_start3A_1501 = arith.constant 0 : i32
    %dma_start3A_1502 = tpu.memref_slice %arg6[%dma_start3A_1500, %dma_start3A_1501] : memref<65536x1024xf32, #tpu.memory_space<hbm>> -> memref<65536x1024xf32, #tpu.memory_space<hbm>>
    %dma_start3A_1503 = tpu.memref_slice %arg24[%dma_start3A_1496] : memref<11x!tpu.dma_semaphore, #tpu.memory_space<semaphore_mem>> -> memref<1x!tpu.dma_semaphore, #tpu.memory_space<semaphore_mem>>
    %dma_start3A_1504 = tpu.memref_squeeze %dma_start3A_1503 : memref<1x!tpu.dma_semaphore, #tpu.memory_space<semaphore_mem>> -> memref<!tpu.dma_semaphore, #tpu.memory_space<semaphore_mem>>
    tpu.enqueue_indirect_dma source(%arg20 : memref<8x1024xf32, #tpu.memory_space<vmem>>) target(%dma_start3A_1502 : memref<65536x1024xf32, #tpu.memory_space<hbm>>) offsets(%dma_start3A_1499 : memref<8xi32, #tpu.memory_space<vmem>>) semaphore(%dma_start3A_1504 : memref<!tpu.dma_semaphore, #tpu.memory_space<semaphore_mem>>)
    %dma_wait3A_1505 = arith.constant 10 : i32
    %dma_wait3A_1506 = arith.constant 0 : i32
    %dma_wait3A_1507 = tpu.memref_slice %arg2[%add3A_827, %dma_wait3A_1506] : memref<4096x1024xf32, #tpu.memory_space<hbm>> -> memref<8x1024xf32, #tpu.memory_space<hbm>>
    %dma_wait3A_1508 = tpu.memref_slice %arg23[%dma_wait3A_1505] : memref<11x!tpu.dma_semaphore, #tpu.memory_space<semaphore_mem>> -> memref<1x!tpu.dma_semaphore, #tpu.memory_space<semaphore_mem>>
    %dma_wait3A_1509 = tpu.memref_squeeze %dma_wait3A_1508 : memref<1x!tpu.dma_semaphore, #tpu.memory_space<semaphore_mem>> -> memref<!tpu.dma_semaphore, #tpu.memory_space<semaphore_mem>>
    %dma_wait3A_1510 = arith.constant 0 : i32
    %dma_wait3A_1511 = tpu.memref_slice %arg2[%add3A_827, %dma_wait3A_1510] : memref<4096x1024xf32, #tpu.memory_space<hbm>> -> memref<8x1024xf32, #tpu.memory_space<hbm>>
    tpu.wait_dma2 semaphore(%dma_wait3A_1509 : memref<!tpu.dma_semaphore, #tpu.memory_space<semaphore_mem>>) src(%dma_wait3A_1511 : memref<8x1024xf32, #tpu.memory_space<hbm>>) dst(%arg21 : memref<8x1024xf32, #tpu.memory_space<vmem>>)
    %dma_start3A_1512 = arith.constant 20 : i32
    %dma_start3A_1513 = arith.constant 10 : i32
    %dma_start3A_1514 = arith.constant 0 : i32
    %dma_start3A_1515 = tpu.memref_slice %arg10[%dma_start3A_1512, %dma_start3A_1514] : memref<32x8xi32, #tpu.memory_space<vmem>> -> memref<1x8xi32, #tpu.memory_space<vmem>>
    %dma_start3A_1516 = tpu.memref_squeeze %dma_start3A_1515 : memref<1x8xi32, #tpu.memory_space<vmem>> -> memref<8xi32, #tpu.memory_space<vmem>>
    %dma_start3A_1517 = arith.constant 0 : i32
    %dma_start3A_1518 = arith.constant 0 : i32
    %dma_start3A_1519 = tpu.memref_slice %arg6[%dma_start3A_1517, %dma_start3A_1518] : memref<65536x1024xf32, #tpu.memory_space<hbm>> -> memref<65536x1024xf32, #tpu.memory_space<hbm>>
    %dma_start3A_1520 = tpu.memref_slice %arg24[%dma_start3A_1513] : memref<11x!tpu.dma_semaphore, #tpu.memory_space<semaphore_mem>> -> memref<1x!tpu.dma_semaphore, #tpu.memory_space<semaphore_mem>>
    %dma_start3A_1521 = tpu.memref_squeeze %dma_start3A_1520 : memref<1x!tpu.dma_semaphore, #tpu.memory_space<semaphore_mem>> -> memref<!tpu.dma_semaphore, #tpu.memory_space<semaphore_mem>>
    tpu.enqueue_indirect_dma source(%arg21 : memref<8x1024xf32, #tpu.memory_space<vmem>>) target(%dma_start3A_1519 : memref<65536x1024xf32, #tpu.memory_space<hbm>>) offsets(%dma_start3A_1516 : memref<8xi32, #tpu.memory_space<vmem>>) semaphore(%dma_start3A_1521 : memref<!tpu.dma_semaphore, #tpu.memory_space<semaphore_mem>>)
    %dma_start3A_1522 = arith.constant 21 : i32
    %dma_start3A_1523 = arith.constant 10 : i32
    %dma_start3A_1524 = arith.constant 0 : i32
    %dma_start3A_1525 = tpu.memref_slice %arg10[%dma_start3A_1522, %dma_start3A_1524] : memref<32x8xi32, #tpu.memory_space<vmem>> -> memref<1x8xi32, #tpu.memory_space<vmem>>
    %dma_start3A_1526 = tpu.memref_squeeze %dma_start3A_1525 : memref<1x8xi32, #tpu.memory_space<vmem>> -> memref<8xi32, #tpu.memory_space<vmem>>
    %dma_start3A_1527 = arith.constant 0 : i32
    %dma_start3A_1528 = arith.constant 0 : i32
    %dma_start3A_1529 = tpu.memref_slice %arg6[%dma_start3A_1527, %dma_start3A_1528] : memref<65536x1024xf32, #tpu.memory_space<hbm>> -> memref<65536x1024xf32, #tpu.memory_space<hbm>>
    %dma_start3A_1530 = tpu.memref_slice %arg24[%dma_start3A_1523] : memref<11x!tpu.dma_semaphore, #tpu.memory_space<semaphore_mem>> -> memref<1x!tpu.dma_semaphore, #tpu.memory_space<semaphore_mem>>
    %dma_start3A_1531 = tpu.memref_squeeze %dma_start3A_1530 : memref<1x!tpu.dma_semaphore, #tpu.memory_space<semaphore_mem>> -> memref<!tpu.dma_semaphore, #tpu.memory_space<semaphore_mem>>
    tpu.enqueue_indirect_dma source(%arg21 : memref<8x1024xf32, #tpu.memory_space<vmem>>) target(%dma_start3A_1529 : memref<65536x1024xf32, #tpu.memory_space<hbm>>) offsets(%dma_start3A_1526 : memref<8xi32, #tpu.memory_space<vmem>>) semaphore(%dma_start3A_1531 : memref<!tpu.dma_semaphore, #tpu.memory_space<semaphore_mem>>)
    %dma_wait3A_1532 = arith.constant 0 : i32
    %dma_wait3A_1533 = arith.constant 0 : i32
    %dma_wait3A_1534 = tpu.memref_slice %arg2[%add3A_1138, %dma_wait3A_1533] : memref<4096x1024xf32, #tpu.memory_space<hbm>> -> memref<8x1024xf32, #tpu.memory_space<hbm>>
    %dma_wait3A_1535 = tpu.memref_slice %arg23[%dma_wait3A_1532] : memref<11x!tpu.dma_semaphore, #tpu.memory_space<semaphore_mem>> -> memref<1x!tpu.dma_semaphore, #tpu.memory_space<semaphore_mem>>
    %dma_wait3A_1536 = tpu.memref_squeeze %dma_wait3A_1535 : memref<1x!tpu.dma_semaphore, #tpu.memory_space<semaphore_mem>> -> memref<!tpu.dma_semaphore, #tpu.memory_space<semaphore_mem>>
    %dma_wait3A_1537 = arith.constant 0 : i32
    %dma_wait3A_1538 = tpu.memref_slice %arg2[%add3A_1138, %dma_wait3A_1537] : memref<4096x1024xf32, #tpu.memory_space<hbm>> -> memref<8x1024xf32, #tpu.memory_space<hbm>>
    tpu.wait_dma2 semaphore(%dma_wait3A_1536 : memref<!tpu.dma_semaphore, #tpu.memory_space<semaphore_mem>>) src(%dma_wait3A_1538 : memref<8x1024xf32, #tpu.memory_space<hbm>>) dst(%arg11 : memref<8x1024xf32, #tpu.memory_space<vmem>>)
    %dma_start3A_1539 = arith.constant 22 : i32
    %dma_start3A_1540 = arith.constant 0 : i32
    %dma_start3A_1541 = arith.constant 0 : i32
    %dma_start3A_1542 = tpu.memref_slice %arg10[%dma_start3A_1539, %dma_start3A_1541] : memref<32x8xi32, #tpu.memory_space<vmem>> -> memref<1x8xi32, #tpu.memory_space<vmem>>
    %dma_start3A_1543 = tpu.memref_squeeze %dma_start3A_1542 : memref<1x8xi32, #tpu.memory_space<vmem>> -> memref<8xi32, #tpu.memory_space<vmem>>
    %dma_start3A_1544 = arith.constant 0 : i32
    %dma_start3A_1545 = arith.constant 0 : i32
    %dma_start3A_1546 = tpu.memref_slice %arg6[%dma_start3A_1544, %dma_start3A_1545] : memref<65536x1024xf32, #tpu.memory_space<hbm>> -> memref<65536x1024xf32, #tpu.memory_space<hbm>>
    %dma_start3A_1547 = tpu.memref_slice %arg24[%dma_start3A_1540] : memref<11x!tpu.dma_semaphore, #tpu.memory_space<semaphore_mem>> -> memref<1x!tpu.dma_semaphore, #tpu.memory_space<semaphore_mem>>
    %dma_start3A_1548 = tpu.memref_squeeze %dma_start3A_1547 : memref<1x!tpu.dma_semaphore, #tpu.memory_space<semaphore_mem>> -> memref<!tpu.dma_semaphore, #tpu.memory_space<semaphore_mem>>
    tpu.enqueue_indirect_dma source(%arg11 : memref<8x1024xf32, #tpu.memory_space<vmem>>) target(%dma_start3A_1546 : memref<65536x1024xf32, #tpu.memory_space<hbm>>) offsets(%dma_start3A_1543 : memref<8xi32, #tpu.memory_space<vmem>>) semaphore(%dma_start3A_1548 : memref<!tpu.dma_semaphore, #tpu.memory_space<semaphore_mem>>)
    %dma_start3A_1549 = arith.constant 23 : i32
    %dma_start3A_1550 = arith.constant 0 : i32
    %dma_start3A_1551 = arith.constant 0 : i32
    %dma_start3A_1552 = tpu.memref_slice %arg10[%dma_start3A_1549, %dma_start3A_1551] : memref<32x8xi32, #tpu.memory_space<vmem>> -> memref<1x8xi32, #tpu.memory_space<vmem>>
    %dma_start3A_1553 = tpu.memref_squeeze %dma_start3A_1552 : memref<1x8xi32, #tpu.memory_space<vmem>> -> memref<8xi32, #tpu.memory_space<vmem>>
    %dma_start3A_1554 = arith.constant 0 : i32
    %dma_start3A_1555 = arith.constant 0 : i32
    %dma_start3A_1556 = tpu.memref_slice %arg6[%dma_start3A_1554, %dma_start3A_1555] : memref<65536x1024xf32, #tpu.memory_space<hbm>> -> memref<65536x1024xf32, #tpu.memory_space<hbm>>
    %dma_start3A_1557 = tpu.memref_slice %arg24[%dma_start3A_1550] : memref<11x!tpu.dma_semaphore, #tpu.memory_space<semaphore_mem>> -> memref<1x!tpu.dma_semaphore, #tpu.memory_space<semaphore_mem>>
    %dma_start3A_1558 = tpu.memref_squeeze %dma_start3A_1557 : memref<1x!tpu.dma_semaphore, #tpu.memory_space<semaphore_mem>> -> memref<!tpu.dma_semaphore, #tpu.memory_space<semaphore_mem>>
    tpu.enqueue_indirect_dma source(%arg11 : memref<8x1024xf32, #tpu.memory_space<vmem>>) target(%dma_start3A_1556 : memref<65536x1024xf32, #tpu.memory_space<hbm>>) offsets(%dma_start3A_1553 : memref<8xi32, #tpu.memory_space<vmem>>) semaphore(%dma_start3A_1558 : memref<!tpu.dma_semaphore, #tpu.memory_space<semaphore_mem>>)
    %dma_wait3A_1559 = arith.constant 1 : i32
    %dma_wait3A_1560 = arith.constant 0 : i32
    %dma_wait3A_1561 = tpu.memref_slice %arg2[%add3A_1194, %dma_wait3A_1560] : memref<4096x1024xf32, #tpu.memory_space<hbm>> -> memref<8x1024xf32, #tpu.memory_space<hbm>>
    %dma_wait3A_1562 = tpu.memref_slice %arg23[%dma_wait3A_1559] : memref<11x!tpu.dma_semaphore, #tpu.memory_space<semaphore_mem>> -> memref<1x!tpu.dma_semaphore, #tpu.memory_space<semaphore_mem>>
    %dma_wait3A_1563 = tpu.memref_squeeze %dma_wait3A_1562 : memref<1x!tpu.dma_semaphore, #tpu.memory_space<semaphore_mem>> -> memref<!tpu.dma_semaphore, #tpu.memory_space<semaphore_mem>>
    %dma_wait3A_1564 = arith.constant 0 : i32
    %dma_wait3A_1565 = tpu.memref_slice %arg2[%add3A_1194, %dma_wait3A_1564] : memref<4096x1024xf32, #tpu.memory_space<hbm>> -> memref<8x1024xf32, #tpu.memory_space<hbm>>
    tpu.wait_dma2 semaphore(%dma_wait3A_1563 : memref<!tpu.dma_semaphore, #tpu.memory_space<semaphore_mem>>) src(%dma_wait3A_1565 : memref<8x1024xf32, #tpu.memory_space<hbm>>) dst(%arg12 : memref<8x1024xf32, #tpu.memory_space<vmem>>)
    %dma_start3A_1566 = arith.constant 24 : i32
    %dma_start3A_1567 = arith.constant 1 : i32
    %dma_start3A_1568 = arith.constant 0 : i32
    %dma_start3A_1569 = tpu.memref_slice %arg10[%dma_start3A_1566, %dma_start3A_1568] : memref<32x8xi32, #tpu.memory_space<vmem>> -> memref<1x8xi32, #tpu.memory_space<vmem>>
    %dma_start3A_1570 = tpu.memref_squeeze %dma_start3A_1569 : memref<1x8xi32, #tpu.memory_space<vmem>> -> memref<8xi32, #tpu.memory_space<vmem>>
    %dma_start3A_1571 = arith.constant 0 : i32
    %dma_start3A_1572 = arith.constant 0 : i32
    %dma_start3A_1573 = tpu.memref_slice %arg6[%dma_start3A_1571, %dma_start3A_1572] : memref<65536x1024xf32, #tpu.memory_space<hbm>> -> memref<65536x1024xf32, #tpu.memory_space<hbm>>
    %dma_start3A_1574 = tpu.memref_slice %arg24[%dma_start3A_1567] : memref<11x!tpu.dma_semaphore, #tpu.memory_space<semaphore_mem>> -> memref<1x!tpu.dma_semaphore, #tpu.memory_space<semaphore_mem>>
    %dma_start3A_1575 = tpu.memref_squeeze %dma_start3A_1574 : memref<1x!tpu.dma_semaphore, #tpu.memory_space<semaphore_mem>> -> memref<!tpu.dma_semaphore, #tpu.memory_space<semaphore_mem>>
    tpu.enqueue_indirect_dma source(%arg12 : memref<8x1024xf32, #tpu.memory_space<vmem>>) target(%dma_start3A_1573 : memref<65536x1024xf32, #tpu.memory_space<hbm>>) offsets(%dma_start3A_1570 : memref<8xi32, #tpu.memory_space<vmem>>) semaphore(%dma_start3A_1575 : memref<!tpu.dma_semaphore, #tpu.memory_space<semaphore_mem>>)
    %dma_start3A_1576 = arith.constant 25 : i32
    %dma_start3A_1577 = arith.constant 1 : i32
    %dma_start3A_1578 = arith.constant 0 : i32
    %dma_start3A_1579 = tpu.memref_slice %arg10[%dma_start3A_1576, %dma_start3A_1578] : memref<32x8xi32, #tpu.memory_space<vmem>> -> memref<1x8xi32, #tpu.memory_space<vmem>>
    %dma_start3A_1580 = tpu.memref_squeeze %dma_start3A_1579 : memref<1x8xi32, #tpu.memory_space<vmem>> -> memref<8xi32, #tpu.memory_space<vmem>>
    %dma_start3A_1581 = arith.constant 0 : i32
    %dma_start3A_1582 = arith.constant 0 : i32
    %dma_start3A_1583 = tpu.memref_slice %arg6[%dma_start3A_1581, %dma_start3A_1582] : memref<65536x1024xf32, #tpu.memory_space<hbm>> -> memref<65536x1024xf32, #tpu.memory_space<hbm>>
    %dma_start3A_1584 = tpu.memref_slice %arg24[%dma_start3A_1577] : memref<11x!tpu.dma_semaphore, #tpu.memory_space<semaphore_mem>> -> memref<1x!tpu.dma_semaphore, #tpu.memory_space<semaphore_mem>>
    %dma_start3A_1585 = tpu.memref_squeeze %dma_start3A_1584 : memref<1x!tpu.dma_semaphore, #tpu.memory_space<semaphore_mem>> -> memref<!tpu.dma_semaphore, #tpu.memory_space<semaphore_mem>>
    tpu.enqueue_indirect_dma source(%arg12 : memref<8x1024xf32, #tpu.memory_space<vmem>>) target(%dma_start3A_1583 : memref<65536x1024xf32, #tpu.memory_space<hbm>>) offsets(%dma_start3A_1580 : memref<8xi32, #tpu.memory_space<vmem>>) semaphore(%dma_start3A_1585 : memref<!tpu.dma_semaphore, #tpu.memory_space<semaphore_mem>>)
    %dma_wait3A_1586 = arith.constant 2 : i32
    %dma_wait3A_1587 = arith.constant 0 : i32
    %dma_wait3A_1588 = tpu.memref_slice %arg2[%add3A_1250, %dma_wait3A_1587] : memref<4096x1024xf32, #tpu.memory_space<hbm>> -> memref<8x1024xf32, #tpu.memory_space<hbm>>
    %dma_wait3A_1589 = tpu.memref_slice %arg23[%dma_wait3A_1586] : memref<11x!tpu.dma_semaphore, #tpu.memory_space<semaphore_mem>> -> memref<1x!tpu.dma_semaphore, #tpu.memory_space<semaphore_mem>>
    %dma_wait3A_1590 = tpu.memref_squeeze %dma_wait3A_1589 : memref<1x!tpu.dma_semaphore, #tpu.memory_space<semaphore_mem>> -> memref<!tpu.dma_semaphore, #tpu.memory_space<semaphore_mem>>
    %dma_wait3A_1591 = arith.constant 0 : i32
    %dma_wait3A_1592 = tpu.memref_slice %arg2[%add3A_1250, %dma_wait3A_1591] : memref<4096x1024xf32, #tpu.memory_space<hbm>> -> memref<8x1024xf32, #tpu.memory_space<hbm>>
    tpu.wait_dma2 semaphore(%dma_wait3A_1590 : memref<!tpu.dma_semaphore, #tpu.memory_space<semaphore_mem>>) src(%dma_wait3A_1592 : memref<8x1024xf32, #tpu.memory_space<hbm>>) dst(%arg13 : memref<8x1024xf32, #tpu.memory_space<vmem>>)
    %dma_start3A_1593 = arith.constant 26 : i32
    %dma_start3A_1594 = arith.constant 2 : i32
    %dma_start3A_1595 = arith.constant 0 : i32
    %dma_start3A_1596 = tpu.memref_slice %arg10[%dma_start3A_1593, %dma_start3A_1595] : memref<32x8xi32, #tpu.memory_space<vmem>> -> memref<1x8xi32, #tpu.memory_space<vmem>>
    %dma_start3A_1597 = tpu.memref_squeeze %dma_start3A_1596 : memref<1x8xi32, #tpu.memory_space<vmem>> -> memref<8xi32, #tpu.memory_space<vmem>>
    %dma_start3A_1598 = arith.constant 0 : i32
    %dma_start3A_1599 = arith.constant 0 : i32
    %dma_start3A_1600 = tpu.memref_slice %arg6[%dma_start3A_1598, %dma_start3A_1599] : memref<65536x1024xf32, #tpu.memory_space<hbm>> -> memref<65536x1024xf32, #tpu.memory_space<hbm>>
    %dma_start3A_1601 = tpu.memref_slice %arg24[%dma_start3A_1594] : memref<11x!tpu.dma_semaphore, #tpu.memory_space<semaphore_mem>> -> memref<1x!tpu.dma_semaphore, #tpu.memory_space<semaphore_mem>>
    %dma_start3A_1602 = tpu.memref_squeeze %dma_start3A_1601 : memref<1x!tpu.dma_semaphore, #tpu.memory_space<semaphore_mem>> -> memref<!tpu.dma_semaphore, #tpu.memory_space<semaphore_mem>>
    tpu.enqueue_indirect_dma source(%arg13 : memref<8x1024xf32, #tpu.memory_space<vmem>>) target(%dma_start3A_1600 : memref<65536x1024xf32, #tpu.memory_space<hbm>>) offsets(%dma_start3A_1597 : memref<8xi32, #tpu.memory_space<vmem>>) semaphore(%dma_start3A_1602 : memref<!tpu.dma_semaphore, #tpu.memory_space<semaphore_mem>>)
    %dma_start3A_1603 = arith.constant 27 : i32
    %dma_start3A_1604 = arith.constant 2 : i32
    %dma_start3A_1605 = arith.constant 0 : i32
    %dma_start3A_1606 = tpu.memref_slice %arg10[%dma_start3A_1603, %dma_start3A_1605] : memref<32x8xi32, #tpu.memory_space<vmem>> -> memref<1x8xi32, #tpu.memory_space<vmem>>
    %dma_start3A_1607 = tpu.memref_squeeze %dma_start3A_1606 : memref<1x8xi32, #tpu.memory_space<vmem>> -> memref<8xi32, #tpu.memory_space<vmem>>
    %dma_start3A_1608 = arith.constant 0 : i32
    %dma_start3A_1609 = arith.constant 0 : i32
    %dma_start3A_1610 = tpu.memref_slice %arg6[%dma_start3A_1608, %dma_start3A_1609] : memref<65536x1024xf32, #tpu.memory_space<hbm>> -> memref<65536x1024xf32, #tpu.memory_space<hbm>>
    %dma_start3A_1611 = tpu.memref_slice %arg24[%dma_start3A_1604] : memref<11x!tpu.dma_semaphore, #tpu.memory_space<semaphore_mem>> -> memref<1x!tpu.dma_semaphore, #tpu.memory_space<semaphore_mem>>
    %dma_start3A_1612 = tpu.memref_squeeze %dma_start3A_1611 : memref<1x!tpu.dma_semaphore, #tpu.memory_space<semaphore_mem>> -> memref<!tpu.dma_semaphore, #tpu.memory_space<semaphore_mem>>
    tpu.enqueue_indirect_dma source(%arg13 : memref<8x1024xf32, #tpu.memory_space<vmem>>) target(%dma_start3A_1610 : memref<65536x1024xf32, #tpu.memory_space<hbm>>) offsets(%dma_start3A_1607 : memref<8xi32, #tpu.memory_space<vmem>>) semaphore(%dma_start3A_1612 : memref<!tpu.dma_semaphore, #tpu.memory_space<semaphore_mem>>)
    %dma_wait3A_1613 = arith.constant 3 : i32
    %dma_wait3A_1614 = arith.constant 0 : i32
    %dma_wait3A_1615 = tpu.memref_slice %arg2[%add3A_1306, %dma_wait3A_1614] : memref<4096x1024xf32, #tpu.memory_space<hbm>> -> memref<8x1024xf32, #tpu.memory_space<hbm>>
    %dma_wait3A_1616 = tpu.memref_slice %arg23[%dma_wait3A_1613] : memref<11x!tpu.dma_semaphore, #tpu.memory_space<semaphore_mem>> -> memref<1x!tpu.dma_semaphore, #tpu.memory_space<semaphore_mem>>
    %dma_wait3A_1617 = tpu.memref_squeeze %dma_wait3A_1616 : memref<1x!tpu.dma_semaphore, #tpu.memory_space<semaphore_mem>> -> memref<!tpu.dma_semaphore, #tpu.memory_space<semaphore_mem>>
    %dma_wait3A_1618 = arith.constant 0 : i32
    %dma_wait3A_1619 = tpu.memref_slice %arg2[%add3A_1306, %dma_wait3A_1618] : memref<4096x1024xf32, #tpu.memory_space<hbm>> -> memref<8x1024xf32, #tpu.memory_space<hbm>>
    tpu.wait_dma2 semaphore(%dma_wait3A_1617 : memref<!tpu.dma_semaphore, #tpu.memory_space<semaphore_mem>>) src(%dma_wait3A_1619 : memref<8x1024xf32, #tpu.memory_space<hbm>>) dst(%arg14 : memref<8x1024xf32, #tpu.memory_space<vmem>>)
    %dma_start3A_1620 = arith.constant 28 : i32
    %dma_start3A_1621 = arith.constant 3 : i32
    %dma_start3A_1622 = arith.constant 0 : i32
    %dma_start3A_1623 = tpu.memref_slice %arg10[%dma_start3A_1620, %dma_start3A_1622] : memref<32x8xi32, #tpu.memory_space<vmem>> -> memref<1x8xi32, #tpu.memory_space<vmem>>
    %dma_start3A_1624 = tpu.memref_squeeze %dma_start3A_1623 : memref<1x8xi32, #tpu.memory_space<vmem>> -> memref<8xi32, #tpu.memory_space<vmem>>
    %dma_start3A_1625 = arith.constant 0 : i32
    %dma_start3A_1626 = arith.constant 0 : i32
    %dma_start3A_1627 = tpu.memref_slice %arg6[%dma_start3A_1625, %dma_start3A_1626] : memref<65536x1024xf32, #tpu.memory_space<hbm>> -> memref<65536x1024xf32, #tpu.memory_space<hbm>>
    %dma_start3A_1628 = tpu.memref_slice %arg24[%dma_start3A_1621] : memref<11x!tpu.dma_semaphore, #tpu.memory_space<semaphore_mem>> -> memref<1x!tpu.dma_semaphore, #tpu.memory_space<semaphore_mem>>
    %dma_start3A_1629 = tpu.memref_squeeze %dma_start3A_1628 : memref<1x!tpu.dma_semaphore, #tpu.memory_space<semaphore_mem>> -> memref<!tpu.dma_semaphore, #tpu.memory_space<semaphore_mem>>
    tpu.enqueue_indirect_dma source(%arg14 : memref<8x1024xf32, #tpu.memory_space<vmem>>) target(%dma_start3A_1627 : memref<65536x1024xf32, #tpu.memory_space<hbm>>) offsets(%dma_start3A_1624 : memref<8xi32, #tpu.memory_space<vmem>>) semaphore(%dma_start3A_1629 : memref<!tpu.dma_semaphore, #tpu.memory_space<semaphore_mem>>)
    %dma_start3A_1630 = arith.constant 29 : i32
    %dma_start3A_1631 = arith.constant 3 : i32
    %dma_start3A_1632 = arith.constant 0 : i32
    %dma_start3A_1633 = tpu.memref_slice %arg10[%dma_start3A_1630, %dma_start3A_1632] : memref<32x8xi32, #tpu.memory_space<vmem>> -> memref<1x8xi32, #tpu.memory_space<vmem>>
    %dma_start3A_1634 = tpu.memref_squeeze %dma_start3A_1633 : memref<1x8xi32, #tpu.memory_space<vmem>> -> memref<8xi32, #tpu.memory_space<vmem>>
    %dma_start3A_1635 = arith.constant 0 : i32
    %dma_start3A_1636 = arith.constant 0 : i32
    %dma_start3A_1637 = tpu.memref_slice %arg6[%dma_start3A_1635, %dma_start3A_1636] : memref<65536x1024xf32, #tpu.memory_space<hbm>> -> memref<65536x1024xf32, #tpu.memory_space<hbm>>
    %dma_start3A_1638 = tpu.memref_slice %arg24[%dma_start3A_1631] : memref<11x!tpu.dma_semaphore, #tpu.memory_space<semaphore_mem>> -> memref<1x!tpu.dma_semaphore, #tpu.memory_space<semaphore_mem>>
    %dma_start3A_1639 = tpu.memref_squeeze %dma_start3A_1638 : memref<1x!tpu.dma_semaphore, #tpu.memory_space<semaphore_mem>> -> memref<!tpu.dma_semaphore, #tpu.memory_space<semaphore_mem>>
    tpu.enqueue_indirect_dma source(%arg14 : memref<8x1024xf32, #tpu.memory_space<vmem>>) target(%dma_start3A_1637 : memref<65536x1024xf32, #tpu.memory_space<hbm>>) offsets(%dma_start3A_1634 : memref<8xi32, #tpu.memory_space<vmem>>) semaphore(%dma_start3A_1639 : memref<!tpu.dma_semaphore, #tpu.memory_space<semaphore_mem>>)
    %dma_wait3A_1640 = arith.constant 4 : i32
    %dma_wait3A_1641 = arith.constant 0 : i32
    %dma_wait3A_1642 = tpu.memref_slice %arg2[%add3A_1362, %dma_wait3A_1641] : memref<4096x1024xf32, #tpu.memory_space<hbm>> -> memref<8x1024xf32, #tpu.memory_space<hbm>>
    %dma_wait3A_1643 = tpu.memref_slice %arg23[%dma_wait3A_1640] : memref<11x!tpu.dma_semaphore, #tpu.memory_space<semaphore_mem>> -> memref<1x!tpu.dma_semaphore, #tpu.memory_space<semaphore_mem>>
    %dma_wait3A_1644 = tpu.memref_squeeze %dma_wait3A_1643 : memref<1x!tpu.dma_semaphore, #tpu.memory_space<semaphore_mem>> -> memref<!tpu.dma_semaphore, #tpu.memory_space<semaphore_mem>>
    %dma_wait3A_1645 = arith.constant 0 : i32
    %dma_wait3A_1646 = tpu.memref_slice %arg2[%add3A_1362, %dma_wait3A_1645] : memref<4096x1024xf32, #tpu.memory_space<hbm>> -> memref<8x1024xf32, #tpu.memory_space<hbm>>
    tpu.wait_dma2 semaphore(%dma_wait3A_1644 : memref<!tpu.dma_semaphore, #tpu.memory_space<semaphore_mem>>) src(%dma_wait3A_1646 : memref<8x1024xf32, #tpu.memory_space<hbm>>) dst(%arg15 : memref<8x1024xf32, #tpu.memory_space<vmem>>)
    %dma_start3A_1647 = arith.constant 30 : i32
    %dma_start3A_1648 = arith.constant 4 : i32
    %dma_start3A_1649 = arith.constant 0 : i32
    %dma_start3A_1650 = tpu.memref_slice %arg10[%dma_start3A_1647, %dma_start3A_1649] : memref<32x8xi32, #tpu.memory_space<vmem>> -> memref<1x8xi32, #tpu.memory_space<vmem>>
    %dma_start3A_1651 = tpu.memref_squeeze %dma_start3A_1650 : memref<1x8xi32, #tpu.memory_space<vmem>> -> memref<8xi32, #tpu.memory_space<vmem>>
    %dma_start3A_1652 = arith.constant 0 : i32
    %dma_start3A_1653 = arith.constant 0 : i32
    %dma_start3A_1654 = tpu.memref_slice %arg6[%dma_start3A_1652, %dma_start3A_1653] : memref<65536x1024xf32, #tpu.memory_space<hbm>> -> memref<65536x1024xf32, #tpu.memory_space<hbm>>
    %dma_start3A_1655 = tpu.memref_slice %arg24[%dma_start3A_1648] : memref<11x!tpu.dma_semaphore, #tpu.memory_space<semaphore_mem>> -> memref<1x!tpu.dma_semaphore, #tpu.memory_space<semaphore_mem>>
    %dma_start3A_1656 = tpu.memref_squeeze %dma_start3A_1655 : memref<1x!tpu.dma_semaphore, #tpu.memory_space<semaphore_mem>> -> memref<!tpu.dma_semaphore, #tpu.memory_space<semaphore_mem>>
    tpu.enqueue_indirect_dma source(%arg15 : memref<8x1024xf32, #tpu.memory_space<vmem>>) target(%dma_start3A_1654 : memref<65536x1024xf32, #tpu.memory_space<hbm>>) offsets(%dma_start3A_1651 : memref<8xi32, #tpu.memory_space<vmem>>) semaphore(%dma_start3A_1656 : memref<!tpu.dma_semaphore, #tpu.memory_space<semaphore_mem>>)
    %dma_start3A_1657 = arith.constant 31 : i32
    %dma_start3A_1658 = arith.constant 4 : i32
    %dma_start3A_1659 = arith.constant 0 : i32
    %dma_start3A_1660 = tpu.memref_slice %arg10[%dma_start3A_1657, %dma_start3A_1659] : memref<32x8xi32, #tpu.memory_space<vmem>> -> memref<1x8xi32, #tpu.memory_space<vmem>>
    %dma_start3A_1661 = tpu.memref_squeeze %dma_start3A_1660 : memref<1x8xi32, #tpu.memory_space<vmem>> -> memref<8xi32, #tpu.memory_space<vmem>>
    %dma_start3A_1662 = arith.constant 0 : i32
    %dma_start3A_1663 = arith.constant 0 : i32
    %dma_start3A_1664 = tpu.memref_slice %arg6[%dma_start3A_1662, %dma_start3A_1663] : memref<65536x1024xf32, #tpu.memory_space<hbm>> -> memref<65536x1024xf32, #tpu.memory_space<hbm>>
    %dma_start3A_1665 = tpu.memref_slice %arg24[%dma_start3A_1658] : memref<11x!tpu.dma_semaphore, #tpu.memory_space<semaphore_mem>> -> memref<1x!tpu.dma_semaphore, #tpu.memory_space<semaphore_mem>>
    %dma_start3A_1666 = tpu.memref_squeeze %dma_start3A_1665 : memref<1x!tpu.dma_semaphore, #tpu.memory_space<semaphore_mem>> -> memref<!tpu.dma_semaphore, #tpu.memory_space<semaphore_mem>>
    tpu.enqueue_indirect_dma source(%arg15 : memref<8x1024xf32, #tpu.memory_space<vmem>>) target(%dma_start3A_1664 : memref<65536x1024xf32, #tpu.memory_space<hbm>>) offsets(%dma_start3A_1661 : memref<8xi32, #tpu.memory_space<vmem>>) semaphore(%dma_start3A_1666 : memref<!tpu.dma_semaphore, #tpu.memory_space<semaphore_mem>>)
    %dma_wait3A_1667 = arith.constant 10 : i32
    %dma_wait3A_1668 = arith.constant 5 : i32
    %dma_wait3A_1669 = arith.constant 0 : i32
    %dma_wait3A_1670 = tpu.memref_slice %arg10[%dma_wait3A_1667, %dma_wait3A_1669] : memref<32x8xi32, #tpu.memory_space<vmem>> -> memref<1x8xi32, #tpu.memory_space<vmem>>
    %dma_wait3A_1671 = tpu.memref_squeeze %dma_wait3A_1670 : memref<1x8xi32, #tpu.memory_space<vmem>> -> memref<8xi32, #tpu.memory_space<vmem>>
    %dma_wait3A_1672 = arith.constant 0 : i32
    %dma_wait3A_1673 = arith.constant 0 : i32
    %dma_wait3A_1674 = tpu.memref_slice %arg6[%dma_wait3A_1672, %dma_wait3A_1673] : memref<65536x1024xf32, #tpu.memory_space<hbm>> -> memref<65536x1024xf32, #tpu.memory_space<hbm>>
    %dma_wait3A_1675 = tpu.memref_slice %arg24[%dma_wait3A_1668] : memref<11x!tpu.dma_semaphore, #tpu.memory_space<semaphore_mem>> -> memref<1x!tpu.dma_semaphore, #tpu.memory_space<semaphore_mem>>
    %dma_wait3A_1676 = tpu.memref_squeeze %dma_wait3A_1675 : memref<1x!tpu.dma_semaphore, #tpu.memory_space<semaphore_mem>> -> memref<!tpu.dma_semaphore, #tpu.memory_space<semaphore_mem>>
    tpu.wait_indirect_dma semaphore(%dma_wait3A_1676 : memref<!tpu.dma_semaphore, #tpu.memory_space<semaphore_mem>>) src(%arg16 : memref<8x1024xf32, #tpu.memory_space<vmem>>) dst(%dma_wait3A_1674 : memref<65536x1024xf32, #tpu.memory_space<hbm>>)
    %dma_wait3A_1677 = arith.constant 11 : i32
    %dma_wait3A_1678 = arith.constant 5 : i32
    %dma_wait3A_1679 = arith.constant 0 : i32
    %dma_wait3A_1680 = tpu.memref_slice %arg10[%dma_wait3A_1677, %dma_wait3A_1679] : memref<32x8xi32, #tpu.memory_space<vmem>> -> memref<1x8xi32, #tpu.memory_space<vmem>>
    %dma_wait3A_1681 = tpu.memref_squeeze %dma_wait3A_1680 : memref<1x8xi32, #tpu.memory_space<vmem>> -> memref<8xi32, #tpu.memory_space<vmem>>
    %dma_wait3A_1682 = arith.constant 0 : i32
    %dma_wait3A_1683 = arith.constant 0 : i32
    %dma_wait3A_1684 = tpu.memref_slice %arg6[%dma_wait3A_1682, %dma_wait3A_1683] : memref<65536x1024xf32, #tpu.memory_space<hbm>> -> memref<65536x1024xf32, #tpu.memory_space<hbm>>
    %dma_wait3A_1685 = tpu.memref_slice %arg24[%dma_wait3A_1678] : memref<11x!tpu.dma_semaphore, #tpu.memory_space<semaphore_mem>> -> memref<1x!tpu.dma_semaphore, #tpu.memory_space<semaphore_mem>>
    %dma_wait3A_1686 = tpu.memref_squeeze %dma_wait3A_1685 : memref<1x!tpu.dma_semaphore, #tpu.memory_space<semaphore_mem>> -> memref<!tpu.dma_semaphore, #tpu.memory_space<semaphore_mem>>
    tpu.wait_indirect_dma semaphore(%dma_wait3A_1686 : memref<!tpu.dma_semaphore, #tpu.memory_space<semaphore_mem>>) src(%arg16 : memref<8x1024xf32, #tpu.memory_space<vmem>>) dst(%dma_wait3A_1684 : memref<65536x1024xf32, #tpu.memory_space<hbm>>)
    %dma_wait3A_1687 = arith.constant 12 : i32
    %dma_wait3A_1688 = arith.constant 6 : i32
    %dma_wait3A_1689 = arith.constant 0 : i32
    %dma_wait3A_1690 = tpu.memref_slice %arg10[%dma_wait3A_1687, %dma_wait3A_1689] : memref<32x8xi32, #tpu.memory_space<vmem>> -> memref<1x8xi32, #tpu.memory_space<vmem>>
    %dma_wait3A_1691 = tpu.memref_squeeze %dma_wait3A_1690 : memref<1x8xi32, #tpu.memory_space<vmem>> -> memref<8xi32, #tpu.memory_space<vmem>>
    %dma_wait3A_1692 = arith.constant 0 : i32
    %dma_wait3A_1693 = arith.constant 0 : i32
    %dma_wait3A_1694 = tpu.memref_slice %arg6[%dma_wait3A_1692, %dma_wait3A_1693] : memref<65536x1024xf32, #tpu.memory_space<hbm>> -> memref<65536x1024xf32, #tpu.memory_space<hbm>>
    %dma_wait3A_1695 = tpu.memref_slice %arg24[%dma_wait3A_1688] : memref<11x!tpu.dma_semaphore, #tpu.memory_space<semaphore_mem>> -> memref<1x!tpu.dma_semaphore, #tpu.memory_space<semaphore_mem>>
    %dma_wait3A_1696 = tpu.memref_squeeze %dma_wait3A_1695 : memref<1x!tpu.dma_semaphore, #tpu.memory_space<semaphore_mem>> -> memref<!tpu.dma_semaphore, #tpu.memory_space<semaphore_mem>>
    tpu.wait_indirect_dma semaphore(%dma_wait3A_1696 : memref<!tpu.dma_semaphore, #tpu.memory_space<semaphore_mem>>) src(%arg17 : memref<8x1024xf32, #tpu.memory_space<vmem>>) dst(%dma_wait3A_1694 : memref<65536x1024xf32, #tpu.memory_space<hbm>>)
    %dma_wait3A_1697 = arith.constant 13 : i32
    %dma_wait3A_1698 = arith.constant 6 : i32
    %dma_wait3A_1699 = arith.constant 0 : i32
    %dma_wait3A_1700 = tpu.memref_slice %arg10[%dma_wait3A_1697, %dma_wait3A_1699] : memref<32x8xi32, #tpu.memory_space<vmem>> -> memref<1x8xi32, #tpu.memory_space<vmem>>
    %dma_wait3A_1701 = tpu.memref_squeeze %dma_wait3A_1700 : memref<1x8xi32, #tpu.memory_space<vmem>> -> memref<8xi32, #tpu.memory_space<vmem>>
    %dma_wait3A_1702 = arith.constant 0 : i32
    %dma_wait3A_1703 = arith.constant 0 : i32
    %dma_wait3A_1704 = tpu.memref_slice %arg6[%dma_wait3A_1702, %dma_wait3A_1703] : memref<65536x1024xf32, #tpu.memory_space<hbm>> -> memref<65536x1024xf32, #tpu.memory_space<hbm>>
    %dma_wait3A_1705 = tpu.memref_slice %arg24[%dma_wait3A_1698] : memref<11x!tpu.dma_semaphore, #tpu.memory_space<semaphore_mem>> -> memref<1x!tpu.dma_semaphore, #tpu.memory_space<semaphore_mem>>
    %dma_wait3A_1706 = tpu.memref_squeeze %dma_wait3A_1705 : memref<1x!tpu.dma_semaphore, #tpu.memory_space<semaphore_mem>> -> memref<!tpu.dma_semaphore, #tpu.memory_space<semaphore_mem>>
    tpu.wait_indirect_dma semaphore(%dma_wait3A_1706 : memref<!tpu.dma_semaphore, #tpu.memory_space<semaphore_mem>>) src(%arg17 : memref<8x1024xf32, #tpu.memory_space<vmem>>) dst(%dma_wait3A_1704 : memref<65536x1024xf32, #tpu.memory_space<hbm>>)
    %dma_wait3A_1707 = arith.constant 14 : i32
    %dma_wait3A_1708 = arith.constant 7 : i32
    %dma_wait3A_1709 = arith.constant 0 : i32
    %dma_wait3A_1710 = tpu.memref_slice %arg10[%dma_wait3A_1707, %dma_wait3A_1709] : memref<32x8xi32, #tpu.memory_space<vmem>> -> memref<1x8xi32, #tpu.memory_space<vmem>>
    %dma_wait3A_1711 = tpu.memref_squeeze %dma_wait3A_1710 : memref<1x8xi32, #tpu.memory_space<vmem>> -> memref<8xi32, #tpu.memory_space<vmem>>
    %dma_wait3A_1712 = arith.constant 0 : i32
    %dma_wait3A_1713 = arith.constant 0 : i32
    %dma_wait3A_1714 = tpu.memref_slice %arg6[%dma_wait3A_1712, %dma_wait3A_1713] : memref<65536x1024xf32, #tpu.memory_space<hbm>> -> memref<65536x1024xf32, #tpu.memory_space<hbm>>
    %dma_wait3A_1715 = tpu.memref_slice %arg24[%dma_wait3A_1708] : memref<11x!tpu.dma_semaphore, #tpu.memory_space<semaphore_mem>> -> memref<1x!tpu.dma_semaphore, #tpu.memory_space<semaphore_mem>>
    %dma_wait3A_1716 = tpu.memref_squeeze %dma_wait3A_1715 : memref<1x!tpu.dma_semaphore, #tpu.memory_space<semaphore_mem>> -> memref<!tpu.dma_semaphore, #tpu.memory_space<semaphore_mem>>
    tpu.wait_indirect_dma semaphore(%dma_wait3A_1716 : memref<!tpu.dma_semaphore, #tpu.memory_space<semaphore_mem>>) src(%arg18 : memref<8x1024xf32, #tpu.memory_space<vmem>>) dst(%dma_wait3A_1714 : memref<65536x1024xf32, #tpu.memory_space<hbm>>)
    %dma_wait3A_1717 = arith.constant 15 : i32
    %dma_wait3A_1718 = arith.constant 7 : i32
    %dma_wait3A_1719 = arith.constant 0 : i32
    %dma_wait3A_1720 = tpu.memref_slice %arg10[%dma_wait3A_1717, %dma_wait3A_1719] : memref<32x8xi32, #tpu.memory_space<vmem>> -> memref<1x8xi32, #tpu.memory_space<vmem>>
    %dma_wait3A_1721 = tpu.memref_squeeze %dma_wait3A_1720 : memref<1x8xi32, #tpu.memory_space<vmem>> -> memref<8xi32, #tpu.memory_space<vmem>>
    %dma_wait3A_1722 = arith.constant 0 : i32
    %dma_wait3A_1723 = arith.constant 0 : i32
    %dma_wait3A_1724 = tpu.memref_slice %arg6[%dma_wait3A_1722, %dma_wait3A_1723] : memref<65536x1024xf32, #tpu.memory_space<hbm>> -> memref<65536x1024xf32, #tpu.memory_space<hbm>>
    %dma_wait3A_1725 = tpu.memref_slice %arg24[%dma_wait3A_1718] : memref<11x!tpu.dma_semaphore, #tpu.memory_space<semaphore_mem>> -> memref<1x!tpu.dma_semaphore, #tpu.memory_space<semaphore_mem>>
    %dma_wait3A_1726 = tpu.memref_squeeze %dma_wait3A_1725 : memref<1x!tpu.dma_semaphore, #tpu.memory_space<semaphore_mem>> -> memref<!tpu.dma_semaphore, #tpu.memory_space<semaphore_mem>>
    tpu.wait_indirect_dma semaphore(%dma_wait3A_1726 : memref<!tpu.dma_semaphore, #tpu.memory_space<semaphore_mem>>) src(%arg18 : memref<8x1024xf32, #tpu.memory_space<vmem>>) dst(%dma_wait3A_1724 : memref<65536x1024xf32, #tpu.memory_space<hbm>>)
    %dma_wait3A_1727 = arith.constant 16 : i32
    %dma_wait3A_1728 = arith.constant 8 : i32
    %dma_wait3A_1729 = arith.constant 0 : i32
    %dma_wait3A_1730 = tpu.memref_slice %arg10[%dma_wait3A_1727, %dma_wait3A_1729] : memref<32x8xi32, #tpu.memory_space<vmem>> -> memref<1x8xi32, #tpu.memory_space<vmem>>
    %dma_wait3A_1731 = tpu.memref_squeeze %dma_wait3A_1730 : memref<1x8xi32, #tpu.memory_space<vmem>> -> memref<8xi32, #tpu.memory_space<vmem>>
    %dma_wait3A_1732 = arith.constant 0 : i32
    %dma_wait3A_1733 = arith.constant 0 : i32
    %dma_wait3A_1734 = tpu.memref_slice %arg6[%dma_wait3A_1732, %dma_wait3A_1733] : memref<65536x1024xf32, #tpu.memory_space<hbm>> -> memref<65536x1024xf32, #tpu.memory_space<hbm>>
    %dma_wait3A_1735 = tpu.memref_slice %arg24[%dma_wait3A_1728] : memref<11x!tpu.dma_semaphore, #tpu.memory_space<semaphore_mem>> -> memref<1x!tpu.dma_semaphore, #tpu.memory_space<semaphore_mem>>
    %dma_wait3A_1736 = tpu.memref_squeeze %dma_wait3A_1735 : memref<1x!tpu.dma_semaphore, #tpu.memory_space<semaphore_mem>> -> memref<!tpu.dma_semaphore, #tpu.memory_space<semaphore_mem>>
    tpu.wait_indirect_dma semaphore(%dma_wait3A_1736 : memref<!tpu.dma_semaphore, #tpu.memory_space<semaphore_mem>>) src(%arg19 : memref<8x1024xf32, #tpu.memory_space<vmem>>) dst(%dma_wait3A_1734 : memref<65536x1024xf32, #tpu.memory_space<hbm>>)
    %dma_wait3A_1737 = arith.constant 17 : i32
    %dma_wait3A_1738 = arith.constant 8 : i32
    %dma_wait3A_1739 = arith.constant 0 : i32
    %dma_wait3A_1740 = tpu.memref_slice %arg10[%dma_wait3A_1737, %dma_wait3A_1739] : memref<32x8xi32, #tpu.memory_space<vmem>> -> memref<1x8xi32, #tpu.memory_space<vmem>>
    %dma_wait3A_1741 = tpu.memref_squeeze %dma_wait3A_1740 : memref<1x8xi32, #tpu.memory_space<vmem>> -> memref<8xi32, #tpu.memory_space<vmem>>
    %dma_wait3A_1742 = arith.constant 0 : i32
    %dma_wait3A_1743 = arith.constant 0 : i32
    %dma_wait3A_1744 = tpu.memref_slice %arg6[%dma_wait3A_1742, %dma_wait3A_1743] : memref<65536x1024xf32, #tpu.memory_space<hbm>> -> memref<65536x1024xf32, #tpu.memory_space<hbm>>
    %dma_wait3A_1745 = tpu.memref_slice %arg24[%dma_wait3A_1738] : memref<11x!tpu.dma_semaphore, #tpu.memory_space<semaphore_mem>> -> memref<1x!tpu.dma_semaphore, #tpu.memory_space<semaphore_mem>>
    %dma_wait3A_1746 = tpu.memref_squeeze %dma_wait3A_1745 : memref<1x!tpu.dma_semaphore, #tpu.memory_space<semaphore_mem>> -> memref<!tpu.dma_semaphore, #tpu.memory_space<semaphore_mem>>
    tpu.wait_indirect_dma semaphore(%dma_wait3A_1746 : memref<!tpu.dma_semaphore, #tpu.memory_space<semaphore_mem>>) src(%arg19 : memref<8x1024xf32, #tpu.memory_space<vmem>>) dst(%dma_wait3A_1744 : memref<65536x1024xf32, #tpu.memory_space<hbm>>)
    %dma_wait3A_1747 = arith.constant 18 : i32
    %dma_wait3A_1748 = arith.constant 9 : i32
    %dma_wait3A_1749 = arith.constant 0 : i32
    %dma_wait3A_1750 = tpu.memref_slice %arg10[%dma_wait3A_1747, %dma_wait3A_1749] : memref<32x8xi32, #tpu.memory_space<vmem>> -> memref<1x8xi32, #tpu.memory_space<vmem>>
    %dma_wait3A_1751 = tpu.memref_squeeze %dma_wait3A_1750 : memref<1x8xi32, #tpu.memory_space<vmem>> -> memref<8xi32, #tpu.memory_space<vmem>>
    %dma_wait3A_1752 = arith.constant 0 : i32
    %dma_wait3A_1753 = arith.constant 0 : i32
    %dma_wait3A_1754 = tpu.memref_slice %arg6[%dma_wait3A_1752, %dma_wait3A_1753] : memref<65536x1024xf32, #tpu.memory_space<hbm>> -> memref<65536x1024xf32, #tpu.memory_space<hbm>>
    %dma_wait3A_1755 = tpu.memref_slice %arg24[%dma_wait3A_1748] : memref<11x!tpu.dma_semaphore, #tpu.memory_space<semaphore_mem>> -> memref<1x!tpu.dma_semaphore, #tpu.memory_space<semaphore_mem>>
    %dma_wait3A_1756 = tpu.memref_squeeze %dma_wait3A_1755 : memref<1x!tpu.dma_semaphore, #tpu.memory_space<semaphore_mem>> -> memref<!tpu.dma_semaphore, #tpu.memory_space<semaphore_mem>>
    tpu.wait_indirect_dma semaphore(%dma_wait3A_1756 : memref<!tpu.dma_semaphore, #tpu.memory_space<semaphore_mem>>) src(%arg20 : memref<8x1024xf32, #tpu.memory_space<vmem>>) dst(%dma_wait3A_1754 : memref<65536x1024xf32, #tpu.memory_space<hbm>>)
    %dma_wait3A_1757 = arith.constant 19 : i32
    %dma_wait3A_1758 = arith.constant 9 : i32
    %dma_wait3A_1759 = arith.constant 0 : i32
    %dma_wait3A_1760 = tpu.memref_slice %arg10[%dma_wait3A_1757, %dma_wait3A_1759] : memref<32x8xi32, #tpu.memory_space<vmem>> -> memref<1x8xi32, #tpu.memory_space<vmem>>
    %dma_wait3A_1761 = tpu.memref_squeeze %dma_wait3A_1760 : memref<1x8xi32, #tpu.memory_space<vmem>> -> memref<8xi32, #tpu.memory_space<vmem>>
    %dma_wait3A_1762 = arith.constant 0 : i32
    %dma_wait3A_1763 = arith.constant 0 : i32
    %dma_wait3A_1764 = tpu.memref_slice %arg6[%dma_wait3A_1762, %dma_wait3A_1763] : memref<65536x1024xf32, #tpu.memory_space<hbm>> -> memref<65536x1024xf32, #tpu.memory_space<hbm>>
    %dma_wait3A_1765 = tpu.memref_slice %arg24[%dma_wait3A_1758] : memref<11x!tpu.dma_semaphore, #tpu.memory_space<semaphore_mem>> -> memref<1x!tpu.dma_semaphore, #tpu.memory_space<semaphore_mem>>
    %dma_wait3A_1766 = tpu.memref_squeeze %dma_wait3A_1765 : memref<1x!tpu.dma_semaphore, #tpu.memory_space<semaphore_mem>> -> memref<!tpu.dma_semaphore, #tpu.memory_space<semaphore_mem>>
    tpu.wait_indirect_dma semaphore(%dma_wait3A_1766 : memref<!tpu.dma_semaphore, #tpu.memory_space<semaphore_mem>>) src(%arg20 : memref<8x1024xf32, #tpu.memory_space<vmem>>) dst(%dma_wait3A_1764 : memref<65536x1024xf32, #tpu.memory_space<hbm>>)
    %dma_wait3A_1767 = arith.constant 20 : i32
    %dma_wait3A_1768 = arith.constant 10 : i32
    %dma_wait3A_1769 = arith.constant 0 : i32
    %dma_wait3A_1770 = tpu.memref_slice %arg10[%dma_wait3A_1767, %dma_wait3A_1769] : memref<32x8xi32, #tpu.memory_space<vmem>> -> memref<1x8xi32, #tpu.memory_space<vmem>>
    %dma_wait3A_1771 = tpu.memref_squeeze %dma_wait3A_1770 : memref<1x8xi32, #tpu.memory_space<vmem>> -> memref<8xi32, #tpu.memory_space<vmem>>
    %dma_wait3A_1772 = arith.constant 0 : i32
    %dma_wait3A_1773 = arith.constant 0 : i32
    %dma_wait3A_1774 = tpu.memref_slice %arg6[%dma_wait3A_1772, %dma_wait3A_1773] : memref<65536x1024xf32, #tpu.memory_space<hbm>> -> memref<65536x1024xf32, #tpu.memory_space<hbm>>
    %dma_wait3A_1775 = tpu.memref_slice %arg24[%dma_wait3A_1768] : memref<11x!tpu.dma_semaphore, #tpu.memory_space<semaphore_mem>> -> memref<1x!tpu.dma_semaphore, #tpu.memory_space<semaphore_mem>>
    %dma_wait3A_1776 = tpu.memref_squeeze %dma_wait3A_1775 : memref<1x!tpu.dma_semaphore, #tpu.memory_space<semaphore_mem>> -> memref<!tpu.dma_semaphore, #tpu.memory_space<semaphore_mem>>
    tpu.wait_indirect_dma semaphore(%dma_wait3A_1776 : memref<!tpu.dma_semaphore, #tpu.memory_space<semaphore_mem>>) src(%arg21 : memref<8x1024xf32, #tpu.memory_space<vmem>>) dst(%dma_wait3A_1774 : memref<65536x1024xf32, #tpu.memory_space<hbm>>)
    %dma_wait3A_1777 = arith.constant 21 : i32
    %dma_wait3A_1778 = arith.constant 10 : i32
    %dma_wait3A_1779 = arith.constant 0 : i32
    %dma_wait3A_1780 = tpu.memref_slice %arg10[%dma_wait3A_1777, %dma_wait3A_1779] : memref<32x8xi32, #tpu.memory_space<vmem>> -> memref<1x8xi32, #tpu.memory_space<vmem>>
    %dma_wait3A_1781 = tpu.memref_squeeze %dma_wait3A_1780 : memref<1x8xi32, #tpu.memory_space<vmem>> -> memref<8xi32, #tpu.memory_space<vmem>>
    %dma_wait3A_1782 = arith.constant 0 : i32
    %dma_wait3A_1783 = arith.constant 0 : i32
    %dma_wait3A_1784 = tpu.memref_slice %arg6[%dma_wait3A_1782, %dma_wait3A_1783] : memref<65536x1024xf32, #tpu.memory_space<hbm>> -> memref<65536x1024xf32, #tpu.memory_space<hbm>>
    %dma_wait3A_1785 = tpu.memref_slice %arg24[%dma_wait3A_1778] : memref<11x!tpu.dma_semaphore, #tpu.memory_space<semaphore_mem>> -> memref<1x!tpu.dma_semaphore, #tpu.memory_space<semaphore_mem>>
    %dma_wait3A_1786 = tpu.memref_squeeze %dma_wait3A_1785 : memref<1x!tpu.dma_semaphore, #tpu.memory_space<semaphore_mem>> -> memref<!tpu.dma_semaphore, #tpu.memory_space<semaphore_mem>>
    tpu.wait_indirect_dma semaphore(%dma_wait3A_1786 : memref<!tpu.dma_semaphore, #tpu.memory_space<semaphore_mem>>) src(%arg21 : memref<8x1024xf32, #tpu.memory_space<vmem>>) dst(%dma_wait3A_1784 : memref<65536x1024xf32, #tpu.memory_space<hbm>>)
    %dma_wait3A_1787 = arith.constant 22 : i32
    %dma_wait3A_1788 = arith.constant 0 : i32
    %dma_wait3A_1789 = arith.constant 0 : i32
    %dma_wait3A_1790 = tpu.memref_slice %arg10[%dma_wait3A_1787, %dma_wait3A_1789] : memref<32x8xi32, #tpu.memory_space<vmem>> -> memref<1x8xi32, #tpu.memory_space<vmem>>
    %dma_wait3A_1791 = tpu.memref_squeeze %dma_wait3A_1790 : memref<1x8xi32, #tpu.memory_space<vmem>> -> memref<8xi32, #tpu.memory_space<vmem>>
    %dma_wait3A_1792 = arith.constant 0 : i32
    %dma_wait3A_1793 = arith.constant 0 : i32
    %dma_wait3A_1794 = tpu.memref_slice %arg6[%dma_wait3A_1792, %dma_wait3A_1793] : memref<65536x1024xf32, #tpu.memory_space<hbm>> -> memref<65536x1024xf32, #tpu.memory_space<hbm>>
    %dma_wait3A_1795 = tpu.memref_slice %arg24[%dma_wait3A_1788] : memref<11x!tpu.dma_semaphore, #tpu.memory_space<semaphore_mem>> -> memref<1x!tpu.dma_semaphore, #tpu.memory_space<semaphore_mem>>
    %dma_wait3A_1796 = tpu.memref_squeeze %dma_wait3A_1795 : memref<1x!tpu.dma_semaphore, #tpu.memory_space<semaphore_mem>> -> memref<!tpu.dma_semaphore, #tpu.memory_space<semaphore_mem>>
    tpu.wait_indirect_dma semaphore(%dma_wait3A_1796 : memref<!tpu.dma_semaphore, #tpu.memory_space<semaphore_mem>>) src(%arg11 : memref<8x1024xf32, #tpu.memory_space<vmem>>) dst(%dma_wait3A_1794 : memref<65536x1024xf32, #tpu.memory_space<hbm>>)
    %dma_wait3A_1797 = arith.constant 23 : i32
    %dma_wait3A_1798 = arith.constant 0 : i32
    %dma_wait3A_1799 = arith.constant 0 : i32
    %dma_wait3A_1800 = tpu.memref_slice %arg10[%dma_wait3A_1797, %dma_wait3A_1799] : memref<32x8xi32, #tpu.memory_space<vmem>> -> memref<1x8xi32, #tpu.memory_space<vmem>>
    %dma_wait3A_1801 = tpu.memref_squeeze %dma_wait3A_1800 : memref<1x8xi32, #tpu.memory_space<vmem>> -> memref<8xi32, #tpu.memory_space<vmem>>
    %dma_wait3A_1802 = arith.constant 0 : i32
    %dma_wait3A_1803 = arith.constant 0 : i32
    %dma_wait3A_1804 = tpu.memref_slice %arg6[%dma_wait3A_1802, %dma_wait3A_1803] : memref<65536x1024xf32, #tpu.memory_space<hbm>> -> memref<65536x1024xf32, #tpu.memory_space<hbm>>
    %dma_wait3A_1805 = tpu.memref_slice %arg24[%dma_wait3A_1798] : memref<11x!tpu.dma_semaphore, #tpu.memory_space<semaphore_mem>> -> memref<1x!tpu.dma_semaphore, #tpu.memory_space<semaphore_mem>>
    %dma_wait3A_1806 = tpu.memref_squeeze %dma_wait3A_1805 : memref<1x!tpu.dma_semaphore, #tpu.memory_space<semaphore_mem>> -> memref<!tpu.dma_semaphore, #tpu.memory_space<semaphore_mem>>
    tpu.wait_indirect_dma semaphore(%dma_wait3A_1806 : memref<!tpu.dma_semaphore, #tpu.memory_space<semaphore_mem>>) src(%arg11 : memref<8x1024xf32, #tpu.memory_space<vmem>>) dst(%dma_wait3A_1804 : memref<65536x1024xf32, #tpu.memory_space<hbm>>)
    %dma_wait3A_1807 = arith.constant 24 : i32
    %dma_wait3A_1808 = arith.constant 1 : i32
    %dma_wait3A_1809 = arith.constant 0 : i32
    %dma_wait3A_1810 = tpu.memref_slice %arg10[%dma_wait3A_1807, %dma_wait3A_1809] : memref<32x8xi32, #tpu.memory_space<vmem>> -> memref<1x8xi32, #tpu.memory_space<vmem>>
    %dma_wait3A_1811 = tpu.memref_squeeze %dma_wait3A_1810 : memref<1x8xi32, #tpu.memory_space<vmem>> -> memref<8xi32, #tpu.memory_space<vmem>>
    %dma_wait3A_1812 = arith.constant 0 : i32
    %dma_wait3A_1813 = arith.constant 0 : i32
    %dma_wait3A_1814 = tpu.memref_slice %arg6[%dma_wait3A_1812, %dma_wait3A_1813] : memref<65536x1024xf32, #tpu.memory_space<hbm>> -> memref<65536x1024xf32, #tpu.memory_space<hbm>>
    %dma_wait3A_1815 = tpu.memref_slice %arg24[%dma_wait3A_1808] : memref<11x!tpu.dma_semaphore, #tpu.memory_space<semaphore_mem>> -> memref<1x!tpu.dma_semaphore, #tpu.memory_space<semaphore_mem>>
    %dma_wait3A_1816 = tpu.memref_squeeze %dma_wait3A_1815 : memref<1x!tpu.dma_semaphore, #tpu.memory_space<semaphore_mem>> -> memref<!tpu.dma_semaphore, #tpu.memory_space<semaphore_mem>>
    tpu.wait_indirect_dma semaphore(%dma_wait3A_1816 : memref<!tpu.dma_semaphore, #tpu.memory_space<semaphore_mem>>) src(%arg12 : memref<8x1024xf32, #tpu.memory_space<vmem>>) dst(%dma_wait3A_1814 : memref<65536x1024xf32, #tpu.memory_space<hbm>>)
    %dma_wait3A_1817 = arith.constant 25 : i32
    %dma_wait3A_1818 = arith.constant 1 : i32
    %dma_wait3A_1819 = arith.constant 0 : i32
    %dma_wait3A_1820 = tpu.memref_slice %arg10[%dma_wait3A_1817, %dma_wait3A_1819] : memref<32x8xi32, #tpu.memory_space<vmem>> -> memref<1x8xi32, #tpu.memory_space<vmem>>
    %dma_wait3A_1821 = tpu.memref_squeeze %dma_wait3A_1820 : memref<1x8xi32, #tpu.memory_space<vmem>> -> memref<8xi32, #tpu.memory_space<vmem>>
    %dma_wait3A_1822 = arith.constant 0 : i32
    %dma_wait3A_1823 = arith.constant 0 : i32
    %dma_wait3A_1824 = tpu.memref_slice %arg6[%dma_wait3A_1822, %dma_wait3A_1823] : memref<65536x1024xf32, #tpu.memory_space<hbm>> -> memref<65536x1024xf32, #tpu.memory_space<hbm>>
    %dma_wait3A_1825 = tpu.memref_slice %arg24[%dma_wait3A_1818] : memref<11x!tpu.dma_semaphore, #tpu.memory_space<semaphore_mem>> -> memref<1x!tpu.dma_semaphore, #tpu.memory_space<semaphore_mem>>
    %dma_wait3A_1826 = tpu.memref_squeeze %dma_wait3A_1825 : memref<1x!tpu.dma_semaphore, #tpu.memory_space<semaphore_mem>> -> memref<!tpu.dma_semaphore, #tpu.memory_space<semaphore_mem>>
    tpu.wait_indirect_dma semaphore(%dma_wait3A_1826 : memref<!tpu.dma_semaphore, #tpu.memory_space<semaphore_mem>>) src(%arg12 : memref<8x1024xf32, #tpu.memory_space<vmem>>) dst(%dma_wait3A_1824 : memref<65536x1024xf32, #tpu.memory_space<hbm>>)
    %dma_wait3A_1827 = arith.constant 26 : i32
    %dma_wait3A_1828 = arith.constant 2 : i32
    %dma_wait3A_1829 = arith.constant 0 : i32
    %dma_wait3A_1830 = tpu.memref_slice %arg10[%dma_wait3A_1827, %dma_wait3A_1829] : memref<32x8xi32, #tpu.memory_space<vmem>> -> memref<1x8xi32, #tpu.memory_space<vmem>>
    %dma_wait3A_1831 = tpu.memref_squeeze %dma_wait3A_1830 : memref<1x8xi32, #tpu.memory_space<vmem>> -> memref<8xi32, #tpu.memory_space<vmem>>
    %dma_wait3A_1832 = arith.constant 0 : i32
    %dma_wait3A_1833 = arith.constant 0 : i32
    %dma_wait3A_1834 = tpu.memref_slice %arg6[%dma_wait3A_1832, %dma_wait3A_1833] : memref<65536x1024xf32, #tpu.memory_space<hbm>> -> memref<65536x1024xf32, #tpu.memory_space<hbm>>
    %dma_wait3A_1835 = tpu.memref_slice %arg24[%dma_wait3A_1828] : memref<11x!tpu.dma_semaphore, #tpu.memory_space<semaphore_mem>> -> memref<1x!tpu.dma_semaphore, #tpu.memory_space<semaphore_mem>>
    %dma_wait3A_1836 = tpu.memref_squeeze %dma_wait3A_1835 : memref<1x!tpu.dma_semaphore, #tpu.memory_space<semaphore_mem>> -> memref<!tpu.dma_semaphore, #tpu.memory_space<semaphore_mem>>
    tpu.wait_indirect_dma semaphore(%dma_wait3A_1836 : memref<!tpu.dma_semaphore, #tpu.memory_space<semaphore_mem>>) src(%arg13 : memref<8x1024xf32, #tpu.memory_space<vmem>>) dst(%dma_wait3A_1834 : memref<65536x1024xf32, #tpu.memory_space<hbm>>)
    %dma_wait3A_1837 = arith.constant 27 : i32
    %dma_wait3A_1838 = arith.constant 2 : i32
    %dma_wait3A_1839 = arith.constant 0 : i32
    %dma_wait3A_1840 = tpu.memref_slice %arg10[%dma_wait3A_1837, %dma_wait3A_1839] : memref<32x8xi32, #tpu.memory_space<vmem>> -> memref<1x8xi32, #tpu.memory_space<vmem>>
    %dma_wait3A_1841 = tpu.memref_squeeze %dma_wait3A_1840 : memref<1x8xi32, #tpu.memory_space<vmem>> -> memref<8xi32, #tpu.memory_space<vmem>>
    %dma_wait3A_1842 = arith.constant 0 : i32
    %dma_wait3A_1843 = arith.constant 0 : i32
    %dma_wait3A_1844 = tpu.memref_slice %arg6[%dma_wait3A_1842, %dma_wait3A_1843] : memref<65536x1024xf32, #tpu.memory_space<hbm>> -> memref<65536x1024xf32, #tpu.memory_space<hbm>>
    %dma_wait3A_1845 = tpu.memref_slice %arg24[%dma_wait3A_1838] : memref<11x!tpu.dma_semaphore, #tpu.memory_space<semaphore_mem>> -> memref<1x!tpu.dma_semaphore, #tpu.memory_space<semaphore_mem>>
    %dma_wait3A_1846 = tpu.memref_squeeze %dma_wait3A_1845 : memref<1x!tpu.dma_semaphore, #tpu.memory_space<semaphore_mem>> -> memref<!tpu.dma_semaphore, #tpu.memory_space<semaphore_mem>>
    tpu.wait_indirect_dma semaphore(%dma_wait3A_1846 : memref<!tpu.dma_semaphore, #tpu.memory_space<semaphore_mem>>) src(%arg13 : memref<8x1024xf32, #tpu.memory_space<vmem>>) dst(%dma_wait3A_1844 : memref<65536x1024xf32, #tpu.memory_space<hbm>>)
    %dma_wait3A_1847 = arith.constant 28 : i32
    %dma_wait3A_1848 = arith.constant 3 : i32
    %dma_wait3A_1849 = arith.constant 0 : i32
    %dma_wait3A_1850 = tpu.memref_slice %arg10[%dma_wait3A_1847, %dma_wait3A_1849] : memref<32x8xi32, #tpu.memory_space<vmem>> -> memref<1x8xi32, #tpu.memory_space<vmem>>
    %dma_wait3A_1851 = tpu.memref_squeeze %dma_wait3A_1850 : memref<1x8xi32, #tpu.memory_space<vmem>> -> memref<8xi32, #tpu.memory_space<vmem>>
    %dma_wait3A_1852 = arith.constant 0 : i32
    %dma_wait3A_1853 = arith.constant 0 : i32
    %dma_wait3A_1854 = tpu.memref_slice %arg6[%dma_wait3A_1852, %dma_wait3A_1853] : memref<65536x1024xf32, #tpu.memory_space<hbm>> -> memref<65536x1024xf32, #tpu.memory_space<hbm>>
    %dma_wait3A_1855 = tpu.memref_slice %arg24[%dma_wait3A_1848] : memref<11x!tpu.dma_semaphore, #tpu.memory_space<semaphore_mem>> -> memref<1x!tpu.dma_semaphore, #tpu.memory_space<semaphore_mem>>
    %dma_wait3A_1856 = tpu.memref_squeeze %dma_wait3A_1855 : memref<1x!tpu.dma_semaphore, #tpu.memory_space<semaphore_mem>> -> memref<!tpu.dma_semaphore, #tpu.memory_space<semaphore_mem>>
    tpu.wait_indirect_dma semaphore(%dma_wait3A_1856 : memref<!tpu.dma_semaphore, #tpu.memory_space<semaphore_mem>>) src(%arg14 : memref<8x1024xf32, #tpu.memory_space<vmem>>) dst(%dma_wait3A_1854 : memref<65536x1024xf32, #tpu.memory_space<hbm>>)
    %dma_wait3A_1857 = arith.constant 29 : i32
    %dma_wait3A_1858 = arith.constant 3 : i32
    %dma_wait3A_1859 = arith.constant 0 : i32
    %dma_wait3A_1860 = tpu.memref_slice %arg10[%dma_wait3A_1857, %dma_wait3A_1859] : memref<32x8xi32, #tpu.memory_space<vmem>> -> memref<1x8xi32, #tpu.memory_space<vmem>>
    %dma_wait3A_1861 = tpu.memref_squeeze %dma_wait3A_1860 : memref<1x8xi32, #tpu.memory_space<vmem>> -> memref<8xi32, #tpu.memory_space<vmem>>
    %dma_wait3A_1862 = arith.constant 0 : i32
    %dma_wait3A_1863 = arith.constant 0 : i32
    %dma_wait3A_1864 = tpu.memref_slice %arg6[%dma_wait3A_1862, %dma_wait3A_1863] : memref<65536x1024xf32, #tpu.memory_space<hbm>> -> memref<65536x1024xf32, #tpu.memory_space<hbm>>
    %dma_wait3A_1865 = tpu.memref_slice %arg24[%dma_wait3A_1858] : memref<11x!tpu.dma_semaphore, #tpu.memory_space<semaphore_mem>> -> memref<1x!tpu.dma_semaphore, #tpu.memory_space<semaphore_mem>>
    %dma_wait3A_1866 = tpu.memref_squeeze %dma_wait3A_1865 : memref<1x!tpu.dma_semaphore, #tpu.memory_space<semaphore_mem>> -> memref<!tpu.dma_semaphore, #tpu.memory_space<semaphore_mem>>
    tpu.wait_indirect_dma semaphore(%dma_wait3A_1866 : memref<!tpu.dma_semaphore, #tpu.memory_space<semaphore_mem>>) src(%arg14 : memref<8x1024xf32, #tpu.memory_space<vmem>>) dst(%dma_wait3A_1864 : memref<65536x1024xf32, #tpu.memory_space<hbm>>)
    %dma_wait3A_1867 = arith.constant 30 : i32
    %dma_wait3A_1868 = arith.constant 4 : i32
    %dma_wait3A_1869 = arith.constant 0 : i32
    %dma_wait3A_1870 = tpu.memref_slice %arg10[%dma_wait3A_1867, %dma_wait3A_1869] : memref<32x8xi32, #tpu.memory_space<vmem>> -> memref<1x8xi32, #tpu.memory_space<vmem>>
    %dma_wait3A_1871 = tpu.memref_squeeze %dma_wait3A_1870 : memref<1x8xi32, #tpu.memory_space<vmem>> -> memref<8xi32, #tpu.memory_space<vmem>>
    %dma_wait3A_1872 = arith.constant 0 : i32
    %dma_wait3A_1873 = arith.constant 0 : i32
    %dma_wait3A_1874 = tpu.memref_slice %arg6[%dma_wait3A_1872, %dma_wait3A_1873] : memref<65536x1024xf32, #tpu.memory_space<hbm>> -> memref<65536x1024xf32, #tpu.memory_space<hbm>>
    %dma_wait3A_1875 = tpu.memref_slice %arg24[%dma_wait3A_1868] : memref<11x!tpu.dma_semaphore, #tpu.memory_space<semaphore_mem>> -> memref<1x!tpu.dma_semaphore, #tpu.memory_space<semaphore_mem>>
    %dma_wait3A_1876 = tpu.memref_squeeze %dma_wait3A_1875 : memref<1x!tpu.dma_semaphore, #tpu.memory_space<semaphore_mem>> -> memref<!tpu.dma_semaphore, #tpu.memory_space<semaphore_mem>>
    tpu.wait_indirect_dma semaphore(%dma_wait3A_1876 : memref<!tpu.dma_semaphore, #tpu.memory_space<semaphore_mem>>) src(%arg15 : memref<8x1024xf32, #tpu.memory_space<vmem>>) dst(%dma_wait3A_1874 : memref<65536x1024xf32, #tpu.memory_space<hbm>>)
    %dma_wait3A_1877 = arith.constant 31 : i32
    %dma_wait3A_1878 = arith.constant 4 : i32
    %dma_wait3A_1879 = arith.constant 0 : i32
    %dma_wait3A_1880 = tpu.memref_slice %arg10[%dma_wait3A_1877, %dma_wait3A_1879] : memref<32x8xi32, #tpu.memory_space<vmem>> -> memref<1x8xi32, #tpu.memory_space<vmem>>
    %dma_wait3A_1881 = tpu.memref_squeeze %dma_wait3A_1880 : memref<1x8xi32, #tpu.memory_space<vmem>> -> memref<8xi32, #tpu.memory_space<vmem>>
    %dma_wait3A_1882 = arith.constant 0 : i32
    %dma_wait3A_1883 = arith.constant 0 : i32
    %dma_wait3A_1884 = tpu.memref_slice %arg6[%dma_wait3A_1882, %dma_wait3A_1883] : memref<65536x1024xf32, #tpu.memory_space<hbm>> -> memref<65536x1024xf32, #tpu.memory_space<hbm>>
    %dma_wait3A_1885 = tpu.memref_slice %arg24[%dma_wait3A_1878] : memref<11x!tpu.dma_semaphore, #tpu.memory_space<semaphore_mem>> -> memref<1x!tpu.dma_semaphore, #tpu.memory_space<semaphore_mem>>
    %dma_wait3A_1886 = tpu.memref_squeeze %dma_wait3A_1885 : memref<1x!tpu.dma_semaphore, #tpu.memory_space<semaphore_mem>> -> memref<!tpu.dma_semaphore, #tpu.memory_space<semaphore_mem>>
    tpu.wait_indirect_dma semaphore(%dma_wait3A_1886 : memref<!tpu.dma_semaphore, #tpu.memory_space<semaphore_mem>>) src(%arg15 : memref<8x1024xf32, #tpu.memory_space<vmem>>) dst(%dma_wait3A_1884 : memref<65536x1024xf32, #tpu.memory_space<hbm>>)
    return
  }
}

</mosaic_0001>

<sc_bundles>
// kernel: kernel.3.cloned.1.call-start
scs
__scs_entry_jumppad:
0x0: {  	(pc) =	sbr.rel $0x88, $3  }
0x1: {  	(tag) =	ssettag $0x0;
	lr =	simm.s32 $0x1  }
0x2: {  	[smem:$0x3F9E] =	sst lr;
	_ =	strace $0xD0000000  }
0x3: {  	_ = 	snop  }
0x4: {  	_ = 	snop  }
0x5: {  	_ = 	snop  }
0x6: {  	_ = 	snop  }
0x7: {  	_ = 	snop  }
__scs_overlays_trampoline_lowered:
0x8: {  	[smem:$0x3FAD] =	sst s0  }
0x9: {  	[smem:$0x3FAE] =	sst s1  }
0xa: {  	[smem:$0x3FAF] =	sst s2  }
0xb: {  	[smem:$0x3FB0] =	sst s3  }
0xc: {  	[smem:$0x3FB1] =	sst s4  }
0xd: {  	[smem:$0x3FB2] =	sst s5  }
0xe: {  	[smem:$0x3FB3] =	sst s6  }
0xf: {  	[smem:$0x3FB4] =	sst s7  }
0x10: {  	[smem:$0x3FB5] =	sst s8  }
0x11: {  	[smem:$0x3FB6] =	sst s9;
	s0 =	simm.s32 @!p0 $0x0  }
0x12: {  	s1 =	sld [smem:$0x3F9C];
	s0 =	simm.s32 @p0 $0x1  }
0x13: {  	[smem:$0x3FB7] =	sst s0;
	s0 =	simm.s32 @!p1 $0x0  }
0x14: {  	s2 =	sld [smem:$0x3F9B];
	s0 =	simm.s32 @p1 $0x1  }
0x15: {  	[smem:$0x3FB8] =	sst s0;
	s0 =	simm.s32 @!p2 $0x0  }
0x16: {  	s3 =	sld [smem:$0x3FDB];
	s0 =	simm.s32 @p2 $0x1  }
0x17: {  	s4 =	simm.s32 $0x1BF5;
	[smem:$0x3FBA] =	sst s0  }
0x18: {  	s0 =	sld [smem:$0x3F9D];
	_ =	swait.ge [sflag:s4], $0x0  }
0x19: {  	s7 =	sld [smem:$0x3F9E]  }
0x1a: {  	s8 =	sadd.s32 $0xFFFFE003, lr  }
0x1b: {  	s9 =	sadd.s32 $0xFFFFFEF7, lr;
	s5 =	simm.s32 $0xFFFFFFFF;
	p2 =	slt.u32 s8, $0xFFFFF086  }
0x1c: {  	p1 =	slt.u32 s9, $0xF7A;
	s5 =	simm.s32 @!p2 $0x0  }
0x1d: {  	s5 =	simm.s32 @p1 $0x1;
	p0 =	seq.s32 s7, s2  }
0x1e: {  	s7 =	smul.u32 @!p0 $0xF7A, s2;
	p2 =	seq.s32 @!p0 s5, $0x0  }
0x1f: {  	s9 =	smul.u32 $0xF7A, s1;
	s8 =	simm.s32 @!p0 $0x1BF5;
	p2 =	por !p2, p0  }
0x20: {  	[sflag:s8] =	ssyncset.s32 @!p0 $0xFFFFF086;
	s6 =	sadd.s32 @!p0 s3, s7;
	s7 =	simm.s32 @!p0 $0x108  }
0x21: {  	s3 =	sadd.s32 s3, s9;
	s6 =	sadd.s32 @!p0 $0x88, s6;
	s7 =	simm.s32 @p2 $0x1082  }
0x22: {  	[simem:s7], [sflag:s8] =	dma.local @!p0 [hbm:s6], $0xF7A  }
0x23: {  	s9 =	sor.u32 $0xD0000000, s2;
	s6 =	simm.s32 $0x108;
	_ =	swait.ge @!p0 [sflag:s8], $0x0  }
0x24: {  	s3 =	sadd.s32 $0x88, s3;
	s6 =	simm.s32 @!p1 $0x1082;
	[sflag:s4] =	ssyncset.s32 $0xFFFFF086  }
0x25: {  	[simem:s6], [sflag:s4] =	dma.local [hbm:s3], $0xF7A  }
0x26: {  	[smem:$0x3F9E] =	sst s1;
	(tag) =	ssettag s2;
	_ =	strace s9  }
0x27: {  	s1 =	sld [smem:$0x3FAE]  }
0x28: {  	s2 =	sld [smem:$0x3FAF]  }
0x29: {  	s4 =	sld [smem:$0x3FB1]  }
0x2a: {  	p0 =	seq.s32 s5, $0x0;
	s5 =	sld [smem:$0x3FB2]  }
0x2b: {  	s6 =	sld [smem:$0x3FB3]  }
0x2c: {  	s7 =	sld [smem:$0x3FB4]  }
0x2d: {  	s3 =	simm.s32 $0x108;
	s8 =	sld [smem:$0x3FB5]  }
0x2e: {  	s3 =	simm.s32 @!p0 $0x1082;
	s9 =	sld [smem:$0x3FB6]  }
0x2f: {  	lr =	sadd.s32 s0, s3;
	s0 =	sld [smem:$0x3FAD]  }
0x30: {  	s3 =	sld [smem:$0x3FB0]  }
0x31: {  	[smem:$0x3FB9] =	sst s10  }
0x32: {  	s10 =	sld [smem:$0x3FB7];
	_ =	sdelay $0x3  }
0x33: {  	p0 =	seq.s32 s10, $0x1;
	s10 =	sld [smem:$0x3FB9];
	_ =	sdelay $0x3  }
0x34: {  	[smem:$0x3FB9] =	sst s10  }
0x35: {  	s10 =	sld [smem:$0x3FB8];
	_ =	sdelay $0x3  }
0x36: {  	p1 =	seq.s32 s10, $0x1;
	s10 =	sld [smem:$0x3FB9];
	_ =	sdelay $0x3  }
0x37: {  	[smem:$0x3FB9] =	sst s10  }
0x38: {  	s10 =	sld [smem:$0x3FBA]  }
0x39: {  	_ = 	snop;
	(pc) =	sbr.ind lr, $3  }
0x3a: {  	_ = 	snop  }
0x3b: {  	_ = 	snop  }
0x3c: {  	p2 =	seq.s32 s10, $0x1;
	s10 =	sld [smem:$0x3FB9]  }
0x3d: {  	_ =	shalt  }
0x3e: {  	_ =	shalt  }
0x3f: {  	_ =	shalt  }
0x40: {  	_ =	shalt  }
0x41: {  	_ =	shalt  }
0x42: {  	_ =	shalt  }
0x43: {  	_ =	shalt  }
0x44: {  	_ =	shalt  }
0x45: {  	_ =	shalt  }
0x46: {  	_ =	shalt  }
0x47: {  	_ =	shalt  }
0x48: {  	_ =	shalt  }
0x49: {  	_ =	shalt  }
0x4a: {  	_ =	shalt  }
0x4b: {  	_ =	shalt  }
0x4c: {  	_ =	shalt  }
0x4d: {  	_ =	shalt  }
0x4e: {  	_ =	shalt  }
0x4f: {  	_ =	shalt  }
0x50: {  	_ =	shalt  }
0x51: {  	_ =	shalt  }
0x52: {  	_ =	shalt  }
0x53: {  	_ =	shalt  }
0x54: {  	_ =	shalt  }
0x55: {  	_ =	shalt  }
0x56: {  	_ =	shalt  }
0x57: {  	_ =	shalt  }
0x58: {  	_ =	shalt  }
0x59: {  	_ =	shalt  }
0x5a: {  	_ =	shalt  }
0x5b: {  	_ =	shalt  }
0x5c: {  	_ =	shalt  }
0x5d: {  	_ =	shalt  }
0x5e: {  	_ =	shalt  }
0x5f: {  	_ =	shalt  }
0x60: {  	_ =	shalt  }
0x61: {  	_ =	shalt  }
0x62: {  	_ =	shalt  }
0x63: {  	_ =	shalt  }
0x64: {  	_ =	shalt  }
0x65: {  	_ =	shalt  }
0x66: {  	_ =	shalt  }
0x67: {  	_ =	shalt  }
0x68: {  	_ =	shalt  }
0x69: {  	_ =	shalt  }
0x6a: {  	_ =	shalt  }
0x6b: {  	_ =	shalt  }
0x6c: {  	_ =	shalt  }
0x6d: {  	_ =	shalt  }
0x6e: {  	_ =	shalt  }
0x6f: {  	_ =	shalt  }
0x70: {  	_ =	shalt  }
0x71: {  	_ =	shalt  }
0x72: {  	_ =	shalt  }
0x73: {  	_ =	shalt  }
0x74: {  	_ =	shalt  }
0x75: {  	_ =	shalt  }
0x76: {  	_ =	shalt  }
0x77: {  	_ =	shalt  }
0x78: {  	_ =	shalt  }
0x79: {  	_ =	shalt  }
0x7a: {  	_ =	shalt  }
0x7b: {  	_ =	shalt  }
0x7c: {  	_ =	shalt  }
0x7d: {  	_ =	shalt  }
0x7e: {  	_ =	shalt  }
0x7f: {  	_ =	shalt  }
0x80: {  	_ =	shalt  }
0x81: {  	_ =	shalt  }
0x82: {  	_ =	shalt  }
0x83: {  	_ =	shalt  }
0x84: {  	_ =	shalt  }
0x85: {  	_ =	shalt  }
0x86: {  	_ =	shalt  }
0x87: {  	_ =	shalt  }
.Lfunc_end0:
.L_simem_size_0:
called_computation_lowered:
.L_overlay_start_0:
0x88: {  	s2 =	sld [smem:$0x3FD9]  }
0x89: {  	s3 =	sld [smem:$0x3FFE];
	_ =	sdelay $0x1  }
0x8a: {  	s1 =	srdreg.scid  }
0x8b: {  	s0 =	sand.u32 $0x1, s1  }
0x8c: {  	s17 =	sshll.u32 s0, $0xA;
	s2 =	sadd.s32 s3, s2  }
0x8d: {  	s2 =	sadd.s32 s2, s17  }
0x8e: {  	[smem:$0x3FC5] =	sst s2  }
0x8f: {  	_ = 	snop  }
0x90: {  	s2 =	sld [smem:$0x3FC9]  }
0x91: {  	s18 =	sld [smem:$0x3FC7]  }
0x92: {  	s4 =	sld [smem:$0x3FD0];
	(tm) =	ssettm $0x1  }
0x93: {  	s5 =	sld [smem:$0x3FFB];
	_ =	sdelay $0x3  }
0x94: {  	_ =	strace s5  }
0x95: {  	s5 =	sld [smem:$0x3FFC];
	_ =	sdelay $0x3  }
0x96: {  	_ =	strace s5  }
0x97: {  	s5 =	sld [smem:$0x3FFD];
	_ =	sdelay $0x3  }
0x98: {  	_ =	strace s5  }
0x99: {  	_ =	strace $0x8FFFFFFF  }
0x9a: {  	s19 =	sld [smem:$0x3FDB];
	_ =	sdelay $0x1  }
0x9b: {  	s6 =	simm.s32 $_scs_section_size  }
0x9c: {  	s7 =	simm.s32 $_size__tile_overlayer_lowered;
	s8 =	simm.s32 $_tile_overlayer_lowered  }
0x9d: {  	s22 =	simm.s32 $0x1BFF;
	s21 =	sshll.u32 s8, $0x1;
	s5 =	sadd.s32 s6, s19  }
0x9e: {  	s9 =	simm.s32 $0x0;
	s20 =	sshll.u32 s7, $0x1;
	s7 =	sadd.s32 s21, s5  }
0x9f: {  	[timem:s9], [sflag:s22] =	dma.local [hbm:s7], s20  }
0xa0: {  	_ =	swait.ge [sflag:s22], s20  }
0xa1: {  	s6 =	ssub.s32 $0x0, s20;
	[sflag:s22] =	ssyncset.done $0x0  }
0xa2: {  	[sflag:s22] =	ssyncadd.s32 s6;
	_ =	sdelay $0x1  }
0xa3: {  	s23 =	simm.s32 $0x1B8B  }
0xa4: {  	_ =	swait.ge [sflag:s23], $0x1  }
0xa5: {  	[sflag:s23] =	ssyncset.done $0x0  }
0xa6: {  	s25 =	simm.s32 $0x1B8E;
	s24 =	sld [smem:$0x3FFE];
	[sflag:s23] =	ssyncadd.s32 $0xFFFFFFFF  }
0xa7: {  	s26 =	simm.s32 $execute0_lowered;
	[smem:$0x3FD2] =	sst s25  }
0xa8: {  	s7 =	sshll.u32 s26, $0x1;
	_ =	strace $0x80000046;
	[dreg:$0x1] =	wrdreg $0xFFFFFFFF  }
0xa9: {  	s28 =	simm.s32 $_size_execute0_lowered;
	s5 =	sadd.s32 s5, s7;
	[dreg:$0x0] =	wrdreg $0x0  }
0xaa: {  	s7 =	sshll.u32 s28, $0x1;
	[dreg:$0x2] =	wrdreg s5  }
0xab: {  	[dreg:$0x3] =	wrdreg s7  }
0xac: {  	[dreg:$0x4] =	wrdreg $0xC0  }
0xad: {  	_ =	task [dreg:s9], $0x5FFFF  }
0xae: {  	[dreg:$0x1] =	wrdreg $0xFFFFFFFF  }
0xaf: {  	[dreg:$0x0] =	wrdreg $0x60  }
0xb0: {  	[dreg:$0x2] =	wrdreg s2  }
0xb1: {  	[dreg:$0x3] =	wrdreg s24  }
0xb2: {  	[dreg:$0x4] =	wrdreg s18  }
0xb3: {  	[dreg:$0x5] =	wrdreg s4  }
0xb4: {  	[dreg:$0x6] =	wrdreg $0x9  }
0xb5: {  	_ =	task.clear_ibuf [dreg:s9], $0x7FFFF;
	_ =	strace $0x90000046  }
0xb6: {  	s29 =	simm.s32 $0x9;
	_ =	strace $0x80000048  }
0xb7: {  	_ =	swait.ge [sflag:s29], $0x1  }
0xb8: {  	[sflag:s29] =	ssyncadd.s32 $0xFFFFFFFF  }
0xb9: {  	_ =	strace $0x90000048  }
0xba: {  	_ =	sfence  }
0xbb: {  	s30 =	sld [smem:$0x0];
	_ =	sdelay $0x2  }
0xbc: {  	s31 =	sshll.u32 s1, $0xD;
	s1 =	sshrl.u32 s1, $0x2  }
0xbd: {  	s3 =	sand.u32 $0x4000, s31;
	s1 =	sadd.s32 s1, s30  }
0xbe: {  	s0 =	sor.u32 s3, s0;
	s1 =	sshll.u32 s1, $0x11  }
0xbf: {  	s0 =	sor.u32 s1, s0  }
0xc0: {  	s0 =	sadd.s32 $0x8F2B, s0  }
0xc1: {  	[sflag:s0] =	ssyncadd.remote.s32 $0x1  }
0xc2: {  	_ =	sfence.sel $0xFFFF  }
0xc3: {  	[dreg:$0x0] =	wrdreg $0xFFFFFFFF;
	(pc) =	sbr.abs _section_cstart, $3  }
0xc4: {  	[dreg:$0x1] =	wrdreg $0xFFFFFFFF  }
0xc5: {  	_ =	task.clear_ibuf [dreg:s9], $0x2FFFF;
	_ =	strace $0x9FFFFFFF  }
0xc6: {  	(tm) =	ssettm $0x7FFFFFFF  }
0xc7: {  	_ =	shalt  }
tec
execute0_lowered:
.L_overlay_start_1:
0x0: {  	(tag) =	ssettag $0x1  }
0x1: {  	v32 =	vlaneseq.u32  }
0x2: {  	v16 =	vimm.s32 $0x85058404;
	v17 =	vimm.s32 $0x87078606;
	vm0 =	vcmask $0x1F10  }
0x3: {  	v18 =	vimm.s32 $0x81018000;
	v19 =	vimm.s32 $0x187;
	vm10 =	vcmask $0x300  }
0x4: {  	s1 =	rddreg [dreg:$0x0];
	vm8 =	vcmask $0x704;
	v20 =	vimm.s32 $0x83038202;
	vm7 =	vcmask $0xB08  }
0x5: {  	s5 =	rddreg [dreg:$0x1];
	vm6 =	vcmask $0xF0C;
	vm5 =	vcmask $0x1310;
	vm3 =	vcmask $0x1714  }
0x6: {  	s0 =	rddreg [dreg:$0x2];
	s2 =	srdreg.scid;
	vm2 =	vcmask $0x1B18;
	vm1 =	vcmask $0x1F1C;
	vm4 =	vcmask $0x2320  }
0x7: {  	s3 =	stileid.u32;
	vm9 =	vcmask $0x2724;
	vm11 =	vcmask $0x2B28;
	vm12 =	vcmask $0x2F2C;
	[dreg:$0x5] =	wrdreg s0  }
0x8: {  	vm13 =	vcmask $0x3330;
	vm14 =	vcmask $0x3734;
	vm15 =	vcmask $0x3B38;
	s0 =	sand.u32 $0x1, s2;
	s4 =	sshll.u32 s3, $0x9;
	s3 =	simm.s32 $0x0  }
0x9: {  	v21 =	vimm.s32 $0x587;
	v22 =	vimm.s32 $0x687;
	v23 =	vimm.s32 $0x787;
	s6 =	sshll.u32 s0, $0x8;
	[smem:$0x7FF] =	sst s3  }
0xa: {  	v24 =	vimm.s32 $0x887;
	v25 =	vimm.s32 $0x987;
	v26 =	vimm.s32 $0xA87;
	s2 =	rddreg [dreg:$0x3];
	s4 =	sor.u32 s6, s4;
	_ =	strace $0x80000047  }
0xb: {  	v27 =	vimm.s32 $0xB87;
	v28 =	vimm.s32 $0xC87;
	v29 =	vimm.s32 $0xD87;
	s6 =	sshrl.u32 s4, $0x3;
	s18 =	sor.u32 $0x20, s4;
	s8 =	sor.u32 $0x40, s4  }
0xc: {  	v30 =	vimm.s32 $0xE87;
	v31 =	vimm.s32 $0xF87;
	v16 =	vunpack.c.0.s8.s32 v16;
	s10 =	sor.u32 $0x60, s4;
	s11 =	sor.u32 $0x80, s4;
	s12 =	sor.u32 $0xA0, s4  }
0xd: {  	v17 =	vunpack.c.0.s8.s32 v17;
	v18 =	vunpack.c.0.s8.s32 v18;
	v19 =	vsel vm10, $0x100, v19;
	s16 =	sshll.u32 s4, $0x7;
	s6 =	sadd.s32 s6, s5;
	s5 =	sadd.s32 $0x800, s5  }
0xe: {  	v20 =	vunpack.c.0.s8.s32 v20;
	v21 =	vsel vm10, $0x500, v21;
	v22 =	vsel vm10, $0x600, v22;
	s13 =	sor.u32 $0xC0, s4;
	s16 =	sadd.s32 s2, s16;
	[dreg:$0x6] =	wrdreg s5  }
0xf: {  	v23 =	vsel vm10, $0x700, v23;
	v24 =	vsel vm10, $0x800, v24;
	v25 =	vsel vm10, $0x900, v25;
	s15 =	sshll.u32 s18, $0x7;
	s30 =	sadd.s32 $0x400, s6;
	[smem:$0x7EB] =	sst s16  }
0x10: {  	v26 =	vsel vm10, $0xA00, v26;
	v27 =	vsel vm10, $0xB00, v27;
	v28 =	vsel vm10, $0xC00, v28;
	s17 =	sshll.u32 s8, $0x7;
	s15 =	sadd.s32 s2, s15;
	[dreg:$0x7] =	wrdreg s30  }
0x11: {  	v29 =	vsel vm10, $0xD00, v29;
	v30 =	vsel vm10, $0xE00, v30;
	v31 =	vsel vm10, $0xF00, v31;
	s20 =	sshll.u32 s10, $0x7;
	s19 =	sadd.s32 s2, s17;
	[dreg:$0x8] =	wrdreg s15  }
0x12: {  	v33 =	vshrl.u32 v32, $0x3;
	v19 =	vsel vm8, $0x180, v19;
	v21 =	vsel vm8, $0x580, v21;
	s22 =	sshll.u32 s11, $0x7;
	s21 =	sadd.s32 s2, s20;
	[dreg:$0x9] =	wrdreg s19  }
0x13: {  	v22 =	vsel vm8, $0x680, v22;
	v23 =	vsel vm8, $0x780, v23;
	v24 =	vsel vm8, $0x880, v24;
	s24 =	sshll.u32 s12, $0x7;
	s23 =	sadd.s32 s2, s22;
	[dreg:$0xa] =	wrdreg s21  }
0x14: {  	v25 =	vsel vm8, $0x980, v25;
	v26 =	vsel vm8, $0xA80, v26;
	v27 =	vsel vm8, $0xB80, v27;
	s26 =	sshll.u32 s13, $0x7;
	s25 =	sadd.s32 s2, s24;
	[dreg:$0xb] =	wrdreg s23  }
0x15: {  	v28 =	vsel vm8, $0xC80, v28;
	v29 =	vsel vm8, $0xD80, v29;
	v30 =	vsel vm8, $0xE80, v30;
	s7 =	sor.u32 $0x30, s4;
	s28 =	sadd.s32 s2, s26;
	[dreg:$0xc] =	wrdreg s25  }
0x16: {  	v31 =	vsel vm8, $0xF80, v31;
	v33 =	vmul.u32 $0x8, v33;
	v3 =	vor.u32 s7, v32;
	s7 =	sadd.s32 $0x107000, s16;
	[dreg:$0xd] =	wrdreg s28  }
0x17: {  	v19 =	vsel vm7, $0x101, v19;
	v16 =	vsel vm0, v17, v16;
	s9 =	sor.u32 $0x50, s4;
	v4 =	vor.u32 s8, v32;
	s8 =	sadd.s32 $0x200000, s16;
	[dreg:$0x16] =	wrdreg s7  }
0x18: {  	v18 =	vsel vm0, v20, v18;
	vm0 =	vmmov $0xffff;
	v5 =	vor.u32 s9, v32;
	s9 =	sadd.s32 $0x201000, s16;
	[dreg:$0x17] =	wrdreg s8  }
0x19: {  	v20 =	vimm.s32 $0x487;
	v21 =	vsel vm7, $0x501, v21;
	v6 =	vor.u32 s10, v32;
	s10 =	sadd.s32 $0x202000, s16;
	[dreg:$0x18] =	wrdreg s9  }
0x1a: {  	v22 =	vsel vm7, $0x601, v22;
	v23 =	vsel vm7, $0x701, v23;
	v8 =	vor.u32 s11, v32;
	s11 =	sadd.s32 $0x203000, s16;
	[dreg:$0x19] =	wrdreg s10  }
0x1b: {  	v24 =	vsel vm7, $0x801, v24;
	v25 =	vsel vm7, $0x901, v25;
	v10 =	vor.u32 s12, v32;
	s12 =	sadd.s32 $0x204000, s16;
	[dreg:$0x1a] =	wrdreg s11  }
0x1c: {  	v26 =	vsel vm7, $0xA01, v26;
	v2 =	vor.u32 s18, v32;
	s18 =	sor.u32 $0x70, s4;
	v12 =	vor.u32 s13, v32;
	s13 =	sadd.s32 $0x205000, s16;
	[dreg:$0x1b] =	wrdreg s12  }
0x1d: {  	v27 =	vsel vm7, $0xB01, v27;
	v28 =	vsel vm7, $0xC01, v28;
	v7 =	vor.u32 s18, v32;
	s18 =	sadd.s32 $0x301000, s16;
	[dreg:$0x1c] =	wrdreg s13  }
0x1e: {  	v29 =	vsel vm7, $0xD01, v29;
	v30 =	vsel vm7, $0xE01, v30;
	v31 =	vsel vm7, $0xF01, v31;
	s19 =	sadd.s32 $0x100000, s16;
	[smem:$0x7C5] =	sst s18  }
0x1f: {  	v0 =	vor.u32 s4, v32;
	v17 =	vsel vm6, $0x181, v19;
	v16 =	vcombine.low v18, v16;
	s21 =	sadd.s32 $0x101000, s16;
	[dreg:$0xf] =	wrdreg s19  }
0x20: {  	v18 =	vimm.s32 $0x287;
	v19 =	vimm.s32 $0x387;
	v20 =	vsel vm10, $0x400, v20;
	s23 =	sadd.s32 $0x102000, s16;
	[dreg:$0x10] =	wrdreg s21  }
0x21: {  	v21 =	vsel vm6, $0x581, v21;
	v22 =	vsel vm6, $0x681, v22;
	v23 =	vsel vm6, $0x781, v23;
	s25 =	sadd.s32 $0x103000, s16;
	[dreg:$0x11] =	wrdreg s23  }
0x22: {  	v24 =	vsel vm6, $0x881, v24;
	v25 =	vsel vm6, $0x981, v25;
	v26 =	vsel vm6, $0xA81, v26;
	s6 =	sor.u32 $0x10, s4;
	s28 =	sadd.s32 $0x104000, s16;
	[dreg:$0x12] =	wrdreg s25  }
0x23: {  	s14 =	sor.u32 $0xE0, s4;
	v27 =	vsel vm6, $0xB81, v27;
	v28 =	vsel vm6, $0xC81, v28;
	v1 =	vor.u32 s6, v32;
	s6 =	sadd.s32 $0x106000, s16;
	[dreg:$0x13] =	wrdreg s28  }
0x24: {  	v29 =	vsel vm6, $0xD81, v29;
	v30 =	vsel vm6, $0xE81, v30;
	v14 =	vor.u32 s14, v32;
	s30 =	sshll.u32 s14, $0x7;
	s14 =	sadd.s32 $0x206000, s16;
	[dreg:$0x15] =	wrdreg s6  }
0x25: {  	v31 =	vsel vm6, $0xF81, v31;
	v17 =	vsel vm5, $0x102, v17;
	v18 =	vsel vm10, $0x200, v18;
	s20 =	sor.u32 $0x90, s4;
	s15 =	sadd.s32 $0x207000, s16;
	[dreg:$0x1d] =	wrdreg s14  }
0x26: {  	v19 =	vsel vm10, $0x300, v19;
	v20 =	vsel vm8, $0x480, v20;
	s22 =	sor.u32 $0xB0, s4;
	v9 =	vor.u32 s20, v32;
	s20 =	sadd.s32 $0x303000, s16;
	[dreg:$0x1e] =	wrdreg s15  }
0x27: {  	v21 =	vsel vm5, $0x502, v21;
	v22 =	vsel vm5, $0x602, v22;
	s24 =	sor.u32 $0xD0, s4;
	v11 =	vor.u32 s22, v32;
	s22 =	sadd.s32 $0x305000, s16;
	[smem:$0x7C7] =	sst s20  }
0x28: {  	v23 =	vsel vm5, $0x702, v23;
	v24 =	vsel vm5, $0x802, v24;
	s26 =	sor.u32 $0xF0, s4;
	v13 =	vor.u32 s24, v32;
	s24 =	sadd.s32 $0x307000, s16;
	[smem:$0x7C9] =	sst s22  }
0x29: {  	v25 =	vsel vm5, $0x902, v25;
	v26 =	vsel vm5, $0xA02, v26;
	v15 =	vor.u32 s26, v32;
	s26 =	sadd.s32 $0x401000, s16;
	[smem:$0x7CB] =	sst s24  }
0x2a: {  	v27 =	vsel vm5, $0xB02, v27;
	v28 =	vsel vm5, $0xC02, v28;
	v29 =	vsel vm5, $0xD02, v29;
	s7 =	sadd.s32 $0x405000, s16;
	[smem:$0x7CD] =	sst s26  }
0x2b: {  	v30 =	vsel vm5, $0xE02, v30;
	v31 =	vsel vm5, $0xF02, v31;
	v17 =	vsel vm3, $0x182, v17;
	s8 =	sadd.s32 $0x406000, s16;
	[smem:$0x7D1] =	sst s7  }
0x2c: {  	v16 =	vand.u32 $0xFF, v16;
	v18 =	vsel vm8, $0x280, v18;
	v19 =	vsel vm8, $0x380, v19;
	s9 =	sadd.s32 $0x407000, s16;
	[smem:$0x7D2] =	sst s8  }
0x2d: {  	v20 =	vsel vm7, $0x401, v20;
	v21 =	vsel vm3, $0x582, v21;
	v22 =	vsel vm3, $0x682, v22;
	s10 =	sadd.s32 $0x500000, s16;
	[smem:$0x7D3] =	sst s9  }
0x2e: {  	v23 =	vsel vm3, $0x782, v23;
	v24 =	vsel vm3, $0x882, v24;
	v25 =	vsel vm3, $0x982, v25;
	s11 =	sadd.s32 $0x501000, s16;
	[smem:$0x7D4] =	sst s10  }
0x2f: {  	v26 =	vsel vm3, $0xA82, v26;
	v27 =	vsel vm3, $0xB82, v27;
	v28 =	vsel vm3, $0xC82, v28;
	s12 =	sadd.s32 $0x502000, s16;
	[smem:$0x7D5] =	sst s11  }
0x30: {  	v29 =	vsel vm3, $0xD82, v29;
	v30 =	vsel vm3, $0xE82, v30;
	v31 =	vsel vm3, $0xF82, v31;
	s13 =	sadd.s32 $0x503000, s16;
	[smem:$0x7D6] =	sst s12  }
0x31: {  	v17 =	vsel vm2, $0x103, v17;
	v18 =	vsel vm7, $0x201, v18;
	v19 =	vsel vm7, $0x301, v19;
	s18 =	sadd.s32 $0x507000, s16;
	[smem:$0x7D7] =	sst s13  }
0x32: {  	v20 =	vsel vm6, $0x481, v20;
	v21 =	vsel vm2, $0x503, v21;
	v22 =	vsel vm2, $0x603, v22;
	s17 =	sadd.s32 s2, s30;
	[smem:$0x7DB] =	sst s18  }
0x33: {  	v23 =	vsel vm2, $0x703, v23;
	v24 =	vsel vm2, $0x803, v24;
	v25 =	vsel vm2, $0x903, v25;
	s30 =	sadd.s32 $0x105000, s16;
	[dreg:$0xe] =	wrdreg s17  }
0x34: {  	v26 =	vsel vm2, $0xA03, v26;
	v27 =	vsel vm2, $0xB03, v27;
	v28 =	vsel vm2, $0xC03, v28;
	s19 =	sadd.s32 $0x302000, s16;
	[dreg:$0x14] =	wrdreg s30  }
0x35: {  	v29 =	vsel vm2, $0xD03, v29;
	v30 =	vsel vm2, $0xE03, v30;
	v31 =	vsel vm2, $0xF03, v31;
	s21 =	sadd.s32 $0x304000, s16;
	[smem:$0x7C6] =	sst s19  }
0x36: {  	v32 =	vand.u32 $0x7, v32;
	v17 =	vsel vm1, $0x183, v17;
	v18 =	vsel vm6, $0x281, v18;
	s23 =	sadd.s32 $0x306000, s16;
	[smem:$0x7C8] =	sst s21  }
0x37: {  	v19 =	vsel vm6, $0x381, v19;
	s25 =	sadd.s32 $0x400000, s16;
	v20 =	vsel vm5, $0x402, v20;
	v21 =	vsel vm1, $0x583, v21;
	[smem:$0x7CA] =	sst s23  }
0x38: {  	s28 =	sadd.s32 $0x402000, s16;
	v22 =	vsel vm1, $0x683, v22;
	v23 =	vsel vm1, $0x783, v23;
	v24 =	vsel vm1, $0x883, v24;
	[smem:$0x7CC] =	sst s25  }
0x39: {  	s6 =	sadd.s32 $0x404000, s16;
	v25 =	vsel vm1, $0x983, v25;
	v26 =	vsel vm1, $0xA83, v26;
	v27 =	vsel vm1, $0xB83, v27;
	[smem:$0x7CE] =	sst s28  }
0x3a: {  	s14 =	sadd.s32 $0x504000, s16;
	v28 =	vsel vm1, $0xC83, v28;
	v29 =	vsel vm1, $0xD83, v29;
	v30 =	vsel vm1, $0xE83, v30;
	[smem:$0x7D0] =	sst s6  }
0x3b: {  	s15 =	sadd.s32 $0x505000, s16;
	v31 =	vsel vm1, $0xF83, v31;
	v17 =	vsel vm4, $0x104, v17;
	v18 =	vsel vm5, $0x202, v18;
	[smem:$0x7D8] =	sst s14  }
0x3c: {  	s20 =	sadd.s32 $0x601000, s16;
	v19 =	vsel vm5, $0x302, v19;
	v20 =	vsel vm3, $0x482, v20;
	[smem:$0x7D9] =	sst s15;
	v21 =	vsel vm4, $0x504, v21  }
0x3d: {  	s22 =	sadd.s32 $0x603000, s16;
	v22 =	vsel vm4, $0x604, v22;
	[smem:$0x7DD] =	sst s20;
	v23 =	vsel vm4, $0x704, v23;
	v24 =	vsel vm4, $0x804, v24  }
0x3e: {  	s24 =	sadd.s32 $0x605000, s16;
	[smem:$0x7DF] =	sst s22;
	v25 =	vsel vm4, $0x904, v25;
	v26 =	vsel vm4, $0xA04, v26;
	v27 =	vsel vm4, $0xB04, v27  }
0x3f: {  	s26 =	sadd.s32 $0x607000, s16;
	[smem:$0x7E1] =	sst s24;
	v28 =	vsel vm4, $0xC04, v28;
	v29 =	vsel vm4, $0xD04, v29;
	v30 =	vsel vm4, $0xE04, v30  }
0x40: {  	s7 =	sadd.s32 $0x703000, s16;
	[smem:$0x7E3] =	sst s26;
	v31 =	vsel vm4, $0xF04, v31;
	v17 =	vsel vm9, $0x184, v17;
	v18 =	vsel vm3, $0x282, v18  }
0x41: {  	s8 =	sadd.s32 $0x704000, s16;
	[smem:$0x7E7] =	sst s7;
	v19 =	vsel vm3, $0x382, v19;
	v20 =	vsel vm2, $0x403, v20;
	v21 =	vsel vm9, $0x584, v21  }
0x42: {  	s9 =	sadd.s32 $0x705000, s16;
	[smem:$0x7E8] =	sst s8;
	v22 =	vsel vm9, $0x684, v22;
	v23 =	vsel vm9, $0x784, v23;
	v24 =	vsel vm9, $0x884, v24  }
0x43: {  	s10 =	sadd.s32 $0x706000, s16;
	[smem:$0x7E9] =	sst s9;
	v25 =	vsel vm9, $0x984, v25;
	v26 =	vsel vm9, $0xA84, v26;
	v27 =	vsel vm9, $0xB84, v27  }
0x44: {  	s4 =	sshll.u32 s4, $0x6;
	s11 =	sadd.s32 $0x707000, s16;
	[smem:$0x7EA] =	sst s10;
	v28 =	vsel vm9, $0xC84, v28;
	v29 =	vsel vm9, $0xD84, v29;
	v30 =	vsel vm9, $0xE84, v30  }
0x45: {  	s12 =	sadd.s32 s1, s4;
	[smem:$0x7EC] =	sst s11;
	v31 =	vsel vm9, $0xF84, v31;
	v17 =	vsel vm11, $0x105, v17;
	v18 =	vsel vm2, $0x203, v18  }
0x46: {  	s17 =	sadd.s32 $0x300000, s16;
	[smem:$0x7FB] =	sst s12;
	v19 =	vsel vm2, $0x303, v19;
	v20 =	vsel vm1, $0x483, v20;
	v21 =	vsel vm11, $0x505, v21  }
0x47: {  	s30 =	sadd.s32 $0x403000, s16;
	[dreg:$0x1f] =	wrdreg s17;
	v22 =	vsel vm11, $0x605, v22;
	v23 =	vsel vm11, $0x705, v23;
	v24 =	vsel vm11, $0x805, v24  }
0x48: {  	s19 =	sadd.s32 $0x600000, s16;
	[smem:$0x7CF] =	sst s30;
	v25 =	vsel vm11, $0x905, v25;
	v26 =	vsel vm11, $0xA05, v26;
	v27 =	vsel vm11, $0xB05, v27  }
0x49: {  	s21 =	sadd.s32 $0x602000, s16;
	[smem:$0x7DC] =	sst s19;
	v28 =	vsel vm11, $0xC05, v28;
	v29 =	vsel vm11, $0xD05, v29;
	v30 =	vsel vm11, $0xE05, v30  }
0x4a: {  	s23 =	sadd.s32 $0x604000, s16;
	[smem:$0x7DE] =	sst s21;
	v31 =	vsel vm11, $0xF05, v31;
	v17 =	vsel vm12, $0x185, v17;
	v18 =	vsel vm1, $0x283, v18  }
0x4b: {  	s25 =	sadd.s32 $0x606000, s16;
	[smem:$0x7E0] =	sst s23;
	v19 =	vsel vm1, $0x383, v19;
	v20 =	vsel vm4, $0x404, v20;
	v21 =	vsel vm12, $0x585, v21  }
0x4c: {  	s28 =	sadd.s32 $0x700000, s16;
	[smem:$0x7E2] =	sst s25;
	v22 =	vsel vm12, $0x685, v22;
	v23 =	vsel vm12, $0x785, v23;
	v24 =	vsel vm12, $0x885, v24  }
0x4d: {  	s6 =	sadd.s32 $0x702000, s16;
	[smem:$0x7E4] =	sst s28;
	v25 =	vsel vm12, $0x985, v25;
	v26 =	vsel vm12, $0xA85, v26;
	v27 =	vsel vm12, $0xB85, v27  }
0x4e: {  	s1 =	sadd.s32 $0x400, s12;
	[smem:$0x7E6] =	sst s6;
	v28 =	vsel vm12, $0xC85, v28;
	v29 =	vsel vm12, $0xD85, v29;
	v30 =	vsel vm12, $0xE85, v30  }
0x4f: {  	s31 =	simm.s32 $0x8100;
	s13 =	sadd.s32 $0x800, s12;
	[smem:$0x7ED] =	sst s1;
	v31 =	vsel vm12, $0xF85, v31;
	v18 =	vsel vm4, $0x204, v18;
	v17 =	vsel vm13, $0x106, v17  }
0x50: {  	s29 =	simm.s32 $0x11;
	s14 =	sadd.s32 $0xC00, s12;
	[smem:$0x7EE] =	sst s13;
	v19 =	vsel vm4, $0x304, v19;
	v20 =	vsel vm9, $0x484, v20;
	v21 =	vsel vm13, $0x506, v21  }
0x51: {  	s0 =	ssub.s32 $0x2, s0;
	s15 =	sadd.s32 $0x1000, s12;
	[smem:$0x7EF] =	sst s14;
	v22 =	vsel vm13, $0x606, v22;
	v23 =	vsel vm13, $0x706, v23;
	v24 =	vsel vm13, $0x806, v24  }
0x52: {  	s18 =	sadd.s32 $0x1C00, s12;
	s20 =	sadd.s32 $0x2400, s12;
	[smem:$0x7F0] =	sst s15;
	v25 =	vsel vm13, $0x906, v25;
	v26 =	vsel vm13, $0xA06, v26;
	v27 =	vsel vm13, $0xB06, v27  }
0x53: {  	s22 =	sadd.s32 $0x2C00, s12;
	s24 =	sadd.s32 $0x3000, s12;
	[smem:$0x7F3] =	sst s18;
	v28 =	vsel vm13, $0xC06, v28;
	v29 =	vsel vm13, $0xD06, v29;
	v30 =	vsel vm13, $0xE06, v30  }
0x54: {  	s26 =	sadd.s32 $0x3800, s12;
	s7 =	sadd.s32 $0x200, s2;
	[smem:$0x7F5] =	sst s20;
	v31 =	vsel vm13, $0xF06, v31;
	v18 =	vsel vm9, $0x284, v18;
	v19 =	vsel vm9, $0x384, v19  }
0x55: {  	s8 =	sadd.s32 $0x300, s2;
	s9 =	simm.s32 $0x10;
	[smem:$0x7F7] =	sst s22;
	v17 =	vsel vm14, $0x186, v17;
	v20 =	vsel vm11, $0x405, v20;
	v21 =	vsel vm14, $0x586, v21  }
0x56: {  	s17 =	sadd.s32 $0x506000, s16;
	s30 =	sadd.s32 $0x701000, s16;
	[smem:$0x7F8] =	sst s24;
	v22 =	vsel vm14, $0x686, v22;
	v23 =	vsel vm14, $0x786, v23;
	v24 =	vsel vm14, $0x886, v24  }
0x57: {  	s16 =	sadd.s32 $0x1400, s12;
	s19 =	sadd.s32 $0x2000, s12;
	[smem:$0x7FA] =	sst s26;
	v25 =	vsel vm14, $0x986, v25;
	v26 =	vsel vm14, $0xA86, v26;
	v27 =	vsel vm14, $0xB86, v27  }
0x58: {  	s21 =	sadd.s32 $0x2800, s12;
	s23 =	sshrl.u32 s0, $0x1;
	[smem:$0x7DA] =	sst s17;
	v28 =	vsel vm14, $0xC86, v28;
	v29 =	vsel vm14, $0xD86, v29;
	v30 =	vsel vm14, $0xE86, v30  }
0x59: {  	s25 =	sadd.s32 $0x3400, s12;
	s6 =	sadd.s32 $0x100, s2;
	[smem:$0x7E5] =	sst s30;
	v31 =	vsel vm14, $0xF86, v31;
	v18 =	vsel vm11, $0x205, v18;
	v19 =	vsel vm11, $0x305, v19  }
0x5a: {  	s28 =	sadd.s32 $0x3C00, s12;
	s13 =	simm.s32 $0x1;
	[smem:$0x7F1] =	sst s16;
	v17 =	vsel vm15, $0x107, v17;
	v20 =	vsel vm12, $0x485, v20;
	v21 =	vsel vm15, $0x507, v21  }
0x5b: {  	s22 =	simm.s32 $0x3;
	s24 =	simm.s32 $0xE;
	[smem:$0x7F4] =	sst s19;
	v22 =	vsel vm15, $0x607, v22;
	v23 =	vsel vm15, $0x707, v23;
	v24 =	vsel vm15, $0x807, v24  }
0x5c: {  	s26 =	simm.s32 $0x4;
	s18 =	simm.s32 $0xF980;
	[smem:$0x7F6] =	sst s21;
	v25 =	vsel vm15, $0x907, v25;
	v26 =	vsel vm15, $0xA07, v26;
	v27 =	vsel vm15, $0xB07, v27  }
0x5d: {  	s17 =	sadd.s32 $0x1800, s12;
	s0 =	ssub.s32 s0, s23;
	[smem:$0x7F9] =	sst s25;
	v28 =	vsel vm15, $0xC07, v28;
	v29 =	vsel vm15, $0xD07, v29;
	v30 =	vsel vm15, $0xE07, v30  }
0x5e: {  	[smem:$0x7FC] =	sst s28;
	s30 =	simm.s32 $0x8000;
	s19 =	simm.s32 $0xD;
	v31 =	vsel vm15, $0xF07, v31;
	v18 =	vsel vm12, $0x285, v18;
	v19 =	vsel vm12, $0x385, v19  }
0x5f: {  	s25 =	simm.s32 $0x5;
	s23 =	simm.s32 $0x10980;
	s16 =	simm.s32 $0x6;
	v20 =	vsel vm13, $0x406, v20;
	v18 =	vsel vm13, $0x206, v18;
	v19 =	vsel vm13, $0x306, v19  }
0x60: {  	s12 =	simm.s32 $0x11980;
	s21 =	simm.s32 $0x12980;
	[smem:$0x7F2] =	sst s17;
	v20 =	vsel vm14, $0x486, v20;
	v18 =	vsel vm14, $0x286, v18;
	v19 =	vsel vm14, $0x386, v19  }
0x61: {  	s0 =	smax.u32 s0, $0x1;
	[smem:$0x7FD] =	sst s30;
	s17 =	simm.s32 $0x10180;
	v20 =	vsel vm15, $0x407, v20;
	v18 =	vsel vm15, $0x207, v18;
	v19 =	vsel vm15, $0x307, v19  }
.LBB2_1:
0x62: {  	[smem:$0x7C4] =	sst s0  }
0x63: {  	s10 =	rddreg [dreg:$0x6]  }
0x64: {  	s15 =	sld [smem:$0x7FD]  }
0x65: {  	[tilespmem:s3], [sflag:$0x1] =	stream.linear.gather [hbm4b:s10+s3], $0x8000, $0x38;
	[tilespmem:$0x1F180] =	vst v63  }
0x66: {  	s14 =	rddreg [dreg:$0x7];
	s5 =	simm.s32 $0x18  }
0x67: {  	[tilespmem:s15], [sflag:$0x18] =	stream.linear.gather [hbm4b:s14+s3], $0x100, $0x38;
	[tilespmem:$0x1F180] =	vst v63  }
0x68: {  	_ =	swait.ge [sflag:s5], $0x100  }
0x69: {  	[sflag:s5] =	ssyncset.done $0x0  }
0x6a: {  	s11 =	rddreg [dreg:$0x5];
	[sflag:s5] =	ssyncadd.s32 $0xFFFFFF00  }
0x6b: {  	[tilespmem:s31], [sflag:$0x18] =	stream.linear.gather [hbm4b:s11+s3], $0x80, $0x38;
	[tilespmem:$0x1F180] =	vst v63  }
0x6c: {  	_ =	swait.ge [sflag:s5], $0x80  }
0x6d: {  	[sflag:s5] =	ssyncset.done $0x0  }
0x6e: {  	[sflag:s5] =	ssyncadd.s32 $0xFFFFFF80  }
0x6f: {  	v34 =	vld [tilespmem:$0x8000];
	_ =	sdelay $0x7  }
0x70: {  	v34 =	vld.idx.msk [tilespmem:v34+s31+$0x0], $0xffff;
	_ =	sdelay $0x4  }
0x71: {  	v34 =	vshll.u32 v34, $0xD  }
0x72: {  	s15 =	simm.s32 $0x8180;
	v34 =	vor.u32 v0, v34  }
0x73: {  	[tilespmem:v16+s15+$0x0] =	vst.idx.msk $0xffff, v34  }
0x74: {  	v34 =	vld [tilespmem:$0x8010];
	_ =	sdelay $0x7  }
0x75: {  	v34 =	vld.idx.msk [tilespmem:v34+s31+$0x0], $0xffff;
	_ =	sdelay $0x4  }
0x76: {  	v34 =	vshll.u32 v34, $0xD  }
0x77: {  	v34 =	vor.u32 v1, v34  }
0x78: {  	[tilespmem:v17+s15+$0x0] =	vst.idx.msk $0xffff, v34  }
0x79: {  	v34 =	vld [tilespmem:$0x8020];
	_ =	sdelay $0x7  }
0x7a: {  	v34 =	vld.idx.msk [tilespmem:v34+s31+$0x0], $0xffff;
	_ =	sdelay $0x4  }
0x7b: {  	v34 =	vshll.u32 v34, $0xD  }
0x7c: {  	v34 =	vor.u32 v2, v34  }
0x7d: {  	[tilespmem:v18+s15+$0x0] =	vst.idx.msk $0xffff, v34  }
0x7e: {  	v34 =	vld [tilespmem:$0x8030];
	_ =	sdelay $0x7  }
0x7f: {  	v34 =	vld.idx.msk [tilespmem:v34+s31+$0x0], $0xffff;
	_ =	sdelay $0x4  }
0x80: {  	v34 =	vshll.u32 v34, $0xD  }
0x81: {  	v34 =	vor.u32 v3, v34  }
0x82: {  	[tilespmem:v19+s15+$0x0] =	vst.idx.msk $0xffff, v34  }
0x83: {  	v34 =	vld [tilespmem:$0x8040];
	_ =	sdelay $0x7  }
0x84: {  	v34 =	vld.idx.msk [tilespmem:v34+s31+$0x0], $0xffff;
	_ =	sdelay $0x4  }
0x85: {  	v34 =	vshll.u32 v34, $0xD  }
0x86: {  	v34 =	vor.u32 v4, v34  }
0x87: {  	[tilespmem:v20+s15+$0x0] =	vst.idx.msk $0xffff, v34  }
0x88: {  	v34 =	vld [tilespmem:$0x8050];
	_ =	sdelay $0x7  }
0x89: {  	v34 =	vld.idx.msk [tilespmem:v34+s31+$0x0], $0xffff;
	_ =	sdelay $0x4  }
0x8a: {  	v34 =	vshll.u32 v34, $0xD  }
0x8b: {  	v34 =	vor.u32 v5, v34  }
0x8c: {  	[tilespmem:v21+s15+$0x0] =	vst.idx.msk $0xffff, v34  }
0x8d: {  	v34 =	vld [tilespmem:$0x8060];
	_ =	sdelay $0x7  }
0x8e: {  	v34 =	vld.idx.msk [tilespmem:v34+s31+$0x0], $0xffff;
	_ =	sdelay $0x4  }
0x8f: {  	v34 =	vshll.u32 v34, $0xD  }
0x90: {  	v34 =	vor.u32 v6, v34  }
0x91: {  	[tilespmem:v22+s15+$0x0] =	vst.idx.msk $0xffff, v34  }
0x92: {  	v34 =	vld [tilespmem:$0x8070];
	_ =	sdelay $0x7  }
0x93: {  	v34 =	vld.idx.msk [tilespmem:v34+s31+$0x0], $0xffff;
	_ =	sdelay $0x4  }
0x94: {  	v34 =	vshll.u32 v34, $0xD  }
0x95: {  	v34 =	vor.u32 v7, v34  }
0x96: {  	[tilespmem:v23+s15+$0x0] =	vst.idx.msk $0xffff, v34  }
0x97: {  	v34 =	vld [tilespmem:$0x8080];
	_ =	sdelay $0x7  }
0x98: {  	v34 =	vld.idx.msk [tilespmem:v34+s31+$0x0], $0xffff;
	_ =	sdelay $0x4  }
0x99: {  	v34 =	vshll.u32 v34, $0xD  }
0x9a: {  	v34 =	vor.u32 v8, v34  }
0x9b: {  	[tilespmem:v24+s15+$0x0] =	vst.idx.msk $0xffff, v34  }
0x9c: {  	v34 =	vld [tilespmem:$0x8090];
	_ =	sdelay $0x7  }
0x9d: {  	v34 =	vld.idx.msk [tilespmem:v34+s31+$0x0], $0xffff;
	_ =	sdelay $0x4  }
0x9e: {  	v34 =	vshll.u32 v34, $0xD  }
0x9f: {  	v34 =	vor.u32 v9, v34  }
0xa0: {  	[tilespmem:v25+s15+$0x0] =	vst.idx.msk $0xffff, v34  }
0xa1: {  	v34 =	vld [tilespmem:$0x80A0];
	_ =	sdelay $0x7  }
0xa2: {  	v34 =	vld.idx.msk [tilespmem:v34+s31+$0x0], $0xffff;
	_ =	sdelay $0x4  }
0xa3: {  	v34 =	vshll.u32 v34, $0xD  }
0xa4: {  	v34 =	vor.u32 v10, v34  }
0xa5: {  	[tilespmem:v26+s15+$0x0] =	vst.idx.msk $0xffff, v34  }
0xa6: {  	v34 =	vld [tilespmem:$0x80B0];
	_ =	sdelay $0x7  }
0xa7: {  	v34 =	vld.idx.msk [tilespmem:v34+s31+$0x0], $0xffff;
	_ =	sdelay $0x4  }
0xa8: {  	v34 =	vshll.u32 v34, $0xD  }
0xa9: {  	v34 =	vor.u32 v11, v34  }
0xaa: {  	[tilespmem:v27+s15+$0x0] =	vst.idx.msk $0xffff, v34  }
0xab: {  	v34 =	vld [tilespmem:$0x80C0];
	_ =	sdelay $0x7  }
0xac: {  	v34 =	vld.idx.msk [tilespmem:v34+s31+$0x0], $0xffff;
	_ =	sdelay $0x4  }
0xad: {  	v34 =	vshll.u32 v34, $0xD  }
0xae: {  	v34 =	vor.u32 v12, v34  }
0xaf: {  	[tilespmem:v28+s15+$0x0] =	vst.idx.msk $0xffff, v34  }
0xb0: {  	v34 =	vld [tilespmem:$0x80D0];
	_ =	sdelay $0x7  }
0xb1: {  	v34 =	vld.idx.msk [tilespmem:v34+s31+$0x0], $0xffff;
	_ =	sdelay $0x4  }
0xb2: {  	v34 =	vshll.u32 v34, $0xD  }
0xb3: {  	v34 =	vor.u32 v13, v34  }
0xb4: {  	[tilespmem:v29+s15+$0x0] =	vst.idx.msk $0xffff, v34  }
0xb5: {  	v34 =	vld [tilespmem:$0x80E0];
	_ =	sdelay $0x7  }
0xb6: {  	v34 =	vld.idx.msk [tilespmem:v34+s31+$0x0], $0xffff;
	_ =	sdelay $0x4  }
0xb7: {  	v34 =	vshll.u32 v34, $0xD  }
0xb8: {  	v34 =	vor.u32 v14, v34  }
0xb9: {  	[tilespmem:v30+s15+$0x0] =	vst.idx.msk $0xffff, v34  }
0xba: {  	v34 =	vld [tilespmem:$0x80F0];
	_ =	sdelay $0x7  }
0xbb: {  	v34 =	vld.idx.msk [tilespmem:v34+s31+$0x0], $0xffff;
	_ =	sdelay $0x4  }
0xbc: {  	v34 =	vshll.u32 v34, $0xD  }
0xbd: {  	v34 =	vor.u32 v15, v34  }
0xbe: {  	[tilespmem:v31+s15+$0x0] =	vst.idx.msk $0xffff, v34  }
0xbf: {  	_ =	swait.ge [sflag:s13], $0x8000  }
0xc0: {  	s28 =	sld [smem:$0x7EB]  }
0xc1: {  	[sflag:s13] =	ssyncset.done $0x0  }
0xc2: {  	s20 =	rddreg [dreg:$0x8];
	[sflag:s13] =	ssyncadd.s32 $0xFFFF8000  }
0xc3: {  	[hbm4b:s28+s3] =	stream.linear.scatter [tilespmem:s3], [sflag:$0x1], $0x8000, $0x38;
	[tilespmem:$0x1F180] =	vst v63  }
0xc4: {  	s30 =	rddreg [dreg:$0x9]  }
0xc5: {  	[hbm4b:s20+s3] =	stream.linear.scatter [tilespmem:s3], [sflag:$0x1], $0x8000, $0x38;
	[tilespmem:$0x1F180] =	vst v63  }
0xc6: {  	s0 =	rddreg [dreg:$0xa]  }
0xc7: {  	[hbm4b:s30+s3] =	stream.linear.scatter [tilespmem:s3], [sflag:$0x1], $0x8000, $0x38;
	[tilespmem:$0x1F180] =	vst v63  }
0xc8: {  	s1 =	rddreg [dreg:$0xb]  }
0xc9: {  	[hbm4b:s0+s3] =	stream.linear.scatter [tilespmem:s3], [sflag:$0x1], $0x8000, $0x38;
	[tilespmem:$0x1F180] =	vst v63  }
0xca: {  	s4 =	rddreg [dreg:$0xc]  }
0xcb: {  	[hbm4b:s1+s3] =	stream.linear.scatter [tilespmem:s3], [sflag:$0x1], $0x8000, $0x38;
	[tilespmem:$0x1F180] =	vst v63  }
0xcc: {  	s5 =	rddreg [dreg:$0xd]  }
0xcd: {  	[hbm4b:s4+s3] =	stream.linear.scatter [tilespmem:s3], [sflag:$0x1], $0x8000, $0x38;
	[tilespmem:$0x1F180] =	vst v63  }
0xce: {  	s11 =	rddreg [dreg:$0xe]  }
0xcf: {  	[hbm4b:s5+s3] =	stream.linear.scatter [tilespmem:s3], [sflag:$0x1], $0x8000, $0x38;
	[tilespmem:$0x1F180] =	vst v63  }
0xd0: {  	s15 =	rddreg [dreg:$0xf]  }
0xd1: {  	[hbm4b:s11+s3] =	stream.linear.scatter [tilespmem:s3], [sflag:$0x1], $0x8000, $0x38;
	[tilespmem:$0x1F180] =	vst v63  }
0xd2: {  	s28 =	rddreg [dreg:$0x11]  }
0xd3: {  	[hbm4b:s15+s3] =	stream.linear.scatter [tilespmem:s3], [sflag:$0x1], $0x8000, $0x38;
	[tilespmem:$0x1F180] =	vst v63  }
0xd4: {  	s20 =	rddreg [dreg:$0x10]  }
0xd5: {  	[hbm4b:s20+s3] =	stream.linear.scatter [tilespmem:s3], [sflag:$0x1], $0x8000, $0x38;
	[tilespmem:$0x1F180] =	vst v63  }
0xd6: {  	s30 =	rddreg [dreg:$0x12]  }
0xd7: {  	[hbm4b:s28+s3] =	stream.linear.scatter [tilespmem:s3], [sflag:$0x1], $0x8000, $0x38;
	[tilespmem:$0x1F180] =	vst v63  }
0xd8: {  	s0 =	rddreg [dreg:$0x13]  }
0xd9: {  	[hbm4b:s30+s3] =	stream.linear.scatter [tilespmem:s3], [sflag:$0x1], $0x8000, $0x38;
	[tilespmem:$0x1F180] =	vst v63  }
0xda: {  	s1 =	rddreg [dreg:$0x14]  }
0xdb: {  	[hbm4b:s0+s3] =	stream.linear.scatter [tilespmem:s3], [sflag:$0x1], $0x8000, $0x38;
	[tilespmem:$0x1F180] =	vst v63  }
0xdc: {  	s4 =	rddreg [dreg:$0x15]  }
0xdd: {  	[hbm4b:s1+s3] =	stream.linear.scatter [tilespmem:s3], [sflag:$0x1], $0x8000, $0x38;
	[tilespmem:$0x1F180] =	vst v63  }
0xde: {  	s5 =	rddreg [dreg:$0x16]  }
0xdf: {  	[hbm4b:s4+s3] =	stream.linear.scatter [tilespmem:s3], [sflag:$0x1], $0x8000, $0x38;
	[tilespmem:$0x1F180] =	vst v63  }
0xe0: {  	s11 =	rddreg [dreg:$0x17]  }
0xe1: {  	[hbm4b:s5+s3] =	stream.linear.scatter [tilespmem:s3], [sflag:$0x1], $0x8000, $0x38;
	[tilespmem:$0x1F180] =	vst v63  }
0xe2: {  	s15 =	rddreg [dreg:$0x18]  }
0xe3: {  	[hbm4b:s11+s3] =	stream.linear.scatter [tilespmem:s3], [sflag:$0x1], $0x8000, $0x38;
	[tilespmem:$0x1F180] =	vst v63  }
0xe4: {  	s20 =	rddreg [dreg:$0x19]  }
0xe5: {  	[hbm4b:s15+s3] =	stream.linear.scatter [tilespmem:s3], [sflag:$0x1], $0x8000, $0x38;
	[tilespmem:$0x1F180] =	vst v63  }
0xe6: {  	s28 =	rddreg [dreg:$0x1a]  }
0xe7: {  	[hbm4b:s20+s3] =	stream.linear.scatter [tilespmem:s3], [sflag:$0x1], $0x8000, $0x38;
	[tilespmem:$0x1F180] =	vst v63  }
0xe8: {  	s30 =	rddreg [dreg:$0x1b]  }
0xe9: {  	[hbm4b:s28+s3] =	stream.linear.scatter [tilespmem:s3], [sflag:$0x1], $0x8000, $0x38;
	[tilespmem:$0x1F180] =	vst v63  }
0xea: {  	s0 =	rddreg [dreg:$0x1c]  }
0xeb: {  	[hbm4b:s30+s3] =	stream.linear.scatter [tilespmem:s3], [sflag:$0x1], $0x8000, $0x38;
	[tilespmem:$0x1F180] =	vst v63  }
0xec: {  	s1 =	rddreg [dreg:$0x1d]  }
0xed: {  	[hbm4b:s0+s3] =	stream.linear.scatter [tilespmem:s3], [sflag:$0x1], $0x8000, $0x38;
	[tilespmem:$0x1F180] =	vst v63  }
0xee: {  	s14 =	rddreg [dreg:$0x1e]  }
0xef: {  	[hbm4b:s1+s3] =	stream.linear.scatter [tilespmem:s3], [sflag:$0x1], $0x8000, $0x38;
	[tilespmem:$0x1F180] =	vst v63  }
0xf0: {  	s4 =	rddreg [dreg:$0x1f]  }
0xf1: {  	[hbm4b:s14+s3] =	stream.linear.scatter [tilespmem:s3], [sflag:$0x1], $0x8000, $0x38;
	[tilespmem:$0x1F180] =	vst v63  }
0xf2: {  	s5 =	sld [smem:$0x7C5]  }
0xf3: {  	[hbm4b:s4+s3] =	stream.linear.scatter [tilespmem:s3], [sflag:$0x1], $0x8000, $0x38;
	[tilespmem:$0x1F180] =	vst v63  }
0xf4: {  	s11 =	sld [smem:$0x7C6]  }
0xf5: {  	[hbm4b:s5+s3] =	stream.linear.scatter [tilespmem:s3], [sflag:$0x1], $0x8000, $0x38;
	[tilespmem:$0x1F180] =	vst v63  }
0xf6: {  	s15 =	sld [smem:$0x7C7]  }
0xf7: {  	[hbm4b:s11+s3] =	stream.linear.scatter [tilespmem:s3], [sflag:$0x1], $0x8000, $0x38;
	[tilespmem:$0x1F180] =	vst v63  }
0xf8: {  	s20 =	sld [smem:$0x7C8]  }
0xf9: {  	[hbm4b:s15+s3] =	stream.linear.scatter [tilespmem:s3], [sflag:$0x1], $0x8000, $0x38;
	[tilespmem:$0x1F180] =	vst v63  }
0xfa: {  	s28 =	sld [smem:$0x7C9]  }
0xfb: {  	[hbm4b:s20+s3] =	stream.linear.scatter [tilespmem:s3], [sflag:$0x1], $0x8000, $0x38;
	[tilespmem:$0x1F180] =	vst v63  }
0xfc: {  	s30 =	sld [smem:$0x7CA]  }
0xfd: {  	[hbm4b:s28+s3] =	stream.linear.scatter [tilespmem:s3], [sflag:$0x1], $0x8000, $0x38;
	[tilespmem:$0x1F180] =	vst v63  }
0xfe: {  	s0 =	sld [smem:$0x7CB]  }
0xff: {  	[hbm4b:s30+s3] =	stream.linear.scatter [tilespmem:s3], [sflag:$0x1], $0x8000, $0x38;
	[tilespmem:$0x1F180] =	vst v63  }
0x100: {  	s1 =	sld [smem:$0x7CC]  }
0x101: {  	[hbm4b:s0+s3] =	stream.linear.scatter [tilespmem:s3], [sflag:$0x1], $0x8000, $0x38;
	[tilespmem:$0x1F180] =	vst v63  }
0x102: {  	s4 =	sld [smem:$0x7CD]  }
0x103: {  	[hbm4b:s1+s3] =	stream.linear.scatter [tilespmem:s3], [sflag:$0x1], $0x8000, $0x38;
	[tilespmem:$0x1F180] =	vst v63  }
0x104: {  	s5 =	sld [smem:$0x7CE]  }
0x105: {  	[hbm4b:s4+s3] =	stream.linear.scatter [tilespmem:s3], [sflag:$0x1], $0x8000, $0x38;
	[tilespmem:$0x1F180] =	vst v63  }
0x106: {  	s11 =	sld [smem:$0x7CF]  }
0x107: {  	[hbm4b:s5+s3] =	stream.linear.scatter [tilespmem:s3], [sflag:$0x1], $0x8000, $0x38;
	[tilespmem:$0x1F180] =	vst v63  }
0x108: {  	s15 =	sld [smem:$0x7D0]  }
0x109: {  	[hbm4b:s11+s3] =	stream.linear.scatter [tilespmem:s3], [sflag:$0x1], $0x8000, $0x38;
	[tilespmem:$0x1F180] =	vst v63  }
0x10a: {  	s20 =	sld [smem:$0x7D1]  }
0x10b: {  	[hbm4b:s15+s3] =	stream.linear.scatter [tilespmem:s3], [sflag:$0x1], $0x8000, $0x38;
	[tilespmem:$0x1F180] =	vst v63  }
0x10c: {  	s28 =	sld [smem:$0x7D2]  }
0x10d: {  	[hbm4b:s20+s3] =	stream.linear.scatter [tilespmem:s3], [sflag:$0x1], $0x8000, $0x38;
	[tilespmem:$0x1F180] =	vst v63  }
0x10e: {  	s30 =	sld [smem:$0x7D3]  }
0x10f: {  	[hbm4b:s28+s3] =	stream.linear.scatter [tilespmem:s3], [sflag:$0x1], $0x8000, $0x38;
	[tilespmem:$0x1F180] =	vst v63  }
0x110: {  	s0 =	sld [smem:$0x7D4]  }
0x111: {  	[hbm4b:s30+s3] =	stream.linear.scatter [tilespmem:s3], [sflag:$0x1], $0x8000, $0x38;
	[tilespmem:$0x1F180] =	vst v63  }
0x112: {  	s1 =	sld [smem:$0x7D5]  }
0x113: {  	[hbm4b:s0+s3] =	stream.linear.scatter [tilespmem:s3], [sflag:$0x1], $0x8000, $0x38;
	[tilespmem:$0x1F180] =	vst v63  }
0x114: {  	s4 =	sld [smem:$0x7D6]  }
0x115: {  	[hbm4b:s1+s3] =	stream.linear.scatter [tilespmem:s3], [sflag:$0x1], $0x8000, $0x38;
	[tilespmem:$0x1F180] =	vst v63  }
0x116: {  	s5 =	sld [smem:$0x7D7]  }
0x117: {  	[hbm4b:s4+s3] =	stream.linear.scatter [tilespmem:s3], [sflag:$0x1], $0x8000, $0x38;
	[tilespmem:$0x1F180] =	vst v63  }
0x118: {  	s11 =	sld [smem:$0x7D8]  }
0x119: {  	[hbm4b:s5+s3] =	stream.linear.scatter [tilespmem:s3], [sflag:$0x1], $0x8000, $0x38;
	[tilespmem:$0x1F180] =	vst v63  }
0x11a: {  	s15 =	sld [smem:$0x7D9]  }
0x11b: {  	[hbm4b:s11+s3] =	stream.linear.scatter [tilespmem:s3], [sflag:$0x1], $0x8000, $0x38;
	[tilespmem:$0x1F180] =	vst v63  }
0x11c: {  	s20 =	sld [smem:$0x7DA]  }
0x11d: {  	[hbm4b:s15+s3] =	stream.linear.scatter [tilespmem:s3], [sflag:$0x1], $0x8000, $0x38;
	[tilespmem:$0x1F180] =	vst v63  }
0x11e: {  	s28 =	sld [smem:$0x7DB]  }
0x11f: {  	[hbm4b:s20+s3] =	stream.linear.scatter [tilespmem:s3], [sflag:$0x1], $0x8000, $0x38;
	[tilespmem:$0x1F180] =	vst v63  }
0x120: {  	s30 =	sld [smem:$0x7DC]  }
0x121: {  	[hbm4b:s28+s3] =	stream.linear.scatter [tilespmem:s3], [sflag:$0x1], $0x8000, $0x38;
	[tilespmem:$0x1F180] =	vst v63  }
0x122: {  	s0 =	sld [smem:$0x7DD]  }
0x123: {  	[hbm4b:s30+s3] =	stream.linear.scatter [tilespmem:s3], [sflag:$0x1], $0x8000, $0x38;
	[tilespmem:$0x1F180] =	vst v63  }
0x124: {  	s1 =	sld [smem:$0x7DE]  }
0x125: {  	[hbm4b:s0+s3] =	stream.linear.scatter [tilespmem:s3], [sflag:$0x1], $0x8000, $0x38;
	[tilespmem:$0x1F180] =	vst v63  }
0x126: {  	s4 =	sld [smem:$0x7DF]  }
0x127: {  	[hbm4b:s1+s3] =	stream.linear.scatter [tilespmem:s3], [sflag:$0x1], $0x8000, $0x38;
	[tilespmem:$0x1F180] =	vst v63  }
0x128: {  	s5 =	sld [smem:$0x7E0]  }
0x129: {  	[hbm4b:s4+s3] =	stream.linear.scatter [tilespmem:s3], [sflag:$0x1], $0x8000, $0x38;
	[tilespmem:$0x1F180] =	vst v63  }
0x12a: {  	s11 =	sld [smem:$0x7E1]  }
0x12b: {  	[hbm4b:s5+s3] =	stream.linear.scatter [tilespmem:s3], [sflag:$0x1], $0x8000, $0x38;
	[tilespmem:$0x1F180] =	vst v63  }
0x12c: {  	s15 =	sld [smem:$0x7E2]  }
0x12d: {  	[hbm4b:s11+s3] =	stream.linear.scatter [tilespmem:s3], [sflag:$0x1], $0x8000, $0x38;
	[tilespmem:$0x1F180] =	vst v63  }
0x12e: {  	s20 =	sld [smem:$0x7E3]  }
0x12f: {  	[hbm4b:s15+s3] =	stream.linear.scatter [tilespmem:s3], [sflag:$0x1], $0x8000, $0x38;
	[tilespmem:$0x1F180] =	vst v63  }
0x130: {  	s28 =	sld [smem:$0x7E4]  }
0x131: {  	[hbm4b:s20+s3] =	stream.linear.scatter [tilespmem:s3], [sflag:$0x1], $0x8000, $0x38;
	[tilespmem:$0x1F180] =	vst v63  }
0x132: {  	s30 =	sld [smem:$0x7E5]  }
0x133: {  	[hbm4b:s28+s3] =	stream.linear.scatter [tilespmem:s3], [sflag:$0x1], $0x8000, $0x38;
	[tilespmem:$0x1F180] =	vst v63  }
0x134: {  	s0 =	sld [smem:$0x7E6]  }
0x135: {  	[hbm4b:s30+s3] =	stream.linear.scatter [tilespmem:s3], [sflag:$0x1], $0x8000, $0x38;
	[tilespmem:$0x1F180] =	vst v63  }
0x136: {  	s1 =	sld [smem:$0x7E7]  }
0x137: {  	[hbm4b:s0+s3] =	stream.linear.scatter [tilespmem:s3], [sflag:$0x1], $0x8000, $0x38;
	[tilespmem:$0x1F180] =	vst v63  }
0x138: {  	s4 =	sld [smem:$0x7E8]  }
0x139: {  	[hbm4b:s1+s3] =	stream.linear.scatter [tilespmem:s3], [sflag:$0x1], $0x8000, $0x38;
	[tilespmem:$0x1F180] =	vst v63  }
0x13a: {  	s5 =	sld [smem:$0x7E9]  }
0x13b: {  	[hbm4b:s4+s3] =	stream.linear.scatter [tilespmem:s3], [sflag:$0x1], $0x8000, $0x38;
	[tilespmem:$0x1F180] =	vst v63  }
0x13c: {  	s11 =	sld [smem:$0x7EA]  }
0x13d: {  	[hbm4b:s5+s3] =	stream.linear.scatter [tilespmem:s3], [sflag:$0x1], $0x8000, $0x38;
	[tilespmem:$0x1F180] =	vst v63  }
0x13e: {  	s15 =	sld [smem:$0x7EC]  }
0x13f: {  	[hbm4b:s11+s3] =	stream.linear.scatter [tilespmem:s3], [sflag:$0x1], $0x8000, $0x38;
	[tilespmem:$0x1F180] =	vst v63  }
0x140: {  	s28 =	sld [smem:$0x7FB]  }
0x141: {  	[hbm4b:s15+s3] =	stream.linear.scatter [tilespmem:s3], [sflag:$0x1], $0x8000, $0x38;
	[tilespmem:$0x1F180] =	vst v63  }
0x142: {  	s20 =	sld [smem:$0x7ED];
	s30 =	simm.s32 $0x9180  }
0x143: {  	[tilespmem:s30], [sflag:$0x2] =	stream.linear.gather [hbm4b:s28+s3], $0x2000, $0x38;
	[tilespmem:$0x1F180] =	vst v63  }
0x144: {  	s1 =	sld [smem:$0x7EE];
	s4 =	simm.s32 $0xB180  }
0x145: {  	[tilespmem:s4], [sflag:$0x3] =	stream.linear.gather [hbm4b:s20+s3], $0x2000, $0x38;
	[tilespmem:$0x1F180] =	vst v63  }
0x146: {  	s5 =	sld [smem:$0x7EF];
	s11 =	simm.s32 $0xD180  }
0x147: {  	[tilespmem:s11], [sflag:$0x4] =	stream.linear.gather [hbm4b:s1+s3], $0x2000, $0x38;
	[tilespmem:$0x1F180] =	vst v63  }
0x148: {  	s15 =	sld [smem:$0x7F0];
	s20 =	simm.s32 $0xF180  }
0x149: {  	[tilespmem:s20], [sflag:$0x5] =	stream.linear.gather [hbm4b:s5+s3], $0x2000, $0x38;
	[tilespmem:$0x1F180] =	vst v63  }
0x14a: {  	s28 =	sld [smem:$0x7F1];
	s30 =	simm.s32 $0x11180  }
0x14b: {  	[tilespmem:s30], [sflag:$0x6] =	stream.linear.gather [hbm4b:s15+s3], $0x2000, $0x38;
	[tilespmem:$0x1F180] =	vst v63  }
0x14c: {  	s1 =	sld [smem:$0x7F2];
	s20 =	simm.s32 $0x13180  }
0x14d: {  	[tilespmem:s20], [sflag:$0x7] =	stream.linear.gather [hbm4b:s28+s3], $0x2000, $0x38;
	[tilespmem:$0x1F180] =	vst v63  }
0x14e: {  	s4 =	sld [smem:$0x7F3];
	s5 =	simm.s32 $0x15180  }
0x14f: {  	[tilespmem:s5], [sflag:$0x8] =	stream.linear.gather [hbm4b:s1+s3], $0x2000, $0x38;
	[tilespmem:$0x1F180] =	vst v63  }
0x150: {  	s11 =	sld [smem:$0x7F4];
	s30 =	simm.s32 $0x17180  }
0x151: {  	[tilespmem:s30], [sflag:$0x9] =	stream.linear.gather [hbm4b:s4+s3], $0x2000, $0x38;
	[tilespmem:$0x1F180] =	vst v63  }
0x152: {  	s15 =	sld [smem:$0x7F5];
	s1 =	simm.s32 $0x19180  }
0x153: {  	[tilespmem:s1], [sflag:$0xA] =	stream.linear.gather [hbm4b:s11+s3], $0x2000, $0x38;
	[tilespmem:$0x1F180] =	vst v63  }
0x154: {  	s28 =	simm.s32 $0x1B180;
	s4 =	sld [smem:$0x7F6]  }
0x155: {  	[tilespmem:s28], [sflag:$0xB] =	stream.linear.gather [hbm4b:s15+s3], $0x2000, $0x38;
	[tilespmem:$0x1F180] =	vst v63  }
0x156: {  	s5 =	simm.s32 $0x1D180  }
0x157: {  	[tilespmem:s5], [sflag:$0xC] =	stream.linear.gather [hbm4b:s4+s3], $0x2000, $0x38;
	[tilespmem:$0x1F180] =	vst v63  }
0x158: {  	_ =	swait.ge [sflag:s13], $0x8000  }
0x159: {  	[sflag:s13] =	ssyncset.done $0x0  }
0x15a: {  	[sflag:s13] =	ssyncadd.s32 $0xFFFF8000  }
0x15b: {  	_ =	swait.ge [sflag:s13], $0x8000  }
0x15c: {  	[sflag:s13] =	ssyncset.done $0x0  }
0x15d: {  	[sflag:s13] =	ssyncadd.s32 $0xFFFF8000  }
0x15e: {  	_ =	swait.ge [sflag:s13], $0x8000  }
0x15f: {  	[sflag:s13] =	ssyncset.done $0x0  }
0x160: {  	[sflag:s13] =	ssyncadd.s32 $0xFFFF8000  }
0x161: {  	_ =	swait.ge [sflag:s13], $0x8000  }
0x162: {  	[sflag:s13] =	ssyncset.done $0x0  }
0x163: {  	[sflag:s13] =	ssyncadd.s32 $0xFFFF8000  }
0x164: {  	_ =	swait.ge [sflag:s13], $0x8000  }
0x165: {  	[sflag:s13] =	ssyncset.done $0x0  }
0x166: {  	[sflag:s13] =	ssyncadd.s32 $0xFFFF8000  }
0x167: {  	_ =	swait.ge [sflag:s13], $0x8000  }
0x168: {  	[sflag:s13] =	ssyncset.done $0x0  }
0x169: {  	[sflag:s13] =	ssyncadd.s32 $0xFFFF8000  }
0x16a: {  	_ =	swait.ge [sflag:s13], $0x8000  }
0x16b: {  	[sflag:s13] =	ssyncset.done $0x0  }
0x16c: {  	[sflag:s13] =	ssyncadd.s32 $0xFFFF8000  }
0x16d: {  	_ =	swait.ge [sflag:s13], $0x8000  }
0x16e: {  	[sflag:s13] =	ssyncset.done $0x0  }
0x16f: {  	[sflag:s13] =	ssyncadd.s32 $0xFFFF8000  }
0x170: {  	_ =	swait.ge [sflag:s13], $0x8000  }
0x171: {  	[sflag:s13] =	ssyncset.done $0x0  }
0x172: {  	[sflag:s13] =	ssyncadd.s32 $0xFFFF8000  }
0x173: {  	_ =	swait.ge [sflag:s13], $0x8000  }
0x174: {  	[sflag:s13] =	ssyncset.done $0x0  }
0x175: {  	[sflag:s13] =	ssyncadd.s32 $0xFFFF8000  }
0x176: {  	_ =	swait.ge [sflag:s13], $0x8000  }
0x177: {  	[sflag:s13] =	ssyncset.done $0x0  }
0x178: {  	[sflag:s13] =	ssyncadd.s32 $0xFFFF8000  }
0x179: {  	_ =	swait.ge [sflag:s13], $0x8000  }
0x17a: {  	[sflag:s13] =	ssyncset.done $0x0  }
0x17b: {  	[sflag:s13] =	ssyncadd.s32 $0xFFFF8000  }
0x17c: {  	_ =	swait.ge [sflag:s13], $0x8000  }
0x17d: {  	[sflag:s13] =	ssyncset.done $0x0  }
0x17e: {  	[sflag:s13] =	ssyncadd.s32 $0xFFFF8000  }
0x17f: {  	_ =	swait.ge [sflag:s13], $0x8000  }
0x180: {  	[sflag:s13] =	ssyncset.done $0x0  }
0x181: {  	[sflag:s13] =	ssyncadd.s32 $0xFFFF8000  }
0x182: {  	_ =	swait.ge [sflag:s13], $0x8000  }
0x183: {  	[sflag:s13] =	ssyncset.done $0x0  }
0x184: {  	[sflag:s13] =	ssyncadd.s32 $0xFFFF8000  }
0x185: {  	_ =	swait.ge [sflag:s13], $0x8000  }
0x186: {  	[sflag:s13] =	ssyncset.done $0x0  }
0x187: {  	[sflag:s13] =	ssyncadd.s32 $0xFFFF8000  }
0x188: {  	_ =	swait.ge [sflag:s13], $0x8000  }
0x189: {  	[sflag:s13] =	ssyncset.done $0x0  }
0x18a: {  	[sflag:s13] =	ssyncadd.s32 $0xFFFF8000  }
0x18b: {  	_ =	swait.ge [sflag:s13], $0x8000  }
0x18c: {  	[sflag:s13] =	ssyncset.done $0x0  }
0x18d: {  	[sflag:s13] =	ssyncadd.s32 $0xFFFF8000  }
0x18e: {  	_ =	swait.ge [sflag:s13], $0x8000  }
0x18f: {  	[sflag:s13] =	ssyncset.done $0x0  }
0x190: {  	[sflag:s13] =	ssyncadd.s32 $0xFFFF8000  }
0x191: {  	_ =	swait.ge [sflag:s13], $0x8000  }
0x192: {  	[sflag:s13] =	ssyncset.done $0x0  }
0x193: {  	[sflag:s13] =	ssyncadd.s32 $0xFFFF8000  }
0x194: {  	_ =	swait.ge [sflag:s13], $0x8000  }
0x195: {  	[sflag:s13] =	ssyncset.done $0x0  }
0x196: {  	[sflag:s13] =	ssyncadd.s32 $0xFFFF8000  }
0x197: {  	_ =	swait.ge [sflag:s13], $0x8000  }
0x198: {  	[sflag:s13] =	ssyncset.done $0x0  }
0x199: {  	[sflag:s13] =	ssyncadd.s32 $0xFFFF8000  }
0x19a: {  	_ =	swait.ge [sflag:s13], $0x8000  }
0x19b: {  	[sflag:s13] =	ssyncset.done $0x0  }
0x19c: {  	[sflag:s13] =	ssyncadd.s32 $0xFFFF8000  }
0x19d: {  	_ =	swait.ge [sflag:s13], $0x8000  }
0x19e: {  	[sflag:s13] =	ssyncset.done $0x0  }
0x19f: {  	[sflag:s13] =	ssyncadd.s32 $0xFFFF8000  }
0x1a0: {  	_ =	swait.ge [sflag:s13], $0x8000  }
0x1a1: {  	[sflag:s13] =	ssyncset.done $0x0  }
0x1a2: {  	[sflag:s13] =	ssyncadd.s32 $0xFFFF8000  }
0x1a3: {  	_ =	swait.ge [sflag:s13], $0x8000  }
0x1a4: {  	[sflag:s13] =	ssyncset.done $0x0  }
0x1a5: {  	[sflag:s13] =	ssyncadd.s32 $0xFFFF8000  }
0x1a6: {  	_ =	swait.ge [sflag:s13], $0x8000  }
0x1a7: {  	[sflag:s13] =	ssyncset.done $0x0  }
0x1a8: {  	[sflag:s13] =	ssyncadd.s32 $0xFFFF8000  }
0x1a9: {  	_ =	swait.ge [sflag:s13], $0x8000  }
0x1aa: {  	[sflag:s13] =	ssyncset.done $0x0  }
0x1ab: {  	[sflag:s13] =	ssyncadd.s32 $0xFFFF8000  }
0x1ac: {  	_ =	swait.ge [sflag:s13], $0x8000  }
0x1ad: {  	[sflag:s13] =	ssyncset.done $0x0  }
0x1ae: {  	[sflag:s13] =	ssyncadd.s32 $0xFFFF8000  }
0x1af: {  	_ =	swait.ge [sflag:s13], $0x8000  }
0x1b0: {  	[sflag:s13] =	ssyncset.done $0x0  }
0x1b1: {  	[sflag:s13] =	ssyncadd.s32 $0xFFFF8000  }
0x1b2: {  	_ =	swait.ge [sflag:s13], $0x8000  }
0x1b3: {  	[sflag:s13] =	ssyncset.done $0x0  }
0x1b4: {  	[sflag:s13] =	ssyncadd.s32 $0xFFFF8000  }
0x1b5: {  	_ =	swait.ge [sflag:s13], $0x8000  }
0x1b6: {  	[sflag:s13] =	ssyncset.done $0x0  }
0x1b7: {  	[sflag:s13] =	ssyncadd.s32 $0xFFFF8000  }
0x1b8: {  	_ =	swait.ge [sflag:s13], $0x8000  }
0x1b9: {  	[sflag:s13] =	ssyncset.done $0x0  }
0x1ba: {  	[sflag:s13] =	ssyncadd.s32 $0xFFFF8000  }
0x1bb: {  	_ =	swait.ge [sflag:s13], $0x8000  }
0x1bc: {  	[sflag:s13] =	ssyncset.done $0x0  }
0x1bd: {  	[sflag:s13] =	ssyncadd.s32 $0xFFFF8000  }
0x1be: {  	_ =	swait.ge [sflag:s13], $0x8000  }
0x1bf: {  	[sflag:s13] =	ssyncset.done $0x0  }
0x1c0: {  	[sflag:s13] =	ssyncadd.s32 $0xFFFF8000  }
0x1c1: {  	_ =	swait.ge [sflag:s13], $0x8000  }
0x1c2: {  	[sflag:s13] =	ssyncset.done $0x0  }
0x1c3: {  	[sflag:s13] =	ssyncadd.s32 $0xFFFF8000  }
0x1c4: {  	_ =	swait.ge [sflag:s13], $0x8000  }
0x1c5: {  	[sflag:s13] =	ssyncset.done $0x0  }
0x1c6: {  	[sflag:s13] =	ssyncadd.s32 $0xFFFF8000  }
0x1c7: {  	_ =	swait.ge [sflag:s13], $0x8000  }
0x1c8: {  	[sflag:s13] =	ssyncset.done $0x0  }
0x1c9: {  	[sflag:s13] =	ssyncadd.s32 $0xFFFF8000  }
0x1ca: {  	_ =	swait.ge [sflag:s13], $0x8000  }
0x1cb: {  	[sflag:s13] =	ssyncset.done $0x0  }
0x1cc: {  	[sflag:s13] =	ssyncadd.s32 $0xFFFF8000  }
0x1cd: {  	_ =	swait.ge [sflag:s13], $0x8000  }
0x1ce: {  	[sflag:s13] =	ssyncset.done $0x0  }
0x1cf: {  	[sflag:s13] =	ssyncadd.s32 $0xFFFF8000  }
0x1d0: {  	_ =	swait.ge [sflag:s13], $0x8000  }
0x1d1: {  	[sflag:s13] =	ssyncset.done $0x0  }
0x1d2: {  	[sflag:s13] =	ssyncadd.s32 $0xFFFF8000  }
0x1d3: {  	_ =	swait.ge [sflag:s13], $0x8000  }
0x1d4: {  	[sflag:s13] =	ssyncset.done $0x0  }
0x1d5: {  	[sflag:s13] =	ssyncadd.s32 $0xFFFF8000  }
0x1d6: {  	_ =	swait.ge [sflag:s13], $0x8000  }
0x1d7: {  	[sflag:s13] =	ssyncset.done $0x0  }
0x1d8: {  	[sflag:s13] =	ssyncadd.s32 $0xFFFF8000  }
0x1d9: {  	_ =	swait.ge [sflag:s13], $0x8000  }
0x1da: {  	[sflag:s13] =	ssyncset.done $0x0  }
0x1db: {  	[sflag:s13] =	ssyncadd.s32 $0xFFFF8000  }
0x1dc: {  	_ =	swait.ge [sflag:s13], $0x8000  }
0x1dd: {  	[sflag:s13] =	ssyncset.done $0x0  }
0x1de: {  	[sflag:s13] =	ssyncadd.s32 $0xFFFF8000  }
0x1df: {  	_ =	swait.ge [sflag:s13], $0x8000  }
0x1e0: {  	[sflag:s13] =	ssyncset.done $0x0  }
0x1e1: {  	[sflag:s13] =	ssyncadd.s32 $0xFFFF8000  }
0x1e2: {  	_ =	swait.ge [sflag:s13], $0x8000  }
0x1e3: {  	[sflag:s13] =	ssyncset.done $0x0  }
0x1e4: {  	[sflag:s13] =	ssyncadd.s32 $0xFFFF8000  }
0x1e5: {  	_ =	swait.ge [sflag:s13], $0x8000  }
0x1e6: {  	[sflag:s13] =	ssyncset.done $0x0  }
0x1e7: {  	[sflag:s13] =	ssyncadd.s32 $0xFFFF8000  }
0x1e8: {  	_ =	swait.ge [sflag:s13], $0x8000  }
0x1e9: {  	[sflag:s13] =	ssyncset.done $0x0  }
0x1ea: {  	[sflag:s13] =	ssyncadd.s32 $0xFFFF8000  }
0x1eb: {  	_ =	swait.ge [sflag:s13], $0x8000  }
0x1ec: {  	[sflag:s13] =	ssyncset.done $0x0  }
0x1ed: {  	[sflag:s13] =	ssyncadd.s32 $0xFFFF8000  }
0x1ee: {  	_ =	swait.ge [sflag:s13], $0x8000  }
0x1ef: {  	[sflag:s13] =	ssyncset.done $0x0  }
0x1f0: {  	[sflag:s13] =	ssyncadd.s32 $0xFFFF8000  }
0x1f1: {  	_ =	swait.ge [sflag:s13], $0x8000  }
0x1f2: {  	[sflag:s13] =	ssyncset.done $0x0  }
0x1f3: {  	[sflag:s13] =	ssyncadd.s32 $0xFFFF8000  }
0x1f4: {  	_ =	swait.ge [sflag:s13], $0x8000  }
0x1f5: {  	[sflag:s13] =	ssyncset.done $0x0  }
0x1f6: {  	[sflag:s13] =	ssyncadd.s32 $0xFFFF8000  }
0x1f7: {  	_ =	swait.ge [sflag:s13], $0x8000  }
0x1f8: {  	[sflag:s13] =	ssyncset.done $0x0  }
0x1f9: {  	[sflag:s13] =	ssyncadd.s32 $0xFFFF8000  }
0x1fa: {  	_ =	swait.ge [sflag:s13], $0x8000  }
0x1fb: {  	[sflag:s13] =	ssyncset.done $0x0  }
0x1fc: {  	[sflag:s13] =	ssyncadd.s32 $0xFFFF8000  }
0x1fd: {  	_ =	swait.ge [sflag:s13], $0x8000  }
0x1fe: {  	[sflag:s13] =	ssyncset.done $0x0  }
0x1ff: {  	[sflag:s13] =	ssyncadd.s32 $0xFFFF8000  }
0x200: {  	_ =	swait.ge [sflag:s13], $0x8000  }
0x201: {  	[sflag:s13] =	ssyncset.done $0x0  }
0x202: {  	[sflag:s13] =	ssyncadd.s32 $0xFFFF8000  }
0x203: {  	_ =	swait.ge [sflag:s13], $0x8000  }
0x204: {  	[sflag:s13] =	ssyncset.done $0x0  }
0x205: {  	[sflag:s13] =	ssyncadd.s32 $0xFFFF8000  }
0x206: {  	_ =	swait.ge [sflag:s13], $0x8000  }
0x207: {  	[sflag:s13] =	ssyncset.done $0x0  }
0x208: {  	[sflag:s13] =	ssyncadd.s32 $0xFFFF8000  }
0x209: {  	_ =	swait.ge [sflag:s13], $0x8000  }
0x20a: {  	[sflag:s13] =	ssyncset.done $0x0  }
0x20b: {  	[sflag:s13] =	ssyncadd.s32 $0xFFFF8000  }
0x20c: {  	_ =	swait.ge [sflag:s13], $0x8000  }
0x20d: {  	[sflag:s13] =	ssyncset.done $0x0  }
0x20e: {  	[sflag:s13] =	ssyncadd.s32 $0xFFFF8000  }
0x20f: {  	_ =	swait.ge [sflag:s13], $0x8000  }
0x210: {  	[sflag:s13] =	ssyncset.done $0x0  }
0x211: {  	[sflag:s13] =	ssyncadd.s32 $0xFFFF8000  }
0x212: {  	_ =	swait.ge [sflag:s13], $0x8000  }
0x213: {  	[sflag:s13] =	ssyncset.done $0x0  }
0x214: {  	[sflag:s13] =	ssyncadd.s32 $0xFFFF8000  }
0x215: {  	_ =	swait.ge [sflag:s13], $0x8000  }
0x216: {  	[sflag:s13] =	ssyncset.done $0x0  }
0x217: {  	s14 =	simm.s32 $0x2;
	[sflag:s13] =	ssyncadd.s32 $0xFFFF8000  }
0x218: {  	_ =	swait.ge [sflag:s14], $0x2000  }
0x219: {  	[sflag:s14] =	ssyncset.done $0x0  }
0x21a: {  	[sflag:s14] =	ssyncadd.s32 $0xFFFFE000  }
0x21b: {  	v45 =	vld.msk [tilespmem:$0x8180], $0xff;
	_ =	sdelay $0x4  }
0x21c: {  	v35 =	vshll.u32 v45, $0x3  }
0x21d: {  	v34 =	vand.u32 $0x7, v45;
	v35 =	vand.u32 $0xFFFFFFC0, v35  }
0x21e: {  	v34 =	vor.u32 v34, v35  }
0x21f: {  	v34 =	vperm.xlane v34, v32;
	_ =	sdelay $0x1  }
0x220: {  	v34 =	vadd.s32 v33, v34;
	_ =	sdelay $0x3  }
0x221: {  	s0 =	simm.s32 $0x9180  }
0x222: {  	[hbm4b:s2+s3] =	stream.indirect_vreg.scatter [tilespmem:s0], [sflag:$0xD], $0x80, v34, vm0, $0xb8;
	[tilespmem:$0x1F180] =	vst v63  }
0x223: {  	s1 =	simm.s32 $0x9980  }
0x224: {  	[hbm4b:s6+s3] =	stream.indirect_vreg.scatter [tilespmem:s1], [sflag:$0xD], $0x80, v34, vm0, $0xb8;
	[tilespmem:$0x1F180] =	vst v63  }
0x225: {  	s10 =	simm.s32 $0xA180  }
0x226: {  	[hbm4b:s7+s3] =	stream.indirect_vreg.scatter [tilespmem:s10], [sflag:$0xD], $0x80, v34, vm0, $0xb8;
	[tilespmem:$0x1F180] =	vst v63  }
0x227: {  	s11 =	simm.s32 $0xA980  }
0x228: {  	[hbm4b:s8+s3] =	stream.indirect_vreg.scatter [tilespmem:s11], [sflag:$0xD], $0x80, v34, vm0, $0xb8;
	[tilespmem:$0x1F180] =	vst v63  }
0x229: {  	v34 =	vld.msk [tilespmem:$0x8200], $0xff;
	_ =	sdelay $0x4  }
0x22a: {  	v46 =	vshll.u32 v34, $0x3  }
0x22b: {  	v34 =	vand.u32 $0x7, v34;
	v35 =	vand.u32 $0xFFFFFFC0, v46  }
0x22c: {  	v34 =	vor.u32 v34, v35  }
0x22d: {  	v34 =	vperm.xlane v34, v32;
	_ =	sdelay $0x1  }
0x22e: {  	v34 =	vadd.s32 v33, v34;
	_ =	sdelay $0x4  }
0x22f: {  	[hbm4b:s2+s3] =	stream.indirect_vreg.scatter [tilespmem:s0], [sflag:$0xD], $0x80, v34, vm0, $0xb8;
	[tilespmem:$0x1F180] =	vst v63  }
0x230: {  	s4 =	simm.s32 $0x9980  }
0x231: {  	[hbm4b:s6+s3] =	stream.indirect_vreg.scatter [tilespmem:s4], [sflag:$0xD], $0x80, v34, vm0, $0xb8;
	[tilespmem:$0x1F180] =	vst v63  }
0x232: {  	s5 =	simm.s32 $0xA180  }
0x233: {  	[hbm4b:s7+s3] =	stream.indirect_vreg.scatter [tilespmem:s5], [sflag:$0xD], $0x80, v34, vm0, $0xb8;
	[tilespmem:$0x1F180] =	vst v63  }
0x234: {  	s15 =	simm.s32 $0xA980  }
0x235: {  	[hbm4b:s8+s3] =	stream.indirect_vreg.scatter [tilespmem:s15], [sflag:$0xD], $0x80, v34, vm0, $0xb8;
	[tilespmem:$0x1F180] =	vst v63  }
0x236: {  	_ =	swait.ge [sflag:s19], $0x2000  }
0x237: {  	[sflag:s19] =	ssyncset.done $0x0  }
0x238: {  	[sflag:s19] =	ssyncadd.s32 $0xFFFFE000  }
0x239: {  	_ =	swait.ge [sflag:s19], $0x2000  }
0x23a: {  	s11 =	sld [smem:$0x7F7]  }
0x23b: {  	[sflag:s19] =	ssyncset.done $0x0  }
0x23c: {  	s10 =	simm.s32 $0x9180;
	[sflag:s19] =	ssyncadd.s32 $0xFFFFE000  }
0x23d: {  	[tilespmem:s10], [sflag:$0x2] =	stream.linear.gather [hbm4b:s11+s3], $0x2000, $0x38;
	[tilespmem:$0x1F180] =	vst v63  }
0x23e: {  	_ =	swait.ge [sflag:s22], $0x2000  }
0x23f: {  	[sflag:s22] =	ssyncset.done $0x0  }
0x240: {  	[sflag:s22] =	ssyncadd.s32 $0xFFFFE000  }
0x241: {  	v47 =	vld.msk [tilespmem:$0x8280], $0xff;
	_ =	sdelay $0x4  }
0x242: {  	v48 =	vshll.u32 v47, $0x3  }
0x243: {  	v34 =	vand.u32 $0x7, v47;
	v35 =	vand.u32 $0xFFFFFFC0, v48  }
0x244: {  	v34 =	vor.u32 v34, v35  }
0x245: {  	v34 =	vperm.xlane v34, v32;
	_ =	sdelay $0x1  }
0x246: {  	v34 =	vadd.s32 v33, v34;
	_ =	sdelay $0x3  }
0x247: {  	s15 =	simm.s32 $0xB180  }
0x248: {  	[hbm4b:s2+s3] =	stream.indirect_vreg.scatter [tilespmem:s15], [sflag:$0xE], $0x80, v34, vm0, $0xb8;
	[tilespmem:$0x1F180] =	vst v63  }
0x249: {  	s4 =	simm.s32 $0xB980  }
0x24a: {  	[hbm4b:s6+s3] =	stream.indirect_vreg.scatter [tilespmem:s4], [sflag:$0xE], $0x80, v34, vm0, $0xb8;
	[tilespmem:$0x1F180] =	vst v63  }
0x24b: {  	s5 =	simm.s32 $0xC180  }
0x24c: {  	[hbm4b:s7+s3] =	stream.indirect_vreg.scatter [tilespmem:s5], [sflag:$0xE], $0x80, v34, vm0, $0xb8;
	[tilespmem:$0x1F180] =	vst v63  }
0x24d: {  	s10 =	simm.s32 $0xC980  }
0x24e: {  	[hbm4b:s8+s3] =	stream.indirect_vreg.scatter [tilespmem:s10], [sflag:$0xE], $0x80, v34, vm0, $0xb8;
	[tilespmem:$0x1F180] =	vst v63  }
0x24f: {  	v34 =	vld.msk [tilespmem:$0x8300], $0xff;
	_ =	sdelay $0x4  }
0x250: {  	v49 =	vshll.u32 v34, $0x3  }
0x251: {  	v34 =	vand.u32 $0x7, v34;
	v35 =	vand.u32 $0xFFFFFFC0, v49  }
0x252: {  	v34 =	vor.u32 v34, v35  }
0x253: {  	v34 =	vperm.xlane v34, v32;
	_ =	sdelay $0x1  }
0x254: {  	v34 =	vadd.s32 v33, v34;
	_ =	sdelay $0x4  }
0x255: {  	[hbm4b:s2+s3] =	stream.indirect_vreg.scatter [tilespmem:s15], [sflag:$0xE], $0x80, v34, vm0, $0xb8;
	[tilespmem:$0x1F180] =	vst v63  }
0x256: {  	s4 =	simm.s32 $0xB980  }
0x257: {  	[hbm4b:s6+s3] =	stream.indirect_vreg.scatter [tilespmem:s4], [sflag:$0xE], $0x80, v34, vm0, $0xb8;
	[tilespmem:$0x1F180] =	vst v63  }
0x258: {  	s5 =	simm.s32 $0xC180  }
0x259: {  	[hbm4b:s7+s3] =	stream.indirect_vreg.scatter [tilespmem:s5], [sflag:$0xE], $0x80, v34, vm0, $0xb8;
	[tilespmem:$0x1F180] =	vst v63  }
0x25a: {  	s11 =	simm.s32 $0xC980  }
0x25b: {  	[hbm4b:s8+s3] =	stream.indirect_vreg.scatter [tilespmem:s11], [sflag:$0xE], $0x80, v34, vm0, $0xb8;
	[tilespmem:$0x1F180] =	vst v63  }
0x25c: {  	_ =	swait.ge [sflag:s24], $0x2000  }
0x25d: {  	[sflag:s24] =	ssyncset.done $0x0  }
0x25e: {  	[sflag:s24] =	ssyncadd.s32 $0xFFFFE000  }
0x25f: {  	_ =	swait.ge [sflag:s24], $0x2000  }
0x260: {  	s5 =	sld [smem:$0x7F8]  }
0x261: {  	[sflag:s24] =	ssyncset.done $0x0  }
0x262: {  	s15 =	simm.s32 $0xB180;
	[sflag:s24] =	ssyncadd.s32 $0xFFFFE000  }
0x263: {  	[tilespmem:s15], [sflag:$0x3] =	stream.linear.gather [hbm4b:s5+s3], $0x2000, $0x38;
	[tilespmem:$0x1F180] =	vst v63  }
0x264: {  	_ =	swait.ge [sflag:s26], $0x2000  }
0x265: {  	[sflag:s26] =	ssyncset.done $0x0  }
0x266: {  	[sflag:s26] =	ssyncadd.s32 $0xFFFFE000  }
0x267: {  	v50 =	vld.msk [tilespmem:$0x8380], $0xff;
	_ =	sdelay $0x4  }
0x268: {  	v51 =	vshll.u32 v50, $0x3  }
0x269: {  	v34 =	vand.u32 $0x7, v50;
	v35 =	vand.u32 $0xFFFFFFC0, v51  }
0x26a: {  	v34 =	vor.u32 v34, v35  }
0x26b: {  	v34 =	vperm.xlane v34, v32;
	_ =	sdelay $0x1  }
0x26c: {  	v34 =	vadd.s32 v33, v34;
	_ =	sdelay $0x3  }
0x26d: {  	s11 =	simm.s32 $0xD180  }
0x26e: {  	[hbm4b:s2+s3] =	stream.indirect_vreg.scatter [tilespmem:s11], [sflag:$0xF], $0x80, v34, vm0, $0xb8;
	[tilespmem:$0x1F180] =	vst v63  }
0x26f: {  	s4 =	simm.s32 $0xD980  }
0x270: {  	[hbm4b:s6+s3] =	stream.indirect_vreg.scatter [tilespmem:s4], [sflag:$0xF], $0x80, v34, vm0, $0xb8;
	[tilespmem:$0x1F180] =	vst v63  }
0x271: {  	s15 =	simm.s32 $0xE180  }
0x272: {  	[hbm4b:s7+s3] =	stream.indirect_vreg.scatter [tilespmem:s15], [sflag:$0xF], $0x80, v34, vm0, $0xb8;
	[tilespmem:$0x1F180] =	vst v63  }
0x273: {  	s5 =	simm.s32 $0xE980  }
0x274: {  	[hbm4b:s8+s3] =	stream.indirect_vreg.scatter [tilespmem:s5], [sflag:$0xF], $0x80, v34, vm0, $0xb8;
	[tilespmem:$0x1F180] =	vst v63  }
0x275: {  	v34 =	vld.msk [tilespmem:$0x8400], $0xff;
	_ =	sdelay $0x4  }
0x276: {  	v52 =	vshll.u32 v34, $0x3  }
0x277: {  	v34 =	vand.u32 $0x7, v34;
	v35 =	vand.u32 $0xFFFFFFC0, v52  }
0x278: {  	v34 =	vor.u32 v34, v35  }
0x279: {  	v34 =	vperm.xlane v34, v32;
	_ =	sdelay $0x1  }
0x27a: {  	v34 =	vadd.s32 v33, v34;
	_ =	sdelay $0x4  }
0x27b: {  	[hbm4b:s2+s3] =	stream.indirect_vreg.scatter [tilespmem:s11], [sflag:$0xF], $0x80, v34, vm0, $0xb8;
	[tilespmem:$0x1F180] =	vst v63  }
0x27c: {  	_ = 	snop  }
0x27d: {  	[hbm4b:s6+s3] =	stream.indirect_vreg.scatter [tilespmem:s4], [sflag:$0xF], $0x80, v34, vm0, $0xb8;
	[tilespmem:$0x1F180] =	vst v63  }
0x27e: {  	_ = 	snop  }
0x27f: {  	[hbm4b:s7+s3] =	stream.indirect_vreg.scatter [tilespmem:s15], [sflag:$0xF], $0x80, v34, vm0, $0xb8;
	[tilespmem:$0x1F180] =	vst v63  }
0x280: {  	s1 =	simm.s32 $0xF;
	s10 =	simm.s32 $0xE980  }
0x281: {  	[hbm4b:s8+s3] =	stream.indirect_vreg.scatter [tilespmem:s10], [sflag:$0xF], $0x80, v34, vm0, $0xb8;
	[tilespmem:$0x1F180] =	vst v63  }
0x282: {  	_ =	swait.ge [sflag:s1], $0x2000  }
0x283: {  	[sflag:s1] =	ssyncset.done $0x0  }
0x284: {  	[sflag:s1] =	ssyncadd.s32 $0xFFFFE000  }
0x285: {  	_ =	swait.ge [sflag:s1], $0x2000  }
0x286: {  	s5 =	sld [smem:$0x7F9]  }
0x287: {  	[sflag:s1] =	ssyncset.done $0x0  }
0x288: {  	s11 =	simm.s32 $0xD180;
	[sflag:s1] =	ssyncadd.s32 $0xFFFFE000  }
0x289: {  	[tilespmem:s11], [sflag:$0x4] =	stream.linear.gather [hbm4b:s5+s3], $0x2000, $0x38;
	[tilespmem:$0x1F180] =	vst v63  }
0x28a: {  	_ =	swait.ge [sflag:s25], $0x2000  }
0x28b: {  	[sflag:s25] =	ssyncset.done $0x0  }
0x28c: {  	[sflag:s25] =	ssyncadd.s32 $0xFFFFE000  }
0x28d: {  	v53 =	vld.msk [tilespmem:$0x8480], $0xff;
	_ =	sdelay $0x4  }
0x28e: {  	v54 =	vshll.u32 v53, $0x3  }
0x28f: {  	v34 =	vand.u32 $0x7, v53;
	v35 =	vand.u32 $0xFFFFFFC0, v54  }
0x290: {  	v34 =	vor.u32 v34, v35  }
0x291: {  	v34 =	vperm.xlane v34, v32;
	_ =	sdelay $0x1  }
0x292: {  	v34 =	vadd.s32 v33, v34;
	_ =	sdelay $0x3  }
0x293: {  	s10 =	simm.s32 $0xF180  }
0x294: {  	[hbm4b:s2+s3] =	stream.indirect_vreg.scatter [tilespmem:s10], [sflag:$0x10], $0x80, v34, vm0, $0xb8;
	[tilespmem:$0x1F180] =	vst v63  }
0x295: {  	_ = 	snop  }
0x296: {  	[hbm4b:s6+s3] =	stream.indirect_vreg.scatter [tilespmem:s18], [sflag:$0x10], $0x80, v34, vm0, $0xb8;
	[tilespmem:$0x1F180] =	vst v63  }
0x297: {  	_ = 	snop  }
0x298: {  	[hbm4b:s7+s3] =	stream.indirect_vreg.scatter [tilespmem:s17], [sflag:$0x10], $0x80, v34, vm0, $0xb8;
	[tilespmem:$0x1F180] =	vst v63  }
0x299: {  	_ = 	snop  }
0x29a: {  	[hbm4b:s8+s3] =	stream.indirect_vreg.scatter [tilespmem:s23], [sflag:$0x10], $0x80, v34, vm0, $0xb8;
	[tilespmem:$0x1F180] =	vst v63  }
0x29b: {  	v34 =	vld.msk [tilespmem:$0x8500], $0xff;
	_ =	sdelay $0x4  }
0x29c: {  	v55 =	vshll.u32 v34, $0x3  }
0x29d: {  	v34 =	vand.u32 $0x7, v34;
	v35 =	vand.u32 $0xFFFFFFC0, v55  }
0x29e: {  	v34 =	vor.u32 v34, v35  }
0x29f: {  	v34 =	vperm.xlane v34, v32;
	_ =	sdelay $0x1  }
0x2a0: {  	v34 =	vadd.s32 v33, v34;
	_ =	sdelay $0x4  }
0x2a1: {  	[hbm4b:s2+s3] =	stream.indirect_vreg.scatter [tilespmem:s10], [sflag:$0x10], $0x80, v34, vm0, $0xb8;
	[tilespmem:$0x1F180] =	vst v63  }
0x2a2: {  	_ = 	snop  }
0x2a3: {  	[hbm4b:s6+s3] =	stream.indirect_vreg.scatter [tilespmem:s18], [sflag:$0x10], $0x80, v34, vm0, $0xb8;
	[tilespmem:$0x1F180] =	vst v63  }
0x2a4: {  	_ = 	snop  }
0x2a5: {  	[hbm4b:s7+s3] =	stream.indirect_vreg.scatter [tilespmem:s17], [sflag:$0x10], $0x80, v34, vm0, $0xb8;
	[tilespmem:$0x1F180] =	vst v63  }
0x2a6: {  	_ = 	snop  }
0x2a7: {  	[hbm4b:s8+s3] =	stream.indirect_vreg.scatter [tilespmem:s23], [sflag:$0x10], $0x80, v34, vm0, $0xb8;
	[tilespmem:$0x1F180] =	vst v63  }
0x2a8: {  	_ =	swait.ge [sflag:s9], $0x2000  }
0x2a9: {  	[sflag:s9] =	ssyncset.done $0x0  }
0x2aa: {  	[sflag:s9] =	ssyncadd.s32 $0xFFFFE000  }
0x2ab: {  	_ =	swait.ge [sflag:s9], $0x2000  }
0x2ac: {  	s5 =	sld [smem:$0x7FA]  }
0x2ad: {  	[sflag:s9] =	ssyncset.done $0x0  }
0x2ae: {  	s11 =	simm.s32 $0xF180;
	[sflag:s9] =	ssyncadd.s32 $0xFFFFE000  }
0x2af: {  	[tilespmem:s11], [sflag:$0x5] =	stream.linear.gather [hbm4b:s5+s3], $0x2000, $0x38;
	[tilespmem:$0x1F180] =	vst v63  }
0x2b0: {  	_ =	swait.ge [sflag:s16], $0x2000  }
0x2b1: {  	[sflag:s16] =	ssyncset.done $0x0  }
0x2b2: {  	[sflag:s16] =	ssyncadd.s32 $0xFFFFE000  }
0x2b3: {  	v56 =	vld.msk [tilespmem:$0x8580], $0xff;
	_ =	sdelay $0x4  }
0x2b4: {  	v57 =	vshll.u32 v56, $0x3  }
0x2b5: {  	v34 =	vand.u32 $0x7, v56;
	v35 =	vand.u32 $0xFFFFFFC0, v57  }
0x2b6: {  	v34 =	vor.u32 v34, v35  }
0x2b7: {  	v34 =	vperm.xlane v34, v32;
	_ =	sdelay $0x1  }
0x2b8: {  	v34 =	vadd.s32 v33, v34;
	_ =	sdelay $0x3  }
0x2b9: {  	s11 =	simm.s32 $0x11180  }
0x2ba: {  	[hbm4b:s2+s3] =	stream.indirect_vreg.scatter [tilespmem:s11], [sflag:$0x11], $0x80, v34, vm0, $0xb8;
	[tilespmem:$0x1F180] =	vst v63  }
0x2bb: {  	_ = 	snop  }
0x2bc: {  	[hbm4b:s6+s3] =	stream.indirect_vreg.scatter [tilespmem:s12], [sflag:$0x11], $0x80, v34, vm0, $0xb8;
	[tilespmem:$0x1F180] =	vst v63  }
0x2bd: {  	s5 =	simm.s32 $0x12180  }
0x2be: {  	[hbm4b:s7+s3] =	stream.indirect_vreg.scatter [tilespmem:s5], [sflag:$0x11], $0x80, v34, vm0, $0xb8;
	[tilespmem:$0x1F180] =	vst v63  }
0x2bf: {  	_ = 	snop  }
0x2c0: {  	[hbm4b:s8+s3] =	stream.indirect_vreg.scatter [tilespmem:s21], [sflag:$0x11], $0x80, v34, vm0, $0xb8;
	[tilespmem:$0x1F180] =	vst v63  }
0x2c1: {  	v34 =	vld.msk [tilespmem:$0x8600], $0xff;
	_ =	sdelay $0x4  }
0x2c2: {  	v58 =	vshll.u32 v34, $0x3  }
0x2c3: {  	v34 =	vand.u32 $0x7, v34;
	v35 =	vand.u32 $0xFFFFFFC0, v58  }
0x2c4: {  	v34 =	vor.u32 v34, v35  }
0x2c5: {  	v34 =	vperm.xlane v34, v32;
	_ =	sdelay $0x1  }
0x2c6: {  	v34 =	vadd.s32 v33, v34;
	_ =	sdelay $0x4  }
0x2c7: {  	[hbm4b:s2+s3] =	stream.indirect_vreg.scatter [tilespmem:s11], [sflag:$0x11], $0x80, v34, vm0, $0xb8;
	[tilespmem:$0x1F180] =	vst v63  }
0x2c8: {  	_ = 	snop  }
0x2c9: {  	[hbm4b:s6+s3] =	stream.indirect_vreg.scatter [tilespmem:s12], [sflag:$0x11], $0x80, v34, vm0, $0xb8;
	[tilespmem:$0x1F180] =	vst v63  }
0x2ca: {  	_ = 	snop  }
0x2cb: {  	[hbm4b:s7+s3] =	stream.indirect_vreg.scatter [tilespmem:s5], [sflag:$0x11], $0x80, v34, vm0, $0xb8;
	[tilespmem:$0x1F180] =	vst v63  }
0x2cc: {  	_ = 	snop  }
0x2cd: {  	[hbm4b:s8+s3] =	stream.indirect_vreg.scatter [tilespmem:s21], [sflag:$0x11], $0x80, v34, vm0, $0xb8;
	[tilespmem:$0x1F180] =	vst v63  }
0x2ce: {  	_ =	swait.ge [sflag:s29], $0x2000  }
0x2cf: {  	[sflag:s29] =	ssyncset.done $0x0  }
0x2d0: {  	[sflag:s29] =	ssyncadd.s32 $0xFFFFE000  }
0x2d1: {  	_ =	swait.ge [sflag:s29], $0x2000  }
0x2d2: {  	s11 =	sld [smem:$0x7FC]  }
0x2d3: {  	[sflag:s29] =	ssyncset.done $0x0  }
0x2d4: {  	s0 =	simm.s32 $0x7;
	s10 =	simm.s32 $0x11180;
	[sflag:s29] =	ssyncadd.s32 $0xFFFFE000  }
0x2d5: {  	[tilespmem:s10], [sflag:$0x6] =	stream.linear.gather [hbm4b:s11+s3], $0x2000, $0x38;
	[tilespmem:$0x1F180] =	vst v63  }
0x2d6: {  	_ =	swait.ge [sflag:s0], $0x2000  }
0x2d7: {  	[sflag:s0] =	ssyncset.done $0x0  }
0x2d8: {  	[sflag:s0] =	ssyncadd.s32 $0xFFFFE000  }
0x2d9: {  	v59 =	vld.msk [tilespmem:$0x8680], $0xff;
	_ =	sdelay $0x4  }
0x2da: {  	v60 =	vshll.u32 v59, $0x3  }
0x2db: {  	v34 =	vand.u32 $0x7, v59;
	v35 =	vand.u32 $0xFFFFFFC0, v60  }
0x2dc: {  	v34 =	vor.u32 v34, v35  }
0x2dd: {  	v34 =	vperm.xlane v34, v32;
	_ =	sdelay $0x1  }
0x2de: {  	v34 =	vadd.s32 v33, v34;
	_ =	sdelay $0x4  }
0x2df: {  	[hbm4b:s2+s3] =	stream.indirect_vreg.scatter [tilespmem:s20], [sflag:$0x12], $0x80, v34, vm0, $0xb8;
	[tilespmem:$0x1F180] =	vst v63  }
0x2e0: {  	s10 =	simm.s32 $0x13980  }
0x2e1: {  	[hbm4b:s6+s3] =	stream.indirect_vreg.scatter [tilespmem:s10], [sflag:$0x12], $0x80, v34, vm0, $0xb8;
	[tilespmem:$0x1F180] =	vst v63  }
0x2e2: {  	s0 =	simm.s32 $0x14180  }
0x2e3: {  	[hbm4b:s7+s3] =	stream.indirect_vreg.scatter [tilespmem:s0], [sflag:$0x12], $0x80, v34, vm0, $0xb8;
	[tilespmem:$0x1F180] =	vst v63  }
0x2e4: {  	s11 =	simm.s32 $0x14980  }
0x2e5: {  	[hbm4b:s8+s3] =	stream.indirect_vreg.scatter [tilespmem:s11], [sflag:$0x12], $0x80, v34, vm0, $0xb8;
	[tilespmem:$0x1F180] =	vst v63  }
0x2e6: {  	v34 =	vld.msk [tilespmem:$0x8700], $0xff;
	_ =	sdelay $0x4  }
0x2e7: {  	v61 =	vshll.u32 v34, $0x3  }
0x2e8: {  	v34 =	vand.u32 $0x7, v34;
	v35 =	vand.u32 $0xFFFFFFC0, v61  }
0x2e9: {  	v34 =	vor.u32 v34, v35  }
0x2ea: {  	v34 =	vperm.xlane v34, v32;
	_ =	sdelay $0x1  }
0x2eb: {  	v34 =	vadd.s32 v33, v34;
	_ =	sdelay $0x4  }
0x2ec: {  	[hbm4b:s2+s3] =	stream.indirect_vreg.scatter [tilespmem:s20], [sflag:$0x12], $0x80, v34, vm0, $0xb8;
	[tilespmem:$0x1F180] =	vst v63  }
0x2ed: {  	_ = 	snop  }
0x2ee: {  	[hbm4b:s6+s3] =	stream.indirect_vreg.scatter [tilespmem:s10], [sflag:$0x12], $0x80, v34, vm0, $0xb8;
	[tilespmem:$0x1F180] =	vst v63  }
0x2ef: {  	_ = 	snop  }
0x2f0: {  	[hbm4b:s7+s3] =	stream.indirect_vreg.scatter [tilespmem:s0], [sflag:$0x12], $0x80, v34, vm0, $0xb8;
	[tilespmem:$0x1F180] =	vst v63  }
0x2f1: {  	_ = 	snop  }
0x2f2: {  	[hbm4b:s8+s3] =	stream.indirect_vreg.scatter [tilespmem:s11], [sflag:$0x12], $0x80, v34, vm0, $0xb8;
	[tilespmem:$0x1F180] =	vst v63  }
0x2f3: {  	s11 =	simm.s32 $0x8  }
0x2f4: {  	_ =	swait.ge [sflag:s11], $0x2000  }
0x2f5: {  	[sflag:s11] =	ssyncset.done $0x0  }
0x2f6: {  	[sflag:s11] =	ssyncadd.s32 $0xFFFFE000  }
0x2f7: {  	v62 =	vld.msk [tilespmem:$0x8780], $0xff;
	_ =	sdelay $0x4  }
0x2f8: {  	v63 =	vshll.u32 v62, $0x3  }
0x2f9: {  	v34 =	vand.u32 $0x7, v62;
	v35 =	vand.u32 $0xFFFFFFC0, v63  }
0x2fa: {  	v34 =	vor.u32 v34, v35  }
0x2fb: {  	v34 =	vperm.xlane v34, v32;
	_ =	sdelay $0x1  }
0x2fc: {  	v34 =	vadd.s32 v33, v34;
	_ =	sdelay $0x3  }
0x2fd: {  	s20 =	simm.s32 $0x15180  }
0x2fe: {  	[hbm4b:s2+s3] =	stream.indirect_vreg.scatter [tilespmem:s20], [sflag:$0x13], $0x80, v34, vm0, $0xb8;
	[tilespmem:$0x1F180] =	vst v63  }
0x2ff: {  	s0 =	simm.s32 $0x15980  }
0x300: {  	[hbm4b:s6+s3] =	stream.indirect_vreg.scatter [tilespmem:s0], [sflag:$0x13], $0x80, v34, vm0, $0xb8;
	[tilespmem:$0x1F180] =	vst v63  }
0x301: {  	s10 =	simm.s32 $0x16180  }
0x302: {  	[hbm4b:s7+s3] =	stream.indirect_vreg.scatter [tilespmem:s10], [sflag:$0x13], $0x80, v34, vm0, $0xb8;
	[tilespmem:$0x1F180] =	vst v63  }
0x303: {  	s11 =	simm.s32 $0x16980  }
0x304: {  	[hbm4b:s8+s3] =	stream.indirect_vreg.scatter [tilespmem:s11], [sflag:$0x13], $0x80, v34, vm0, $0xb8;
	[tilespmem:$0x1F180] =	vst v63  }
0x305: {  	v34 =	vld.msk [tilespmem:$0x8800], $0xff;
	_ =	sdelay $0x4  }
0x306: {  	v36 =	vshll.u32 v34, $0x3  }
0x307: {  	v34 =	vand.u32 $0x7, v34;
	v35 =	vand.u32 $0xFFFFFFC0, v36  }
0x308: {  	v34 =	vor.u32 v34, v35  }
0x309: {  	v34 =	vperm.xlane v34, v32;
	_ =	sdelay $0x1  }
0x30a: {  	v34 =	vadd.s32 v33, v34;
	_ =	sdelay $0x4  }
0x30b: {  	[hbm4b:s2+s3] =	stream.indirect_vreg.scatter [tilespmem:s20], [sflag:$0x13], $0x80, v34, vm0, $0xb8;
	[tilespmem:$0x1F180] =	vst v63  }
0x30c: {  	_ = 	snop  }
0x30d: {  	[hbm4b:s6+s3] =	stream.indirect_vreg.scatter [tilespmem:s0], [sflag:$0x13], $0x80, v34, vm0, $0xb8;
	[tilespmem:$0x1F180] =	vst v63  }
0x30e: {  	_ = 	snop  }
0x30f: {  	[hbm4b:s7+s3] =	stream.indirect_vreg.scatter [tilespmem:s10], [sflag:$0x13], $0x80, v34, vm0, $0xb8;
	[tilespmem:$0x1F180] =	vst v63  }
0x310: {  	s20 =	simm.s32 $0x9  }
0x311: {  	[hbm4b:s8+s3] =	stream.indirect_vreg.scatter [tilespmem:s11], [sflag:$0x13], $0x80, v34, vm0, $0xb8;
	[tilespmem:$0x1F180] =	vst v63  }
0x312: {  	_ =	swait.ge [sflag:s20], $0x2000  }
0x313: {  	[sflag:s20] =	ssyncset.done $0x0  }
0x314: {  	[sflag:s20] =	ssyncadd.s32 $0xFFFFE000  }
0x315: {  	v37 =	vld.msk [tilespmem:$0x8880], $0xff;
	_ =	sdelay $0x4  }
0x316: {  	v38 =	vshll.u32 v37, $0x3  }
0x317: {  	v34 =	vand.u32 $0x7, v37;
	v35 =	vand.u32 $0xFFFFFFC0, v38  }
0x318: {  	v34 =	vor.u32 v34, v35  }
0x319: {  	v34 =	vperm.xlane v34, v32;
	_ =	sdelay $0x1  }
0x31a: {  	v34 =	vadd.s32 v33, v34;
	_ =	sdelay $0x4  }
0x31b: {  	[hbm4b:s2+s3] =	stream.indirect_vreg.scatter [tilespmem:s30], [sflag:$0x14], $0x80, v34, vm0, $0xb8;
	[tilespmem:$0x1F180] =	vst v63  }
0x31c: {  	s10 =	simm.s32 $0x17980  }
0x31d: {  	[hbm4b:s6+s3] =	stream.indirect_vreg.scatter [tilespmem:s10], [sflag:$0x14], $0x80, v34, vm0, $0xb8;
	[tilespmem:$0x1F180] =	vst v63  }
0x31e: {  	s11 =	simm.s32 $0x18180  }
0x31f: {  	[hbm4b:s7+s3] =	stream.indirect_vreg.scatter [tilespmem:s11], [sflag:$0x14], $0x80, v34, vm0, $0xb8;
	[tilespmem:$0x1F180] =	vst v63  }
0x320: {  	s20 =	simm.s32 $0x18980  }
0x321: {  	[hbm4b:s8+s3] =	stream.indirect_vreg.scatter [tilespmem:s20], [sflag:$0x14], $0x80, v34, vm0, $0xb8;
	[tilespmem:$0x1F180] =	vst v63  }
0x322: {  	v34 =	vld.msk [tilespmem:$0x8900], $0xff;
	_ =	sdelay $0x4  }
0x323: {  	v39 =	vshll.u32 v34, $0x3  }
0x324: {  	v34 =	vand.u32 $0x7, v34;
	v35 =	vand.u32 $0xFFFFFFC0, v39  }
0x325: {  	v34 =	vor.u32 v34, v35  }
0x326: {  	v34 =	vperm.xlane v34, v32;
	_ =	sdelay $0x1  }
0x327: {  	v34 =	vadd.s32 v33, v34;
	_ =	sdelay $0x4  }
0x328: {  	[hbm4b:s2+s3] =	stream.indirect_vreg.scatter [tilespmem:s30], [sflag:$0x14], $0x80, v34, vm0, $0xb8;
	[tilespmem:$0x1F180] =	vst v63  }
0x329: {  	_ = 	snop  }
0x32a: {  	[hbm4b:s6+s3] =	stream.indirect_vreg.scatter [tilespmem:s10], [sflag:$0x14], $0x80, v34, vm0, $0xb8;
	[tilespmem:$0x1F180] =	vst v63  }
0x32b: {  	_ = 	snop  }
0x32c: {  	[hbm4b:s7+s3] =	stream.indirect_vreg.scatter [tilespmem:s11], [sflag:$0x14], $0x80, v34, vm0, $0xb8;
	[tilespmem:$0x1F180] =	vst v63  }
0x32d: {  	s30 =	simm.s32 $0xA  }
0x32e: {  	[hbm4b:s8+s3] =	stream.indirect_vreg.scatter [tilespmem:s20], [sflag:$0x14], $0x80, v34, vm0, $0xb8;
	[tilespmem:$0x1F180] =	vst v63  }
0x32f: {  	_ =	swait.ge [sflag:s30], $0x2000  }
0x330: {  	[sflag:s30] =	ssyncset.done $0x0  }
0x331: {  	[sflag:s30] =	ssyncadd.s32 $0xFFFFE000  }
0x332: {  	v40 =	vld.msk [tilespmem:$0x8980], $0xff;
	_ =	sdelay $0x4  }
0x333: {  	v41 =	vshll.u32 v40, $0x3  }
0x334: {  	v34 =	vand.u32 $0x7, v40;
	v35 =	vand.u32 $0xFFFFFFC0, v41  }
0x335: {  	v34 =	vor.u32 v34, v35  }
0x336: {  	v34 =	vperm.xlane v34, v32;
	_ =	sdelay $0x1  }
0x337: {  	v34 =	vadd.s32 v33, v34;
	_ =	sdelay $0x3  }
0x338: {  	s0 =	simm.s32 $0x19180  }
0x339: {  	[hbm4b:s2+s3] =	stream.indirect_vreg.scatter [tilespmem:s0], [sflag:$0x15], $0x80, v34, vm0, $0xb8;
	[tilespmem:$0x1F180] =	vst v63  }
0x33a: {  	s10 =	simm.s32 $0x19980  }
0x33b: {  	[hbm4b:s6+s3] =	stream.indirect_vreg.scatter [tilespmem:s10], [sflag:$0x15], $0x80, v34, vm0, $0xb8;
	[tilespmem:$0x1F180] =	vst v63  }
0x33c: {  	s11 =	simm.s32 $0x1A180  }
0x33d: {  	[hbm4b:s7+s3] =	stream.indirect_vreg.scatter [tilespmem:s11], [sflag:$0x15], $0x80, v34, vm0, $0xb8;
	[tilespmem:$0x1F180] =	vst v63  }
0x33e: {  	s20 =	simm.s32 $0x1A980  }
0x33f: {  	[hbm4b:s8+s3] =	stream.indirect_vreg.scatter [tilespmem:s20], [sflag:$0x15], $0x80, v34, vm0, $0xb8;
	[tilespmem:$0x1F180] =	vst v63  }
0x340: {  	v34 =	vld.msk [tilespmem:$0x8A00], $0xff;
	_ =	sdelay $0x4  }
0x341: {  	v42 =	vshll.u32 v34, $0x3  }
0x342: {  	v34 =	vand.u32 $0x7, v34;
	v35 =	vand.u32 $0xFFFFFFC0, v42  }
0x343: {  	v34 =	vor.u32 v34, v35  }
0x344: {  	v34 =	vperm.xlane v34, v32;
	_ =	sdelay $0x1  }
0x345: {  	v34 =	vadd.s32 v33, v34;
	_ =	sdelay $0x4  }
0x346: {  	[hbm4b:s2+s3] =	stream.indirect_vreg.scatter [tilespmem:s0], [sflag:$0x15], $0x80, v34, vm0, $0xb8;
	[tilespmem:$0x1F180] =	vst v63  }
0x347: {  	_ = 	snop  }
0x348: {  	[hbm4b:s6+s3] =	stream.indirect_vreg.scatter [tilespmem:s10], [sflag:$0x15], $0x80, v34, vm0, $0xb8;
	[tilespmem:$0x1F180] =	vst v63  }
0x349: {  	_ = 	snop  }
0x34a: {  	[hbm4b:s7+s3] =	stream.indirect_vreg.scatter [tilespmem:s11], [sflag:$0x15], $0x80, v34, vm0, $0xb8;
	[tilespmem:$0x1F180] =	vst v63  }
0x34b: {  	s30 =	simm.s32 $0xB  }
0x34c: {  	[hbm4b:s8+s3] =	stream.indirect_vreg.scatter [tilespmem:s20], [sflag:$0x15], $0x80, v34, vm0, $0xb8;
	[tilespmem:$0x1F180] =	vst v63  }
0x34d: {  	_ =	swait.ge [sflag:s30], $0x2000  }
0x34e: {  	[sflag:s30] =	ssyncset.done $0x0  }
0x34f: {  	[sflag:s30] =	ssyncadd.s32 $0xFFFFE000  }
0x350: {  	v43 =	vld.msk [tilespmem:$0x8A80], $0xff;
	_ =	sdelay $0x4  }
0x351: {  	v44 =	vshll.u32 v43, $0x3  }
0x352: {  	v34 =	vand.u32 $0x7, v43;
	v35 =	vand.u32 $0xFFFFFFC0, v44  }
0x353: {  	v34 =	vor.u32 v34, v35  }
0x354: {  	v34 =	vperm.xlane v34, v32;
	_ =	sdelay $0x1  }
0x355: {  	v34 =	vadd.s32 v33, v34;
	_ =	sdelay $0x4  }
0x356: {  	[hbm4b:s2+s3] =	stream.indirect_vreg.scatter [tilespmem:s28], [sflag:$0x16], $0x80, v34, vm0, $0xb8;
	[tilespmem:$0x1F180] =	vst v63  }
0x357: {  	s10 =	simm.s32 $0x1B980  }
0x358: {  	[hbm4b:s6+s3] =	stream.indirect_vreg.scatter [tilespmem:s10], [sflag:$0x16], $0x80, v34, vm0, $0xb8;
	[tilespmem:$0x1F180] =	vst v63  }
0x359: {  	s11 =	simm.s32 $0x1C180  }
0x35a: {  	[hbm4b:s7+s3] =	stream.indirect_vreg.scatter [tilespmem:s11], [sflag:$0x16], $0x80, v34, vm0, $0xb8;
	[tilespmem:$0x1F180] =	vst v63  }
0x35b: {  	s20 =	simm.s32 $0x1C980  }
0x35c: {  	[hbm4b:s8+s3] =	stream.indirect_vreg.scatter [tilespmem:s20], [sflag:$0x16], $0x80, v34, vm0, $0xb8;
	[tilespmem:$0x1F180] =	vst v63  }
0x35d: {  	v34 =	vld.msk [tilespmem:$0x8B00], $0xff;
	_ =	sdelay $0x4  }
0x35e: {  	v45 =	vshll.u32 v34, $0x3  }
0x35f: {  	v34 =	vand.u32 $0x7, v34;
	v35 =	vand.u32 $0xFFFFFFC0, v45  }
0x360: {  	v34 =	vor.u32 v34, v35  }
0x361: {  	v34 =	vperm.xlane v34, v32;
	_ =	sdelay $0x1  }
0x362: {  	v34 =	vadd.s32 v33, v34;
	_ =	sdelay $0x4  }
0x363: {  	[hbm4b:s2+s3] =	stream.indirect_vreg.scatter [tilespmem:s28], [sflag:$0x16], $0x80, v34, vm0, $0xb8;
	[tilespmem:$0x1F180] =	vst v63  }
0x364: {  	_ = 	snop  }
0x365: {  	[hbm4b:s6+s3] =	stream.indirect_vreg.scatter [tilespmem:s10], [sflag:$0x16], $0x80, v34, vm0, $0xb8;
	[tilespmem:$0x1F180] =	vst v63  }
0x366: {  	_ = 	snop  }
0x367: {  	[hbm4b:s7+s3] =	stream.indirect_vreg.scatter [tilespmem:s11], [sflag:$0x16], $0x80, v34, vm0, $0xb8;
	[tilespmem:$0x1F180] =	vst v63  }
0x368: {  	s30 =	simm.s32 $0xC  }
0x369: {  	[hbm4b:s8+s3] =	stream.indirect_vreg.scatter [tilespmem:s20], [sflag:$0x16], $0x80, v34, vm0, $0xb8;
	[tilespmem:$0x1F180] =	vst v63  }
0x36a: {  	_ =	swait.ge [sflag:s30], $0x2000  }
0x36b: {  	[sflag:s30] =	ssyncset.done $0x0  }
0x36c: {  	[sflag:s30] =	ssyncadd.s32 $0xFFFFE000  }
0x36d: {  	v46 =	vld.msk [tilespmem:$0x8B80], $0xff;
	_ =	sdelay $0x4  }
0x36e: {  	v47 =	vshll.u32 v46, $0x3  }
0x36f: {  	v34 =	vand.u32 $0x7, v46;
	v35 =	vand.u32 $0xFFFFFFC0, v47  }
0x370: {  	v34 =	vor.u32 v34, v35  }
0x371: {  	v34 =	vperm.xlane v34, v32;
	_ =	sdelay $0x1  }
0x372: {  	v34 =	vadd.s32 v33, v34;
	_ =	sdelay $0x3  }
0x373: {  	s10 =	simm.s32 $0x1D180  }
0x374: {  	[hbm4b:s2+s3] =	stream.indirect_vreg.scatter [tilespmem:s10], [sflag:$0x17], $0x80, v34, vm0, $0xb8;
	[tilespmem:$0x1F180] =	vst v63  }
0x375: {  	s11 =	simm.s32 $0x1D980  }
0x376: {  	[hbm4b:s6+s3] =	stream.indirect_vreg.scatter [tilespmem:s11], [sflag:$0x17], $0x80, v34, vm0, $0xb8;
	[tilespmem:$0x1F180] =	vst v63  }
0x377: {  	s20 =	simm.s32 $0x1E180  }
0x378: {  	[hbm4b:s7+s3] =	stream.indirect_vreg.scatter [tilespmem:s20], [sflag:$0x17], $0x80, v34, vm0, $0xb8;
	[tilespmem:$0x1F180] =	vst v63  }
0x379: {  	s30 =	simm.s32 $0x1E980  }
0x37a: {  	[hbm4b:s8+s3] =	stream.indirect_vreg.scatter [tilespmem:s30], [sflag:$0x17], $0x80, v34, vm0, $0xb8;
	[tilespmem:$0x1F180] =	vst v63  }
0x37b: {  	v34 =	vld.msk [tilespmem:$0x8C00], $0xff;
	_ =	sdelay $0x4  }
0x37c: {  	v48 =	vshll.u32 v34, $0x3  }
0x37d: {  	v34 =	vand.u32 $0x7, v34;
	v35 =	vand.u32 $0xFFFFFFC0, v48  }
0x37e: {  	v34 =	vor.u32 v34, v35  }
0x37f: {  	v34 =	vperm.xlane v34, v32;
	_ =	sdelay $0x1  }
0x380: {  	v34 =	vadd.s32 v33, v34;
	_ =	sdelay $0x4  }
0x381: {  	[hbm4b:s2+s3] =	stream.indirect_vreg.scatter [tilespmem:s10], [sflag:$0x17], $0x80, v34, vm0, $0xb8;
	[tilespmem:$0x1F180] =	vst v63  }
0x382: {  	_ = 	snop  }
0x383: {  	[hbm4b:s6+s3] =	stream.indirect_vreg.scatter [tilespmem:s11], [sflag:$0x17], $0x80, v34, vm0, $0xb8;
	[tilespmem:$0x1F180] =	vst v63  }
0x384: {  	_ = 	snop  }
0x385: {  	[hbm4b:s7+s3] =	stream.indirect_vreg.scatter [tilespmem:s20], [sflag:$0x17], $0x80, v34, vm0, $0xb8;
	[tilespmem:$0x1F180] =	vst v63  }
0x386: {  	_ = 	snop  }
0x387: {  	[hbm4b:s8+s3] =	stream.indirect_vreg.scatter [tilespmem:s30], [sflag:$0x17], $0x80, v34, vm0, $0xb8;
	[tilespmem:$0x1F180] =	vst v63  }
0x388: {  	_ =	swait.ge [sflag:s14], $0x2000  }
0x389: {  	[sflag:s14] =	ssyncset.done $0x0  }
0x38a: {  	[sflag:s14] =	ssyncadd.s32 $0xFFFFE000  }
0x38b: {  	v49 =	vld.msk [tilespmem:$0x8C80], $0xff;
	_ =	sdelay $0x4  }
0x38c: {  	v50 =	vshll.u32 v49, $0x3  }
0x38d: {  	v34 =	vand.u32 $0x7, v49;
	v35 =	vand.u32 $0xFFFFFFC0, v50  }
0x38e: {  	v34 =	vor.u32 v34, v35  }
0x38f: {  	v34 =	vperm.xlane v34, v32;
	_ =	sdelay $0x1  }
0x390: {  	v34 =	vadd.s32 v33, v34;
	_ =	sdelay $0x3  }
0x391: {  	s11 =	simm.s32 $0x9180  }
0x392: {  	[hbm4b:s2+s3] =	stream.indirect_vreg.scatter [tilespmem:s11], [sflag:$0xD], $0x80, v34, vm0, $0xb8;
	[tilespmem:$0x1F180] =	vst v63  }
0x393: {  	s20 =	simm.s32 $0x9980  }
0x394: {  	[hbm4b:s6+s3] =	stream.indirect_vreg.scatter [tilespmem:s20], [sflag:$0xD], $0x80, v34, vm0, $0xb8;
	[tilespmem:$0x1F180] =	vst v63  }
0x395: {  	s28 =	simm.s32 $0xA180  }
0x396: {  	[hbm4b:s7+s3] =	stream.indirect_vreg.scatter [tilespmem:s28], [sflag:$0xD], $0x80, v34, vm0, $0xb8;
	[tilespmem:$0x1F180] =	vst v63  }
0x397: {  	s30 =	simm.s32 $0xA980  }
0x398: {  	[hbm4b:s8+s3] =	stream.indirect_vreg.scatter [tilespmem:s30], [sflag:$0xD], $0x80, v34, vm0, $0xb8;
	[tilespmem:$0x1F180] =	vst v63  }
0x399: {  	v34 =	vld.msk [tilespmem:$0x8D00], $0xff;
	_ =	sdelay $0x4  }
0x39a: {  	v51 =	vshll.u32 v34, $0x3  }
0x39b: {  	v34 =	vand.u32 $0x7, v34;
	v35 =	vand.u32 $0xFFFFFFC0, v51  }
0x39c: {  	v34 =	vor.u32 v34, v35  }
0x39d: {  	v34 =	vperm.xlane v34, v32;
	_ =	sdelay $0x1  }
0x39e: {  	v34 =	vadd.s32 v33, v34;
	_ =	sdelay $0x4  }
0x39f: {  	[hbm4b:s2+s3] =	stream.indirect_vreg.scatter [tilespmem:s11], [sflag:$0xD], $0x80, v34, vm0, $0xb8;
	[tilespmem:$0x1F180] =	vst v63  }
0x3a0: {  	_ = 	snop  }
0x3a1: {  	[hbm4b:s6+s3] =	stream.indirect_vreg.scatter [tilespmem:s20], [sflag:$0xD], $0x80, v34, vm0, $0xb8;
	[tilespmem:$0x1F180] =	vst v63  }
0x3a2: {  	_ = 	snop  }
0x3a3: {  	[hbm4b:s7+s3] =	stream.indirect_vreg.scatter [tilespmem:s28], [sflag:$0xD], $0x80, v34, vm0, $0xb8;
	[tilespmem:$0x1F180] =	vst v63  }
0x3a4: {  	_ = 	snop  }
0x3a5: {  	[hbm4b:s8+s3] =	stream.indirect_vreg.scatter [tilespmem:s30], [sflag:$0xD], $0x80, v34, vm0, $0xb8;
	[tilespmem:$0x1F180] =	vst v63  }
0x3a6: {  	_ =	swait.ge [sflag:s22], $0x2000  }
0x3a7: {  	[sflag:s22] =	ssyncset.done $0x0  }
0x3a8: {  	[sflag:s22] =	ssyncadd.s32 $0xFFFFE000  }
0x3a9: {  	v52 =	vld.msk [tilespmem:$0x8D80], $0xff;
	_ =	sdelay $0x4  }
0x3aa: {  	v53 =	vshll.u32 v52, $0x3  }
0x3ab: {  	v34 =	vand.u32 $0x7, v52;
	v35 =	vand.u32 $0xFFFFFFC0, v53  }
0x3ac: {  	v34 =	vor.u32 v34, v35  }
0x3ad: {  	v34 =	vperm.xlane v34, v32;
	_ =	sdelay $0x1  }
0x3ae: {  	v34 =	vadd.s32 v33, v34;
	_ =	sdelay $0x3  }
0x3af: {  	s11 =	simm.s32 $0xB180  }
0x3b0: {  	[hbm4b:s2+s3] =	stream.indirect_vreg.scatter [tilespmem:s11], [sflag:$0xE], $0x80, v34, vm0, $0xb8;
	[tilespmem:$0x1F180] =	vst v63  }
0x3b1: {  	s20 =	simm.s32 $0xB980  }
0x3b2: {  	[hbm4b:s6+s3] =	stream.indirect_vreg.scatter [tilespmem:s20], [sflag:$0xE], $0x80, v34, vm0, $0xb8;
	[tilespmem:$0x1F180] =	vst v63  }
0x3b3: {  	s28 =	simm.s32 $0xC180  }
0x3b4: {  	[hbm4b:s7+s3] =	stream.indirect_vreg.scatter [tilespmem:s28], [sflag:$0xE], $0x80, v34, vm0, $0xb8;
	[tilespmem:$0x1F180] =	vst v63  }
0x3b5: {  	s30 =	simm.s32 $0xC980  }
0x3b6: {  	[hbm4b:s8+s3] =	stream.indirect_vreg.scatter [tilespmem:s30], [sflag:$0xE], $0x80, v34, vm0, $0xb8;
	[tilespmem:$0x1F180] =	vst v63  }
0x3b7: {  	v34 =	vld.msk [tilespmem:$0x8E00], $0xff;
	_ =	sdelay $0x4  }
0x3b8: {  	v54 =	vshll.u32 v34, $0x3  }
0x3b9: {  	v34 =	vand.u32 $0x7, v34;
	v35 =	vand.u32 $0xFFFFFFC0, v54  }
0x3ba: {  	v34 =	vor.u32 v34, v35  }
0x3bb: {  	v34 =	vperm.xlane v34, v32;
	_ =	sdelay $0x1  }
0x3bc: {  	v34 =	vadd.s32 v33, v34;
	_ =	sdelay $0x4  }
0x3bd: {  	[hbm4b:s2+s3] =	stream.indirect_vreg.scatter [tilespmem:s11], [sflag:$0xE], $0x80, v34, vm0, $0xb8;
	[tilespmem:$0x1F180] =	vst v63  }
0x3be: {  	_ = 	snop  }
0x3bf: {  	[hbm4b:s6+s3] =	stream.indirect_vreg.scatter [tilespmem:s20], [sflag:$0xE], $0x80, v34, vm0, $0xb8;
	[tilespmem:$0x1F180] =	vst v63  }
0x3c0: {  	_ = 	snop  }
0x3c1: {  	[hbm4b:s7+s3] =	stream.indirect_vreg.scatter [tilespmem:s28], [sflag:$0xE], $0x80, v34, vm0, $0xb8;
	[tilespmem:$0x1F180] =	vst v63  }
0x3c2: {  	_ = 	snop  }
0x3c3: {  	[hbm4b:s8+s3] =	stream.indirect_vreg.scatter [tilespmem:s30], [sflag:$0xE], $0x80, v34, vm0, $0xb8;
	[tilespmem:$0x1F180] =	vst v63  }
0x3c4: {  	s0 =	sld [smem:$0x7C4];
	_ =	swait.ge [sflag:s26], $0x2000  }
0x3c5: {  	[sflag:s26] =	ssyncset.done $0x0  }
0x3c6: {  	[sflag:s26] =	ssyncadd.s32 $0xFFFFE000  }
0x3c7: {  	v55 =	vld.msk [tilespmem:$0x8E80], $0xff;
	_ =	sdelay $0x4  }
0x3c8: {  	v56 =	vshll.u32 v55, $0x3  }
0x3c9: {  	v34 =	vand.u32 $0x7, v55;
	v35 =	vand.u32 $0xFFFFFFC0, v56  }
0x3ca: {  	v34 =	vor.u32 v34, v35  }
0x3cb: {  	v34 =	vperm.xlane v34, v32;
	_ =	sdelay $0x1  }
0x3cc: {  	v34 =	vadd.s32 v33, v34;
	_ =	sdelay $0x3  }
0x3cd: {  	s20 =	simm.s32 $0xD180  }
0x3ce: {  	[hbm4b:s2+s3] =	stream.indirect_vreg.scatter [tilespmem:s20], [sflag:$0xF], $0x80, v34, vm0, $0xb8;
	[tilespmem:$0x1F180] =	vst v63  }
0x3cf: {  	_ = 	snop  }
0x3d0: {  	[hbm4b:s6+s3] =	stream.indirect_vreg.scatter [tilespmem:s4], [sflag:$0xF], $0x80, v34, vm0, $0xb8;
	[tilespmem:$0x1F180] =	vst v63  }
0x3d1: {  	_ = 	snop  }
0x3d2: {  	[hbm4b:s7+s3] =	stream.indirect_vreg.scatter [tilespmem:s15], [sflag:$0xF], $0x80, v34, vm0, $0xb8;
	[tilespmem:$0x1F180] =	vst v63  }
0x3d3: {  	s28 =	simm.s32 $0xE980  }
0x3d4: {  	[hbm4b:s8+s3] =	stream.indirect_vreg.scatter [tilespmem:s28], [sflag:$0xF], $0x80, v34, vm0, $0xb8;
	[tilespmem:$0x1F180] =	vst v63  }
0x3d5: {  	v34 =	vld.msk [tilespmem:$0x8F00], $0xff;
	_ =	sdelay $0x4  }
0x3d6: {  	v57 =	vshll.u32 v34, $0x3  }
0x3d7: {  	v34 =	vand.u32 $0x7, v34;
	v35 =	vand.u32 $0xFFFFFFC0, v57  }
0x3d8: {  	v34 =	vor.u32 v34, v35  }
0x3d9: {  	v34 =	vperm.xlane v34, v32;
	_ =	sdelay $0x1  }
0x3da: {  	v34 =	vadd.s32 v33, v34;
	_ =	sdelay $0x4  }
0x3db: {  	[hbm4b:s2+s3] =	stream.indirect_vreg.scatter [tilespmem:s20], [sflag:$0xF], $0x80, v34, vm0, $0xb8;
	[tilespmem:$0x1F180] =	vst v63  }
0x3dc: {  	_ = 	snop  }
0x3dd: {  	[hbm4b:s6+s3] =	stream.indirect_vreg.scatter [tilespmem:s4], [sflag:$0xF], $0x80, v34, vm0, $0xb8;
	[tilespmem:$0x1F180] =	vst v63  }
0x3de: {  	_ = 	snop  }
0x3df: {  	[hbm4b:s7+s3] =	stream.indirect_vreg.scatter [tilespmem:s15], [sflag:$0xF], $0x80, v34, vm0, $0xb8;
	[tilespmem:$0x1F180] =	vst v63  }
0x3e0: {  	_ = 	snop  }
0x3e1: {  	[hbm4b:s8+s3] =	stream.indirect_vreg.scatter [tilespmem:s28], [sflag:$0xF], $0x80, v34, vm0, $0xb8;
	[tilespmem:$0x1F180] =	vst v63  }
0x3e2: {  	_ =	swait.ge [sflag:s25], $0x2000  }
0x3e3: {  	[sflag:s25] =	ssyncset.done $0x0  }
0x3e4: {  	[sflag:s25] =	ssyncadd.s32 $0xFFFFE000  }
0x3e5: {  	v58 =	vld.msk [tilespmem:$0x8F80], $0xff;
	_ =	sdelay $0x4  }
0x3e6: {  	v59 =	vshll.u32 v58, $0x3  }
0x3e7: {  	v34 =	vand.u32 $0x7, v58;
	v35 =	vand.u32 $0xFFFFFFC0, v59  }
0x3e8: {  	v34 =	vor.u32 v34, v35  }
0x3e9: {  	v34 =	vperm.xlane v34, v32;
	_ =	sdelay $0x1  }
0x3ea: {  	v34 =	vadd.s32 v33, v34;
	_ =	sdelay $0x3  }
0x3eb: {  	s30 =	simm.s32 $0xF180  }
0x3ec: {  	[hbm4b:s2+s3] =	stream.indirect_vreg.scatter [tilespmem:s30], [sflag:$0x10], $0x80, v34, vm0, $0xb8;
	[tilespmem:$0x1F180] =	vst v63  }
0x3ed: {  	_ = 	snop  }
0x3ee: {  	[hbm4b:s6+s3] =	stream.indirect_vreg.scatter [tilespmem:s18], [sflag:$0x10], $0x80, v34, vm0, $0xb8;
	[tilespmem:$0x1F180] =	vst v63  }
0x3ef: {  	_ = 	snop  }
0x3f0: {  	[hbm4b:s7+s3] =	stream.indirect_vreg.scatter [tilespmem:s17], [sflag:$0x10], $0x80, v34, vm0, $0xb8;
	[tilespmem:$0x1F180] =	vst v63  }
0x3f1: {  	_ = 	snop  }
0x3f2: {  	[hbm4b:s8+s3] =	stream.indirect_vreg.scatter [tilespmem:s23], [sflag:$0x10], $0x80, v34, vm0, $0xb8;
	[tilespmem:$0x1F180] =	vst v63  }
0x3f3: {  	v34 =	vld.msk [tilespmem:$0x9000], $0xff;
	_ =	sdelay $0x4  }
0x3f4: {  	v60 =	vshll.u32 v34, $0x3  }
0x3f5: {  	v34 =	vand.u32 $0x7, v34;
	v35 =	vand.u32 $0xFFFFFFC0, v60  }
0x3f6: {  	v34 =	vor.u32 v34, v35  }
0x3f7: {  	v34 =	vperm.xlane v34, v32;
	_ =	sdelay $0x1  }
0x3f8: {  	v34 =	vadd.s32 v33, v34;
	_ =	sdelay $0x4  }
0x3f9: {  	[hbm4b:s2+s3] =	stream.indirect_vreg.scatter [tilespmem:s30], [sflag:$0x10], $0x80, v34, vm0, $0xb8;
	[tilespmem:$0x1F180] =	vst v63  }
0x3fa: {  	_ = 	snop  }
0x3fb: {  	[hbm4b:s6+s3] =	stream.indirect_vreg.scatter [tilespmem:s18], [sflag:$0x10], $0x80, v34, vm0, $0xb8;
	[tilespmem:$0x1F180] =	vst v63  }
0x3fc: {  	_ = 	snop  }
0x3fd: {  	[hbm4b:s7+s3] =	stream.indirect_vreg.scatter [tilespmem:s17], [sflag:$0x10], $0x80, v34, vm0, $0xb8;
	[tilespmem:$0x1F180] =	vst v63  }
0x3fe: {  	_ = 	snop  }
0x3ff: {  	[hbm4b:s8+s3] =	stream.indirect_vreg.scatter [tilespmem:s23], [sflag:$0x10], $0x80, v34, vm0, $0xb8;
	[tilespmem:$0x1F180] =	vst v63  }
0x400: {  	_ =	swait.ge [sflag:s16], $0x2000  }
0x401: {  	[sflag:s16] =	ssyncset.done $0x0  }
0x402: {  	[sflag:s16] =	ssyncadd.s32 $0xFFFFE000  }
0x403: {  	v61 =	vld.msk [tilespmem:$0x9080], $0xff;
	_ =	sdelay $0x4  }
0x404: {  	v62 =	vshll.u32 v61, $0x3  }
0x405: {  	v34 =	vand.u32 $0x7, v61;
	v35 =	vand.u32 $0xFFFFFFC0, v62  }
0x406: {  	v34 =	vor.u32 v34, v35  }
0x407: {  	v34 =	vperm.xlane v34, v32;
	_ =	sdelay $0x1  }
0x408: {  	v34 =	vadd.s32 v33, v34;
	_ =	sdelay $0x3  }
0x409: {  	s10 =	simm.s32 $0x11180  }
0x40a: {  	[hbm4b:s2+s3] =	stream.indirect_vreg.scatter [tilespmem:s10], [sflag:$0x11], $0x80, v34, vm0, $0xb8;
	[tilespmem:$0x1F180] =	vst v63  }
0x40b: {  	_ = 	snop  }
0x40c: {  	[hbm4b:s6+s3] =	stream.indirect_vreg.scatter [tilespmem:s12], [sflag:$0x11], $0x80, v34, vm0, $0xb8;
	[tilespmem:$0x1F180] =	vst v63  }
0x40d: {  	_ = 	snop  }
0x40e: {  	[hbm4b:s7+s3] =	stream.indirect_vreg.scatter [tilespmem:s5], [sflag:$0x11], $0x80, v34, vm0, $0xb8;
	[tilespmem:$0x1F180] =	vst v63  }
0x40f: {  	_ = 	snop  }
0x410: {  	[hbm4b:s8+s3] =	stream.indirect_vreg.scatter [tilespmem:s21], [sflag:$0x11], $0x80, v34, vm0, $0xb8;
	[tilespmem:$0x1F180] =	vst v63  }
0x411: {  	v34 =	vld.msk [tilespmem:$0x9100], $0xff;
	_ =	sdelay $0x4  }
0x412: {  	v63 =	vshll.u32 v34, $0x3  }
0x413: {  	v34 =	vand.u32 $0x7, v34;
	v35 =	vand.u32 $0xFFFFFFC0, v63  }
0x414: {  	v34 =	vor.u32 v34, v35  }
0x415: {  	v34 =	vperm.xlane v34, v32;
	_ =	sdelay $0x1  }
0x416: {  	v34 =	vadd.s32 v33, v34;
	_ =	sdelay $0x4  }
0x417: {  	[hbm4b:s2+s3] =	stream.indirect_vreg.scatter [tilespmem:s10], [sflag:$0x11], $0x80, v34, vm0, $0xb8;
	[tilespmem:$0x1F180] =	vst v63  }
0x418: {  	_ = 	snop  }
0x419: {  	[hbm4b:s6+s3] =	stream.indirect_vreg.scatter [tilespmem:s12], [sflag:$0x11], $0x80, v34, vm0, $0xb8;
	[tilespmem:$0x1F180] =	vst v63  }
0x41a: {  	_ = 	snop  }
0x41b: {  	[hbm4b:s7+s3] =	stream.indirect_vreg.scatter [tilespmem:s5], [sflag:$0x11], $0x80, v34, vm0, $0xb8;
	[tilespmem:$0x1F180] =	vst v63  }
0x41c: {  	s11 =	simm.s32 $0x12  }
0x41d: {  	[hbm4b:s8+s3] =	stream.indirect_vreg.scatter [tilespmem:s21], [sflag:$0x11], $0x80, v34, vm0, $0xb8;
	[tilespmem:$0x1F180] =	vst v63  }
0x41e: {  	_ =	swait.ge [sflag:s11], $0x2000  }
0x41f: {  	[sflag:s11] =	ssyncset.done $0x0  }
0x420: {  	[sflag:s11] =	ssyncadd.s32 $0xFFFFE000  }
0x421: {  	_ =	swait.ge [sflag:s11], $0x2000  }
0x422: {  	[sflag:s11] =	ssyncset.done $0x0  }
0x423: {  	s14 =	simm.s32 $0x13;
	[sflag:s11] =	ssyncadd.s32 $0xFFFFE000  }
0x424: {  	_ =	swait.ge [sflag:s14], $0x2000  }
0x425: {  	[sflag:s14] =	ssyncset.done $0x0  }
0x426: {  	[sflag:s14] =	ssyncadd.s32 $0xFFFFE000  }
0x427: {  	_ =	swait.ge [sflag:s14], $0x2000  }
0x428: {  	[sflag:s14] =	ssyncset.done $0x0  }
0x429: {  	s15 =	simm.s32 $0x14;
	[sflag:s14] =	ssyncadd.s32 $0xFFFFE000  }
0x42a: {  	_ =	swait.ge [sflag:s15], $0x2000  }
0x42b: {  	[sflag:s15] =	ssyncset.done $0x0  }
0x42c: {  	[sflag:s15] =	ssyncadd.s32 $0xFFFFE000  }
0x42d: {  	_ =	swait.ge [sflag:s15], $0x2000  }
0x42e: {  	[sflag:s15] =	ssyncset.done $0x0  }
0x42f: {  	s20 =	simm.s32 $0x15;
	[sflag:s15] =	ssyncadd.s32 $0xFFFFE000  }
0x430: {  	_ =	swait.ge [sflag:s20], $0x2000  }
0x431: {  	[sflag:s20] =	ssyncset.done $0x0  }
0x432: {  	[sflag:s20] =	ssyncadd.s32 $0xFFFFE000  }
0x433: {  	_ =	swait.ge [sflag:s20], $0x2000  }
0x434: {  	[sflag:s20] =	ssyncset.done $0x0  }
0x435: {  	s28 =	simm.s32 $0x16;
	[sflag:s20] =	ssyncadd.s32 $0xFFFFE000  }
0x436: {  	_ =	swait.ge [sflag:s28], $0x2000  }
0x437: {  	[sflag:s28] =	ssyncset.done $0x0  }
0x438: {  	[sflag:s28] =	ssyncadd.s32 $0xFFFFE000  }
0x439: {  	_ =	swait.ge [sflag:s28], $0x2000  }
0x43a: {  	[sflag:s28] =	ssyncset.done $0x0  }
0x43b: {  	s30 =	simm.s32 $0x17;
	[sflag:s28] =	ssyncadd.s32 $0xFFFFE000  }
0x43c: {  	_ =	swait.ge [sflag:s30], $0x2000  }
0x43d: {  	[sflag:s30] =	ssyncset.done $0x0  }
0x43e: {  	[sflag:s30] =	ssyncadd.s32 $0xFFFFE000  }
0x43f: {  	_ =	swait.ge [sflag:s30], $0x2000  }
0x440: {  	[sflag:s30] =	ssyncset.done $0x0  }
0x441: {  	[sflag:s30] =	ssyncadd.s32 $0xFFFFE000  }
0x442: {  	_ =	swait.ge [sflag:s19], $0x2000  }
0x443: {  	[sflag:s19] =	ssyncset.done $0x0  }
0x444: {  	[sflag:s19] =	ssyncadd.s32 $0xFFFFE000  }
0x445: {  	_ =	swait.ge [sflag:s19], $0x2000  }
0x446: {  	[sflag:s19] =	ssyncset.done $0x0  }
0x447: {  	[sflag:s19] =	ssyncadd.s32 $0xFFFFE000  }
0x448: {  	_ =	swait.ge [sflag:s24], $0x2000  }
0x449: {  	[sflag:s24] =	ssyncset.done $0x0  }
0x44a: {  	[sflag:s24] =	ssyncadd.s32 $0xFFFFE000  }
0x44b: {  	_ =	swait.ge [sflag:s24], $0x2000  }
0x44c: {  	[sflag:s24] =	ssyncset.done $0x0  }
0x44d: {  	[sflag:s24] =	ssyncadd.s32 $0xFFFFE000  }
0x44e: {  	_ =	swait.ge [sflag:s1], $0x2000  }
0x44f: {  	[sflag:s1] =	ssyncset.done $0x0  }
0x450: {  	[sflag:s1] =	ssyncadd.s32 $0xFFFFE000  }
0x451: {  	_ =	swait.ge [sflag:s1], $0x2000  }
0x452: {  	[sflag:s1] =	ssyncset.done $0x0  }
0x453: {  	[sflag:s1] =	ssyncadd.s32 $0xFFFFE000  }
0x454: {  	_ =	swait.ge [sflag:s9], $0x2000  }
0x455: {  	[sflag:s9] =	ssyncset.done $0x0  }
0x456: {  	[sflag:s9] =	ssyncadd.s32 $0xFFFFE000  }
0x457: {  	_ =	swait.ge [sflag:s9], $0x2000  }
0x458: {  	[sflag:s9] =	ssyncset.done $0x0  }
0x459: {  	[sflag:s9] =	ssyncadd.s32 $0xFFFFE000  }
0x45a: {  	p0 =	sne.s32 s0, $0x1;
	_ =	swait.ge [sflag:s29], $0x2000  }
.Ltmp0:
0x45b: {  	[sflag:s29] =	ssyncset.done $0x0;
	(pc) =	sbr.rel @p0 .LBB2_1-.Ltmp0, $4  }
0x45c: {  	[sflag:s29] =	ssyncadd.s32 $0xFFFFE000  }
0x45d: {  	_ =	swait.ge [sflag:s29], $0x2000  }
0x45e: {  	[sflag:s29] =	ssyncset.done $0x0  }
0x45f: {  	s0 =	sadd.s32 $0xFFFFFFFF, s0;
	[sflag:s29] =	ssyncadd.s32 $0xFFFFE000  }
0x460: {  	_ =	sfence.sel $0x180000  }
0x461: {  	[bflag:$0x0] =	sbarrier.arrive $0xFFFF  }
0x462: {  	_ =	strace $0x90000047  }
0x463: {  	s0 =	stileid.u32;
	[bflag:$0x2] =	sbarrier.arrive $0xFFFF  }
0x464: {  	p0 =	sne.s32 s0, $0x0;
	s0 =	rddreg [dreg:$0x4]  }
0x465: {  	s0 =	sadd.s32 @!p0 $0x100000, s0  }
0x466: {  	[sflag:s0] =	ssyncadd.tile.s32 @!p0 $0x1;
	_ =	shalt  }
.Lfunc_end2:
_tile_overlayer_lowered:
.L_overlay_start_2:
0x467: {  	(tag) =	ssettag $0x2  }
0x468: {  	s0 =	rddreg [dreg:$0x0];
	s2 =	stileid.u32  }
0x469: {  	s1 =	rddreg [dreg:$0x1];
	p0 =	sne.s32 s2, $0x0  }
0x46a: {  	s3 =	rddreg [dreg:$0x2];
	[bflag:$0x3] =	sbarrier.arrive $0xFFFF;
	s2 =	simm.s32 @!p0 $0x1C18  }
0x46b: {  	[timem:s3], [sflag:s2] =	dma.local @!p0 [hbm:s0], s1  }
0x46c: {  	s0 =	simm.s32 @!p0 $0x18  }
0x46d: {  	_ =	swait.ge @!p0 [sflag:s0], s1  }
0x46e: {  	s1 =	ssub.s32 @!p0 $0x0, s1;
	[sflag:s0] =	ssyncset.done @!p0 $0x0  }
0x46f: {  	[sflag:s0] =	ssyncadd.s32 @!p0 s1  }
0x470: {  	[bflag:$0x3] =	sbarrier.arrive $0xFFFF  }
0x471: {  	_ =	shalt  }

</sc_bundles>
